<compile_context>
chip_gen: v7x
topology: tpu7x:2x2x1
jax: 0.10.2.dev20260603
libtpu: 0.0.44.dev20260713+nightly
codegen_flags: <defaults>
</compile_context>

<pallas_src>
import functools

import jax
import jax.numpy as jnp
from jax import lax
from jax.experimental import pallas as pl
from jax.experimental.pallas import tpu as pltpu
from jax.experimental.pallas import tpu_sc as plsc

EPS = 1e-5
NC = 2
NS = 16
NW = NC * NS
L = 16
CH = 112
NB = 2
NQ = 4



def _mm_body(x_ref, w_ref, o_ref):
    o_ref[...] = jnp.dot(x_ref[...], w_ref[...],
                         preferred_element_type=jnp.float32)


def _matmul(x, W, blk):
    n, d_in = x.shape
    d_out = W.shape[1]
    return pl.pallas_call(
        _mm_body,
        grid=(n // blk,),
        in_specs=[
            pl.BlockSpec((blk, d_in), lambda i: (i, 0)),
            pl.BlockSpec((d_in, d_out), lambda i: (0, 0)),
        ],
        out_specs=pl.BlockSpec((blk, d_out), lambda i: (i, 0)),
        out_shape=jax.ShapeDtypeStruct((n, d_out), jnp.float32),
    )(x, W)



def _sc_agg_body(n_nodes, nchunk, zrows,
                 src3_hbm, dst3_hbm, et3_hbm, alpha_hbm, xwh_hbm, out_hbm,
                 gidx, sidx, etb, ach, msgh, msg, atab_v, acc_sh,
                 semi, semg, sems):
    c = lax.axis_index("c")
    s = lax.axis_index("s")
    w = s * NC + c
    rows_per_tile = n_nodes // NS
    n_units = 2 * nchunk

    pltpu.sync_copy(alpha_hbm, atab_v)

    def _zrow(i, _):
        for c8 in range(8):
            msg[0][i, pl.ds(c8 * L, L)] = jnp.zeros((L,), jnp.float32)
        return 0
    lax.fori_loop(0, zrows, _zrow, 0)
    for m in range(rows_per_tile // zrows):
        pltpu.sync_copy(
            msg[0].at[pl.ds(0, zrows)],
            acc_sh.at[pl.ds(s * rows_per_tile + m * zrows, zrows)])
    plsc.subcore_barrier()

    def _load_idx(u_j, u_d, q):
        g_hbm, s_hbm = (dst3_hbm, src3_hbm) if u_d == 0 else (src3_hbm,
                                                              dst3_hbm)
        pltpu.async_copy(g_hbm.at[w, u_j], gidx[q], semi[q])
        pltpu.async_copy(s_hbm.at[w, u_j], sidx[q], semi[q])
        pltpu.async_copy(et3_hbm.at[w, u_j], etb[q], semi[q])

    def _wait_idx(u_j, u_d, q):
        g_hbm, s_hbm = (dst3_hbm, src3_hbm) if u_d == 0 else (src3_hbm,
                                                              dst3_hbm)
        pltpu.make_async_copy(g_hbm.at[w, u_j], gidx[q], semi[q]).wait()
        pltpu.make_async_copy(s_hbm.at[w, u_j], sidx[q], semi[q]).wait()
        pltpu.make_async_copy(et3_hbm.at[w, u_j], etb[q], semi[q]).wait()

    def _compute_ach(q):
        for l in range(CH // L):
            et16 = etb[q][pl.ds(l * L, L)]
            ach[q][pl.ds(l * L, L)] = plsc.load_gather(atab_v, [et16])

    def _wait_scat(p, q):
        pltpu.make_async_copy(msg[p], acc_sh.at[sidx[q]], sems[p]).wait()

    def _unit(u, r):
        p, q = r % NB, r % NQ
        pn, qn = (r + 1) % NB, (r + 1) % NQ

        @pl.when(u + 1 < n_units)
        def _():
            nj, nd = (u + 1) // 2, (r + 1) % 2
            _wait_idx(nj, nd, qn)
            _compute_ach(qn)
            pltpu.async_copy(xwh_hbm.at[gidx[qn]], msgh[pn], semg[pn])

        pltpu.make_async_copy(xwh_hbm.at[gidx[q]], msgh[p], semg[p]).wait()

        @pl.when(u >= 2)
        def _():
            _wait_scat(p, (r + 2) % NQ)

        @plsc.parallel_loop(0, CH, unroll=4)
        def _row(i):
            a = plsc.load_gather(ach[q], [jnp.full((L,), i, jnp.int32)])
            for c4 in range(4):
                mh = msgh[p][i, pl.ds(c4 * 2 * L, 2 * L)]
                lo, hi = plsc.unpack(mh,
                                     format=plsc.PackFormat.INTERLEAVED)
                msg[p][i, pl.ds(c4 * 2 * L, L)] = lo * a
                msg[p][i, pl.ds(c4 * 2 * L + L, L)] = hi * a

        pltpu.async_copy(msg[p], acc_sh.at[sidx[q]], sems[p], add=True)

        @pl.when(u + 2 < n_units)
        def _():
            nj, nd = (u + 2) // 2, r % 2
            _load_idx(nj, nd, (r + 2) % NQ)

    _load_idx(0, 0, 0)
    _load_idx(0, 1, 1)
    _wait_idx(0, 0, 0)
    _compute_ach(0)
    pltpu.async_copy(xwh_hbm.at[gidx[0]], msgh[0], semg[0])

    def _four(i, _):
        for r in range(NQ):
            _unit(NQ * i + r, r)
        return 0
    lax.fori_loop(0, n_units // NQ, _four, 0)

    _wait_scat((n_units - 2) % NB, (n_units - 2) % NQ)
    _wait_scat((n_units - 1) % NB, (n_units - 1) % NQ)

    plsc.subcore_barrier()
    pltpu.sync_copy(acc_sh.at[pl.ds(s * rows_per_tile, rows_per_tile)],
                    out_hbm.at[c, s])


def _sc_aggregate(src3, dst3, et3, atab, XWh):
    n_nodes, d = XWh.shape
    nchunk = src3.shape[1]
    rows_per_tile = n_nodes // NS
    zrows = 25
    mesh = plsc.VectorSubcoreMesh(core_axis_name="c", subcore_axis_name="s",
                                  num_cores=NC, num_subcores=NS)
    body = functools.partial(_sc_agg_body, n_nodes, nchunk, zrows)
    run = pl.kernel(
        body,
        out_type=jax.ShapeDtypeStruct((NC, NS, rows_per_tile, d),
                                      jnp.float32),
        mesh=mesh,
        scratch_types=[
            [pltpu.VMEM((CH,), jnp.int32)] * NQ,
            [pltpu.VMEM((CH,), jnp.int32)] * NQ,
            [pltpu.VMEM((CH,), jnp.int32)] * NQ,
            [pltpu.VMEM((CH,), jnp.float32)] * NQ,
            [pltpu.VMEM((CH, d), jnp.bfloat16)] * NB,
            [pltpu.VMEM((CH, d), jnp.float32)] * NB,
            pltpu.VMEM((atab.shape[0],), jnp.float32),
            pltpu.VMEM_SHARED((n_nodes, d), jnp.float32),
            [pltpu.SemaphoreType.DMA] * NQ,
            [pltpu.SemaphoreType.DMA] * NB,
            [pltpu.SemaphoreType.DMA] * NB,
        ],
        compiler_params=pltpu.CompilerParams(needs_layout_passes=False,
                                             use_tc_tiling_on_sc=False),
    )
    return run(src3, dst3, et3, atab, XWh)



def _fin_body(n_nodes, coef_ref, pr_ref, xw_ref, bias_ref, gam_ref, bet_ref,
              o_ref, sum_scr, sq_scr):
    p = pl.program_id(0)
    j = pl.program_id(1)
    t = (pr_ref[0] + pr_ref[1] + coef_ref[0, 0] * xw_ref[...]
         + bias_ref[...])

    @pl.when(p == 0)
    def _():
        @pl.when(j == 0)
        def _():
            sum_scr[...] = jnp.zeros_like(sum_scr)
            sq_scr[...] = jnp.zeros_like(sq_scr)
        sum_scr[...] += jnp.sum(t, axis=0, keepdims=True)
        sq_scr[...] += jnp.sum(t * t, axis=0, keepdims=True)

    @pl.when(p == 1)
    def _():
        mean = sum_scr[...] / n_nodes
        var = sq_scr[...] / n_nodes - mean * mean
        o_ref[...] = ((t - mean) * lax.rsqrt(var + EPS) * gam_ref[...]
                      + bet_ref[...])


def _finale(coef, pr, XW, bias, gamma, beta, blk):
    n, d = XW.shape
    nb = n // blk
    return pl.pallas_call(
        functools.partial(_fin_body, n),
        grid=(2, nb),
        in_specs=[
            pl.BlockSpec((1, 1), lambda p, j: (0, 0)),
            pl.BlockSpec((2, blk, d), lambda p, j: (0, j, 0)),
            pl.BlockSpec((blk, d), lambda p, j: (j, 0)),
            pl.BlockSpec((1, d), lambda p, j: (0, 0)),
            pl.BlockSpec((1, d), lambda p, j: (0, 0)),
            pl.BlockSpec((1, d), lambda p, j: (0, 0)),
        ],
        out_specs=pl.BlockSpec((blk, d), lambda p, j: (j, 0)),
        out_shape=jax.ShapeDtypeStruct((n, d), jnp.float32),
        scratch_shapes=[
            pltpu.VMEM((1, d), jnp.float32),
            pltpu.VMEM((1, d), jnp.float32),
        ],
    )(coef, pr, XW, bias, gamma, beta)



def kernel(x, r, edge_index, edge_type, W, bias, alpha, bn_gamma, bn_beta):
    n_nodes, d_in = x.shape
    d_out = W.shape[1]
    n_edges = edge_index.shape[1]
    n_alpha = alpha.shape[0]
    r_last = n_alpha - 2

    XW = _matmul(x.astype(jnp.float32), W.astype(jnp.float32), blk=1000)

    nchunk = 2 * (-(-n_edges // (NW * CH * 2)))
    epad = NW * nchunk * CH
    src = edge_index[0].astype(jnp.int32)
    dst = edge_index[1].astype(jnp.int32)
    et = edge_type.astype(jnp.int32)
    zpad = jnp.zeros((epad - n_edges,), jnp.int32)
    npad = (jnp.arange(epad - n_edges, dtype=jnp.int32) % n_nodes)
    src3 = jnp.concatenate([src, npad]).reshape(NW, nchunk, CH)
    dst3 = jnp.concatenate([dst, npad]).reshape(NW, nchunk, CH)
    et3 = jnp.concatenate([et, zpad]).reshape(NW, nchunk, CH)
    atab_len = -(-n_alpha // L) * L
    atab = jnp.pad(alpha[:, 0].astype(jnp.float32),
                   (0, atab_len - n_alpha))

    perm = [32 * c + o
            for c in range(d_out // 32)
            for k in range(L)
            for o in (k, L + k)]
    XWh = XW[:, jnp.array(perm, jnp.int32)].astype(jnp.bfloat16)

    partial = _sc_aggregate(src3, dst3, et3, atab, XWh)
    pr = partial.reshape(NC, n_nodes, d_out)

    coef = (2.0 * alpha[r_last]).astype(jnp.float32).reshape(1, 1)
    out = _finale(coef, pr, XW,
                  bias.astype(jnp.float32).reshape(1, d_out),
                  bn_gamma.astype(jnp.float32).reshape(1, d_out),
                  bn_beta.astype(jnp.float32).reshape(1, d_out),
                  blk=1000)
    return (out, r)

# --- scband reference (transcript-rebuilt; emitter-appended) ---
"""Pipeline reference for scband-weighted-gcnlayer-28346784154213 (READ-ONLY COPY).

The authoritative reference and input builder live on the scoring server;
editing this copy changes nothing except your own understanding.
"""

import jax, jax.numpy as jnp
import numpy as np

N = 10000          # num_entities
R = 401            # num_relations = dataset.num_relations()*2 + 1
IN_DIM = 128
OUT_DIM = 128
E = 320000         # num edges (pre self-loops)
EPS = 1e-5


def setup_inputs(seed: int = 0) -> dict:
    key = jax.random.key(seed)
    ks = jax.random.split(key, 8)
    x = jax.random.normal(ks[0], (N, IN_DIM), dtype=jnp.float32)
    r = jax.random.normal(ks[1], (R, IN_DIM), dtype=jnp.float32)
    edge_index = jax.random.randint(ks[2], (2, E), 0, N)
    edge_type = jax.random.randint(ks[3], (E,), 0, R)
    # xavier-uniform-ish weight init
    limit = float(np.sqrt(6.0 / (IN_DIM + OUT_DIM)))
    W = jax.random.uniform(ks[4], (IN_DIM, OUT_DIM), dtype=jnp.float32, minval=-limit, maxval=limit)
    bias = jnp.zeros((OUT_DIM,), dtype=jnp.float32)
    # alpha embedding table: (num_relations + 1, 1), padding_idx=0 -> row 0 is zero
    alpha = jax.random.normal(ks[5], (R + 1, 1), dtype=jnp.float32) * 0.1
    alpha = alpha.at[0].set(0.0)
    bn_gamma = jnp.ones((OUT_DIM,), dtype=jnp.float32)
    bn_beta = jnp.zeros((OUT_DIM,), dtype=jnp.float32)
    return {"x": x, "r": r, "edge_index": edge_index, "edge_type": edge_type,
            "W": W, "bias": bias, "alpha": alpha,
            "bn_gamma": bn_gamma, "bn_beta": bn_beta}


def reference(x, r, edge_index, edge_type, W, bias, alpha, bn_gamma, bn_beta):
    # _add_self_edge with self_edge_dropout=0.0 -> all self edges kept
    self_idx = jnp.arange(N, dtype=edge_index.dtype)
    src = jnp.concatenate([edge_index[0], self_idx])
    dst = jnp.concatenate([edge_index[1], self_idx])
    et = jnp.concatenate([edge_type, jnp.full((N,), R - 1, dtype=edge_type.dtype)])
    # alpha lookup per edge
    alpha_r = jnp.take(alpha, et, axis=0)[:, 0]
    # XW = x @ W
    XW = jnp.dot(x, W)
    # adj = sparse(src, dst, alpha_r); adj = adj + adj.T; out = adj @ XW
    # out[i] = sum_{e: src=i} alpha_e * XW[dst_e] + sum_{e: dst=i} alpha_e * XW[src_e]
    m_fwd = alpha_r[:, None] * jnp.take(XW, dst, axis=0)
    m_bwd = alpha_r[:, None] * jnp.take(XW, src, axis=0)
    out = jnp.zeros((N, OUT_DIM), dtype=XW.dtype)
    out = out.at[src].add(m_fwd)
    out = out.at[dst].add(m_bwd)
    out = out + bias
    # BatchNorm1d in training mode: batch statistics over node dim, biased variance
    mean = jnp.mean(out, axis=0)
    var = jnp.var(out, axis=0)
    out = (out - mean) / jnp.sqrt(var + EPS) * bn_gamma + bn_beta
    return (out, r)

if __name__ == "__main__":
    import jax
    _d = setup_inputs()
    print(jax.jit(kernel)(*tuple(_d.values())))

</pallas_src>

<mosaic_0001>
#map = affine_map<(d0, d1) -> (0, 0, 0)>
#map1 = affine_map<(d0, d1) -> (0)>
#map2 = affine_map<(d0, d1) -> (0, 0)>
#map3 = affine_map<(d0, d1) -> (0, 0, 0, 0)>
module attributes {stable_mosaic.version = 14 : i64} {
  func.func @_sc_agg_body(%arg0: i32, %arg1: i32, %arg2: memref<32x90x112xi32, #tpu.memory_space<hbm>>, %arg3: memref<32x90x112xi32, #tpu.memory_space<hbm>>, %arg4: memref<32x90x112xi32, #tpu.memory_space<hbm>>, %arg5: memref<416xf32, #tpu.memory_space<hbm>>, %arg6: memref<10000x128xbf16, #tpu.memory_space<hbm>>, %arg7: memref<2x16x625x128xf32, #tpu.memory_space<hbm>>, %arg8: memref<112xi32, #tpu.memory_space<vmem>>, %arg9: memref<112xi32, #tpu.memory_space<vmem>>, %arg10: memref<112xi32, #tpu.memory_space<vmem>>, %arg11: memref<112xi32, #tpu.memory_space<vmem>>, %arg12: memref<112xi32, #tpu.memory_space<vmem>>, %arg13: memref<112xi32, #tpu.memory_space<vmem>>, %arg14: memref<112xi32, #tpu.memory_space<vmem>>, %arg15: memref<112xi32, #tpu.memory_space<vmem>>, %arg16: memref<112xi32, #tpu.memory_space<vmem>>, %arg17: memref<112xi32, #tpu.memory_space<vmem>>, %arg18: memref<112xi32, #tpu.memory_space<vmem>>, %arg19: memref<112xi32, #tpu.memory_space<vmem>>, %arg20: memref<112xf32, #tpu.memory_space<vmem>>, %arg21: memref<112xf32, #tpu.memory_space<vmem>>, %arg22: memref<112xf32, #tpu.memory_space<vmem>>, %arg23: memref<112xf32, #tpu.memory_space<vmem>>, %arg24: memref<112x128xbf16, #tpu.memory_space<vmem>>, %arg25: memref<112x128xbf16, #tpu.memory_space<vmem>>, %arg26: memref<112x128xf32, #tpu.memory_space<vmem>>, %arg27: memref<112x128xf32, #tpu.memory_space<vmem>>, %arg28: memref<416xf32, #tpu.memory_space<vmem>>, %arg29: memref<10000x128xf32, #tpu.memory_space<vmem_shared>>, %arg30: memref<!tpu.dma_semaphore, #tpu.memory_space<semaphore_mem>>, %arg31: memref<!tpu.dma_semaphore, #tpu.memory_space<semaphore_mem>>, %arg32: memref<!tpu.dma_semaphore, #tpu.memory_space<semaphore_mem>>, %arg33: memref<!tpu.dma_semaphore, #tpu.memory_space<semaphore_mem>>, %arg34: memref<!tpu.dma_semaphore, #tpu.memory_space<semaphore_mem>>, %arg35: memref<!tpu.dma_semaphore, #tpu.memory_space<semaphore_mem>>, %arg36: memref<!tpu.dma_semaphore, #tpu.memory_space<semaphore_mem>>, %arg37: memref<!tpu.dma_semaphore, #tpu.memory_space<semaphore_mem>>) attributes {dimension_semantics = [#tpu.dimension_semantics<core_parallel>, #tpu.dimension_semantics<subcore_parallel>], iteration_bounds = array<i64: 2, 16>, scalar_prefetch = 0 : i64, scratch_operands = 30 : i64, tpu.core_type = #tpu.core_type<sc_vector_subcore>, window_params = [{transform_indices = #map}, {transform_indices = #map}, {transform_indices = #map}, {transform_indices = #map1}, {transform_indices = #map2}, {transform_indices = #map3}]} {
    %mul3A = arith.constant 2 : i32
    %mul3A_0 = arith.muli %arg1, %mul3A : i32
    %add3A = arith.addi %mul3A_0, %arg0 : i32
    "tpu.region"() ({
      %run_scoped3A = tpu.sem_alloc : memref<!tpu.dma_semaphore, #tpu.memory_space<semaphore_mem>>
      tpu.enqueue_dma source(%arg5 : memref<416xf32, #tpu.memory_space<hbm>>) target(%arg28 : memref<416xf32, #tpu.memory_space<vmem>>) target_semaphore(%run_scoped3A : memref<!tpu.dma_semaphore, #tpu.memory_space<semaphore_mem>>)
      tpu.wait_dma2 semaphore(%run_scoped3A : memref<!tpu.dma_semaphore, #tpu.memory_space<semaphore_mem>>) src(%arg5 : memref<416xf32, #tpu.memory_space<hbm>>) dst(%arg28 : memref<416xf32, #tpu.memory_space<vmem>>)
      tpu.yield
    }) : () -> ()
    %scan3A = arith.constant 0 : i32
    %scan3A_1 = arith.constant 0 : i32
    %scan3A_2 = arith.constant 25 : i32
    %scan3A_3 = arith.addi %scan3A_1, %scan3A_2 : i32
    %scan3A_4 = arith.constant 1 : i32
    %scan3A_5 = scf.for %scan3A_219 = %scan3A_1 to %scan3A_3 step %scan3A_4 iter_args(%scan3A_220 = %scan3A) -> (i32)  : i32 {
      %broadcast_in_dim3A = arith.constant 0.000000e+00 : f32
      %broadcast_in_dim3A_221 = vector.broadcast %broadcast_in_dim3A : f32 to vector<16xf32>
      %swap3A_222 = arith.index_cast %scan3A_219 : i32 to index
      %swap3A_223 = arith.constant 0 : index
      %swap3A_224 = tpu.vector_load %arg26[%swap3A_222, %swap3A_223] {strides = array<i32>} : memref<112x128xf32, #tpu.memory_space<vmem>>, vector<16xf32>,
      tpu.vector_store %arg26[%swap3A_222, %swap3A_223], %broadcast_in_dim3A_221 {strides = array<i32>} : memref<112x128xf32, #tpu.memory_space<vmem>>, vector<16xf32>,
      %broadcast_in_dim3A_225 = arith.constant 0.000000e+00 : f32
      %broadcast_in_dim3A_226 = vector.broadcast %broadcast_in_dim3A_225 : f32 to vector<16xf32>
      %swap3A_227 = arith.index_cast %scan3A_219 : i32 to index
      %swap3A_228 = arith.constant 16 : index
      %swap3A_229 = tpu.vector_load %arg26[%swap3A_227, %swap3A_228] {strides = array<i32>} : memref<112x128xf32, #tpu.memory_space<vmem>>, vector<16xf32>,
      tpu.vector_store %arg26[%swap3A_227, %swap3A_228], %broadcast_in_dim3A_226 {strides = array<i32>} : memref<112x128xf32, #tpu.memory_space<vmem>>, vector<16xf32>,
      %broadcast_in_dim3A_230 = arith.constant 0.000000e+00 : f32
      %broadcast_in_dim3A_231 = vector.broadcast %broadcast_in_dim3A_230 : f32 to vector<16xf32>
      %swap3A_232 = arith.index_cast %scan3A_219 : i32 to index
      %swap3A_233 = arith.constant 32 : index
      %swap3A_234 = tpu.vector_load %arg26[%swap3A_232, %swap3A_233] {strides = array<i32>} : memref<112x128xf32, #tpu.memory_space<vmem>>, vector<16xf32>,
      tpu.vector_store %arg26[%swap3A_232, %swap3A_233], %broadcast_in_dim3A_231 {strides = array<i32>} : memref<112x128xf32, #tpu.memory_space<vmem>>, vector<16xf32>,
      %broadcast_in_dim3A_235 = arith.constant 0.000000e+00 : f32
      %broadcast_in_dim3A_236 = vector.broadcast %broadcast_in_dim3A_235 : f32 to vector<16xf32>
      %swap3A_237 = arith.index_cast %scan3A_219 : i32 to index
      %swap3A_238 = arith.constant 48 : index
      %swap3A_239 = tpu.vector_load %arg26[%swap3A_237, %swap3A_238] {strides = array<i32>} : memref<112x128xf32, #tpu.memory_space<vmem>>, vector<16xf32>,
      tpu.vector_store %arg26[%swap3A_237, %swap3A_238], %broadcast_in_dim3A_236 {strides = array<i32>} : memref<112x128xf32, #tpu.memory_space<vmem>>, vector<16xf32>,
      %broadcast_in_dim3A_240 = arith.constant 0.000000e+00 : f32
      %broadcast_in_dim3A_241 = vector.broadcast %broadcast_in_dim3A_240 : f32 to vector<16xf32>
      %swap3A_242 = arith.index_cast %scan3A_219 : i32 to index
      %swap3A_243 = arith.constant 64 : index
      %swap3A_244 = tpu.vector_load %arg26[%swap3A_242, %swap3A_243] {strides = array<i32>} : memref<112x128xf32, #tpu.memory_space<vmem>>, vector<16xf32>,
      tpu.vector_store %arg26[%swap3A_242, %swap3A_243], %broadcast_in_dim3A_241 {strides = array<i32>} : memref<112x128xf32, #tpu.memory_space<vmem>>, vector<16xf32>,
      %broadcast_in_dim3A_245 = arith.constant 0.000000e+00 : f32
      %broadcast_in_dim3A_246 = vector.broadcast %broadcast_in_dim3A_245 : f32 to vector<16xf32>
      %swap3A_247 = arith.index_cast %scan3A_219 : i32 to index
      %swap3A_248 = arith.constant 80 : index
      %swap3A_249 = tpu.vector_load %arg26[%swap3A_247, %swap3A_248] {strides = array<i32>} : memref<112x128xf32, #tpu.memory_space<vmem>>, vector<16xf32>,
      tpu.vector_store %arg26[%swap3A_247, %swap3A_248], %broadcast_in_dim3A_246 {strides = array<i32>} : memref<112x128xf32, #tpu.memory_space<vmem>>, vector<16xf32>,
      %broadcast_in_dim3A_250 = arith.constant 0.000000e+00 : f32
      %broadcast_in_dim3A_251 = vector.broadcast %broadcast_in_dim3A_250 : f32 to vector<16xf32>
      %swap3A_252 = arith.index_cast %scan3A_219 : i32 to index
      %swap3A_253 = arith.constant 96 : index
      %swap3A_254 = tpu.vector_load %arg26[%swap3A_252, %swap3A_253] {strides = array<i32>} : memref<112x128xf32, #tpu.memory_space<vmem>>, vector<16xf32>,
      tpu.vector_store %arg26[%swap3A_252, %swap3A_253], %broadcast_in_dim3A_251 {strides = array<i32>} : memref<112x128xf32, #tpu.memory_space<vmem>>, vector<16xf32>,
      %broadcast_in_dim3A_255 = arith.constant 0.000000e+00 : f32
      %broadcast_in_dim3A_256 = vector.broadcast %broadcast_in_dim3A_255 : f32 to vector<16xf32>
      %swap3A_257 = arith.index_cast %scan3A_219 : i32 to index
      %swap3A_258 = arith.constant 112 : index
      %swap3A_259 = tpu.vector_load %arg26[%swap3A_257, %swap3A_258] {strides = array<i32>} : memref<112x128xf32, #tpu.memory_space<vmem>>, vector<16xf32>,
      tpu.vector_store %arg26[%swap3A_257, %swap3A_258], %broadcast_in_dim3A_256 {strides = array<i32>} : memref<112x128xf32, #tpu.memory_space<vmem>>, vector<16xf32>,
      %scan3A_260 = arith.constant 0 : i32
      scf.yield %scan3A_260 : i32
    }
    %scan3A_6 = arith.constant 25 : i32
    %mul3A_7 = arith.constant 625 : i32
    %mul3A_8 = arith.muli %arg1, %mul3A_7 : i32
    %add3A_9 = arith.constant 0 : i32
    %add3A_10 = arith.addi %mul3A_8, %add3A_9 : i32
    "tpu.region"() ({
      %run_scoped3A = tpu.sem_alloc : memref<!tpu.dma_semaphore, #tpu.memory_space<semaphore_mem>>
      %dma_start3A_219 = arith.constant 0 : i32
      %dma_start3A_220 = arith.constant 0 : i32
      %dma_start3A_221 = tpu.memref_slice %arg26[%dma_start3A_219, %dma_start3A_220] : memref<112x128xf32, #tpu.memory_space<vmem>> -> memref<25x128xf32, #tpu.memory_space<vmem>>
      %dma_start3A_222 = arith.constant 0 : i32
      %dma_start3A_223 = tpu.memref_slice %arg29[%add3A_10, %dma_start3A_222] : memref<10000x128xf32, #tpu.memory_space<vmem_shared>> -> memref<25x128xf32, #tpu.memory_space<vmem_shared>>
      %dma_start3A_224 = arith.constant 0 : i32
      %dma_start3A_225 = tpu.memref_slice %arg29[%add3A_10, %dma_start3A_224] : memref<10000x128xf32, #tpu.memory_space<vmem_shared>> -> memref<25x128xf32, #tpu.memory_space<vmem_shared>>
      %dma_start3A_226 = arith.constant 0 : i32
      %dma_start3A_227 = arith.constant 0 : i32
      %dma_start3A_228 = tpu.memref_slice %arg26[%dma_start3A_226, %dma_start3A_227] : memref<112x128xf32, #tpu.memory_space<vmem>> -> memref<25x128xf32, #tpu.memory_space<vmem>>
      tpu.enqueue_dma source(%dma_start3A_228 : memref<25x128xf32, #tpu.memory_space<vmem>>) target(%dma_start3A_225 : memref<25x128xf32, #tpu.memory_space<vmem_shared>>) target_semaphore(%run_scoped3A : memref<!tpu.dma_semaphore, #tpu.memory_space<semaphore_mem>>)
      %dma_wait3A_229 = arith.constant 0 : i32
      %dma_wait3A_230 = arith.constant 0 : i32
      %dma_wait3A_231 = tpu.memref_slice %arg26[%dma_wait3A_229, %dma_wait3A_230] : memref<112x128xf32, #tpu.memory_space<vmem>> -> memref<25x128xf32, #tpu.memory_space<vmem>>
      %dma_wait3A_232 = arith.constant 0 : i32
      %dma_wait3A_233 = tpu.memref_slice %arg29[%add3A_10, %dma_wait3A_232] : memref<10000x128xf32, #tpu.memory_space<vmem_shared>> -> memref<25x128xf32, #tpu.memory_space<vmem_shared>>
      %dma_wait3A_234 = arith.constant 0 : i32
      %dma_wait3A_235 = tpu.memref_slice %arg29[%add3A_10, %dma_wait3A_234] : memref<10000x128xf32, #tpu.memory_space<vmem_shared>> -> memref<25x128xf32, #tpu.memory_space<vmem_shared>>
      %dma_wait3A_236 = arith.constant 0 : i32
      %dma_wait3A_237 = arith.constant 0 : i32
      %dma_wait3A_238 = tpu.memref_slice %arg26[%dma_wait3A_236, %dma_wait3A_237] : memref<112x128xf32, #tpu.memory_space<vmem>> -> memref<25x128xf32, #tpu.memory_space<vmem>>
      tpu.wait_dma2 semaphore(%run_scoped3A : memref<!tpu.dma_semaphore, #tpu.memory_space<semaphore_mem>>) src(%dma_wait3A_238 : memref<25x128xf32, #tpu.memory_space<vmem>>) dst(%dma_wait3A_235 : memref<25x128xf32, #tpu.memory_space<vmem_shared>>)
      tpu.yield
    }) : () -> ()
    %mul3A_11 = arith.constant 625 : i32
    %mul3A_12 = arith.muli %arg1, %mul3A_11 : i32
    %add3A_13 = arith.constant 25 : i32
    %add3A_14 = arith.addi %mul3A_12, %add3A_13 : i32
    "tpu.region"() ({
      %run_scoped3A = tpu.sem_alloc : memref<!tpu.dma_semaphore, #tpu.memory_space<semaphore_mem>>
      %dma_start3A_219 = arith.constant 0 : i32
      %dma_start3A_220 = arith.constant 0 : i32
      %dma_start3A_221 = tpu.memref_slice %arg26[%dma_start3A_219, %dma_start3A_220] : memref<112x128xf32, #tpu.memory_space<vmem>> -> memref<25x128xf32, #tpu.memory_space<vmem>>
      %dma_start3A_222 = arith.constant 0 : i32
      %dma_start3A_223 = tpu.memref_slice %arg29[%add3A_14, %dma_start3A_222] : memref<10000x128xf32, #tpu.memory_space<vmem_shared>> -> memref<25x128xf32, #tpu.memory_space<vmem_shared>>
      %dma_start3A_224 = arith.constant 0 : i32
      %dma_start3A_225 = tpu.memref_slice %arg29[%add3A_14, %dma_start3A_224] : memref<10000x128xf32, #tpu.memory_space<vmem_shared>> -> memref<25x128xf32, #tpu.memory_space<vmem_shared>>
      %dma_start3A_226 = arith.constant 0 : i32
      %dma_start3A_227 = arith.constant 0 : i32
      %dma_start3A_228 = tpu.memref_slice %arg26[%dma_start3A_226, %dma_start3A_227] : memref<112x128xf32, #tpu.memory_space<vmem>> -> memref<25x128xf32, #tpu.memory_space<vmem>>
      tpu.enqueue_dma source(%dma_start3A_228 : memref<25x128xf32, #tpu.memory_space<vmem>>) target(%dma_start3A_225 : memref<25x128xf32, #tpu.memory_space<vmem_shared>>) target_semaphore(%run_scoped3A : memref<!tpu.dma_semaphore, #tpu.memory_space<semaphore_mem>>)
      %dma_wait3A_229 = arith.constant 0 : i32
      %dma_wait3A_230 = arith.constant 0 : i32
      %dma_wait3A_231 = tpu.memref_slice %arg26[%dma_wait3A_229, %dma_wait3A_230] : memref<112x128xf32, #tpu.memory_space<vmem>> -> memref<25x128xf32, #tpu.memory_space<vmem>>
      %dma_wait3A_232 = arith.constant 0 : i32
      %dma_wait3A_233 = tpu.memref_slice %arg29[%add3A_14, %dma_wait3A_232] : memref<10000x128xf32, #tpu.memory_space<vmem_shared>> -> memref<25x128xf32, #tpu.memory_space<vmem_shared>>
      %dma_wait3A_234 = arith.constant 0 : i32
      %dma_wait3A_235 = tpu.memref_slice %arg29[%add3A_14, %dma_wait3A_234] : memref<10000x128xf32, #tpu.memory_space<vmem_shared>> -> memref<25x128xf32, #tpu.memory_space<vmem_shared>>
      %dma_wait3A_236 = arith.constant 0 : i32
      %dma_wait3A_237 = arith.constant 0 : i32
      %dma_wait3A_238 = tpu.memref_slice %arg26[%dma_wait3A_236, %dma_wait3A_237] : memref<112x128xf32, #tpu.memory_space<vmem>> -> memref<25x128xf32, #tpu.memory_space<vmem>>
      tpu.wait_dma2 semaphore(%run_scoped3A : memref<!tpu.dma_semaphore, #tpu.memory_space<semaphore_mem>>) src(%dma_wait3A_238 : memref<25x128xf32, #tpu.memory_space<vmem>>) dst(%dma_wait3A_235 : memref<25x128xf32, #tpu.memory_space<vmem_shared>>)
      tpu.yield
    }) : () -> ()
    %mul3A_15 = arith.constant 625 : i32
    %mul3A_16 = arith.muli %arg1, %mul3A_15 : i32
    %add3A_17 = arith.constant 50 : i32
    %add3A_18 = arith.addi %mul3A_16, %add3A_17 : i32
    "tpu.region"() ({
      %run_scoped3A = tpu.sem_alloc : memref<!tpu.dma_semaphore, #tpu.memory_space<semaphore_mem>>
      %dma_start3A_219 = arith.constant 0 : i32
      %dma_start3A_220 = arith.constant 0 : i32
      %dma_start3A_221 = tpu.memref_slice %arg26[%dma_start3A_219, %dma_start3A_220] : memref<112x128xf32, #tpu.memory_space<vmem>> -> memref<25x128xf32, #tpu.memory_space<vmem>>
      %dma_start3A_222 = arith.constant 0 : i32
      %dma_start3A_223 = tpu.memref_slice %arg29[%add3A_18, %dma_start3A_222] : memref<10000x128xf32, #tpu.memory_space<vmem_shared>> -> memref<25x128xf32, #tpu.memory_space<vmem_shared>>
      %dma_start3A_224 = arith.constant 0 : i32
      %dma_start3A_225 = tpu.memref_slice %arg29[%add3A_18, %dma_start3A_224] : memref<10000x128xf32, #tpu.memory_space<vmem_shared>> -> memref<25x128xf32, #tpu.memory_space<vmem_shared>>
      %dma_start3A_226 = arith.constant 0 : i32
      %dma_start3A_227 = arith.constant 0 : i32
      %dma_start3A_228 = tpu.memref_slice %arg26[%dma_start3A_226, %dma_start3A_227] : memref<112x128xf32, #tpu.memory_space<vmem>> -> memref<25x128xf32, #tpu.memory_space<vmem>>
      tpu.enqueue_dma source(%dma_start3A_228 : memref<25x128xf32, #tpu.memory_space<vmem>>) target(%dma_start3A_225 : memref<25x128xf32, #tpu.memory_space<vmem_shared>>) target_semaphore(%run_scoped3A : memref<!tpu.dma_semaphore, #tpu.memory_space<semaphore_mem>>)
      %dma_wait3A_229 = arith.constant 0 : i32
      %dma_wait3A_230 = arith.constant 0 : i32
      %dma_wait3A_231 = tpu.memref_slice %arg26[%dma_wait3A_229, %dma_wait3A_230] : memref<112x128xf32, #tpu.memory_space<vmem>> -> memref<25x128xf32, #tpu.memory_space<vmem>>
      %dma_wait3A_232 = arith.constant 0 : i32
      %dma_wait3A_233 = tpu.memref_slice %arg29[%add3A_18, %dma_wait3A_232] : memref<10000x128xf32, #tpu.memory_space<vmem_shared>> -> memref<25x128xf32, #tpu.memory_space<vmem_shared>>
      %dma_wait3A_234 = arith.constant 0 : i32
      %dma_wait3A_235 = tpu.memref_slice %arg29[%add3A_18, %dma_wait3A_234] : memref<10000x128xf32, #tpu.memory_space<vmem_shared>> -> memref<25x128xf32, #tpu.memory_space<vmem_shared>>
      %dma_wait3A_236 = arith.constant 0 : i32
      %dma_wait3A_237 = arith.constant 0 : i32
      %dma_wait3A_238 = tpu.memref_slice %arg26[%dma_wait3A_236, %dma_wait3A_237] : memref<112x128xf32, #tpu.memory_space<vmem>> -> memref<25x128xf32, #tpu.memory_space<vmem>>
      tpu.wait_dma2 semaphore(%run_scoped3A : memref<!tpu.dma_semaphore, #tpu.memory_space<semaphore_mem>>) src(%dma_wait3A_238 : memref<25x128xf32, #tpu.memory_space<vmem>>) dst(%dma_wait3A_235 : memref<25x128xf32, #tpu.memory_space<vmem_shared>>)
      tpu.yield
    }) : () -> ()
    %mul3A_19 = arith.constant 625 : i32
    %mul3A_20 = arith.muli %arg1, %mul3A_19 : i32
    %add3A_21 = arith.constant 75 : i32
    %add3A_22 = arith.addi %mul3A_20, %add3A_21 : i32
    "tpu.region"() ({
      %run_scoped3A = tpu.sem_alloc : memref<!tpu.dma_semaphore, #tpu.memory_space<semaphore_mem>>
      %dma_start3A_219 = arith.constant 0 : i32
      %dma_start3A_220 = arith.constant 0 : i32
      %dma_start3A_221 = tpu.memref_slice %arg26[%dma_start3A_219, %dma_start3A_220] : memref<112x128xf32, #tpu.memory_space<vmem>> -> memref<25x128xf32, #tpu.memory_space<vmem>>
      %dma_start3A_222 = arith.constant 0 : i32
      %dma_start3A_223 = tpu.memref_slice %arg29[%add3A_22, %dma_start3A_222] : memref<10000x128xf32, #tpu.memory_space<vmem_shared>> -> memref<25x128xf32, #tpu.memory_space<vmem_shared>>
      %dma_start3A_224 = arith.constant 0 : i32
      %dma_start3A_225 = tpu.memref_slice %arg29[%add3A_22, %dma_start3A_224] : memref<10000x128xf32, #tpu.memory_space<vmem_shared>> -> memref<25x128xf32, #tpu.memory_space<vmem_shared>>
      %dma_start3A_226 = arith.constant 0 : i32
      %dma_start3A_227 = arith.constant 0 : i32
      %dma_start3A_228 = tpu.memref_slice %arg26[%dma_start3A_226, %dma_start3A_227] : memref<112x128xf32, #tpu.memory_space<vmem>> -> memref<25x128xf32, #tpu.memory_space<vmem>>
      tpu.enqueue_dma source(%dma_start3A_228 : memref<25x128xf32, #tpu.memory_space<vmem>>) target(%dma_start3A_225 : memref<25x128xf32, #tpu.memory_space<vmem_shared>>) target_semaphore(%run_scoped3A : memref<!tpu.dma_semaphore, #tpu.memory_space<semaphore_mem>>)
      %dma_wait3A_229 = arith.constant 0 : i32
      %dma_wait3A_230 = arith.constant 0 : i32
      %dma_wait3A_231 = tpu.memref_slice %arg26[%dma_wait3A_229, %dma_wait3A_230] : memref<112x128xf32, #tpu.memory_space<vmem>> -> memref<25x128xf32, #tpu.memory_space<vmem>>
      %dma_wait3A_232 = arith.constant 0 : i32
      %dma_wait3A_233 = tpu.memref_slice %arg29[%add3A_22, %dma_wait3A_232] : memref<10000x128xf32, #tpu.memory_space<vmem_shared>> -> memref<25x128xf32, #tpu.memory_space<vmem_shared>>
      %dma_wait3A_234 = arith.constant 0 : i32
      %dma_wait3A_235 = tpu.memref_slice %arg29[%add3A_22, %dma_wait3A_234] : memref<10000x128xf32, #tpu.memory_space<vmem_shared>> -> memref<25x128xf32, #tpu.memory_space<vmem_shared>>
      %dma_wait3A_236 = arith.constant 0 : i32
      %dma_wait3A_237 = arith.constant 0 : i32
      %dma_wait3A_238 = tpu.memref_slice %arg26[%dma_wait3A_236, %dma_wait3A_237] : memref<112x128xf32, #tpu.memory_space<vmem>> -> memref<25x128xf32, #tpu.memory_space<vmem>>
      tpu.wait_dma2 semaphore(%run_scoped3A : memref<!tpu.dma_semaphore, #tpu.memory_space<semaphore_mem>>) src(%dma_wait3A_238 : memref<25x128xf32, #tpu.memory_space<vmem>>) dst(%dma_wait3A_235 : memref<25x128xf32, #tpu.memory_space<vmem_shared>>)
      tpu.yield
    }) : () -> ()
    %mul3A_23 = arith.constant 625 : i32
    %mul3A_24 = arith.muli %arg1, %mul3A_23 : i32
    %add3A_25 = arith.constant 100 : i32
    %add3A_26 = arith.addi %mul3A_24, %add3A_25 : i32
    "tpu.region"() ({
      %run_scoped3A = tpu.sem_alloc : memref<!tpu.dma_semaphore, #tpu.memory_space<semaphore_mem>>
      %dma_start3A_219 = arith.constant 0 : i32
      %dma_start3A_220 = arith.constant 0 : i32
      %dma_start3A_221 = tpu.memref_slice %arg26[%dma_start3A_219, %dma_start3A_220] : memref<112x128xf32, #tpu.memory_space<vmem>> -> memref<25x128xf32, #tpu.memory_space<vmem>>
      %dma_start3A_222 = arith.constant 0 : i32
      %dma_start3A_223 = tpu.memref_slice %arg29[%add3A_26, %dma_start3A_222] : memref<10000x128xf32, #tpu.memory_space<vmem_shared>> -> memref<25x128xf32, #tpu.memory_space<vmem_shared>>
      %dma_start3A_224 = arith.constant 0 : i32
      %dma_start3A_225 = tpu.memref_slice %arg29[%add3A_26, %dma_start3A_224] : memref<10000x128xf32, #tpu.memory_space<vmem_shared>> -> memref<25x128xf32, #tpu.memory_space<vmem_shared>>
      %dma_start3A_226 = arith.constant 0 : i32
      %dma_start3A_227 = arith.constant 0 : i32
      %dma_start3A_228 = tpu.memref_slice %arg26[%dma_start3A_226, %dma_start3A_227] : memref<112x128xf32, #tpu.memory_space<vmem>> -> memref<25x128xf32, #tpu.memory_space<vmem>>
      tpu.enqueue_dma source(%dma_start3A_228 : memref<25x128xf32, #tpu.memory_space<vmem>>) target(%dma_start3A_225 : memref<25x128xf32, #tpu.memory_space<vmem_shared>>) target_semaphore(%run_scoped3A : memref<!tpu.dma_semaphore, #tpu.memory_space<semaphore_mem>>)
      %dma_wait3A_229 = arith.constant 0 : i32
      %dma_wait3A_230 = arith.constant 0 : i32
      %dma_wait3A_231 = tpu.memref_slice %arg26[%dma_wait3A_229, %dma_wait3A_230] : memref<112x128xf32, #tpu.memory_space<vmem>> -> memref<25x128xf32, #tpu.memory_space<vmem>>
      %dma_wait3A_232 = arith.constant 0 : i32
      %dma_wait3A_233 = tpu.memref_slice %arg29[%add3A_26, %dma_wait3A_232] : memref<10000x128xf32, #tpu.memory_space<vmem_shared>> -> memref<25x128xf32, #tpu.memory_space<vmem_shared>>
      %dma_wait3A_234 = arith.constant 0 : i32
      %dma_wait3A_235 = tpu.memref_slice %arg29[%add3A_26, %dma_wait3A_234] : memref<10000x128xf32, #tpu.memory_space<vmem_shared>> -> memref<25x128xf32, #tpu.memory_space<vmem_shared>>
      %dma_wait3A_236 = arith.constant 0 : i32
      %dma_wait3A_237 = arith.constant 0 : i32
      %dma_wait3A_238 = tpu.memref_slice %arg26[%dma_wait3A_236, %dma_wait3A_237] : memref<112x128xf32, #tpu.memory_space<vmem>> -> memref<25x128xf32, #tpu.memory_space<vmem>>
      tpu.wait_dma2 semaphore(%run_scoped3A : memref<!tpu.dma_semaphore, #tpu.memory_space<semaphore_mem>>) src(%dma_wait3A_238 : memref<25x128xf32, #tpu.memory_space<vmem>>) dst(%dma_wait3A_235 : memref<25x128xf32, #tpu.memory_space<vmem_shared>>)
      tpu.yield
    }) : () -> ()
    %mul3A_27 = arith.constant 625 : i32
    %mul3A_28 = arith.muli %arg1, %mul3A_27 : i32
    %add3A_29 = arith.constant 125 : i32
    %add3A_30 = arith.addi %mul3A_28, %add3A_29 : i32
    "tpu.region"() ({
      %run_scoped3A = tpu.sem_alloc : memref<!tpu.dma_semaphore, #tpu.memory_space<semaphore_mem>>
      %dma_start3A_219 = arith.constant 0 : i32
      %dma_start3A_220 = arith.constant 0 : i32
      %dma_start3A_221 = tpu.memref_slice %arg26[%dma_start3A_219, %dma_start3A_220] : memref<112x128xf32, #tpu.memory_space<vmem>> -> memref<25x128xf32, #tpu.memory_space<vmem>>
      %dma_start3A_222 = arith.constant 0 : i32
      %dma_start3A_223 = tpu.memref_slice %arg29[%add3A_30, %dma_start3A_222] : memref<10000x128xf32, #tpu.memory_space<vmem_shared>> -> memref<25x128xf32, #tpu.memory_space<vmem_shared>>
      %dma_start3A_224 = arith.constant 0 : i32
      %dma_start3A_225 = tpu.memref_slice %arg29[%add3A_30, %dma_start3A_224] : memref<10000x128xf32, #tpu.memory_space<vmem_shared>> -> memref<25x128xf32, #tpu.memory_space<vmem_shared>>
      %dma_start3A_226 = arith.constant 0 : i32
      %dma_start3A_227 = arith.constant 0 : i32
      %dma_start3A_228 = tpu.memref_slice %arg26[%dma_start3A_226, %dma_start3A_227] : memref<112x128xf32, #tpu.memory_space<vmem>> -> memref<25x128xf32, #tpu.memory_space<vmem>>
      tpu.enqueue_dma source(%dma_start3A_228 : memref<25x128xf32, #tpu.memory_space<vmem>>) target(%dma_start3A_225 : memref<25x128xf32, #tpu.memory_space<vmem_shared>>) target_semaphore(%run_scoped3A : memref<!tpu.dma_semaphore, #tpu.memory_space<semaphore_mem>>)
      %dma_wait3A_229 = arith.constant 0 : i32
      %dma_wait3A_230 = arith.constant 0 : i32
      %dma_wait3A_231 = tpu.memref_slice %arg26[%dma_wait3A_229, %dma_wait3A_230] : memref<112x128xf32, #tpu.memory_space<vmem>> -> memref<25x128xf32, #tpu.memory_space<vmem>>
      %dma_wait3A_232 = arith.constant 0 : i32
      %dma_wait3A_233 = tpu.memref_slice %arg29[%add3A_30, %dma_wait3A_232] : memref<10000x128xf32, #tpu.memory_space<vmem_shared>> -> memref<25x128xf32, #tpu.memory_space<vmem_shared>>
      %dma_wait3A_234 = arith.constant 0 : i32
      %dma_wait3A_235 = tpu.memref_slice %arg29[%add3A_30, %dma_wait3A_234] : memref<10000x128xf32, #tpu.memory_space<vmem_shared>> -> memref<25x128xf32, #tpu.memory_space<vmem_shared>>
      %dma_wait3A_236 = arith.constant 0 : i32
      %dma_wait3A_237 = arith.constant 0 : i32
      %dma_wait3A_238 = tpu.memref_slice %arg26[%dma_wait3A_236, %dma_wait3A_237] : memref<112x128xf32, #tpu.memory_space<vmem>> -> memref<25x128xf32, #tpu.memory_space<vmem>>
      tpu.wait_dma2 semaphore(%run_scoped3A : memref<!tpu.dma_semaphore, #tpu.memory_space<semaphore_mem>>) src(%dma_wait3A_238 : memref<25x128xf32, #tpu.memory_space<vmem>>) dst(%dma_wait3A_235 : memref<25x128xf32, #tpu.memory_space<vmem_shared>>)
      tpu.yield
    }) : () -> ()
    %mul3A_31 = arith.constant 625 : i32
    %mul3A_32 = arith.muli %arg1, %mul3A_31 : i32
    %add3A_33 = arith.constant 150 : i32
    %add3A_34 = arith.addi %mul3A_32, %add3A_33 : i32
    "tpu.region"() ({
      %run_scoped3A = tpu.sem_alloc : memref<!tpu.dma_semaphore, #tpu.memory_space<semaphore_mem>>
      %dma_start3A_219 = arith.constant 0 : i32
      %dma_start3A_220 = arith.constant 0 : i32
      %dma_start3A_221 = tpu.memref_slice %arg26[%dma_start3A_219, %dma_start3A_220] : memref<112x128xf32, #tpu.memory_space<vmem>> -> memref<25x128xf32, #tpu.memory_space<vmem>>
      %dma_start3A_222 = arith.constant 0 : i32
      %dma_start3A_223 = tpu.memref_slice %arg29[%add3A_34, %dma_start3A_222] : memref<10000x128xf32, #tpu.memory_space<vmem_shared>> -> memref<25x128xf32, #tpu.memory_space<vmem_shared>>
      %dma_start3A_224 = arith.constant 0 : i32
      %dma_start3A_225 = tpu.memref_slice %arg29[%add3A_34, %dma_start3A_224] : memref<10000x128xf32, #tpu.memory_space<vmem_shared>> -> memref<25x128xf32, #tpu.memory_space<vmem_shared>>
      %dma_start3A_226 = arith.constant 0 : i32
      %dma_start3A_227 = arith.constant 0 : i32
      %dma_start3A_228 = tpu.memref_slice %arg26[%dma_start3A_226, %dma_start3A_227] : memref<112x128xf32, #tpu.memory_space<vmem>> -> memref<25x128xf32, #tpu.memory_space<vmem>>
      tpu.enqueue_dma source(%dma_start3A_228 : memref<25x128xf32, #tpu.memory_space<vmem>>) target(%dma_start3A_225 : memref<25x128xf32, #tpu.memory_space<vmem_shared>>) target_semaphore(%run_scoped3A : memref<!tpu.dma_semaphore, #tpu.memory_space<semaphore_mem>>)
      %dma_wait3A_229 = arith.constant 0 : i32
      %dma_wait3A_230 = arith.constant 0 : i32
      %dma_wait3A_231 = tpu.memref_slice %arg26[%dma_wait3A_229, %dma_wait3A_230] : memref<112x128xf32, #tpu.memory_space<vmem>> -> memref<25x128xf32, #tpu.memory_space<vmem>>
      %dma_wait3A_232 = arith.constant 0 : i32
      %dma_wait3A_233 = tpu.memref_slice %arg29[%add3A_34, %dma_wait3A_232] : memref<10000x128xf32, #tpu.memory_space<vmem_shared>> -> memref<25x128xf32, #tpu.memory_space<vmem_shared>>
      %dma_wait3A_234 = arith.constant 0 : i32
      %dma_wait3A_235 = tpu.memref_slice %arg29[%add3A_34, %dma_wait3A_234] : memref<10000x128xf32, #tpu.memory_space<vmem_shared>> -> memref<25x128xf32, #tpu.memory_space<vmem_shared>>
      %dma_wait3A_236 = arith.constant 0 : i32
      %dma_wait3A_237 = arith.constant 0 : i32
      %dma_wait3A_238 = tpu.memref_slice %arg26[%dma_wait3A_236, %dma_wait3A_237] : memref<112x128xf32, #tpu.memory_space<vmem>> -> memref<25x128xf32, #tpu.memory_space<vmem>>
      tpu.wait_dma2 semaphore(%run_scoped3A : memref<!tpu.dma_semaphore, #tpu.memory_space<semaphore_mem>>) src(%dma_wait3A_238 : memref<25x128xf32, #tpu.memory_space<vmem>>) dst(%dma_wait3A_235 : memref<25x128xf32, #tpu.memory_space<vmem_shared>>)
      tpu.yield
    }) : () -> ()
    %mul3A_35 = arith.constant 625 : i32
    %mul3A_36 = arith.muli %arg1, %mul3A_35 : i32
    %add3A_37 = arith.constant 175 : i32
    %add3A_38 = arith.addi %mul3A_36, %add3A_37 : i32
    "tpu.region"() ({
      %run_scoped3A = tpu.sem_alloc : memref<!tpu.dma_semaphore, #tpu.memory_space<semaphore_mem>>
      %dma_start3A_219 = arith.constant 0 : i32
      %dma_start3A_220 = arith.constant 0 : i32
      %dma_start3A_221 = tpu.memref_slice %arg26[%dma_start3A_219, %dma_start3A_220] : memref<112x128xf32, #tpu.memory_space<vmem>> -> memref<25x128xf32, #tpu.memory_space<vmem>>
      %dma_start3A_222 = arith.constant 0 : i32
      %dma_start3A_223 = tpu.memref_slice %arg29[%add3A_38, %dma_start3A_222] : memref<10000x128xf32, #tpu.memory_space<vmem_shared>> -> memref<25x128xf32, #tpu.memory_space<vmem_shared>>
      %dma_start3A_224 = arith.constant 0 : i32
      %dma_start3A_225 = tpu.memref_slice %arg29[%add3A_38, %dma_start3A_224] : memref<10000x128xf32, #tpu.memory_space<vmem_shared>> -> memref<25x128xf32, #tpu.memory_space<vmem_shared>>
      %dma_start3A_226 = arith.constant 0 : i32
      %dma_start3A_227 = arith.constant 0 : i32
      %dma_start3A_228 = tpu.memref_slice %arg26[%dma_start3A_226, %dma_start3A_227] : memref<112x128xf32, #tpu.memory_space<vmem>> -> memref<25x128xf32, #tpu.memory_space<vmem>>
      tpu.enqueue_dma source(%dma_start3A_228 : memref<25x128xf32, #tpu.memory_space<vmem>>) target(%dma_start3A_225 : memref<25x128xf32, #tpu.memory_space<vmem_shared>>) target_semaphore(%run_scoped3A : memref<!tpu.dma_semaphore, #tpu.memory_space<semaphore_mem>>)
      %dma_wait3A_229 = arith.constant 0 : i32
      %dma_wait3A_230 = arith.constant 0 : i32
      %dma_wait3A_231 = tpu.memref_slice %arg26[%dma_wait3A_229, %dma_wait3A_230] : memref<112x128xf32, #tpu.memory_space<vmem>> -> memref<25x128xf32, #tpu.memory_space<vmem>>
      %dma_wait3A_232 = arith.constant 0 : i32
      %dma_wait3A_233 = tpu.memref_slice %arg29[%add3A_38, %dma_wait3A_232] : memref<10000x128xf32, #tpu.memory_space<vmem_shared>> -> memref<25x128xf32, #tpu.memory_space<vmem_shared>>
      %dma_wait3A_234 = arith.constant 0 : i32
      %dma_wait3A_235 = tpu.memref_slice %arg29[%add3A_38, %dma_wait3A_234] : memref<10000x128xf32, #tpu.memory_space<vmem_shared>> -> memref<25x128xf32, #tpu.memory_space<vmem_shared>>
      %dma_wait3A_236 = arith.constant 0 : i32
      %dma_wait3A_237 = arith.constant 0 : i32
      %dma_wait3A_238 = tpu.memref_slice %arg26[%dma_wait3A_236, %dma_wait3A_237] : memref<112x128xf32, #tpu.memory_space<vmem>> -> memref<25x128xf32, #tpu.memory_space<vmem>>
      tpu.wait_dma2 semaphore(%run_scoped3A : memref<!tpu.dma_semaphore, #tpu.memory_space<semaphore_mem>>) src(%dma_wait3A_238 : memref<25x128xf32, #tpu.memory_space<vmem>>) dst(%dma_wait3A_235 : memref<25x128xf32, #tpu.memory_space<vmem_shared>>)
      tpu.yield
    }) : () -> ()
    %mul3A_39 = arith.constant 625 : i32
    %mul3A_40 = arith.muli %arg1, %mul3A_39 : i32
    %add3A_41 = arith.constant 200 : i32
    %add3A_42 = arith.addi %mul3A_40, %add3A_41 : i32
    "tpu.region"() ({
      %run_scoped3A = tpu.sem_alloc : memref<!tpu.dma_semaphore, #tpu.memory_space<semaphore_mem>>
      %dma_start3A_219 = arith.constant 0 : i32
      %dma_start3A_220 = arith.constant 0 : i32
      %dma_start3A_221 = tpu.memref_slice %arg26[%dma_start3A_219, %dma_start3A_220] : memref<112x128xf32, #tpu.memory_space<vmem>> -> memref<25x128xf32, #tpu.memory_space<vmem>>
      %dma_start3A_222 = arith.constant 0 : i32
      %dma_start3A_223 = tpu.memref_slice %arg29[%add3A_42, %dma_start3A_222] : memref<10000x128xf32, #tpu.memory_space<vmem_shared>> -> memref<25x128xf32, #tpu.memory_space<vmem_shared>>
      %dma_start3A_224 = arith.constant 0 : i32
      %dma_start3A_225 = tpu.memref_slice %arg29[%add3A_42, %dma_start3A_224] : memref<10000x128xf32, #tpu.memory_space<vmem_shared>> -> memref<25x128xf32, #tpu.memory_space<vmem_shared>>
      %dma_start3A_226 = arith.constant 0 : i32
      %dma_start3A_227 = arith.constant 0 : i32
      %dma_start3A_228 = tpu.memref_slice %arg26[%dma_start3A_226, %dma_start3A_227] : memref<112x128xf32, #tpu.memory_space<vmem>> -> memref<25x128xf32, #tpu.memory_space<vmem>>
      tpu.enqueue_dma source(%dma_start3A_228 : memref<25x128xf32, #tpu.memory_space<vmem>>) target(%dma_start3A_225 : memref<25x128xf32, #tpu.memory_space<vmem_shared>>) target_semaphore(%run_scoped3A : memref<!tpu.dma_semaphore, #tpu.memory_space<semaphore_mem>>)
      %dma_wait3A_229 = arith.constant 0 : i32
      %dma_wait3A_230 = arith.constant 0 : i32
      %dma_wait3A_231 = tpu.memref_slice %arg26[%dma_wait3A_229, %dma_wait3A_230] : memref<112x128xf32, #tpu.memory_space<vmem>> -> memref<25x128xf32, #tpu.memory_space<vmem>>
      %dma_wait3A_232 = arith.constant 0 : i32
      %dma_wait3A_233 = tpu.memref_slice %arg29[%add3A_42, %dma_wait3A_232] : memref<10000x128xf32, #tpu.memory_space<vmem_shared>> -> memref<25x128xf32, #tpu.memory_space<vmem_shared>>
      %dma_wait3A_234 = arith.constant 0 : i32
      %dma_wait3A_235 = tpu.memref_slice %arg29[%add3A_42, %dma_wait3A_234] : memref<10000x128xf32, #tpu.memory_space<vmem_shared>> -> memref<25x128xf32, #tpu.memory_space<vmem_shared>>
      %dma_wait3A_236 = arith.constant 0 : i32
      %dma_wait3A_237 = arith.constant 0 : i32
      %dma_wait3A_238 = tpu.memref_slice %arg26[%dma_wait3A_236, %dma_wait3A_237] : memref<112x128xf32, #tpu.memory_space<vmem>> -> memref<25x128xf32, #tpu.memory_space<vmem>>
      tpu.wait_dma2 semaphore(%run_scoped3A : memref<!tpu.dma_semaphore, #tpu.memory_space<semaphore_mem>>) src(%dma_wait3A_238 : memref<25x128xf32, #tpu.memory_space<vmem>>) dst(%dma_wait3A_235 : memref<25x128xf32, #tpu.memory_space<vmem_shared>>)
      tpu.yield
    }) : () -> ()
    %mul3A_43 = arith.constant 625 : i32
    %mul3A_44 = arith.muli %arg1, %mul3A_43 : i32
    %add3A_45 = arith.constant 225 : i32
    %add3A_46 = arith.addi %mul3A_44, %add3A_45 : i32
    "tpu.region"() ({
      %run_scoped3A = tpu.sem_alloc : memref<!tpu.dma_semaphore, #tpu.memory_space<semaphore_mem>>
      %dma_start3A_219 = arith.constant 0 : i32
      %dma_start3A_220 = arith.constant 0 : i32
      %dma_start3A_221 = tpu.memref_slice %arg26[%dma_start3A_219, %dma_start3A_220] : memref<112x128xf32, #tpu.memory_space<vmem>> -> memref<25x128xf32, #tpu.memory_space<vmem>>
      %dma_start3A_222 = arith.constant 0 : i32
      %dma_start3A_223 = tpu.memref_slice %arg29[%add3A_46, %dma_start3A_222] : memref<10000x128xf32, #tpu.memory_space<vmem_shared>> -> memref<25x128xf32, #tpu.memory_space<vmem_shared>>
      %dma_start3A_224 = arith.constant 0 : i32
      %dma_start3A_225 = tpu.memref_slice %arg29[%add3A_46, %dma_start3A_224] : memref<10000x128xf32, #tpu.memory_space<vmem_shared>> -> memref<25x128xf32, #tpu.memory_space<vmem_shared>>
      %dma_start3A_226 = arith.constant 0 : i32
      %dma_start3A_227 = arith.constant 0 : i32
      %dma_start3A_228 = tpu.memref_slice %arg26[%dma_start3A_226, %dma_start3A_227] : memref<112x128xf32, #tpu.memory_space<vmem>> -> memref<25x128xf32, #tpu.memory_space<vmem>>
      tpu.enqueue_dma source(%dma_start3A_228 : memref<25x128xf32, #tpu.memory_space<vmem>>) target(%dma_start3A_225 : memref<25x128xf32, #tpu.memory_space<vmem_shared>>) target_semaphore(%run_scoped3A : memref<!tpu.dma_semaphore, #tpu.memory_space<semaphore_mem>>)
      %dma_wait3A_229 = arith.constant 0 : i32
      %dma_wait3A_230 = arith.constant 0 : i32
      %dma_wait3A_231 = tpu.memref_slice %arg26[%dma_wait3A_229, %dma_wait3A_230] : memref<112x128xf32, #tpu.memory_space<vmem>> -> memref<25x128xf32, #tpu.memory_space<vmem>>
      %dma_wait3A_232 = arith.constant 0 : i32
      %dma_wait3A_233 = tpu.memref_slice %arg29[%add3A_46, %dma_wait3A_232] : memref<10000x128xf32, #tpu.memory_space<vmem_shared>> -> memref<25x128xf32, #tpu.memory_space<vmem_shared>>
      %dma_wait3A_234 = arith.constant 0 : i32
      %dma_wait3A_235 = tpu.memref_slice %arg29[%add3A_46, %dma_wait3A_234] : memref<10000x128xf32, #tpu.memory_space<vmem_shared>> -> memref<25x128xf32, #tpu.memory_space<vmem_shared>>
      %dma_wait3A_236 = arith.constant 0 : i32
      %dma_wait3A_237 = arith.constant 0 : i32
      %dma_wait3A_238 = tpu.memref_slice %arg26[%dma_wait3A_236, %dma_wait3A_237] : memref<112x128xf32, #tpu.memory_space<vmem>> -> memref<25x128xf32, #tpu.memory_space<vmem>>
      tpu.wait_dma2 semaphore(%run_scoped3A : memref<!tpu.dma_semaphore, #tpu.memory_space<semaphore_mem>>) src(%dma_wait3A_238 : memref<25x128xf32, #tpu.memory_space<vmem>>) dst(%dma_wait3A_235 : memref<25x128xf32, #tpu.memory_space<vmem_shared>>)
      tpu.yield
    }) : () -> ()
    %mul3A_47 = arith.constant 625 : i32
    %mul3A_48 = arith.muli %arg1, %mul3A_47 : i32
    %add3A_49 = arith.constant 250 : i32
    %add3A_50 = arith.addi %mul3A_48, %add3A_49 : i32
    "tpu.region"() ({
      %run_scoped3A = tpu.sem_alloc : memref<!tpu.dma_semaphore, #tpu.memory_space<semaphore_mem>>
      %dma_start3A_219 = arith.constant 0 : i32
      %dma_start3A_220 = arith.constant 0 : i32
      %dma_start3A_221 = tpu.memref_slice %arg26[%dma_start3A_219, %dma_start3A_220] : memref<112x128xf32, #tpu.memory_space<vmem>> -> memref<25x128xf32, #tpu.memory_space<vmem>>
      %dma_start3A_222 = arith.constant 0 : i32
      %dma_start3A_223 = tpu.memref_slice %arg29[%add3A_50, %dma_start3A_222] : memref<10000x128xf32, #tpu.memory_space<vmem_shared>> -> memref<25x128xf32, #tpu.memory_space<vmem_shared>>
      %dma_start3A_224 = arith.constant 0 : i32
      %dma_start3A_225 = tpu.memref_slice %arg29[%add3A_50, %dma_start3A_224] : memref<10000x128xf32, #tpu.memory_space<vmem_shared>> -> memref<25x128xf32, #tpu.memory_space<vmem_shared>>
      %dma_start3A_226 = arith.constant 0 : i32
      %dma_start3A_227 = arith.constant 0 : i32
      %dma_start3A_228 = tpu.memref_slice %arg26[%dma_start3A_226, %dma_start3A_227] : memref<112x128xf32, #tpu.memory_space<vmem>> -> memref<25x128xf32, #tpu.memory_space<vmem>>
      tpu.enqueue_dma source(%dma_start3A_228 : memref<25x128xf32, #tpu.memory_space<vmem>>) target(%dma_start3A_225 : memref<25x128xf32, #tpu.memory_space<vmem_shared>>) target_semaphore(%run_scoped3A : memref<!tpu.dma_semaphore, #tpu.memory_space<semaphore_mem>>)
      %dma_wait3A_229 = arith.constant 0 : i32
      %dma_wait3A_230 = arith.constant 0 : i32
      %dma_wait3A_231 = tpu.memref_slice %arg26[%dma_wait3A_229, %dma_wait3A_230] : memref<112x128xf32, #tpu.memory_space<vmem>> -> memref<25x128xf32, #tpu.memory_space<vmem>>
      %dma_wait3A_232 = arith.constant 0 : i32
      %dma_wait3A_233 = tpu.memref_slice %arg29[%add3A_50, %dma_wait3A_232] : memref<10000x128xf32, #tpu.memory_space<vmem_shared>> -> memref<25x128xf32, #tpu.memory_space<vmem_shared>>
      %dma_wait3A_234 = arith.constant 0 : i32
      %dma_wait3A_235 = tpu.memref_slice %arg29[%add3A_50, %dma_wait3A_234] : memref<10000x128xf32, #tpu.memory_space<vmem_shared>> -> memref<25x128xf32, #tpu.memory_space<vmem_shared>>
      %dma_wait3A_236 = arith.constant 0 : i32
      %dma_wait3A_237 = arith.constant 0 : i32
      %dma_wait3A_238 = tpu.memref_slice %arg26[%dma_wait3A_236, %dma_wait3A_237] : memref<112x128xf32, #tpu.memory_space<vmem>> -> memref<25x128xf32, #tpu.memory_space<vmem>>
      tpu.wait_dma2 semaphore(%run_scoped3A : memref<!tpu.dma_semaphore, #tpu.memory_space<semaphore_mem>>) src(%dma_wait3A_238 : memref<25x128xf32, #tpu.memory_space<vmem>>) dst(%dma_wait3A_235 : memref<25x128xf32, #tpu.memory_space<vmem_shared>>)
      tpu.yield
    }) : () -> ()
    %mul3A_51 = arith.constant 625 : i32
    %mul3A_52 = arith.muli %arg1, %mul3A_51 : i32
    %add3A_53 = arith.constant 275 : i32
    %add3A_54 = arith.addi %mul3A_52, %add3A_53 : i32
    "tpu.region"() ({
      %run_scoped3A = tpu.sem_alloc : memref<!tpu.dma_semaphore, #tpu.memory_space<semaphore_mem>>
      %dma_start3A_219 = arith.constant 0 : i32
      %dma_start3A_220 = arith.constant 0 : i32
      %dma_start3A_221 = tpu.memref_slice %arg26[%dma_start3A_219, %dma_start3A_220] : memref<112x128xf32, #tpu.memory_space<vmem>> -> memref<25x128xf32, #tpu.memory_space<vmem>>
      %dma_start3A_222 = arith.constant 0 : i32
      %dma_start3A_223 = tpu.memref_slice %arg29[%add3A_54, %dma_start3A_222] : memref<10000x128xf32, #tpu.memory_space<vmem_shared>> -> memref<25x128xf32, #tpu.memory_space<vmem_shared>>
      %dma_start3A_224 = arith.constant 0 : i32
      %dma_start3A_225 = tpu.memref_slice %arg29[%add3A_54, %dma_start3A_224] : memref<10000x128xf32, #tpu.memory_space<vmem_shared>> -> memref<25x128xf32, #tpu.memory_space<vmem_shared>>
      %dma_start3A_226 = arith.constant 0 : i32
      %dma_start3A_227 = arith.constant 0 : i32
      %dma_start3A_228 = tpu.memref_slice %arg26[%dma_start3A_226, %dma_start3A_227] : memref<112x128xf32, #tpu.memory_space<vmem>> -> memref<25x128xf32, #tpu.memory_space<vmem>>
      tpu.enqueue_dma source(%dma_start3A_228 : memref<25x128xf32, #tpu.memory_space<vmem>>) target(%dma_start3A_225 : memref<25x128xf32, #tpu.memory_space<vmem_shared>>) target_semaphore(%run_scoped3A : memref<!tpu.dma_semaphore, #tpu.memory_space<semaphore_mem>>)
      %dma_wait3A_229 = arith.constant 0 : i32
      %dma_wait3A_230 = arith.constant 0 : i32
      %dma_wait3A_231 = tpu.memref_slice %arg26[%dma_wait3A_229, %dma_wait3A_230] : memref<112x128xf32, #tpu.memory_space<vmem>> -> memref<25x128xf32, #tpu.memory_space<vmem>>
      %dma_wait3A_232 = arith.constant 0 : i32
      %dma_wait3A_233 = tpu.memref_slice %arg29[%add3A_54, %dma_wait3A_232] : memref<10000x128xf32, #tpu.memory_space<vmem_shared>> -> memref<25x128xf32, #tpu.memory_space<vmem_shared>>
      %dma_wait3A_234 = arith.constant 0 : i32
      %dma_wait3A_235 = tpu.memref_slice %arg29[%add3A_54, %dma_wait3A_234] : memref<10000x128xf32, #tpu.memory_space<vmem_shared>> -> memref<25x128xf32, #tpu.memory_space<vmem_shared>>
      %dma_wait3A_236 = arith.constant 0 : i32
      %dma_wait3A_237 = arith.constant 0 : i32
      %dma_wait3A_238 = tpu.memref_slice %arg26[%dma_wait3A_236, %dma_wait3A_237] : memref<112x128xf32, #tpu.memory_space<vmem>> -> memref<25x128xf32, #tpu.memory_space<vmem>>
      tpu.wait_dma2 semaphore(%run_scoped3A : memref<!tpu.dma_semaphore, #tpu.memory_space<semaphore_mem>>) src(%dma_wait3A_238 : memref<25x128xf32, #tpu.memory_space<vmem>>) dst(%dma_wait3A_235 : memref<25x128xf32, #tpu.memory_space<vmem_shared>>)
      tpu.yield
    }) : () -> ()
    %mul3A_55 = arith.constant 625 : i32
    %mul3A_56 = arith.muli %arg1, %mul3A_55 : i32
    %add3A_57 = arith.constant 300 : i32
    %add3A_58 = arith.addi %mul3A_56, %add3A_57 : i32
    "tpu.region"() ({
      %run_scoped3A = tpu.sem_alloc : memref<!tpu.dma_semaphore, #tpu.memory_space<semaphore_mem>>
      %dma_start3A_219 = arith.constant 0 : i32
      %dma_start3A_220 = arith.constant 0 : i32
      %dma_start3A_221 = tpu.memref_slice %arg26[%dma_start3A_219, %dma_start3A_220] : memref<112x128xf32, #tpu.memory_space<vmem>> -> memref<25x128xf32, #tpu.memory_space<vmem>>
      %dma_start3A_222 = arith.constant 0 : i32
      %dma_start3A_223 = tpu.memref_slice %arg29[%add3A_58, %dma_start3A_222] : memref<10000x128xf32, #tpu.memory_space<vmem_shared>> -> memref<25x128xf32, #tpu.memory_space<vmem_shared>>
      %dma_start3A_224 = arith.constant 0 : i32
      %dma_start3A_225 = tpu.memref_slice %arg29[%add3A_58, %dma_start3A_224] : memref<10000x128xf32, #tpu.memory_space<vmem_shared>> -> memref<25x128xf32, #tpu.memory_space<vmem_shared>>
      %dma_start3A_226 = arith.constant 0 : i32
      %dma_start3A_227 = arith.constant 0 : i32
      %dma_start3A_228 = tpu.memref_slice %arg26[%dma_start3A_226, %dma_start3A_227] : memref<112x128xf32, #tpu.memory_space<vmem>> -> memref<25x128xf32, #tpu.memory_space<vmem>>
      tpu.enqueue_dma source(%dma_start3A_228 : memref<25x128xf32, #tpu.memory_space<vmem>>) target(%dma_start3A_225 : memref<25x128xf32, #tpu.memory_space<vmem_shared>>) target_semaphore(%run_scoped3A : memref<!tpu.dma_semaphore, #tpu.memory_space<semaphore_mem>>)
      %dma_wait3A_229 = arith.constant 0 : i32
      %dma_wait3A_230 = arith.constant 0 : i32
      %dma_wait3A_231 = tpu.memref_slice %arg26[%dma_wait3A_229, %dma_wait3A_230] : memref<112x128xf32, #tpu.memory_space<vmem>> -> memref<25x128xf32, #tpu.memory_space<vmem>>
      %dma_wait3A_232 = arith.constant 0 : i32
      %dma_wait3A_233 = tpu.memref_slice %arg29[%add3A_58, %dma_wait3A_232] : memref<10000x128xf32, #tpu.memory_space<vmem_shared>> -> memref<25x128xf32, #tpu.memory_space<vmem_shared>>
      %dma_wait3A_234 = arith.constant 0 : i32
      %dma_wait3A_235 = tpu.memref_slice %arg29[%add3A_58, %dma_wait3A_234] : memref<10000x128xf32, #tpu.memory_space<vmem_shared>> -> memref<25x128xf32, #tpu.memory_space<vmem_shared>>
      %dma_wait3A_236 = arith.constant 0 : i32
      %dma_wait3A_237 = arith.constant 0 : i32
      %dma_wait3A_238 = tpu.memref_slice %arg26[%dma_wait3A_236, %dma_wait3A_237] : memref<112x128xf32, #tpu.memory_space<vmem>> -> memref<25x128xf32, #tpu.memory_space<vmem>>
      tpu.wait_dma2 semaphore(%run_scoped3A : memref<!tpu.dma_semaphore, #tpu.memory_space<semaphore_mem>>) src(%dma_wait3A_238 : memref<25x128xf32, #tpu.memory_space<vmem>>) dst(%dma_wait3A_235 : memref<25x128xf32, #tpu.memory_space<vmem_shared>>)
      tpu.yield
    }) : () -> ()
    %mul3A_59 = arith.constant 625 : i32
    %mul3A_60 = arith.muli %arg1, %mul3A_59 : i32
    %add3A_61 = arith.constant 325 : i32
    %add3A_62 = arith.addi %mul3A_60, %add3A_61 : i32
    "tpu.region"() ({
      %run_scoped3A = tpu.sem_alloc : memref<!tpu.dma_semaphore, #tpu.memory_space<semaphore_mem>>
      %dma_start3A_219 = arith.constant 0 : i32
      %dma_start3A_220 = arith.constant 0 : i32
      %dma_start3A_221 = tpu.memref_slice %arg26[%dma_start3A_219, %dma_start3A_220] : memref<112x128xf32, #tpu.memory_space<vmem>> -> memref<25x128xf32, #tpu.memory_space<vmem>>
      %dma_start3A_222 = arith.constant 0 : i32
      %dma_start3A_223 = tpu.memref_slice %arg29[%add3A_62, %dma_start3A_222] : memref<10000x128xf32, #tpu.memory_space<vmem_shared>> -> memref<25x128xf32, #tpu.memory_space<vmem_shared>>
      %dma_start3A_224 = arith.constant 0 : i32
      %dma_start3A_225 = tpu.memref_slice %arg29[%add3A_62, %dma_start3A_224] : memref<10000x128xf32, #tpu.memory_space<vmem_shared>> -> memref<25x128xf32, #tpu.memory_space<vmem_shared>>
      %dma_start3A_226 = arith.constant 0 : i32
      %dma_start3A_227 = arith.constant 0 : i32
      %dma_start3A_228 = tpu.memref_slice %arg26[%dma_start3A_226, %dma_start3A_227] : memref<112x128xf32, #tpu.memory_space<vmem>> -> memref<25x128xf32, #tpu.memory_space<vmem>>
      tpu.enqueue_dma source(%dma_start3A_228 : memref<25x128xf32, #tpu.memory_space<vmem>>) target(%dma_start3A_225 : memref<25x128xf32, #tpu.memory_space<vmem_shared>>) target_semaphore(%run_scoped3A : memref<!tpu.dma_semaphore, #tpu.memory_space<semaphore_mem>>)
      %dma_wait3A_229 = arith.constant 0 : i32
      %dma_wait3A_230 = arith.constant 0 : i32
      %dma_wait3A_231 = tpu.memref_slice %arg26[%dma_wait3A_229, %dma_wait3A_230] : memref<112x128xf32, #tpu.memory_space<vmem>> -> memref<25x128xf32, #tpu.memory_space<vmem>>
      %dma_wait3A_232 = arith.constant 0 : i32
      %dma_wait3A_233 = tpu.memref_slice %arg29[%add3A_62, %dma_wait3A_232] : memref<10000x128xf32, #tpu.memory_space<vmem_shared>> -> memref<25x128xf32, #tpu.memory_space<vmem_shared>>
      %dma_wait3A_234 = arith.constant 0 : i32
      %dma_wait3A_235 = tpu.memref_slice %arg29[%add3A_62, %dma_wait3A_234] : memref<10000x128xf32, #tpu.memory_space<vmem_shared>> -> memref<25x128xf32, #tpu.memory_space<vmem_shared>>
      %dma_wait3A_236 = arith.constant 0 : i32
      %dma_wait3A_237 = arith.constant 0 : i32
      %dma_wait3A_238 = tpu.memref_slice %arg26[%dma_wait3A_236, %dma_wait3A_237] : memref<112x128xf32, #tpu.memory_space<vmem>> -> memref<25x128xf32, #tpu.memory_space<vmem>>
      tpu.wait_dma2 semaphore(%run_scoped3A : memref<!tpu.dma_semaphore, #tpu.memory_space<semaphore_mem>>) src(%dma_wait3A_238 : memref<25x128xf32, #tpu.memory_space<vmem>>) dst(%dma_wait3A_235 : memref<25x128xf32, #tpu.memory_space<vmem_shared>>)
      tpu.yield
    }) : () -> ()
    %mul3A_63 = arith.constant 625 : i32
    %mul3A_64 = arith.muli %arg1, %mul3A_63 : i32
    %add3A_65 = arith.constant 350 : i32
    %add3A_66 = arith.addi %mul3A_64, %add3A_65 : i32
    "tpu.region"() ({
      %run_scoped3A = tpu.sem_alloc : memref<!tpu.dma_semaphore, #tpu.memory_space<semaphore_mem>>
      %dma_start3A_219 = arith.constant 0 : i32
      %dma_start3A_220 = arith.constant 0 : i32
      %dma_start3A_221 = tpu.memref_slice %arg26[%dma_start3A_219, %dma_start3A_220] : memref<112x128xf32, #tpu.memory_space<vmem>> -> memref<25x128xf32, #tpu.memory_space<vmem>>
      %dma_start3A_222 = arith.constant 0 : i32
      %dma_start3A_223 = tpu.memref_slice %arg29[%add3A_66, %dma_start3A_222] : memref<10000x128xf32, #tpu.memory_space<vmem_shared>> -> memref<25x128xf32, #tpu.memory_space<vmem_shared>>
      %dma_start3A_224 = arith.constant 0 : i32
      %dma_start3A_225 = tpu.memref_slice %arg29[%add3A_66, %dma_start3A_224] : memref<10000x128xf32, #tpu.memory_space<vmem_shared>> -> memref<25x128xf32, #tpu.memory_space<vmem_shared>>
      %dma_start3A_226 = arith.constant 0 : i32
      %dma_start3A_227 = arith.constant 0 : i32
      %dma_start3A_228 = tpu.memref_slice %arg26[%dma_start3A_226, %dma_start3A_227] : memref<112x128xf32, #tpu.memory_space<vmem>> -> memref<25x128xf32, #tpu.memory_space<vmem>>
      tpu.enqueue_dma source(%dma_start3A_228 : memref<25x128xf32, #tpu.memory_space<vmem>>) target(%dma_start3A_225 : memref<25x128xf32, #tpu.memory_space<vmem_shared>>) target_semaphore(%run_scoped3A : memref<!tpu.dma_semaphore, #tpu.memory_space<semaphore_mem>>)
      %dma_wait3A_229 = arith.constant 0 : i32
      %dma_wait3A_230 = arith.constant 0 : i32
      %dma_wait3A_231 = tpu.memref_slice %arg26[%dma_wait3A_229, %dma_wait3A_230] : memref<112x128xf32, #tpu.memory_space<vmem>> -> memref<25x128xf32, #tpu.memory_space<vmem>>
      %dma_wait3A_232 = arith.constant 0 : i32
      %dma_wait3A_233 = tpu.memref_slice %arg29[%add3A_66, %dma_wait3A_232] : memref<10000x128xf32, #tpu.memory_space<vmem_shared>> -> memref<25x128xf32, #tpu.memory_space<vmem_shared>>
      %dma_wait3A_234 = arith.constant 0 : i32
      %dma_wait3A_235 = tpu.memref_slice %arg29[%add3A_66, %dma_wait3A_234] : memref<10000x128xf32, #tpu.memory_space<vmem_shared>> -> memref<25x128xf32, #tpu.memory_space<vmem_shared>>
      %dma_wait3A_236 = arith.constant 0 : i32
      %dma_wait3A_237 = arith.constant 0 : i32
      %dma_wait3A_238 = tpu.memref_slice %arg26[%dma_wait3A_236, %dma_wait3A_237] : memref<112x128xf32, #tpu.memory_space<vmem>> -> memref<25x128xf32, #tpu.memory_space<vmem>>
      tpu.wait_dma2 semaphore(%run_scoped3A : memref<!tpu.dma_semaphore, #tpu.memory_space<semaphore_mem>>) src(%dma_wait3A_238 : memref<25x128xf32, #tpu.memory_space<vmem>>) dst(%dma_wait3A_235 : memref<25x128xf32, #tpu.memory_space<vmem_shared>>)
      tpu.yield
    }) : () -> ()
    %mul3A_67 = arith.constant 625 : i32
    %mul3A_68 = arith.muli %arg1, %mul3A_67 : i32
    %add3A_69 = arith.constant 375 : i32
    %add3A_70 = arith.addi %mul3A_68, %add3A_69 : i32
    "tpu.region"() ({
      %run_scoped3A = tpu.sem_alloc : memref<!tpu.dma_semaphore, #tpu.memory_space<semaphore_mem>>
      %dma_start3A_219 = arith.constant 0 : i32
      %dma_start3A_220 = arith.constant 0 : i32
      %dma_start3A_221 = tpu.memref_slice %arg26[%dma_start3A_219, %dma_start3A_220] : memref<112x128xf32, #tpu.memory_space<vmem>> -> memref<25x128xf32, #tpu.memory_space<vmem>>
      %dma_start3A_222 = arith.constant 0 : i32
      %dma_start3A_223 = tpu.memref_slice %arg29[%add3A_70, %dma_start3A_222] : memref<10000x128xf32, #tpu.memory_space<vmem_shared>> -> memref<25x128xf32, #tpu.memory_space<vmem_shared>>
      %dma_start3A_224 = arith.constant 0 : i32
      %dma_start3A_225 = tpu.memref_slice %arg29[%add3A_70, %dma_start3A_224] : memref<10000x128xf32, #tpu.memory_space<vmem_shared>> -> memref<25x128xf32, #tpu.memory_space<vmem_shared>>
      %dma_start3A_226 = arith.constant 0 : i32
      %dma_start3A_227 = arith.constant 0 : i32
      %dma_start3A_228 = tpu.memref_slice %arg26[%dma_start3A_226, %dma_start3A_227] : memref<112x128xf32, #tpu.memory_space<vmem>> -> memref<25x128xf32, #tpu.memory_space<vmem>>
      tpu.enqueue_dma source(%dma_start3A_228 : memref<25x128xf32, #tpu.memory_space<vmem>>) target(%dma_start3A_225 : memref<25x128xf32, #tpu.memory_space<vmem_shared>>) target_semaphore(%run_scoped3A : memref<!tpu.dma_semaphore, #tpu.memory_space<semaphore_mem>>)
      %dma_wait3A_229 = arith.constant 0 : i32
      %dma_wait3A_230 = arith.constant 0 : i32
      %dma_wait3A_231 = tpu.memref_slice %arg26[%dma_wait3A_229, %dma_wait3A_230] : memref<112x128xf32, #tpu.memory_space<vmem>> -> memref<25x128xf32, #tpu.memory_space<vmem>>
      %dma_wait3A_232 = arith.constant 0 : i32
      %dma_wait3A_233 = tpu.memref_slice %arg29[%add3A_70, %dma_wait3A_232] : memref<10000x128xf32, #tpu.memory_space<vmem_shared>> -> memref<25x128xf32, #tpu.memory_space<vmem_shared>>
      %dma_wait3A_234 = arith.constant 0 : i32
      %dma_wait3A_235 = tpu.memref_slice %arg29[%add3A_70, %dma_wait3A_234] : memref<10000x128xf32, #tpu.memory_space<vmem_shared>> -> memref<25x128xf32, #tpu.memory_space<vmem_shared>>
      %dma_wait3A_236 = arith.constant 0 : i32
      %dma_wait3A_237 = arith.constant 0 : i32
      %dma_wait3A_238 = tpu.memref_slice %arg26[%dma_wait3A_236, %dma_wait3A_237] : memref<112x128xf32, #tpu.memory_space<vmem>> -> memref<25x128xf32, #tpu.memory_space<vmem>>
      tpu.wait_dma2 semaphore(%run_scoped3A : memref<!tpu.dma_semaphore, #tpu.memory_space<semaphore_mem>>) src(%dma_wait3A_238 : memref<25x128xf32, #tpu.memory_space<vmem>>) dst(%dma_wait3A_235 : memref<25x128xf32, #tpu.memory_space<vmem_shared>>)
      tpu.yield
    }) : () -> ()
    %mul3A_71 = arith.constant 625 : i32
    %mul3A_72 = arith.muli %arg1, %mul3A_71 : i32
    %add3A_73 = arith.constant 400 : i32
    %add3A_74 = arith.addi %mul3A_72, %add3A_73 : i32
    "tpu.region"() ({
      %run_scoped3A = tpu.sem_alloc : memref<!tpu.dma_semaphore, #tpu.memory_space<semaphore_mem>>
      %dma_start3A_219 = arith.constant 0 : i32
      %dma_start3A_220 = arith.constant 0 : i32
      %dma_start3A_221 = tpu.memref_slice %arg26[%dma_start3A_219, %dma_start3A_220] : memref<112x128xf32, #tpu.memory_space<vmem>> -> memref<25x128xf32, #tpu.memory_space<vmem>>
      %dma_start3A_222 = arith.constant 0 : i32
      %dma_start3A_223 = tpu.memref_slice %arg29[%add3A_74, %dma_start3A_222] : memref<10000x128xf32, #tpu.memory_space<vmem_shared>> -> memref<25x128xf32, #tpu.memory_space<vmem_shared>>
      %dma_start3A_224 = arith.constant 0 : i32
      %dma_start3A_225 = tpu.memref_slice %arg29[%add3A_74, %dma_start3A_224] : memref<10000x128xf32, #tpu.memory_space<vmem_shared>> -> memref<25x128xf32, #tpu.memory_space<vmem_shared>>
      %dma_start3A_226 = arith.constant 0 : i32
      %dma_start3A_227 = arith.constant 0 : i32
      %dma_start3A_228 = tpu.memref_slice %arg26[%dma_start3A_226, %dma_start3A_227] : memref<112x128xf32, #tpu.memory_space<vmem>> -> memref<25x128xf32, #tpu.memory_space<vmem>>
      tpu.enqueue_dma source(%dma_start3A_228 : memref<25x128xf32, #tpu.memory_space<vmem>>) target(%dma_start3A_225 : memref<25x128xf32, #tpu.memory_space<vmem_shared>>) target_semaphore(%run_scoped3A : memref<!tpu.dma_semaphore, #tpu.memory_space<semaphore_mem>>)
      %dma_wait3A_229 = arith.constant 0 : i32
      %dma_wait3A_230 = arith.constant 0 : i32
      %dma_wait3A_231 = tpu.memref_slice %arg26[%dma_wait3A_229, %dma_wait3A_230] : memref<112x128xf32, #tpu.memory_space<vmem>> -> memref<25x128xf32, #tpu.memory_space<vmem>>
      %dma_wait3A_232 = arith.constant 0 : i32
      %dma_wait3A_233 = tpu.memref_slice %arg29[%add3A_74, %dma_wait3A_232] : memref<10000x128xf32, #tpu.memory_space<vmem_shared>> -> memref<25x128xf32, #tpu.memory_space<vmem_shared>>
      %dma_wait3A_234 = arith.constant 0 : i32
      %dma_wait3A_235 = tpu.memref_slice %arg29[%add3A_74, %dma_wait3A_234] : memref<10000x128xf32, #tpu.memory_space<vmem_shared>> -> memref<25x128xf32, #tpu.memory_space<vmem_shared>>
      %dma_wait3A_236 = arith.constant 0 : i32
      %dma_wait3A_237 = arith.constant 0 : i32
      %dma_wait3A_238 = tpu.memref_slice %arg26[%dma_wait3A_236, %dma_wait3A_237] : memref<112x128xf32, #tpu.memory_space<vmem>> -> memref<25x128xf32, #tpu.memory_space<vmem>>
      tpu.wait_dma2 semaphore(%run_scoped3A : memref<!tpu.dma_semaphore, #tpu.memory_space<semaphore_mem>>) src(%dma_wait3A_238 : memref<25x128xf32, #tpu.memory_space<vmem>>) dst(%dma_wait3A_235 : memref<25x128xf32, #tpu.memory_space<vmem_shared>>)
      tpu.yield
    }) : () -> ()
    %mul3A_75 = arith.constant 625 : i32
    %mul3A_76 = arith.muli %arg1, %mul3A_75 : i32
    %add3A_77 = arith.constant 425 : i32
    %add3A_78 = arith.addi %mul3A_76, %add3A_77 : i32
    "tpu.region"() ({
      %run_scoped3A = tpu.sem_alloc : memref<!tpu.dma_semaphore, #tpu.memory_space<semaphore_mem>>
      %dma_start3A_219 = arith.constant 0 : i32
      %dma_start3A_220 = arith.constant 0 : i32
      %dma_start3A_221 = tpu.memref_slice %arg26[%dma_start3A_219, %dma_start3A_220] : memref<112x128xf32, #tpu.memory_space<vmem>> -> memref<25x128xf32, #tpu.memory_space<vmem>>
      %dma_start3A_222 = arith.constant 0 : i32
      %dma_start3A_223 = tpu.memref_slice %arg29[%add3A_78, %dma_start3A_222] : memref<10000x128xf32, #tpu.memory_space<vmem_shared>> -> memref<25x128xf32, #tpu.memory_space<vmem_shared>>
      %dma_start3A_224 = arith.constant 0 : i32
      %dma_start3A_225 = tpu.memref_slice %arg29[%add3A_78, %dma_start3A_224] : memref<10000x128xf32, #tpu.memory_space<vmem_shared>> -> memref<25x128xf32, #tpu.memory_space<vmem_shared>>
      %dma_start3A_226 = arith.constant 0 : i32
      %dma_start3A_227 = arith.constant 0 : i32
      %dma_start3A_228 = tpu.memref_slice %arg26[%dma_start3A_226, %dma_start3A_227] : memref<112x128xf32, #tpu.memory_space<vmem>> -> memref<25x128xf32, #tpu.memory_space<vmem>>
      tpu.enqueue_dma source(%dma_start3A_228 : memref<25x128xf32, #tpu.memory_space<vmem>>) target(%dma_start3A_225 : memref<25x128xf32, #tpu.memory_space<vmem_shared>>) target_semaphore(%run_scoped3A : memref<!tpu.dma_semaphore, #tpu.memory_space<semaphore_mem>>)
      %dma_wait3A_229 = arith.constant 0 : i32
      %dma_wait3A_230 = arith.constant 0 : i32
      %dma_wait3A_231 = tpu.memref_slice %arg26[%dma_wait3A_229, %dma_wait3A_230] : memref<112x128xf32, #tpu.memory_space<vmem>> -> memref<25x128xf32, #tpu.memory_space<vmem>>
      %dma_wait3A_232 = arith.constant 0 : i32
      %dma_wait3A_233 = tpu.memref_slice %arg29[%add3A_78, %dma_wait3A_232] : memref<10000x128xf32, #tpu.memory_space<vmem_shared>> -> memref<25x128xf32, #tpu.memory_space<vmem_shared>>
      %dma_wait3A_234 = arith.constant 0 : i32
      %dma_wait3A_235 = tpu.memref_slice %arg29[%add3A_78, %dma_wait3A_234] : memref<10000x128xf32, #tpu.memory_space<vmem_shared>> -> memref<25x128xf32, #tpu.memory_space<vmem_shared>>
      %dma_wait3A_236 = arith.constant 0 : i32
      %dma_wait3A_237 = arith.constant 0 : i32
      %dma_wait3A_238 = tpu.memref_slice %arg26[%dma_wait3A_236, %dma_wait3A_237] : memref<112x128xf32, #tpu.memory_space<vmem>> -> memref<25x128xf32, #tpu.memory_space<vmem>>
      tpu.wait_dma2 semaphore(%run_scoped3A : memref<!tpu.dma_semaphore, #tpu.memory_space<semaphore_mem>>) src(%dma_wait3A_238 : memref<25x128xf32, #tpu.memory_space<vmem>>) dst(%dma_wait3A_235 : memref<25x128xf32, #tpu.memory_space<vmem_shared>>)
      tpu.yield
    }) : () -> ()
    %mul3A_79 = arith.constant 625 : i32
    %mul3A_80 = arith.muli %arg1, %mul3A_79 : i32
    %add3A_81 = arith.constant 450 : i32
    %add3A_82 = arith.addi %mul3A_80, %add3A_81 : i32
    "tpu.region"() ({
      %run_scoped3A = tpu.sem_alloc : memref<!tpu.dma_semaphore, #tpu.memory_space<semaphore_mem>>
      %dma_start3A_219 = arith.constant 0 : i32
      %dma_start3A_220 = arith.constant 0 : i32
      %dma_start3A_221 = tpu.memref_slice %arg26[%dma_start3A_219, %dma_start3A_220] : memref<112x128xf32, #tpu.memory_space<vmem>> -> memref<25x128xf32, #tpu.memory_space<vmem>>
      %dma_start3A_222 = arith.constant 0 : i32
      %dma_start3A_223 = tpu.memref_slice %arg29[%add3A_82, %dma_start3A_222] : memref<10000x128xf32, #tpu.memory_space<vmem_shared>> -> memref<25x128xf32, #tpu.memory_space<vmem_shared>>
      %dma_start3A_224 = arith.constant 0 : i32
      %dma_start3A_225 = tpu.memref_slice %arg29[%add3A_82, %dma_start3A_224] : memref<10000x128xf32, #tpu.memory_space<vmem_shared>> -> memref<25x128xf32, #tpu.memory_space<vmem_shared>>
      %dma_start3A_226 = arith.constant 0 : i32
      %dma_start3A_227 = arith.constant 0 : i32
      %dma_start3A_228 = tpu.memref_slice %arg26[%dma_start3A_226, %dma_start3A_227] : memref<112x128xf32, #tpu.memory_space<vmem>> -> memref<25x128xf32, #tpu.memory_space<vmem>>
      tpu.enqueue_dma source(%dma_start3A_228 : memref<25x128xf32, #tpu.memory_space<vmem>>) target(%dma_start3A_225 : memref<25x128xf32, #tpu.memory_space<vmem_shared>>) target_semaphore(%run_scoped3A : memref<!tpu.dma_semaphore, #tpu.memory_space<semaphore_mem>>)
      %dma_wait3A_229 = arith.constant 0 : i32
      %dma_wait3A_230 = arith.constant 0 : i32
      %dma_wait3A_231 = tpu.memref_slice %arg26[%dma_wait3A_229, %dma_wait3A_230] : memref<112x128xf32, #tpu.memory_space<vmem>> -> memref<25x128xf32, #tpu.memory_space<vmem>>
      %dma_wait3A_232 = arith.constant 0 : i32
      %dma_wait3A_233 = tpu.memref_slice %arg29[%add3A_82, %dma_wait3A_232] : memref<10000x128xf32, #tpu.memory_space<vmem_shared>> -> memref<25x128xf32, #tpu.memory_space<vmem_shared>>
      %dma_wait3A_234 = arith.constant 0 : i32
      %dma_wait3A_235 = tpu.memref_slice %arg29[%add3A_82, %dma_wait3A_234] : memref<10000x128xf32, #tpu.memory_space<vmem_shared>> -> memref<25x128xf32, #tpu.memory_space<vmem_shared>>
      %dma_wait3A_236 = arith.constant 0 : i32
      %dma_wait3A_237 = arith.constant 0 : i32
      %dma_wait3A_238 = tpu.memref_slice %arg26[%dma_wait3A_236, %dma_wait3A_237] : memref<112x128xf32, #tpu.memory_space<vmem>> -> memref<25x128xf32, #tpu.memory_space<vmem>>
      tpu.wait_dma2 semaphore(%run_scoped3A : memref<!tpu.dma_semaphore, #tpu.memory_space<semaphore_mem>>) src(%dma_wait3A_238 : memref<25x128xf32, #tpu.memory_space<vmem>>) dst(%dma_wait3A_235 : memref<25x128xf32, #tpu.memory_space<vmem_shared>>)
      tpu.yield
    }) : () -> ()
    %mul3A_83 = arith.constant 625 : i32
    %mul3A_84 = arith.muli %arg1, %mul3A_83 : i32
    %add3A_85 = arith.constant 475 : i32
    %add3A_86 = arith.addi %mul3A_84, %add3A_85 : i32
    "tpu.region"() ({
      %run_scoped3A = tpu.sem_alloc : memref<!tpu.dma_semaphore, #tpu.memory_space<semaphore_mem>>
      %dma_start3A_219 = arith.constant 0 : i32
      %dma_start3A_220 = arith.constant 0 : i32
      %dma_start3A_221 = tpu.memref_slice %arg26[%dma_start3A_219, %dma_start3A_220] : memref<112x128xf32, #tpu.memory_space<vmem>> -> memref<25x128xf32, #tpu.memory_space<vmem>>
      %dma_start3A_222 = arith.constant 0 : i32
      %dma_start3A_223 = tpu.memref_slice %arg29[%add3A_86, %dma_start3A_222] : memref<10000x128xf32, #tpu.memory_space<vmem_shared>> -> memref<25x128xf32, #tpu.memory_space<vmem_shared>>
      %dma_start3A_224 = arith.constant 0 : i32
      %dma_start3A_225 = tpu.memref_slice %arg29[%add3A_86, %dma_start3A_224] : memref<10000x128xf32, #tpu.memory_space<vmem_shared>> -> memref<25x128xf32, #tpu.memory_space<vmem_shared>>
      %dma_start3A_226 = arith.constant 0 : i32
      %dma_start3A_227 = arith.constant 0 : i32
      %dma_start3A_228 = tpu.memref_slice %arg26[%dma_start3A_226, %dma_start3A_227] : memref<112x128xf32, #tpu.memory_space<vmem>> -> memref<25x128xf32, #tpu.memory_space<vmem>>
      tpu.enqueue_dma source(%dma_start3A_228 : memref<25x128xf32, #tpu.memory_space<vmem>>) target(%dma_start3A_225 : memref<25x128xf32, #tpu.memory_space<vmem_shared>>) target_semaphore(%run_scoped3A : memref<!tpu.dma_semaphore, #tpu.memory_space<semaphore_mem>>)
      %dma_wait3A_229 = arith.constant 0 : i32
      %dma_wait3A_230 = arith.constant 0 : i32
      %dma_wait3A_231 = tpu.memref_slice %arg26[%dma_wait3A_229, %dma_wait3A_230] : memref<112x128xf32, #tpu.memory_space<vmem>> -> memref<25x128xf32, #tpu.memory_space<vmem>>
      %dma_wait3A_232 = arith.constant 0 : i32
      %dma_wait3A_233 = tpu.memref_slice %arg29[%add3A_86, %dma_wait3A_232] : memref<10000x128xf32, #tpu.memory_space<vmem_shared>> -> memref<25x128xf32, #tpu.memory_space<vmem_shared>>
      %dma_wait3A_234 = arith.constant 0 : i32
      %dma_wait3A_235 = tpu.memref_slice %arg29[%add3A_86, %dma_wait3A_234] : memref<10000x128xf32, #tpu.memory_space<vmem_shared>> -> memref<25x128xf32, #tpu.memory_space<vmem_shared>>
      %dma_wait3A_236 = arith.constant 0 : i32
      %dma_wait3A_237 = arith.constant 0 : i32
      %dma_wait3A_238 = tpu.memref_slice %arg26[%dma_wait3A_236, %dma_wait3A_237] : memref<112x128xf32, #tpu.memory_space<vmem>> -> memref<25x128xf32, #tpu.memory_space<vmem>>
      tpu.wait_dma2 semaphore(%run_scoped3A : memref<!tpu.dma_semaphore, #tpu.memory_space<semaphore_mem>>) src(%dma_wait3A_238 : memref<25x128xf32, #tpu.memory_space<vmem>>) dst(%dma_wait3A_235 : memref<25x128xf32, #tpu.memory_space<vmem_shared>>)
      tpu.yield
    }) : () -> ()
    %mul3A_87 = arith.constant 625 : i32
    %mul3A_88 = arith.muli %arg1, %mul3A_87 : i32
    %add3A_89 = arith.constant 500 : i32
    %add3A_90 = arith.addi %mul3A_88, %add3A_89 : i32
    "tpu.region"() ({
      %run_scoped3A = tpu.sem_alloc : memref<!tpu.dma_semaphore, #tpu.memory_space<semaphore_mem>>
      %dma_start3A_219 = arith.constant 0 : i32
      %dma_start3A_220 = arith.constant 0 : i32
      %dma_start3A_221 = tpu.memref_slice %arg26[%dma_start3A_219, %dma_start3A_220] : memref<112x128xf32, #tpu.memory_space<vmem>> -> memref<25x128xf32, #tpu.memory_space<vmem>>
      %dma_start3A_222 = arith.constant 0 : i32
      %dma_start3A_223 = tpu.memref_slice %arg29[%add3A_90, %dma_start3A_222] : memref<10000x128xf32, #tpu.memory_space<vmem_shared>> -> memref<25x128xf32, #tpu.memory_space<vmem_shared>>
      %dma_start3A_224 = arith.constant 0 : i32
      %dma_start3A_225 = tpu.memref_slice %arg29[%add3A_90, %dma_start3A_224] : memref<10000x128xf32, #tpu.memory_space<vmem_shared>> -> memref<25x128xf32, #tpu.memory_space<vmem_shared>>
      %dma_start3A_226 = arith.constant 0 : i32
      %dma_start3A_227 = arith.constant 0 : i32
      %dma_start3A_228 = tpu.memref_slice %arg26[%dma_start3A_226, %dma_start3A_227] : memref<112x128xf32, #tpu.memory_space<vmem>> -> memref<25x128xf32, #tpu.memory_space<vmem>>
      tpu.enqueue_dma source(%dma_start3A_228 : memref<25x128xf32, #tpu.memory_space<vmem>>) target(%dma_start3A_225 : memref<25x128xf32, #tpu.memory_space<vmem_shared>>) target_semaphore(%run_scoped3A : memref<!tpu.dma_semaphore, #tpu.memory_space<semaphore_mem>>)
      %dma_wait3A_229 = arith.constant 0 : i32
      %dma_wait3A_230 = arith.constant 0 : i32
      %dma_wait3A_231 = tpu.memref_slice %arg26[%dma_wait3A_229, %dma_wait3A_230] : memref<112x128xf32, #tpu.memory_space<vmem>> -> memref<25x128xf32, #tpu.memory_space<vmem>>
      %dma_wait3A_232 = arith.constant 0 : i32
      %dma_wait3A_233 = tpu.memref_slice %arg29[%add3A_90, %dma_wait3A_232] : memref<10000x128xf32, #tpu.memory_space<vmem_shared>> -> memref<25x128xf32, #tpu.memory_space<vmem_shared>>
      %dma_wait3A_234 = arith.constant 0 : i32
      %dma_wait3A_235 = tpu.memref_slice %arg29[%add3A_90, %dma_wait3A_234] : memref<10000x128xf32, #tpu.memory_space<vmem_shared>> -> memref<25x128xf32, #tpu.memory_space<vmem_shared>>
      %dma_wait3A_236 = arith.constant 0 : i32
      %dma_wait3A_237 = arith.constant 0 : i32
      %dma_wait3A_238 = tpu.memref_slice %arg26[%dma_wait3A_236, %dma_wait3A_237] : memref<112x128xf32, #tpu.memory_space<vmem>> -> memref<25x128xf32, #tpu.memory_space<vmem>>
      tpu.wait_dma2 semaphore(%run_scoped3A : memref<!tpu.dma_semaphore, #tpu.memory_space<semaphore_mem>>) src(%dma_wait3A_238 : memref<25x128xf32, #tpu.memory_space<vmem>>) dst(%dma_wait3A_235 : memref<25x128xf32, #tpu.memory_space<vmem_shared>>)
      tpu.yield
    }) : () -> ()
    %mul3A_91 = arith.constant 625 : i32
    %mul3A_92 = arith.muli %arg1, %mul3A_91 : i32
    %add3A_93 = arith.constant 525 : i32
    %add3A_94 = arith.addi %mul3A_92, %add3A_93 : i32
    "tpu.region"() ({
      %run_scoped3A = tpu.sem_alloc : memref<!tpu.dma_semaphore, #tpu.memory_space<semaphore_mem>>
      %dma_start3A_219 = arith.constant 0 : i32
      %dma_start3A_220 = arith.constant 0 : i32
      %dma_start3A_221 = tpu.memref_slice %arg26[%dma_start3A_219, %dma_start3A_220] : memref<112x128xf32, #tpu.memory_space<vmem>> -> memref<25x128xf32, #tpu.memory_space<vmem>>
      %dma_start3A_222 = arith.constant 0 : i32
      %dma_start3A_223 = tpu.memref_slice %arg29[%add3A_94, %dma_start3A_222] : memref<10000x128xf32, #tpu.memory_space<vmem_shared>> -> memref<25x128xf32, #tpu.memory_space<vmem_shared>>
      %dma_start3A_224 = arith.constant 0 : i32
      %dma_start3A_225 = tpu.memref_slice %arg29[%add3A_94, %dma_start3A_224] : memref<10000x128xf32, #tpu.memory_space<vmem_shared>> -> memref<25x128xf32, #tpu.memory_space<vmem_shared>>
      %dma_start3A_226 = arith.constant 0 : i32
      %dma_start3A_227 = arith.constant 0 : i32
      %dma_start3A_228 = tpu.memref_slice %arg26[%dma_start3A_226, %dma_start3A_227] : memref<112x128xf32, #tpu.memory_space<vmem>> -> memref<25x128xf32, #tpu.memory_space<vmem>>
      tpu.enqueue_dma source(%dma_start3A_228 : memref<25x128xf32, #tpu.memory_space<vmem>>) target(%dma_start3A_225 : memref<25x128xf32, #tpu.memory_space<vmem_shared>>) target_semaphore(%run_scoped3A : memref<!tpu.dma_semaphore, #tpu.memory_space<semaphore_mem>>)
      %dma_wait3A_229 = arith.constant 0 : i32
      %dma_wait3A_230 = arith.constant 0 : i32
      %dma_wait3A_231 = tpu.memref_slice %arg26[%dma_wait3A_229, %dma_wait3A_230] : memref<112x128xf32, #tpu.memory_space<vmem>> -> memref<25x128xf32, #tpu.memory_space<vmem>>
      %dma_wait3A_232 = arith.constant 0 : i32
      %dma_wait3A_233 = tpu.memref_slice %arg29[%add3A_94, %dma_wait3A_232] : memref<10000x128xf32, #tpu.memory_space<vmem_shared>> -> memref<25x128xf32, #tpu.memory_space<vmem_shared>>
      %dma_wait3A_234 = arith.constant 0 : i32
      %dma_wait3A_235 = tpu.memref_slice %arg29[%add3A_94, %dma_wait3A_234] : memref<10000x128xf32, #tpu.memory_space<vmem_shared>> -> memref<25x128xf32, #tpu.memory_space<vmem_shared>>
      %dma_wait3A_236 = arith.constant 0 : i32
      %dma_wait3A_237 = arith.constant 0 : i32
      %dma_wait3A_238 = tpu.memref_slice %arg26[%dma_wait3A_236, %dma_wait3A_237] : memref<112x128xf32, #tpu.memory_space<vmem>> -> memref<25x128xf32, #tpu.memory_space<vmem>>
      tpu.wait_dma2 semaphore(%run_scoped3A : memref<!tpu.dma_semaphore, #tpu.memory_space<semaphore_mem>>) src(%dma_wait3A_238 : memref<25x128xf32, #tpu.memory_space<vmem>>) dst(%dma_wait3A_235 : memref<25x128xf32, #tpu.memory_space<vmem_shared>>)
      tpu.yield
    }) : () -> ()
    %mul3A_95 = arith.constant 625 : i32
    %mul3A_96 = arith.muli %arg1, %mul3A_95 : i32
    %add3A_97 = arith.constant 550 : i32
    %add3A_98 = arith.addi %mul3A_96, %add3A_97 : i32
    "tpu.region"() ({
      %run_scoped3A = tpu.sem_alloc : memref<!tpu.dma_semaphore, #tpu.memory_space<semaphore_mem>>
      %dma_start3A_219 = arith.constant 0 : i32
      %dma_start3A_220 = arith.constant 0 : i32
      %dma_start3A_221 = tpu.memref_slice %arg26[%dma_start3A_219, %dma_start3A_220] : memref<112x128xf32, #tpu.memory_space<vmem>> -> memref<25x128xf32, #tpu.memory_space<vmem>>
      %dma_start3A_222 = arith.constant 0 : i32
      %dma_start3A_223 = tpu.memref_slice %arg29[%add3A_98, %dma_start3A_222] : memref<10000x128xf32, #tpu.memory_space<vmem_shared>> -> memref<25x128xf32, #tpu.memory_space<vmem_shared>>
      %dma_start3A_224 = arith.constant 0 : i32
      %dma_start3A_225 = tpu.memref_slice %arg29[%add3A_98, %dma_start3A_224] : memref<10000x128xf32, #tpu.memory_space<vmem_shared>> -> memref<25x128xf32, #tpu.memory_space<vmem_shared>>
      %dma_start3A_226 = arith.constant 0 : i32
      %dma_start3A_227 = arith.constant 0 : i32
      %dma_start3A_228 = tpu.memref_slice %arg26[%dma_start3A_226, %dma_start3A_227] : memref<112x128xf32, #tpu.memory_space<vmem>> -> memref<25x128xf32, #tpu.memory_space<vmem>>
      tpu.enqueue_dma source(%dma_start3A_228 : memref<25x128xf32, #tpu.memory_space<vmem>>) target(%dma_start3A_225 : memref<25x128xf32, #tpu.memory_space<vmem_shared>>) target_semaphore(%run_scoped3A : memref<!tpu.dma_semaphore, #tpu.memory_space<semaphore_mem>>)
      %dma_wait3A_229 = arith.constant 0 : i32
      %dma_wait3A_230 = arith.constant 0 : i32
      %dma_wait3A_231 = tpu.memref_slice %arg26[%dma_wait3A_229, %dma_wait3A_230] : memref<112x128xf32, #tpu.memory_space<vmem>> -> memref<25x128xf32, #tpu.memory_space<vmem>>
      %dma_wait3A_232 = arith.constant 0 : i32
      %dma_wait3A_233 = tpu.memref_slice %arg29[%add3A_98, %dma_wait3A_232] : memref<10000x128xf32, #tpu.memory_space<vmem_shared>> -> memref<25x128xf32, #tpu.memory_space<vmem_shared>>
      %dma_wait3A_234 = arith.constant 0 : i32
      %dma_wait3A_235 = tpu.memref_slice %arg29[%add3A_98, %dma_wait3A_234] : memref<10000x128xf32, #tpu.memory_space<vmem_shared>> -> memref<25x128xf32, #tpu.memory_space<vmem_shared>>
      %dma_wait3A_236 = arith.constant 0 : i32
      %dma_wait3A_237 = arith.constant 0 : i32
      %dma_wait3A_238 = tpu.memref_slice %arg26[%dma_wait3A_236, %dma_wait3A_237] : memref<112x128xf32, #tpu.memory_space<vmem>> -> memref<25x128xf32, #tpu.memory_space<vmem>>
      tpu.wait_dma2 semaphore(%run_scoped3A : memref<!tpu.dma_semaphore, #tpu.memory_space<semaphore_mem>>) src(%dma_wait3A_238 : memref<25x128xf32, #tpu.memory_space<vmem>>) dst(%dma_wait3A_235 : memref<25x128xf32, #tpu.memory_space<vmem_shared>>)
      tpu.yield
    }) : () -> ()
    %mul3A_99 = arith.constant 625 : i32
    %mul3A_100 = arith.muli %arg1, %mul3A_99 : i32
    %add3A_101 = arith.constant 575 : i32
    %add3A_102 = arith.addi %mul3A_100, %add3A_101 : i32
    "tpu.region"() ({
      %run_scoped3A = tpu.sem_alloc : memref<!tpu.dma_semaphore, #tpu.memory_space<semaphore_mem>>
      %dma_start3A_219 = arith.constant 0 : i32
      %dma_start3A_220 = arith.constant 0 : i32
      %dma_start3A_221 = tpu.memref_slice %arg26[%dma_start3A_219, %dma_start3A_220] : memref<112x128xf32, #tpu.memory_space<vmem>> -> memref<25x128xf32, #tpu.memory_space<vmem>>
      %dma_start3A_222 = arith.constant 0 : i32
      %dma_start3A_223 = tpu.memref_slice %arg29[%add3A_102, %dma_start3A_222] : memref<10000x128xf32, #tpu.memory_space<vmem_shared>> -> memref<25x128xf32, #tpu.memory_space<vmem_shared>>
      %dma_start3A_224 = arith.constant 0 : i32
      %dma_start3A_225 = tpu.memref_slice %arg29[%add3A_102, %dma_start3A_224] : memref<10000x128xf32, #tpu.memory_space<vmem_shared>> -> memref<25x128xf32, #tpu.memory_space<vmem_shared>>
      %dma_start3A_226 = arith.constant 0 : i32
      %dma_start3A_227 = arith.constant 0 : i32
      %dma_start3A_228 = tpu.memref_slice %arg26[%dma_start3A_226, %dma_start3A_227] : memref<112x128xf32, #tpu.memory_space<vmem>> -> memref<25x128xf32, #tpu.memory_space<vmem>>
      tpu.enqueue_dma source(%dma_start3A_228 : memref<25x128xf32, #tpu.memory_space<vmem>>) target(%dma_start3A_225 : memref<25x128xf32, #tpu.memory_space<vmem_shared>>) target_semaphore(%run_scoped3A : memref<!tpu.dma_semaphore, #tpu.memory_space<semaphore_mem>>)
      %dma_wait3A_229 = arith.constant 0 : i32
      %dma_wait3A_230 = arith.constant 0 : i32
      %dma_wait3A_231 = tpu.memref_slice %arg26[%dma_wait3A_229, %dma_wait3A_230] : memref<112x128xf32, #tpu.memory_space<vmem>> -> memref<25x128xf32, #tpu.memory_space<vmem>>
      %dma_wait3A_232 = arith.constant 0 : i32
      %dma_wait3A_233 = tpu.memref_slice %arg29[%add3A_102, %dma_wait3A_232] : memref<10000x128xf32, #tpu.memory_space<vmem_shared>> -> memref<25x128xf32, #tpu.memory_space<vmem_shared>>
      %dma_wait3A_234 = arith.constant 0 : i32
      %dma_wait3A_235 = tpu.memref_slice %arg29[%add3A_102, %dma_wait3A_234] : memref<10000x128xf32, #tpu.memory_space<vmem_shared>> -> memref<25x128xf32, #tpu.memory_space<vmem_shared>>
      %dma_wait3A_236 = arith.constant 0 : i32
      %dma_wait3A_237 = arith.constant 0 : i32
      %dma_wait3A_238 = tpu.memref_slice %arg26[%dma_wait3A_236, %dma_wait3A_237] : memref<112x128xf32, #tpu.memory_space<vmem>> -> memref<25x128xf32, #tpu.memory_space<vmem>>
      tpu.wait_dma2 semaphore(%run_scoped3A : memref<!tpu.dma_semaphore, #tpu.memory_space<semaphore_mem>>) src(%dma_wait3A_238 : memref<25x128xf32, #tpu.memory_space<vmem>>) dst(%dma_wait3A_235 : memref<25x128xf32, #tpu.memory_space<vmem_shared>>)
      tpu.yield
    }) : () -> ()
    %mul3A_103 = arith.constant 625 : i32
    %mul3A_104 = arith.muli %arg1, %mul3A_103 : i32
    %add3A_105 = arith.constant 600 : i32
    %add3A_106 = arith.addi %mul3A_104, %add3A_105 : i32
    "tpu.region"() ({
      %run_scoped3A = tpu.sem_alloc : memref<!tpu.dma_semaphore, #tpu.memory_space<semaphore_mem>>
      %dma_start3A_219 = arith.constant 0 : i32
      %dma_start3A_220 = arith.constant 0 : i32
      %dma_start3A_221 = tpu.memref_slice %arg26[%dma_start3A_219, %dma_start3A_220] : memref<112x128xf32, #tpu.memory_space<vmem>> -> memref<25x128xf32, #tpu.memory_space<vmem>>
      %dma_start3A_222 = arith.constant 0 : i32
      %dma_start3A_223 = tpu.memref_slice %arg29[%add3A_106, %dma_start3A_222] : memref<10000x128xf32, #tpu.memory_space<vmem_shared>> -> memref<25x128xf32, #tpu.memory_space<vmem_shared>>
      %dma_start3A_224 = arith.constant 0 : i32
      %dma_start3A_225 = tpu.memref_slice %arg29[%add3A_106, %dma_start3A_224] : memref<10000x128xf32, #tpu.memory_space<vmem_shared>> -> memref<25x128xf32, #tpu.memory_space<vmem_shared>>
      %dma_start3A_226 = arith.constant 0 : i32
      %dma_start3A_227 = arith.constant 0 : i32
      %dma_start3A_228 = tpu.memref_slice %arg26[%dma_start3A_226, %dma_start3A_227] : memref<112x128xf32, #tpu.memory_space<vmem>> -> memref<25x128xf32, #tpu.memory_space<vmem>>
      tpu.enqueue_dma source(%dma_start3A_228 : memref<25x128xf32, #tpu.memory_space<vmem>>) target(%dma_start3A_225 : memref<25x128xf32, #tpu.memory_space<vmem_shared>>) target_semaphore(%run_scoped3A : memref<!tpu.dma_semaphore, #tpu.memory_space<semaphore_mem>>)
      %dma_wait3A_229 = arith.constant 0 : i32
      %dma_wait3A_230 = arith.constant 0 : i32
      %dma_wait3A_231 = tpu.memref_slice %arg26[%dma_wait3A_229, %dma_wait3A_230] : memref<112x128xf32, #tpu.memory_space<vmem>> -> memref<25x128xf32, #tpu.memory_space<vmem>>
      %dma_wait3A_232 = arith.constant 0 : i32
      %dma_wait3A_233 = tpu.memref_slice %arg29[%add3A_106, %dma_wait3A_232] : memref<10000x128xf32, #tpu.memory_space<vmem_shared>> -> memref<25x128xf32, #tpu.memory_space<vmem_shared>>
      %dma_wait3A_234 = arith.constant 0 : i32
      %dma_wait3A_235 = tpu.memref_slice %arg29[%add3A_106, %dma_wait3A_234] : memref<10000x128xf32, #tpu.memory_space<vmem_shared>> -> memref<25x128xf32, #tpu.memory_space<vmem_shared>>
      %dma_wait3A_236 = arith.constant 0 : i32
      %dma_wait3A_237 = arith.constant 0 : i32
      %dma_wait3A_238 = tpu.memref_slice %arg26[%dma_wait3A_236, %dma_wait3A_237] : memref<112x128xf32, #tpu.memory_space<vmem>> -> memref<25x128xf32, #tpu.memory_space<vmem>>
      tpu.wait_dma2 semaphore(%run_scoped3A : memref<!tpu.dma_semaphore, #tpu.memory_space<semaphore_mem>>) src(%dma_wait3A_238 : memref<25x128xf32, #tpu.memory_space<vmem>>) dst(%dma_wait3A_235 : memref<25x128xf32, #tpu.memory_space<vmem_shared>>)
      tpu.yield
    }) : () -> ()
    %barrier3A = arith.constant 0 : index
    tpu.barrier barrier_id(%barrier3A)
    %dma_start3A = arith.constant 0 : i32
    %dma_start3A_107 = arith.constant 0 : i32
    %dma_start3A_108 = tpu.memref_slice %arg3[%add3A, %dma_start3A, %dma_start3A_107] : memref<32x90x112xi32, #tpu.memory_space<hbm>> -> memref<1x1x112xi32, #tpu.memory_space<hbm>>
    %dma_start3A_109 = tpu.memref_squeeze %dma_start3A_108 : memref<1x1x112xi32, #tpu.memory_space<hbm>> -> memref<112xi32, #tpu.memory_space<hbm>>
    %dma_start3A_110 = arith.constant 0 : i32
    %dma_start3A_111 = tpu.memref_slice %arg3[%add3A, %dma_start3A, %dma_start3A_110] : memref<32x90x112xi32, #tpu.memory_space<hbm>> -> memref<1x1x112xi32, #tpu.memory_space<hbm>>
    %dma_start3A_112 = tpu.memref_squeeze %dma_start3A_111 : memref<1x1x112xi32, #tpu.memory_space<hbm>> -> memref<112xi32, #tpu.memory_space<hbm>>
    tpu.enqueue_dma source(%dma_start3A_112 : memref<112xi32, #tpu.memory_space<hbm>>) target(%arg8 : memref<112xi32, #tpu.memory_space<vmem>>) target_semaphore(%arg30 : memref<!tpu.dma_semaphore, #tpu.memory_space<semaphore_mem>>)
    %dma_start3A_113 = arith.constant 0 : i32
    %dma_start3A_114 = arith.constant 0 : i32
    %dma_start3A_115 = tpu.memref_slice %arg2[%add3A, %dma_start3A_113, %dma_start3A_114] : memref<32x90x112xi32, #tpu.memory_space<hbm>> -> memref<1x1x112xi32, #tpu.memory_space<hbm>>
    %dma_start3A_116 = tpu.memref_squeeze %dma_start3A_115 : memref<1x1x112xi32, #tpu.memory_space<hbm>> -> memref<112xi32, #tpu.memory_space<hbm>>
    %dma_start3A_117 = arith.constant 0 : i32
    %dma_start3A_118 = tpu.memref_slice %arg2[%add3A, %dma_start3A_113, %dma_start3A_117] : memref<32x90x112xi32, #tpu.memory_space<hbm>> -> memref<1x1x112xi32, #tpu.memory_space<hbm>>
    %dma_start3A_119 = tpu.memref_squeeze %dma_start3A_118 : memref<1x1x112xi32, #tpu.memory_space<hbm>> -> memref<112xi32, #tpu.memory_space<hbm>>
    tpu.enqueue_dma source(%dma_start3A_119 : memref<112xi32, #tpu.memory_space<hbm>>) target(%arg12 : memref<112xi32, #tpu.memory_space<vmem>>) target_semaphore(%arg30 : memref<!tpu.dma_semaphore, #tpu.memory_space<semaphore_mem>>)
    %dma_start3A_120 = arith.constant 0 : i32
    %dma_start3A_121 = arith.constant 0 : i32
    %dma_start3A_122 = tpu.memref_slice %arg4[%add3A, %dma_start3A_120, %dma_start3A_121] : memref<32x90x112xi32, #tpu.memory_space<hbm>> -> memref<1x1x112xi32, #tpu.memory_space<hbm>>
    %dma_start3A_123 = tpu.memref_squeeze %dma_start3A_122 : memref<1x1x112xi32, #tpu.memory_space<hbm>> -> memref<112xi32, #tpu.memory_space<hbm>>
    %dma_start3A_124 = arith.constant 0 : i32
    %dma_start3A_125 = tpu.memref_slice %arg4[%add3A, %dma_start3A_120, %dma_start3A_124] : memref<32x90x112xi32, #tpu.memory_space<hbm>> -> memref<1x1x112xi32, #tpu.memory_space<hbm>>
    %dma_start3A_126 = tpu.memref_squeeze %dma_start3A_125 : memref<1x1x112xi32, #tpu.memory_space<hbm>> -> memref<112xi32, #tpu.memory_space<hbm>>
    tpu.enqueue_dma source(%dma_start3A_126 : memref<112xi32, #tpu.memory_space<hbm>>) target(%arg16 : memref<112xi32, #tpu.memory_space<vmem>>) target_semaphore(%arg30 : memref<!tpu.dma_semaphore, #tpu.memory_space<semaphore_mem>>)
    %dma_start3A_127 = arith.constant 0 : i32
    %dma_start3A_128 = arith.constant 0 : i32
    %dma_start3A_129 = tpu.memref_slice %arg2[%add3A, %dma_start3A_127, %dma_start3A_128] : memref<32x90x112xi32, #tpu.memory_space<hbm>> -> memref<1x1x112xi32, #tpu.memory_space<hbm>>
    %dma_start3A_130 = tpu.memref_squeeze %dma_start3A_129 : memref<1x1x112xi32, #tpu.memory_space<hbm>> -> memref<112xi32, #tpu.memory_space<hbm>>
    %dma_start3A_131 = arith.constant 0 : i32
    %dma_start3A_132 = tpu.memref_slice %arg2[%add3A, %dma_start3A_127, %dma_start3A_131] : memref<32x90x112xi32, #tpu.memory_space<hbm>> -> memref<1x1x112xi32, #tpu.memory_space<hbm>>
    %dma_start3A_133 = tpu.memref_squeeze %dma_start3A_132 : memref<1x1x112xi32, #tpu.memory_space<hbm>> -> memref<112xi32, #tpu.memory_space<hbm>>
    tpu.enqueue_dma source(%dma_start3A_133 : memref<112xi32, #tpu.memory_space<hbm>>) target(%arg9 : memref<112xi32, #tpu.memory_space<vmem>>) target_semaphore(%arg31 : memref<!tpu.dma_semaphore, #tpu.memory_space<semaphore_mem>>)
    %dma_start3A_134 = arith.constant 0 : i32
    %dma_start3A_135 = arith.constant 0 : i32
    %dma_start3A_136 = tpu.memref_slice %arg3[%add3A, %dma_start3A_134, %dma_start3A_135] : memref<32x90x112xi32, #tpu.memory_space<hbm>> -> memref<1x1x112xi32, #tpu.memory_space<hbm>>
    %dma_start3A_137 = tpu.memref_squeeze %dma_start3A_136 : memref<1x1x112xi32, #tpu.memory_space<hbm>> -> memref<112xi32, #tpu.memory_space<hbm>>
    %dma_start3A_138 = arith.constant 0 : i32
    %dma_start3A_139 = tpu.memref_slice %arg3[%add3A, %dma_start3A_134, %dma_start3A_138] : memref<32x90x112xi32, #tpu.memory_space<hbm>> -> memref<1x1x112xi32, #tpu.memory_space<hbm>>
    %dma_start3A_140 = tpu.memref_squeeze %dma_start3A_139 : memref<1x1x112xi32, #tpu.memory_space<hbm>> -> memref<112xi32, #tpu.memory_space<hbm>>
    tpu.enqueue_dma source(%dma_start3A_140 : memref<112xi32, #tpu.memory_space<hbm>>) target(%arg13 : memref<112xi32, #tpu.memory_space<vmem>>) target_semaphore(%arg31 : memref<!tpu.dma_semaphore, #tpu.memory_space<semaphore_mem>>)
    %dma_start3A_141 = arith.constant 0 : i32
    %dma_start3A_142 = arith.constant 0 : i32
    %dma_start3A_143 = tpu.memref_slice %arg4[%add3A, %dma_start3A_141, %dma_start3A_142] : memref<32x90x112xi32, #tpu.memory_space<hbm>> -> memref<1x1x112xi32, #tpu.memory_space<hbm>>
    %dma_start3A_144 = tpu.memref_squeeze %dma_start3A_143 : memref<1x1x112xi32, #tpu.memory_space<hbm>> -> memref<112xi32, #tpu.memory_space<hbm>>
    %dma_start3A_145 = arith.constant 0 : i32
    %dma_start3A_146 = tpu.memref_slice %arg4[%add3A, %dma_start3A_141, %dma_start3A_145] : memref<32x90x112xi32, #tpu.memory_space<hbm>> -> memref<1x1x112xi32, #tpu.memory_space<hbm>>
    %dma_start3A_147 = tpu.memref_squeeze %dma_start3A_146 : memref<1x1x112xi32, #tpu.memory_space<hbm>> -> memref<112xi32, #tpu.memory_space<hbm>>
    tpu.enqueue_dma source(%dma_start3A_147 : memref<112xi32, #tpu.memory_space<hbm>>) target(%arg17 : memref<112xi32, #tpu.memory_space<vmem>>) target_semaphore(%arg31 : memref<!tpu.dma_semaphore, #tpu.memory_space<semaphore_mem>>)
    %dma_wait3A = arith.constant 0 : i32
    %dma_wait3A_148 = arith.constant 0 : i32
    %dma_wait3A_149 = tpu.memref_slice %arg3[%add3A, %dma_wait3A, %dma_wait3A_148] : memref<32x90x112xi32, #tpu.memory_space<hbm>> -> memref<1x1x112xi32, #tpu.memory_space<hbm>>
    %dma_wait3A_150 = tpu.memref_squeeze %dma_wait3A_149 : memref<1x1x112xi32, #tpu.memory_space<hbm>> -> memref<112xi32, #tpu.memory_space<hbm>>
    %dma_wait3A_151 = arith.constant 0 : i32
    %dma_wait3A_152 = tpu.memref_slice %arg3[%add3A, %dma_wait3A, %dma_wait3A_151] : memref<32x90x112xi32, #tpu.memory_space<hbm>> -> memref<1x1x112xi32, #tpu.memory_space<hbm>>
    %dma_wait3A_153 = tpu.memref_squeeze %dma_wait3A_152 : memref<1x1x112xi32, #tpu.memory_space<hbm>> -> memref<112xi32, #tpu.memory_space<hbm>>
    tpu.wait_dma2 semaphore(%arg30 : memref<!tpu.dma_semaphore, #tpu.memory_space<semaphore_mem>>) src(%dma_wait3A_153 : memref<112xi32, #tpu.memory_space<hbm>>) dst(%arg8 : memref<112xi32, #tpu.memory_space<vmem>>)
    %dma_wait3A_154 = arith.constant 0 : i32
    %dma_wait3A_155 = arith.constant 0 : i32
    %dma_wait3A_156 = tpu.memref_slice %arg2[%add3A, %dma_wait3A_154, %dma_wait3A_155] : memref<32x90x112xi32, #tpu.memory_space<hbm>> -> memref<1x1x112xi32, #tpu.memory_space<hbm>>
    %dma_wait3A_157 = tpu.memref_squeeze %dma_wait3A_156 : memref<1x1x112xi32, #tpu.memory_space<hbm>> -> memref<112xi32, #tpu.memory_space<hbm>>
    %dma_wait3A_158 = arith.constant 0 : i32
    %dma_wait3A_159 = tpu.memref_slice %arg2[%add3A, %dma_wait3A_154, %dma_wait3A_158] : memref<32x90x112xi32, #tpu.memory_space<hbm>> -> memref<1x1x112xi32, #tpu.memory_space<hbm>>
    %dma_wait3A_160 = tpu.memref_squeeze %dma_wait3A_159 : memref<1x1x112xi32, #tpu.memory_space<hbm>> -> memref<112xi32, #tpu.memory_space<hbm>>
    tpu.wait_dma2 semaphore(%arg30 : memref<!tpu.dma_semaphore, #tpu.memory_space<semaphore_mem>>) src(%dma_wait3A_160 : memref<112xi32, #tpu.memory_space<hbm>>) dst(%arg12 : memref<112xi32, #tpu.memory_space<vmem>>)
    %dma_wait3A_161 = arith.constant 0 : i32
    %dma_wait3A_162 = arith.constant 0 : i32
    %dma_wait3A_163 = tpu.memref_slice %arg4[%add3A, %dma_wait3A_161, %dma_wait3A_162] : memref<32x90x112xi32, #tpu.memory_space<hbm>> -> memref<1x1x112xi32, #tpu.memory_space<hbm>>
    %dma_wait3A_164 = tpu.memref_squeeze %dma_wait3A_163 : memref<1x1x112xi32, #tpu.memory_space<hbm>> -> memref<112xi32, #tpu.memory_space<hbm>>
    %dma_wait3A_165 = arith.constant 0 : i32
    %dma_wait3A_166 = tpu.memref_slice %arg4[%add3A, %dma_wait3A_161, %dma_wait3A_165] : memref<32x90x112xi32, #tpu.memory_space<hbm>> -> memref<1x1x112xi32, #tpu.memory_space<hbm>>
    %dma_wait3A_167 = tpu.memref_squeeze %dma_wait3A_166 : memref<1x1x112xi32, #tpu.memory_space<hbm>> -> memref<112xi32, #tpu.memory_space<hbm>>
    tpu.wait_dma2 semaphore(%arg30 : memref<!tpu.dma_semaphore, #tpu.memory_space<semaphore_mem>>) src(%dma_wait3A_167 : memref<112xi32, #tpu.memory_space<hbm>>) dst(%arg16 : memref<112xi32, #tpu.memory_space<vmem>>)
    %get3A = arith.constant 0 : index
    %get3A_168 = tpu.vector_load %arg16[%get3A] {strides = array<i32>} : memref<112xi32, #tpu.memory_space<vmem>>, vector<16xi32>,
    %gather3A = tpu.vector_load_idx %arg28[%get3A_168] : memref<416xf32, #tpu.memory_space<vmem>>[vector<16xi32>], vector<16xf32>,
    %swap3A = arith.constant 0 : index
    %swap3A_169 = tpu.vector_load %arg20[%swap3A] {strides = array<i32>} : memref<112xf32, #tpu.memory_space<vmem>>, vector<16xf32>,
    tpu.vector_store %arg20[%swap3A], %gather3A {strides = array<i32>} : memref<112xf32, #tpu.memory_space<vmem>>, vector<16xf32>,
    %get3A_170 = arith.constant 16 : index
    %get3A_171 = tpu.vector_load %arg16[%get3A_170] {strides = array<i32>} : memref<112xi32, #tpu.memory_space<vmem>>, vector<16xi32>,
    %gather3A_172 = tpu.vector_load_idx %arg28[%get3A_171] : memref<416xf32, #tpu.memory_space<vmem>>[vector<16xi32>], vector<16xf32>,
    %swap3A_173 = arith.constant 16 : index
    %swap3A_174 = tpu.vector_load %arg20[%swap3A_173] {strides = array<i32>} : memref<112xf32, #tpu.memory_space<vmem>>, vector<16xf32>,
    tpu.vector_store %arg20[%swap3A_173], %gather3A_172 {strides = array<i32>} : memref<112xf32, #tpu.memory_space<vmem>>, vector<16xf32>,
    %get3A_175 = arith.constant 32 : index
    %get3A_176 = tpu.vector_load %arg16[%get3A_175] {strides = array<i32>} : memref<112xi32, #tpu.memory_space<vmem>>, vector<16xi32>,
    %gather3A_177 = tpu.vector_load_idx %arg28[%get3A_176] : memref<416xf32, #tpu.memory_space<vmem>>[vector<16xi32>], vector<16xf32>,
    %swap3A_178 = arith.constant 32 : index
    %swap3A_179 = tpu.vector_load %arg20[%swap3A_178] {strides = array<i32>} : memref<112xf32, #tpu.memory_space<vmem>>, vector<16xf32>,
    tpu.vector_store %arg20[%swap3A_178], %gather3A_177 {strides = array<i32>} : memref<112xf32, #tpu.memory_space<vmem>>, vector<16xf32>,
    %get3A_180 = arith.constant 48 : index
    %get3A_181 = tpu.vector_load %arg16[%get3A_180] {strides = array<i32>} : memref<112xi32, #tpu.memory_space<vmem>>, vector<16xi32>,
    %gather3A_182 = tpu.vector_load_idx %arg28[%get3A_181] : memref<416xf32, #tpu.memory_space<vmem>>[vector<16xi32>], vector<16xf32>,
    %swap3A_183 = arith.constant 48 : index
    %swap3A_184 = tpu.vector_load %arg20[%swap3A_183] {strides = array<i32>} : memref<112xf32, #tpu.memory_space<vmem>>, vector<16xf32>,
    tpu.vector_store %arg20[%swap3A_183], %gather3A_182 {strides = array<i32>} : memref<112xf32, #tpu.memory_space<vmem>>, vector<16xf32>,
    %get3A_185 = arith.constant 64 : index
    %get3A_186 = tpu.vector_load %arg16[%get3A_185] {strides = array<i32>} : memref<112xi32, #tpu.memory_space<vmem>>, vector<16xi32>,
    %gather3A_187 = tpu.vector_load_idx %arg28[%get3A_186] : memref<416xf32, #tpu.memory_space<vmem>>[vector<16xi32>], vector<16xf32>,
    %swap3A_188 = arith.constant 64 : index
    %swap3A_189 = tpu.vector_load %arg20[%swap3A_188] {strides = array<i32>} : memref<112xf32, #tpu.memory_space<vmem>>, vector<16xf32>,
    tpu.vector_store %arg20[%swap3A_188], %gather3A_187 {strides = array<i32>} : memref<112xf32, #tpu.memory_space<vmem>>, vector<16xf32>,
    %get3A_190 = arith.constant 80 : index
    %get3A_191 = tpu.vector_load %arg16[%get3A_190] {strides = array<i32>} : memref<112xi32, #tpu.memory_space<vmem>>, vector<16xi32>,
    %gather3A_192 = tpu.vector_load_idx %arg28[%get3A_191] : memref<416xf32, #tpu.memory_space<vmem>>[vector<16xi32>], vector<16xf32>,
    %swap3A_193 = arith.constant 80 : index
    %swap3A_194 = tpu.vector_load %arg20[%swap3A_193] {strides = array<i32>} : memref<112xf32, #tpu.memory_space<vmem>>, vector<16xf32>,
    tpu.vector_store %arg20[%swap3A_193], %gather3A_192 {strides = array<i32>} : memref<112xf32, #tpu.memory_space<vmem>>, vector<16xf32>,
    %get3A_195 = arith.constant 96 : index
    %get3A_196 = tpu.vector_load %arg16[%get3A_195] {strides = array<i32>} : memref<112xi32, #tpu.memory_space<vmem>>, vector<16xi32>,
    %gather3A_197 = tpu.vector_load_idx %arg28[%get3A_196] : memref<416xf32, #tpu.memory_space<vmem>>[vector<16xi32>], vector<16xf32>,
    %swap3A_198 = arith.constant 96 : index
    %swap3A_199 = tpu.vector_load %arg20[%swap3A_198] {strides = array<i32>} : memref<112xf32, #tpu.memory_space<vmem>>, vector<16xf32>,
    tpu.vector_store %arg20[%swap3A_198], %gather3A_197 {strides = array<i32>} : memref<112xf32, #tpu.memory_space<vmem>>, vector<16xf32>,
    %dma_start3A_200 = arith.constant 0 : i32
    %dma_start3A_201 = arith.constant 0 : i32
    %dma_start3A_202 = tpu.memref_slice %arg6[%dma_start3A_200, %dma_start3A_201] : memref<10000x128xbf16, #tpu.memory_space<hbm>> -> memref<10000x128xbf16, #tpu.memory_space<hbm>>
    tpu.enqueue_indirect_dma source(%dma_start3A_202 : memref<10000x128xbf16, #tpu.memory_space<hbm>>) target(%arg24 : memref<112x128xbf16, #tpu.memory_space<vmem>>) offsets(%arg8 : memref<112xi32, #tpu.memory_space<vmem>>) semaphore(%arg34 : memref<!tpu.dma_semaphore, #tpu.memory_space<semaphore_mem>>)
    %scan3A_203 = arith.constant 0 : i32
    %scan3A_204 = arith.constant 0 : i32
    %scan3A_205 = arith.constant 45 : i32
    %scan3A_206 = arith.addi %scan3A_204, %scan3A_205 : i32
    %scan3A_207 = arith.constant 1 : i32
    %scan3A_208 = scf.for %scan3A_219 = %scan3A_204 to %scan3A_206 step %scan3A_207 iter_args(%scan3A_220 = %scan3A_203) -> (i32)  : i32 {
      %mul3A_221 = arith.constant 4 : i32
      %mul3A_222 = arith.muli %mul3A_221, %scan3A_219 : i32
      %add3A_223 = arith.constant 0 : i32
      %add3A_224 = arith.addi %mul3A_222, %add3A_223 : i32
      %add3A_225 = arith.constant 1 : i32
      %add3A_226 = arith.addi %add3A_224, %add3A_225 : i32
      %lt3A = arith.constant 180 : i32
      %lt3A_227 = arith.cmpi slt, %add3A_226, %lt3A : i32
      %convert_element_type3A = arith.extui %lt3A_227 : i1 to i32
      %cond3A = arith.constant 0 : i32
      %cond3A_228 = arith.cmpi ne, %convert_element_type3A, %cond3A : i32
      scf.if %cond3A_228 {
        %add3A_345 = arith.constant 1 : i32
        %add3A_346 = arith.addi %add3A_224, %add3A_345 : i32
        %jit3A = arith.constant 2 : i32
        %div3A = arith.divsi %add3A_346, %jit3A : i32
        %sign3A = arith.constant 0 : i32
        %sign3A_347 = arith.cmpi sgt, %add3A_346, %sign3A : i32
        %sign3A_348 = arith.extui %sign3A_347 : i1 to i32
        %sign3A_349 = arith.constant 0 : i32
        %sign3A_350 = arith.cmpi slt, %add3A_346, %sign3A_349 : i32
        %sign3A_351 = arith.extui %sign3A_350 : i1 to i32
        %sign3A_352 = arith.subi %sign3A_348, %sign3A_351 : i32
        %sign3A_353 = arith.constant 0 : i32
        %sign3A_354 = arith.cmpi sgt, %jit3A, %sign3A_353 : i32
        %sign3A_355 = arith.extui %sign3A_354 : i1 to i32
        %sign3A_356 = arith.constant 0 : i32
        %sign3A_357 = arith.cmpi slt, %jit3A, %sign3A_356 : i32
        %sign3A_358 = arith.extui %sign3A_357 : i1 to i32
        %sign3A_359 = arith.subi %sign3A_355, %sign3A_358 : i32
        %ne3A = arith.cmpi ne, %sign3A_352, %sign3A_359 : i32
        %rem3A = arith.remsi %add3A_346, %jit3A : i32
        %ne3A_360 = arith.constant 0 : i32
        %ne3A_361 = arith.cmpi ne, %rem3A, %ne3A_360 : i32
        %and3A = arith.andi %ne3A, %ne3A_361 : i1
        %sub3A = arith.constant 1 : i32
        %sub3A_362 = arith.subi %div3A, %sub3A : i32
        %select_n3A = arith.select %and3A, %sub3A_362, %div3A : i32
        %dma_wait3A_363 = arith.constant 0 : i32
        %dma_wait3A_364 = tpu.memref_slice %arg2[%add3A, %select_n3A, %dma_wait3A_363] : memref<32x90x112xi32, #tpu.memory_space<hbm>> -> memref<1x1x112xi32, #tpu.memory_space<hbm>>
        %dma_wait3A_365 = tpu.memref_squeeze %dma_wait3A_364 : memref<1x1x112xi32, #tpu.memory_space<hbm>> -> memref<112xi32, #tpu.memory_space<hbm>>
        %dma_wait3A_366 = arith.constant 0 : i32
        %dma_wait3A_367 = tpu.memref_slice %arg2[%add3A, %select_n3A, %dma_wait3A_366] : memref<32x90x112xi32, #tpu.memory_space<hbm>> -> memref<1x1x112xi32, #tpu.memory_space<hbm>>
        %dma_wait3A_368 = tpu.memref_squeeze %dma_wait3A_367 : memref<1x1x112xi32, #tpu.memory_space<hbm>> -> memref<112xi32, #tpu.memory_space<hbm>>
        tpu.wait_dma2 semaphore(%arg31 : memref<!tpu.dma_semaphore, #tpu.memory_space<semaphore_mem>>) src(%dma_wait3A_368 : memref<112xi32, #tpu.memory_space<hbm>>) dst(%arg9 : memref<112xi32, #tpu.memory_space<vmem>>)
        %dma_wait3A_369 = arith.constant 0 : i32
        %dma_wait3A_370 = tpu.memref_slice %arg3[%add3A, %select_n3A, %dma_wait3A_369] : memref<32x90x112xi32, #tpu.memory_space<hbm>> -> memref<1x1x112xi32, #tpu.memory_space<hbm>>
        %dma_wait3A_371 = tpu.memref_squeeze %dma_wait3A_370 : memref<1x1x112xi32, #tpu.memory_space<hbm>> -> memref<112xi32, #tpu.memory_space<hbm>>
        %dma_wait3A_372 = arith.constant 0 : i32
        %dma_wait3A_373 = tpu.memref_slice %arg3[%add3A, %select_n3A, %dma_wait3A_372] : memref<32x90x112xi32, #tpu.memory_space<hbm>> -> memref<1x1x112xi32, #tpu.memory_space<hbm>>
        %dma_wait3A_374 = tpu.memref_squeeze %dma_wait3A_373 : memref<1x1x112xi32, #tpu.memory_space<hbm>> -> memref<112xi32, #tpu.memory_space<hbm>>
        tpu.wait_dma2 semaphore(%arg31 : memref<!tpu.dma_semaphore, #tpu.memory_space<semaphore_mem>>) src(%dma_wait3A_374 : memref<112xi32, #tpu.memory_space<hbm>>) dst(%arg13 : memref<112xi32, #tpu.memory_space<vmem>>)
        %dma_wait3A_375 = arith.constant 0 : i32
        %dma_wait3A_376 = tpu.memref_slice %arg4[%add3A, %select_n3A, %dma_wait3A_375] : memref<32x90x112xi32, #tpu.memory_space<hbm>> -> memref<1x1x112xi32, #tpu.memory_space<hbm>>
        %dma_wait3A_377 = tpu.memref_squeeze %dma_wait3A_376 : memref<1x1x112xi32, #tpu.memory_space<hbm>> -> memref<112xi32, #tpu.memory_space<hbm>>
        %dma_wait3A_378 = arith.constant 0 : i32
        %dma_wait3A_379 = tpu.memref_slice %arg4[%add3A, %select_n3A, %dma_wait3A_378] : memref<32x90x112xi32, #tpu.memory_space<hbm>> -> memref<1x1x112xi32, #tpu.memory_space<hbm>>
        %dma_wait3A_380 = tpu.memref_squeeze %dma_wait3A_379 : memref<1x1x112xi32, #tpu.memory_space<hbm>> -> memref<112xi32, #tpu.memory_space<hbm>>
        tpu.wait_dma2 semaphore(%arg31 : memref<!tpu.dma_semaphore, #tpu.memory_space<semaphore_mem>>) src(%dma_wait3A_380 : memref<112xi32, #tpu.memory_space<hbm>>) dst(%arg17 : memref<112xi32, #tpu.memory_space<vmem>>)
        %get3A_381 = arith.constant 0 : index
        %get3A_382 = tpu.vector_load %arg17[%get3A_381] {strides = array<i32>} : memref<112xi32, #tpu.memory_space<vmem>>, vector<16xi32>,
        %gather3A_383 = tpu.vector_load_idx %arg28[%get3A_382] : memref<416xf32, #tpu.memory_space<vmem>>[vector<16xi32>], vector<16xf32>,
        %swap3A_384 = arith.constant 0 : index
        %swap3A_385 = tpu.vector_load %arg21[%swap3A_384] {strides = array<i32>} : memref<112xf32, #tpu.memory_space<vmem>>, vector<16xf32>,
        tpu.vector_store %arg21[%swap3A_384], %gather3A_383 {strides = array<i32>} : memref<112xf32, #tpu.memory_space<vmem>>, vector<16xf32>,
        %get3A_386 = arith.constant 16 : index
        %get3A_387 = tpu.vector_load %arg17[%get3A_386] {strides = array<i32>} : memref<112xi32, #tpu.memory_space<vmem>>, vector<16xi32>,
        %gather3A_388 = tpu.vector_load_idx %arg28[%get3A_387] : memref<416xf32, #tpu.memory_space<vmem>>[vector<16xi32>], vector<16xf32>,
        %swap3A_389 = arith.constant 16 : index
        %swap3A_390 = tpu.vector_load %arg21[%swap3A_389] {strides = array<i32>} : memref<112xf32, #tpu.memory_space<vmem>>, vector<16xf32>,
        tpu.vector_store %arg21[%swap3A_389], %gather3A_388 {strides = array<i32>} : memref<112xf32, #tpu.memory_space<vmem>>, vector<16xf32>,
        %get3A_391 = arith.constant 32 : index
        %get3A_392 = tpu.vector_load %arg17[%get3A_391] {strides = array<i32>} : memref<112xi32, #tpu.memory_space<vmem>>, vector<16xi32>,
        %gather3A_393 = tpu.vector_load_idx %arg28[%get3A_392] : memref<416xf32, #tpu.memory_space<vmem>>[vector<16xi32>], vector<16xf32>,
        %swap3A_394 = arith.constant 32 : index
        %swap3A_395 = tpu.vector_load %arg21[%swap3A_394] {strides = array<i32>} : memref<112xf32, #tpu.memory_space<vmem>>, vector<16xf32>,
        tpu.vector_store %arg21[%swap3A_394], %gather3A_393 {strides = array<i32>} : memref<112xf32, #tpu.memory_space<vmem>>, vector<16xf32>,
        %get3A_396 = arith.constant 48 : index
        %get3A_397 = tpu.vector_load %arg17[%get3A_396] {strides = array<i32>} : memref<112xi32, #tpu.memory_space<vmem>>, vector<16xi32>,
        %gather3A_398 = tpu.vector_load_idx %arg28[%get3A_397] : memref<416xf32, #tpu.memory_space<vmem>>[vector<16xi32>], vector<16xf32>,
        %swap3A_399 = arith.constant 48 : index
        %swap3A_400 = tpu.vector_load %arg21[%swap3A_399] {strides = array<i32>} : memref<112xf32, #tpu.memory_space<vmem>>, vector<16xf32>,
        tpu.vector_store %arg21[%swap3A_399], %gather3A_398 {strides = array<i32>} : memref<112xf32, #tpu.memory_space<vmem>>, vector<16xf32>,
        %get3A_401 = arith.constant 64 : index
        %get3A_402 = tpu.vector_load %arg17[%get3A_401] {strides = array<i32>} : memref<112xi32, #tpu.memory_space<vmem>>, vector<16xi32>,
        %gather3A_403 = tpu.vector_load_idx %arg28[%get3A_402] : memref<416xf32, #tpu.memory_space<vmem>>[vector<16xi32>], vector<16xf32>,
        %swap3A_404 = arith.constant 64 : index
        %swap3A_405 = tpu.vector_load %arg21[%swap3A_404] {strides = array<i32>} : memref<112xf32, #tpu.memory_space<vmem>>, vector<16xf32>,
        tpu.vector_store %arg21[%swap3A_404], %gather3A_403 {strides = array<i32>} : memref<112xf32, #tpu.memory_space<vmem>>, vector<16xf32>,
        %get3A_406 = arith.constant 80 : index
        %get3A_407 = tpu.vector_load %arg17[%get3A_406] {strides = array<i32>} : memref<112xi32, #tpu.memory_space<vmem>>, vector<16xi32>,
        %gather3A_408 = tpu.vector_load_idx %arg28[%get3A_407] : memref<416xf32, #tpu.memory_space<vmem>>[vector<16xi32>], vector<16xf32>,
        %swap3A_409 = arith.constant 80 : index
        %swap3A_410 = tpu.vector_load %arg21[%swap3A_409] {strides = array<i32>} : memref<112xf32, #tpu.memory_space<vmem>>, vector<16xf32>,
        tpu.vector_store %arg21[%swap3A_409], %gather3A_408 {strides = array<i32>} : memref<112xf32, #tpu.memory_space<vmem>>, vector<16xf32>,
        %get3A_411 = arith.constant 96 : index
        %get3A_412 = tpu.vector_load %arg17[%get3A_411] {strides = array<i32>} : memref<112xi32, #tpu.memory_space<vmem>>, vector<16xi32>,
        %gather3A_413 = tpu.vector_load_idx %arg28[%get3A_412] : memref<416xf32, #tpu.memory_space<vmem>>[vector<16xi32>], vector<16xf32>,
        %swap3A_414 = arith.constant 96 : index
        %swap3A_415 = tpu.vector_load %arg21[%swap3A_414] {strides = array<i32>} : memref<112xf32, #tpu.memory_space<vmem>>, vector<16xf32>,
        tpu.vector_store %arg21[%swap3A_414], %gather3A_413 {strides = array<i32>} : memref<112xf32, #tpu.memory_space<vmem>>, vector<16xf32>,
        %dma_start3A_416 = arith.constant 0 : i32
        %dma_start3A_417 = arith.constant 0 : i32
        %dma_start3A_418 = tpu.memref_slice %arg6[%dma_start3A_416, %dma_start3A_417] : memref<10000x128xbf16, #tpu.memory_space<hbm>> -> memref<10000x128xbf16, #tpu.memory_space<hbm>>
        tpu.enqueue_indirect_dma source(%dma_start3A_418 : memref<10000x128xbf16, #tpu.memory_space<hbm>>) target(%arg25 : memref<112x128xbf16, #tpu.memory_space<vmem>>) offsets(%arg9 : memref<112xi32, #tpu.memory_space<vmem>>) semaphore(%arg35 : memref<!tpu.dma_semaphore, #tpu.memory_space<semaphore_mem>>)
      } else {
      }
      %dma_wait3A_229 = arith.constant 0 : i32
      %dma_wait3A_230 = arith.constant 0 : i32
      %dma_wait3A_231 = tpu.memref_slice %arg6[%dma_wait3A_229, %dma_wait3A_230] : memref<10000x128xbf16, #tpu.memory_space<hbm>> -> memref<10000x128xbf16, #tpu.memory_space<hbm>>
      tpu.wait_indirect_dma semaphore(%arg34 : memref<!tpu.dma_semaphore, #tpu.memory_space<semaphore_mem>>) src(%dma_wait3A_231 : memref<10000x128xbf16, #tpu.memory_space<hbm>>) dst(%arg24 : memref<112x128xbf16, #tpu.memory_space<vmem>>)
      %ge3A = arith.constant 2 : i32
      %ge3A_232 = arith.cmpi sge, %add3A_224, %ge3A : i32
      %convert_element_type3A_233 = arith.extui %ge3A_232 : i1 to i32
      %cond3A_234 = arith.constant 0 : i32
      %cond3A_235 = arith.cmpi ne, %convert_element_type3A_233, %cond3A_234 : i32
      scf.if %cond3A_235 {
        %dma_wait3A_345 = arith.constant 0 : i32
        %dma_wait3A_346 = arith.constant 0 : i32
        %dma_wait3A_347 = tpu.memref_slice %arg29[%dma_wait3A_345, %dma_wait3A_346] : memref<10000x128xf32, #tpu.memory_space<vmem_shared>> -> memref<10000x128xf32, #tpu.memory_space<vmem_shared>>
        tpu.wait_indirect_dma semaphore(%arg36 : memref<!tpu.dma_semaphore, #tpu.memory_space<semaphore_mem>>) src(%arg26 : memref<112x128xf32, #tpu.memory_space<vmem>>) dst(%dma_wait3A_347 : memref<10000x128xf32, #tpu.memory_space<vmem_shared>>)
      } else {
      }
      %parallel_loop3A = arith.constant 0 : i32
      %parallel_loop3A_236 = arith.constant 112 : i32
      %parallel_loop3A_237 = arith.constant 1 : i32
      scf.for %parallel_loop3A_345 = %parallel_loop3A to %parallel_loop3A_236 step %parallel_loop3A_237  : i32 {
        %parallel_loop3A_346 = vector.broadcast %parallel_loop3A_345 : i32 to vector<16xi32>
        %parallel_loop3A_347 = tpu.vector_load_idx %arg20[%parallel_loop3A_346] : memref<112xf32, #tpu.memory_space<vmem>>[vector<16xi32>], vector<16xf32>,
        %parallel_loop3A_348 = arith.index_cast %parallel_loop3A_345 : i32 to index
        %parallel_loop3A_349 = arith.constant 0 : index
        %parallel_loop3A_350 = tpu.vector_load %arg24[%parallel_loop3A_348, %parallel_loop3A_349] {strides = array<i32>} : memref<112x128xbf16, #tpu.memory_space<vmem>>, vector<32xbf16>,
        %parallel_loop3A_351 = tpu.unpack_subelements %parallel_loop3A_350, 0 {pack_format = #tpu.pack_format<interleaved>} : vector<32xbf16> -> vector<16xf32>
        %parallel_loop3A_352 = tpu.unpack_subelements %parallel_loop3A_350, 1 {pack_format = #tpu.pack_format<interleaved>} : vector<32xbf16> -> vector<16xf32>
        %parallel_loop3A_353 = arith.mulf %parallel_loop3A_351, %parallel_loop3A_347 : vector<16xf32>
        %parallel_loop3A_354 = arith.index_cast %parallel_loop3A_345 : i32 to index
        %parallel_loop3A_355 = arith.constant 0 : index
        %parallel_loop3A_356 = tpu.vector_load %arg26[%parallel_loop3A_354, %parallel_loop3A_355] {strides = array<i32>} : memref<112x128xf32, #tpu.memory_space<vmem>>, vector<16xf32>,
        tpu.vector_store %arg26[%parallel_loop3A_354, %parallel_loop3A_355], %parallel_loop3A_353 {strides = array<i32>} : memref<112x128xf32, #tpu.memory_space<vmem>>, vector<16xf32>,
        %parallel_loop3A_357 = arith.mulf %parallel_loop3A_352, %parallel_loop3A_347 : vector<16xf32>
        %parallel_loop3A_358 = arith.index_cast %parallel_loop3A_345 : i32 to index
        %parallel_loop3A_359 = arith.constant 16 : index
        %parallel_loop3A_360 = tpu.vector_load %arg26[%parallel_loop3A_358, %parallel_loop3A_359] {strides = array<i32>} : memref<112x128xf32, #tpu.memory_space<vmem>>, vector<16xf32>,
        tpu.vector_store %arg26[%parallel_loop3A_358, %parallel_loop3A_359], %parallel_loop3A_357 {strides = array<i32>} : memref<112x128xf32, #tpu.memory_space<vmem>>, vector<16xf32>,
        %parallel_loop3A_361 = arith.index_cast %parallel_loop3A_345 : i32 to index
        %parallel_loop3A_362 = arith.constant 32 : index
        %parallel_loop3A_363 = tpu.vector_load %arg24[%parallel_loop3A_361, %parallel_loop3A_362] {strides = array<i32>} : memref<112x128xbf16, #tpu.memory_space<vmem>>, vector<32xbf16>,
        %parallel_loop3A_364 = tpu.unpack_subelements %parallel_loop3A_363, 0 {pack_format = #tpu.pack_format<interleaved>} : vector<32xbf16> -> vector<16xf32>
        %parallel_loop3A_365 = tpu.unpack_subelements %parallel_loop3A_363, 1 {pack_format = #tpu.pack_format<interleaved>} : vector<32xbf16> -> vector<16xf32>
        %parallel_loop3A_366 = arith.mulf %parallel_loop3A_364, %parallel_loop3A_347 : vector<16xf32>
        %parallel_loop3A_367 = arith.index_cast %parallel_loop3A_345 : i32 to index
        %parallel_loop3A_368 = arith.constant 32 : index
        %parallel_loop3A_369 = tpu.vector_load %arg26[%parallel_loop3A_367, %parallel_loop3A_368] {strides = array<i32>} : memref<112x128xf32, #tpu.memory_space<vmem>>, vector<16xf32>,
        tpu.vector_store %arg26[%parallel_loop3A_367, %parallel_loop3A_368], %parallel_loop3A_366 {strides = array<i32>} : memref<112x128xf32, #tpu.memory_space<vmem>>, vector<16xf32>,
        %parallel_loop3A_370 = arith.mulf %parallel_loop3A_365, %parallel_loop3A_347 : vector<16xf32>
        %parallel_loop3A_371 = arith.index_cast %parallel_loop3A_345 : i32 to index
        %parallel_loop3A_372 = arith.constant 48 : index
        %parallel_loop3A_373 = tpu.vector_load %arg26[%parallel_loop3A_371, %parallel_loop3A_372] {strides = array<i32>} : memref<112x128xf32, #tpu.memory_space<vmem>>, vector<16xf32>,
        tpu.vector_store %arg26[%parallel_loop3A_371, %parallel_loop3A_372], %parallel_loop3A_370 {strides = array<i32>} : memref<112x128xf32, #tpu.memory_space<vmem>>, vector<16xf32>,
        %parallel_loop3A_374 = arith.index_cast %parallel_loop3A_345 : i32 to index
        %parallel_loop3A_375 = arith.constant 64 : index
        %parallel_loop3A_376 = tpu.vector_load %arg24[%parallel_loop3A_374, %parallel_loop3A_375] {strides = array<i32>} : memref<112x128xbf16, #tpu.memory_space<vmem>>, vector<32xbf16>,
        %parallel_loop3A_377 = tpu.unpack_subelements %parallel_loop3A_376, 0 {pack_format = #tpu.pack_format<interleaved>} : vector<32xbf16> -> vector<16xf32>
        %parallel_loop3A_378 = tpu.unpack_subelements %parallel_loop3A_376, 1 {pack_format = #tpu.pack_format<interleaved>} : vector<32xbf16> -> vector<16xf32>
        %parallel_loop3A_379 = arith.mulf %parallel_loop3A_377, %parallel_loop3A_347 : vector<16xf32>
        %parallel_loop3A_380 = arith.index_cast %parallel_loop3A_345 : i32 to index
        %parallel_loop3A_381 = arith.constant 64 : index
        %parallel_loop3A_382 = tpu.vector_load %arg26[%parallel_loop3A_380, %parallel_loop3A_381] {strides = array<i32>} : memref<112x128xf32, #tpu.memory_space<vmem>>, vector<16xf32>,
        tpu.vector_store %arg26[%parallel_loop3A_380, %parallel_loop3A_381], %parallel_loop3A_379 {strides = array<i32>} : memref<112x128xf32, #tpu.memory_space<vmem>>, vector<16xf32>,
        %parallel_loop3A_383 = arith.mulf %parallel_loop3A_378, %parallel_loop3A_347 : vector<16xf32>
        %parallel_loop3A_384 = arith.index_cast %parallel_loop3A_345 : i32 to index
        %parallel_loop3A_385 = arith.constant 80 : index
        %parallel_loop3A_386 = tpu.vector_load %arg26[%parallel_loop3A_384, %parallel_loop3A_385] {strides = array<i32>} : memref<112x128xf32, #tpu.memory_space<vmem>>, vector<16xf32>,
        tpu.vector_store %arg26[%parallel_loop3A_384, %parallel_loop3A_385], %parallel_loop3A_383 {strides = array<i32>} : memref<112x128xf32, #tpu.memory_space<vmem>>, vector<16xf32>,
        %parallel_loop3A_387 = arith.index_cast %parallel_loop3A_345 : i32 to index
        %parallel_loop3A_388 = arith.constant 96 : index
        %parallel_loop3A_389 = tpu.vector_load %arg24[%parallel_loop3A_387, %parallel_loop3A_388] {strides = array<i32>} : memref<112x128xbf16, #tpu.memory_space<vmem>>, vector<32xbf16>,
        %parallel_loop3A_390 = tpu.unpack_subelements %parallel_loop3A_389, 0 {pack_format = #tpu.pack_format<interleaved>} : vector<32xbf16> -> vector<16xf32>
        %parallel_loop3A_391 = tpu.unpack_subelements %parallel_loop3A_389, 1 {pack_format = #tpu.pack_format<interleaved>} : vector<32xbf16> -> vector<16xf32>
        %parallel_loop3A_392 = arith.mulf %parallel_loop3A_390, %parallel_loop3A_347 : vector<16xf32>
        %parallel_loop3A_393 = arith.index_cast %parallel_loop3A_345 : i32 to index
        %parallel_loop3A_394 = arith.constant 96 : index
        %parallel_loop3A_395 = tpu.vector_load %arg26[%parallel_loop3A_393, %parallel_loop3A_394] {strides = array<i32>} : memref<112x128xf32, #tpu.memory_space<vmem>>, vector<16xf32>,
        tpu.vector_store %arg26[%parallel_loop3A_393, %parallel_loop3A_394], %parallel_loop3A_392 {strides = array<i32>} : memref<112x128xf32, #tpu.memory_space<vmem>>, vector<16xf32>,
        %parallel_loop3A_396 = arith.mulf %parallel_loop3A_391, %parallel_loop3A_347 : vector<16xf32>
        %parallel_loop3A_397 = arith.index_cast %parallel_loop3A_345 : i32 to index
        %parallel_loop3A_398 = arith.constant 112 : index
        %parallel_loop3A_399 = tpu.vector_load %arg26[%parallel_loop3A_397, %parallel_loop3A_398] {strides = array<i32>} : memref<112x128xf32, #tpu.memory_space<vmem>>, vector<16xf32>,
        tpu.vector_store %arg26[%parallel_loop3A_397, %parallel_loop3A_398], %parallel_loop3A_396 {strides = array<i32>} : memref<112x128xf32, #tpu.memory_space<vmem>>, vector<16xf32>,
      } {sc.loop_unroll_factor = 4 : i64, sc.parallel_access}
      %dma_start3A_238 = arith.constant 0 : i32
      %dma_start3A_239 = arith.constant 0 : i32
      %dma_start3A_240 = tpu.memref_slice %arg29[%dma_start3A_238, %dma_start3A_239] : memref<10000x128xf32, #tpu.memory_space<vmem_shared>> -> memref<10000x128xf32, #tpu.memory_space<vmem_shared>>
      tpu.enqueue_indirect_dma source(%arg26 : memref<112x128xf32, #tpu.memory_space<vmem>>) target(%dma_start3A_240 : memref<10000x128xf32, #tpu.memory_space<vmem_shared>>) offsets(%arg12 : memref<112xi32, #tpu.memory_space<vmem>>) semaphore(%arg36 : memref<!tpu.dma_semaphore, #tpu.memory_space<semaphore_mem>>) {add = true}
      %add3A_241 = arith.constant 2 : i32
      %add3A_242 = arith.addi %add3A_224, %add3A_241 : i32
      %lt3A_243 = arith.constant 180 : i32
      %lt3A_244 = arith.cmpi slt, %add3A_242, %lt3A_243 : i32
      %convert_element_type3A_245 = arith.extui %lt3A_244 : i1 to i32
      %cond3A_246 = arith.constant 0 : i32
      %cond3A_247 = arith.cmpi ne, %convert_element_type3A_245, %cond3A_246 : i32
      scf.if %cond3A_247 {
        %add3A_345 = arith.constant 2 : i32
        %add3A_346 = arith.addi %add3A_224, %add3A_345 : i32
        %jit3A = arith.constant 2 : i32
        %div3A = arith.divsi %add3A_346, %jit3A : i32
        %sign3A = arith.constant 0 : i32
        %sign3A_347 = arith.cmpi sgt, %add3A_346, %sign3A : i32
        %sign3A_348 = arith.extui %sign3A_347 : i1 to i32
        %sign3A_349 = arith.constant 0 : i32
        %sign3A_350 = arith.cmpi slt, %add3A_346, %sign3A_349 : i32
        %sign3A_351 = arith.extui %sign3A_350 : i1 to i32
        %sign3A_352 = arith.subi %sign3A_348, %sign3A_351 : i32
        %sign3A_353 = arith.constant 0 : i32
        %sign3A_354 = arith.cmpi sgt, %jit3A, %sign3A_353 : i32
        %sign3A_355 = arith.extui %sign3A_354 : i1 to i32
        %sign3A_356 = arith.constant 0 : i32
        %sign3A_357 = arith.cmpi slt, %jit3A, %sign3A_356 : i32
        %sign3A_358 = arith.extui %sign3A_357 : i1 to i32
        %sign3A_359 = arith.subi %sign3A_355, %sign3A_358 : i32
        %ne3A = arith.cmpi ne, %sign3A_352, %sign3A_359 : i32
        %rem3A = arith.remsi %add3A_346, %jit3A : i32
        %ne3A_360 = arith.constant 0 : i32
        %ne3A_361 = arith.cmpi ne, %rem3A, %ne3A_360 : i32
        %and3A = arith.andi %ne3A, %ne3A_361 : i1
        %sub3A = arith.constant 1 : i32
        %sub3A_362 = arith.subi %div3A, %sub3A : i32
        %select_n3A = arith.select %and3A, %sub3A_362, %div3A : i32
        %dma_start3A_363 = arith.constant 0 : i32
        %dma_start3A_364 = tpu.memref_slice %arg3[%add3A, %select_n3A, %dma_start3A_363] : memref<32x90x112xi32, #tpu.memory_space<hbm>> -> memref<1x1x112xi32, #tpu.memory_space<hbm>>
        %dma_start3A_365 = tpu.memref_squeeze %dma_start3A_364 : memref<1x1x112xi32, #tpu.memory_space<hbm>> -> memref<112xi32, #tpu.memory_space<hbm>>
        %dma_start3A_366 = arith.constant 0 : i32
        %dma_start3A_367 = tpu.memref_slice %arg3[%add3A, %select_n3A, %dma_start3A_366] : memref<32x90x112xi32, #tpu.memory_space<hbm>> -> memref<1x1x112xi32, #tpu.memory_space<hbm>>
        %dma_start3A_368 = tpu.memref_squeeze %dma_start3A_367 : memref<1x1x112xi32, #tpu.memory_space<hbm>> -> memref<112xi32, #tpu.memory_space<hbm>>
        tpu.enqueue_dma source(%dma_start3A_368 : memref<112xi32, #tpu.memory_space<hbm>>) target(%arg10 : memref<112xi32, #tpu.memory_space<vmem>>) target_semaphore(%arg32 : memref<!tpu.dma_semaphore, #tpu.memory_space<semaphore_mem>>)
        %dma_start3A_369 = arith.constant 0 : i32
        %dma_start3A_370 = tpu.memref_slice %arg2[%add3A, %select_n3A, %dma_start3A_369] : memref<32x90x112xi32, #tpu.memory_space<hbm>> -> memref<1x1x112xi32, #tpu.memory_space<hbm>>
        %dma_start3A_371 = tpu.memref_squeeze %dma_start3A_370 : memref<1x1x112xi32, #tpu.memory_space<hbm>> -> memref<112xi32, #tpu.memory_space<hbm>>
        %dma_start3A_372 = arith.constant 0 : i32
        %dma_start3A_373 = tpu.memref_slice %arg2[%add3A, %select_n3A, %dma_start3A_372] : memref<32x90x112xi32, #tpu.memory_space<hbm>> -> memref<1x1x112xi32, #tpu.memory_space<hbm>>
        %dma_start3A_374 = tpu.memref_squeeze %dma_start3A_373 : memref<1x1x112xi32, #tpu.memory_space<hbm>> -> memref<112xi32, #tpu.memory_space<hbm>>
        tpu.enqueue_dma source(%dma_start3A_374 : memref<112xi32, #tpu.memory_space<hbm>>) target(%arg14 : memref<112xi32, #tpu.memory_space<vmem>>) target_semaphore(%arg32 : memref<!tpu.dma_semaphore, #tpu.memory_space<semaphore_mem>>)
        %dma_start3A_375 = arith.constant 0 : i32
        %dma_start3A_376 = tpu.memref_slice %arg4[%add3A, %select_n3A, %dma_start3A_375] : memref<32x90x112xi32, #tpu.memory_space<hbm>> -> memref<1x1x112xi32, #tpu.memory_space<hbm>>
        %dma_start3A_377 = tpu.memref_squeeze %dma_start3A_376 : memref<1x1x112xi32, #tpu.memory_space<hbm>> -> memref<112xi32, #tpu.memory_space<hbm>>
        %dma_start3A_378 = arith.constant 0 : i32
        %dma_start3A_379 = tpu.memref_slice %arg4[%add3A, %select_n3A, %dma_start3A_378] : memref<32x90x112xi32, #tpu.memory_space<hbm>> -> memref<1x1x112xi32, #tpu.memory_space<hbm>>
        %dma_start3A_380 = tpu.memref_squeeze %dma_start3A_379 : memref<1x1x112xi32, #tpu.memory_space<hbm>> -> memref<112xi32, #tpu.memory_space<hbm>>
        tpu.enqueue_dma source(%dma_start3A_380 : memref<112xi32, #tpu.memory_space<hbm>>) target(%arg18 : memref<112xi32, #tpu.memory_space<vmem>>) target_semaphore(%arg32 : memref<!tpu.dma_semaphore, #tpu.memory_space<semaphore_mem>>)
      } else {
      }
      %mul3A_248 = arith.constant 4 : i32
      %mul3A_249 = arith.muli %mul3A_248, %scan3A_219 : i32
      %add3A_250 = arith.constant 1 : i32
      %add3A_251 = arith.addi %mul3A_249, %add3A_250 : i32
      %add3A_252 = arith.constant 1 : i32
      %add3A_253 = arith.addi %add3A_251, %add3A_252 : i32
      %lt3A_254 = arith.constant 180 : i32
      %lt3A_255 = arith.cmpi slt, %add3A_253, %lt3A_254 : i32
      %convert_element_type3A_256 = arith.extui %lt3A_255 : i1 to i32
      %cond3A_257 = arith.constant 0 : i32
      %cond3A_258 = arith.cmpi ne, %convert_element_type3A_256, %cond3A_257 : i32
      scf.if %cond3A_258 {
        %add3A_345 = arith.constant 1 : i32
        %add3A_346 = arith.addi %add3A_251, %add3A_345 : i32
        %jit3A = arith.constant 2 : i32
        %div3A = arith.divsi %add3A_346, %jit3A : i32
        %sign3A = arith.constant 0 : i32
        %sign3A_347 = arith.cmpi sgt, %add3A_346, %sign3A : i32
        %sign3A_348 = arith.extui %sign3A_347 : i1 to i32
        %sign3A_349 = arith.constant 0 : i32
        %sign3A_350 = arith.cmpi slt, %add3A_346, %sign3A_349 : i32
        %sign3A_351 = arith.extui %sign3A_350 : i1 to i32
        %sign3A_352 = arith.subi %sign3A_348, %sign3A_351 : i32
        %sign3A_353 = arith.constant 0 : i32
        %sign3A_354 = arith.cmpi sgt, %jit3A, %sign3A_353 : i32
        %sign3A_355 = arith.extui %sign3A_354 : i1 to i32
        %sign3A_356 = arith.constant 0 : i32
        %sign3A_357 = arith.cmpi slt, %jit3A, %sign3A_356 : i32
        %sign3A_358 = arith.extui %sign3A_357 : i1 to i32
        %sign3A_359 = arith.subi %sign3A_355, %sign3A_358 : i32
        %ne3A = arith.cmpi ne, %sign3A_352, %sign3A_359 : i32
        %rem3A = arith.remsi %add3A_346, %jit3A : i32
        %ne3A_360 = arith.constant 0 : i32
        %ne3A_361 = arith.cmpi ne, %rem3A, %ne3A_360 : i32
        %and3A = arith.andi %ne3A, %ne3A_361 : i1
        %sub3A = arith.constant 1 : i32
        %sub3A_362 = arith.subi %div3A, %sub3A : i32
        %select_n3A = arith.select %and3A, %sub3A_362, %div3A : i32
        %dma_wait3A_363 = arith.constant 0 : i32
        %dma_wait3A_364 = tpu.memref_slice %arg3[%add3A, %select_n3A, %dma_wait3A_363] : memref<32x90x112xi32, #tpu.memory_space<hbm>> -> memref<1x1x112xi32, #tpu.memory_space<hbm>>
        %dma_wait3A_365 = tpu.memref_squeeze %dma_wait3A_364 : memref<1x1x112xi32, #tpu.memory_space<hbm>> -> memref<112xi32, #tpu.memory_space<hbm>>
        %dma_wait3A_366 = arith.constant 0 : i32
        %dma_wait3A_367 = tpu.memref_slice %arg3[%add3A, %select_n3A, %dma_wait3A_366] : memref<32x90x112xi32, #tpu.memory_space<hbm>> -> memref<1x1x112xi32, #tpu.memory_space<hbm>>
        %dma_wait3A_368 = tpu.memref_squeeze %dma_wait3A_367 : memref<1x1x112xi32, #tpu.memory_space<hbm>> -> memref<112xi32, #tpu.memory_space<hbm>>
        tpu.wait_dma2 semaphore(%arg32 : memref<!tpu.dma_semaphore, #tpu.memory_space<semaphore_mem>>) src(%dma_wait3A_368 : memref<112xi32, #tpu.memory_space<hbm>>) dst(%arg10 : memref<112xi32, #tpu.memory_space<vmem>>)
        %dma_wait3A_369 = arith.constant 0 : i32
        %dma_wait3A_370 = tpu.memref_slice %arg2[%add3A, %select_n3A, %dma_wait3A_369] : memref<32x90x112xi32, #tpu.memory_space<hbm>> -> memref<1x1x112xi32, #tpu.memory_space<hbm>>
        %dma_wait3A_371 = tpu.memref_squeeze %dma_wait3A_370 : memref<1x1x112xi32, #tpu.memory_space<hbm>> -> memref<112xi32, #tpu.memory_space<hbm>>
        %dma_wait3A_372 = arith.constant 0 : i32
        %dma_wait3A_373 = tpu.memref_slice %arg2[%add3A, %select_n3A, %dma_wait3A_372] : memref<32x90x112xi32, #tpu.memory_space<hbm>> -> memref<1x1x112xi32, #tpu.memory_space<hbm>>
        %dma_wait3A_374 = tpu.memref_squeeze %dma_wait3A_373 : memref<1x1x112xi32, #tpu.memory_space<hbm>> -> memref<112xi32, #tpu.memory_space<hbm>>
        tpu.wait_dma2 semaphore(%arg32 : memref<!tpu.dma_semaphore, #tpu.memory_space<semaphore_mem>>) src(%dma_wait3A_374 : memref<112xi32, #tpu.memory_space<hbm>>) dst(%arg14 : memref<112xi32, #tpu.memory_space<vmem>>)
        %dma_wait3A_375 = arith.constant 0 : i32
        %dma_wait3A_376 = tpu.memref_slice %arg4[%add3A, %select_n3A, %dma_wait3A_375] : memref<32x90x112xi32, #tpu.memory_space<hbm>> -> memref<1x1x112xi32, #tpu.memory_space<hbm>>
        %dma_wait3A_377 = tpu.memref_squeeze %dma_wait3A_376 : memref<1x1x112xi32, #tpu.memory_space<hbm>> -> memref<112xi32, #tpu.memory_space<hbm>>
        %dma_wait3A_378 = arith.constant 0 : i32
        %dma_wait3A_379 = tpu.memref_slice %arg4[%add3A, %select_n3A, %dma_wait3A_378] : memref<32x90x112xi32, #tpu.memory_space<hbm>> -> memref<1x1x112xi32, #tpu.memory_space<hbm>>
        %dma_wait3A_380 = tpu.memref_squeeze %dma_wait3A_379 : memref<1x1x112xi32, #tpu.memory_space<hbm>> -> memref<112xi32, #tpu.memory_space<hbm>>
        tpu.wait_dma2 semaphore(%arg32 : memref<!tpu.dma_semaphore, #tpu.memory_space<semaphore_mem>>) src(%dma_wait3A_380 : memref<112xi32, #tpu.memory_space<hbm>>) dst(%arg18 : memref<112xi32, #tpu.memory_space<vmem>>)
        %get3A_381 = arith.constant 0 : index
        %get3A_382 = tpu.vector_load %arg18[%get3A_381] {strides = array<i32>} : memref<112xi32, #tpu.memory_space<vmem>>, vector<16xi32>,
        %gather3A_383 = tpu.vector_load_idx %arg28[%get3A_382] : memref<416xf32, #tpu.memory_space<vmem>>[vector<16xi32>], vector<16xf32>,
        %swap3A_384 = arith.constant 0 : index
        %swap3A_385 = tpu.vector_load %arg22[%swap3A_384] {strides = array<i32>} : memref<112xf32, #tpu.memory_space<vmem>>, vector<16xf32>,
        tpu.vector_store %arg22[%swap3A_384], %gather3A_383 {strides = array<i32>} : memref<112xf32, #tpu.memory_space<vmem>>, vector<16xf32>,
        %get3A_386 = arith.constant 16 : index
        %get3A_387 = tpu.vector_load %arg18[%get3A_386] {strides = array<i32>} : memref<112xi32, #tpu.memory_space<vmem>>, vector<16xi32>,
        %gather3A_388 = tpu.vector_load_idx %arg28[%get3A_387] : memref<416xf32, #tpu.memory_space<vmem>>[vector<16xi32>], vector<16xf32>,
        %swap3A_389 = arith.constant 16 : index
        %swap3A_390 = tpu.vector_load %arg22[%swap3A_389] {strides = array<i32>} : memref<112xf32, #tpu.memory_space<vmem>>, vector<16xf32>,
        tpu.vector_store %arg22[%swap3A_389], %gather3A_388 {strides = array<i32>} : memref<112xf32, #tpu.memory_space<vmem>>, vector<16xf32>,
        %get3A_391 = arith.constant 32 : index
        %get3A_392 = tpu.vector_load %arg18[%get3A_391] {strides = array<i32>} : memref<112xi32, #tpu.memory_space<vmem>>, vector<16xi32>,
        %gather3A_393 = tpu.vector_load_idx %arg28[%get3A_392] : memref<416xf32, #tpu.memory_space<vmem>>[vector<16xi32>], vector<16xf32>,
        %swap3A_394 = arith.constant 32 : index
        %swap3A_395 = tpu.vector_load %arg22[%swap3A_394] {strides = array<i32>} : memref<112xf32, #tpu.memory_space<vmem>>, vector<16xf32>,
        tpu.vector_store %arg22[%swap3A_394], %gather3A_393 {strides = array<i32>} : memref<112xf32, #tpu.memory_space<vmem>>, vector<16xf32>,
        %get3A_396 = arith.constant 48 : index
        %get3A_397 = tpu.vector_load %arg18[%get3A_396] {strides = array<i32>} : memref<112xi32, #tpu.memory_space<vmem>>, vector<16xi32>,
        %gather3A_398 = tpu.vector_load_idx %arg28[%get3A_397] : memref<416xf32, #tpu.memory_space<vmem>>[vector<16xi32>], vector<16xf32>,
        %swap3A_399 = arith.constant 48 : index
        %swap3A_400 = tpu.vector_load %arg22[%swap3A_399] {strides = array<i32>} : memref<112xf32, #tpu.memory_space<vmem>>, vector<16xf32>,
        tpu.vector_store %arg22[%swap3A_399], %gather3A_398 {strides = array<i32>} : memref<112xf32, #tpu.memory_space<vmem>>, vector<16xf32>,
        %get3A_401 = arith.constant 64 : index
        %get3A_402 = tpu.vector_load %arg18[%get3A_401] {strides = array<i32>} : memref<112xi32, #tpu.memory_space<vmem>>, vector<16xi32>,
        %gather3A_403 = tpu.vector_load_idx %arg28[%get3A_402] : memref<416xf32, #tpu.memory_space<vmem>>[vector<16xi32>], vector<16xf32>,
        %swap3A_404 = arith.constant 64 : index
        %swap3A_405 = tpu.vector_load %arg22[%swap3A_404] {strides = array<i32>} : memref<112xf32, #tpu.memory_space<vmem>>, vector<16xf32>,
        tpu.vector_store %arg22[%swap3A_404], %gather3A_403 {strides = array<i32>} : memref<112xf32, #tpu.memory_space<vmem>>, vector<16xf32>,
        %get3A_406 = arith.constant 80 : index
        %get3A_407 = tpu.vector_load %arg18[%get3A_406] {strides = array<i32>} : memref<112xi32, #tpu.memory_space<vmem>>, vector<16xi32>,
        %gather3A_408 = tpu.vector_load_idx %arg28[%get3A_407] : memref<416xf32, #tpu.memory_space<vmem>>[vector<16xi32>], vector<16xf32>,
        %swap3A_409 = arith.constant 80 : index
        %swap3A_410 = tpu.vector_load %arg22[%swap3A_409] {strides = array<i32>} : memref<112xf32, #tpu.memory_space<vmem>>, vector<16xf32>,
        tpu.vector_store %arg22[%swap3A_409], %gather3A_408 {strides = array<i32>} : memref<112xf32, #tpu.memory_space<vmem>>, vector<16xf32>,
        %get3A_411 = arith.constant 96 : index
        %get3A_412 = tpu.vector_load %arg18[%get3A_411] {strides = array<i32>} : memref<112xi32, #tpu.memory_space<vmem>>, vector<16xi32>,
        %gather3A_413 = tpu.vector_load_idx %arg28[%get3A_412] : memref<416xf32, #tpu.memory_space<vmem>>[vector<16xi32>], vector<16xf32>,
        %swap3A_414 = arith.constant 96 : index
        %swap3A_415 = tpu.vector_load %arg22[%swap3A_414] {strides = array<i32>} : memref<112xf32, #tpu.memory_space<vmem>>, vector<16xf32>,
        tpu.vector_store %arg22[%swap3A_414], %gather3A_413 {strides = array<i32>} : memref<112xf32, #tpu.memory_space<vmem>>, vector<16xf32>,
        %dma_start3A_416 = arith.constant 0 : i32
        %dma_start3A_417 = arith.constant 0 : i32
        %dma_start3A_418 = tpu.memref_slice %arg6[%dma_start3A_416, %dma_start3A_417] : memref<10000x128xbf16, #tpu.memory_space<hbm>> -> memref<10000x128xbf16, #tpu.memory_space<hbm>>
        tpu.enqueue_indirect_dma source(%dma_start3A_418 : memref<10000x128xbf16, #tpu.memory_space<hbm>>) target(%arg24 : memref<112x128xbf16, #tpu.memory_space<vmem>>) offsets(%arg10 : memref<112xi32, #tpu.memory_space<vmem>>) semaphore(%arg34 : memref<!tpu.dma_semaphore, #tpu.memory_space<semaphore_mem>>)
      } else {
      }
      %dma_wait3A_259 = arith.constant 0 : i32
      %dma_wait3A_260 = arith.constant 0 : i32
      %dma_wait3A_261 = tpu.memref_slice %arg6[%dma_wait3A_259, %dma_wait3A_260] : memref<10000x128xbf16, #tpu.memory_space<hbm>> -> memref<10000x128xbf16, #tpu.memory_space<hbm>>
      tpu.wait_indirect_dma semaphore(%arg35 : memref<!tpu.dma_semaphore, #tpu.memory_space<semaphore_mem>>) src(%dma_wait3A_261 : memref<10000x128xbf16, #tpu.memory_space<hbm>>) dst(%arg25 : memref<112x128xbf16, #tpu.memory_space<vmem>>)
      %ge3A_262 = arith.constant 2 : i32
      %ge3A_263 = arith.cmpi sge, %add3A_251, %ge3A_262 : i32
      %convert_element_type3A_264 = arith.extui %ge3A_263 : i1 to i32
      %cond3A_265 = arith.constant 0 : i32
      %cond3A_266 = arith.cmpi ne, %convert_element_type3A_264, %cond3A_265 : i32
      scf.if %cond3A_266 {
        %dma_wait3A_345 = arith.constant 0 : i32
        %dma_wait3A_346 = arith.constant 0 : i32
        %dma_wait3A_347 = tpu.memref_slice %arg29[%dma_wait3A_345, %dma_wait3A_346] : memref<10000x128xf32, #tpu.memory_space<vmem_shared>> -> memref<10000x128xf32, #tpu.memory_space<vmem_shared>>
        tpu.wait_indirect_dma semaphore(%arg37 : memref<!tpu.dma_semaphore, #tpu.memory_space<semaphore_mem>>) src(%arg27 : memref<112x128xf32, #tpu.memory_space<vmem>>) dst(%dma_wait3A_347 : memref<10000x128xf32, #tpu.memory_space<vmem_shared>>)
      } else {
      }
      %parallel_loop3A_267 = arith.constant 0 : i32
      %parallel_loop3A_268 = arith.constant 112 : i32
      %parallel_loop3A_269 = arith.constant 1 : i32
      scf.for %parallel_loop3A_345 = %parallel_loop3A_267 to %parallel_loop3A_268 step %parallel_loop3A_269  : i32 {
        %parallel_loop3A_346 = vector.broadcast %parallel_loop3A_345 : i32 to vector<16xi32>
        %parallel_loop3A_347 = tpu.vector_load_idx %arg21[%parallel_loop3A_346] : memref<112xf32, #tpu.memory_space<vmem>>[vector<16xi32>], vector<16xf32>,
        %parallel_loop3A_348 = arith.index_cast %parallel_loop3A_345 : i32 to index
        %parallel_loop3A_349 = arith.constant 0 : index
        %parallel_loop3A_350 = tpu.vector_load %arg25[%parallel_loop3A_348, %parallel_loop3A_349] {strides = array<i32>} : memref<112x128xbf16, #tpu.memory_space<vmem>>, vector<32xbf16>,
        %parallel_loop3A_351 = tpu.unpack_subelements %parallel_loop3A_350, 0 {pack_format = #tpu.pack_format<interleaved>} : vector<32xbf16> -> vector<16xf32>
        %parallel_loop3A_352 = tpu.unpack_subelements %parallel_loop3A_350, 1 {pack_format = #tpu.pack_format<interleaved>} : vector<32xbf16> -> vector<16xf32>
        %parallel_loop3A_353 = arith.mulf %parallel_loop3A_351, %parallel_loop3A_347 : vector<16xf32>
        %parallel_loop3A_354 = arith.index_cast %parallel_loop3A_345 : i32 to index
        %parallel_loop3A_355 = arith.constant 0 : index
        %parallel_loop3A_356 = tpu.vector_load %arg27[%parallel_loop3A_354, %parallel_loop3A_355] {strides = array<i32>} : memref<112x128xf32, #tpu.memory_space<vmem>>, vector<16xf32>,
        tpu.vector_store %arg27[%parallel_loop3A_354, %parallel_loop3A_355], %parallel_loop3A_353 {strides = array<i32>} : memref<112x128xf32, #tpu.memory_space<vmem>>, vector<16xf32>,
        %parallel_loop3A_357 = arith.mulf %parallel_loop3A_352, %parallel_loop3A_347 : vector<16xf32>
        %parallel_loop3A_358 = arith.index_cast %parallel_loop3A_345 : i32 to index
        %parallel_loop3A_359 = arith.constant 16 : index
        %parallel_loop3A_360 = tpu.vector_load %arg27[%parallel_loop3A_358, %parallel_loop3A_359] {strides = array<i32>} : memref<112x128xf32, #tpu.memory_space<vmem>>, vector<16xf32>,
        tpu.vector_store %arg27[%parallel_loop3A_358, %parallel_loop3A_359], %parallel_loop3A_357 {strides = array<i32>} : memref<112x128xf32, #tpu.memory_space<vmem>>, vector<16xf32>,
        %parallel_loop3A_361 = arith.index_cast %parallel_loop3A_345 : i32 to index
        %parallel_loop3A_362 = arith.constant 32 : index
        %parallel_loop3A_363 = tpu.vector_load %arg25[%parallel_loop3A_361, %parallel_loop3A_362] {strides = array<i32>} : memref<112x128xbf16, #tpu.memory_space<vmem>>, vector<32xbf16>,
        %parallel_loop3A_364 = tpu.unpack_subelements %parallel_loop3A_363, 0 {pack_format = #tpu.pack_format<interleaved>} : vector<32xbf16> -> vector<16xf32>
        %parallel_loop3A_365 = tpu.unpack_subelements %parallel_loop3A_363, 1 {pack_format = #tpu.pack_format<interleaved>} : vector<32xbf16> -> vector<16xf32>
        %parallel_loop3A_366 = arith.mulf %parallel_loop3A_364, %parallel_loop3A_347 : vector<16xf32>
        %parallel_loop3A_367 = arith.index_cast %parallel_loop3A_345 : i32 to index
        %parallel_loop3A_368 = arith.constant 32 : index
        %parallel_loop3A_369 = tpu.vector_load %arg27[%parallel_loop3A_367, %parallel_loop3A_368] {strides = array<i32>} : memref<112x128xf32, #tpu.memory_space<vmem>>, vector<16xf32>,
        tpu.vector_store %arg27[%parallel_loop3A_367, %parallel_loop3A_368], %parallel_loop3A_366 {strides = array<i32>} : memref<112x128xf32, #tpu.memory_space<vmem>>, vector<16xf32>,
        %parallel_loop3A_370 = arith.mulf %parallel_loop3A_365, %parallel_loop3A_347 : vector<16xf32>
        %parallel_loop3A_371 = arith.index_cast %parallel_loop3A_345 : i32 to index
        %parallel_loop3A_372 = arith.constant 48 : index
        %parallel_loop3A_373 = tpu.vector_load %arg27[%parallel_loop3A_371, %parallel_loop3A_372] {strides = array<i32>} : memref<112x128xf32, #tpu.memory_space<vmem>>, vector<16xf32>,
        tpu.vector_store %arg27[%parallel_loop3A_371, %parallel_loop3A_372], %parallel_loop3A_370 {strides = array<i32>} : memref<112x128xf32, #tpu.memory_space<vmem>>, vector<16xf32>,
        %parallel_loop3A_374 = arith.index_cast %parallel_loop3A_345 : i32 to index
        %parallel_loop3A_375 = arith.constant 64 : index
        %parallel_loop3A_376 = tpu.vector_load %arg25[%parallel_loop3A_374, %parallel_loop3A_375] {strides = array<i32>} : memref<112x128xbf16, #tpu.memory_space<vmem>>, vector<32xbf16>,
        %parallel_loop3A_377 = tpu.unpack_subelements %parallel_loop3A_376, 0 {pack_format = #tpu.pack_format<interleaved>} : vector<32xbf16> -> vector<16xf32>
        %parallel_loop3A_378 = tpu.unpack_subelements %parallel_loop3A_376, 1 {pack_format = #tpu.pack_format<interleaved>} : vector<32xbf16> -> vector<16xf32>
        %parallel_loop3A_379 = arith.mulf %parallel_loop3A_377, %parallel_loop3A_347 : vector<16xf32>
        %parallel_loop3A_380 = arith.index_cast %parallel_loop3A_345 : i32 to index
        %parallel_loop3A_381 = arith.constant 64 : index
        %parallel_loop3A_382 = tpu.vector_load %arg27[%parallel_loop3A_380, %parallel_loop3A_381] {strides = array<i32>} : memref<112x128xf32, #tpu.memory_space<vmem>>, vector<16xf32>,
        tpu.vector_store %arg27[%parallel_loop3A_380, %parallel_loop3A_381], %parallel_loop3A_379 {strides = array<i32>} : memref<112x128xf32, #tpu.memory_space<vmem>>, vector<16xf32>,
        %parallel_loop3A_383 = arith.mulf %parallel_loop3A_378, %parallel_loop3A_347 : vector<16xf32>
        %parallel_loop3A_384 = arith.index_cast %parallel_loop3A_345 : i32 to index
        %parallel_loop3A_385 = arith.constant 80 : index
        %parallel_loop3A_386 = tpu.vector_load %arg27[%parallel_loop3A_384, %parallel_loop3A_385] {strides = array<i32>} : memref<112x128xf32, #tpu.memory_space<vmem>>, vector<16xf32>,
        tpu.vector_store %arg27[%parallel_loop3A_384, %parallel_loop3A_385], %parallel_loop3A_383 {strides = array<i32>} : memref<112x128xf32, #tpu.memory_space<vmem>>, vector<16xf32>,
        %parallel_loop3A_387 = arith.index_cast %parallel_loop3A_345 : i32 to index
        %parallel_loop3A_388 = arith.constant 96 : index
        %parallel_loop3A_389 = tpu.vector_load %arg25[%parallel_loop3A_387, %parallel_loop3A_388] {strides = array<i32>} : memref<112x128xbf16, #tpu.memory_space<vmem>>, vector<32xbf16>,
        %parallel_loop3A_390 = tpu.unpack_subelements %parallel_loop3A_389, 0 {pack_format = #tpu.pack_format<interleaved>} : vector<32xbf16> -> vector<16xf32>
        %parallel_loop3A_391 = tpu.unpack_subelements %parallel_loop3A_389, 1 {pack_format = #tpu.pack_format<interleaved>} : vector<32xbf16> -> vector<16xf32>
        %parallel_loop3A_392 = arith.mulf %parallel_loop3A_390, %parallel_loop3A_347 : vector<16xf32>
        %parallel_loop3A_393 = arith.index_cast %parallel_loop3A_345 : i32 to index
        %parallel_loop3A_394 = arith.constant 96 : index
        %parallel_loop3A_395 = tpu.vector_load %arg27[%parallel_loop3A_393, %parallel_loop3A_394] {strides = array<i32>} : memref<112x128xf32, #tpu.memory_space<vmem>>, vector<16xf32>,
        tpu.vector_store %arg27[%parallel_loop3A_393, %parallel_loop3A_394], %parallel_loop3A_392 {strides = array<i32>} : memref<112x128xf32, #tpu.memory_space<vmem>>, vector<16xf32>,
        %parallel_loop3A_396 = arith.mulf %parallel_loop3A_391, %parallel_loop3A_347 : vector<16xf32>
        %parallel_loop3A_397 = arith.index_cast %parallel_loop3A_345 : i32 to index
        %parallel_loop3A_398 = arith.constant 112 : index
        %parallel_loop3A_399 = tpu.vector_load %arg27[%parallel_loop3A_397, %parallel_loop3A_398] {strides = array<i32>} : memref<112x128xf32, #tpu.memory_space<vmem>>, vector<16xf32>,
        tpu.vector_store %arg27[%parallel_loop3A_397, %parallel_loop3A_398], %parallel_loop3A_396 {strides = array<i32>} : memref<112x128xf32, #tpu.memory_space<vmem>>, vector<16xf32>,
      } {sc.loop_unroll_factor = 4 : i64, sc.parallel_access}
      %dma_start3A_270 = arith.constant 0 : i32
      %dma_start3A_271 = arith.constant 0 : i32
      %dma_start3A_272 = tpu.memref_slice %arg29[%dma_start3A_270, %dma_start3A_271] : memref<10000x128xf32, #tpu.memory_space<vmem_shared>> -> memref<10000x128xf32, #tpu.memory_space<vmem_shared>>
      tpu.enqueue_indirect_dma source(%arg27 : memref<112x128xf32, #tpu.memory_space<vmem>>) target(%dma_start3A_272 : memref<10000x128xf32, #tpu.memory_space<vmem_shared>>) offsets(%arg13 : memref<112xi32, #tpu.memory_space<vmem>>) semaphore(%arg37 : memref<!tpu.dma_semaphore, #tpu.memory_space<semaphore_mem>>) {add = true}
      %add3A_273 = arith.constant 2 : i32
      %add3A_274 = arith.addi %add3A_251, %add3A_273 : i32
      %lt3A_275 = arith.constant 180 : i32
      %lt3A_276 = arith.cmpi slt, %add3A_274, %lt3A_275 : i32
      %convert_element_type3A_277 = arith.extui %lt3A_276 : i1 to i32
      %cond3A_278 = arith.constant 0 : i32
      %cond3A_279 = arith.cmpi ne, %convert_element_type3A_277, %cond3A_278 : i32
      scf.if %cond3A_279 {
        %add3A_345 = arith.constant 2 : i32
        %add3A_346 = arith.addi %add3A_251, %add3A_345 : i32
        %jit3A = arith.constant 2 : i32
        %div3A = arith.divsi %add3A_346, %jit3A : i32
        %sign3A = arith.constant 0 : i32
        %sign3A_347 = arith.cmpi sgt, %add3A_346, %sign3A : i32
        %sign3A_348 = arith.extui %sign3A_347 : i1 to i32
        %sign3A_349 = arith.constant 0 : i32
        %sign3A_350 = arith.cmpi slt, %add3A_346, %sign3A_349 : i32
        %sign3A_351 = arith.extui %sign3A_350 : i1 to i32
        %sign3A_352 = arith.subi %sign3A_348, %sign3A_351 : i32
        %sign3A_353 = arith.constant 0 : i32
        %sign3A_354 = arith.cmpi sgt, %jit3A, %sign3A_353 : i32
        %sign3A_355 = arith.extui %sign3A_354 : i1 to i32
        %sign3A_356 = arith.constant 0 : i32
        %sign3A_357 = arith.cmpi slt, %jit3A, %sign3A_356 : i32
        %sign3A_358 = arith.extui %sign3A_357 : i1 to i32
        %sign3A_359 = arith.subi %sign3A_355, %sign3A_358 : i32
        %ne3A = arith.cmpi ne, %sign3A_352, %sign3A_359 : i32
        %rem3A = arith.remsi %add3A_346, %jit3A : i32
        %ne3A_360 = arith.constant 0 : i32
        %ne3A_361 = arith.cmpi ne, %rem3A, %ne3A_360 : i32
        %and3A = arith.andi %ne3A, %ne3A_361 : i1
        %sub3A = arith.constant 1 : i32
        %sub3A_362 = arith.subi %div3A, %sub3A : i32
        %select_n3A = arith.select %and3A, %sub3A_362, %div3A : i32
        %dma_start3A_363 = arith.constant 0 : i32
        %dma_start3A_364 = tpu.memref_slice %arg2[%add3A, %select_n3A, %dma_start3A_363] : memref<32x90x112xi32, #tpu.memory_space<hbm>> -> memref<1x1x112xi32, #tpu.memory_space<hbm>>
        %dma_start3A_365 = tpu.memref_squeeze %dma_start3A_364 : memref<1x1x112xi32, #tpu.memory_space<hbm>> -> memref<112xi32, #tpu.memory_space<hbm>>
        %dma_start3A_366 = arith.constant 0 : i32
        %dma_start3A_367 = tpu.memref_slice %arg2[%add3A, %select_n3A, %dma_start3A_366] : memref<32x90x112xi32, #tpu.memory_space<hbm>> -> memref<1x1x112xi32, #tpu.memory_space<hbm>>
        %dma_start3A_368 = tpu.memref_squeeze %dma_start3A_367 : memref<1x1x112xi32, #tpu.memory_space<hbm>> -> memref<112xi32, #tpu.memory_space<hbm>>
        tpu.enqueue_dma source(%dma_start3A_368 : memref<112xi32, #tpu.memory_space<hbm>>) target(%arg11 : memref<112xi32, #tpu.memory_space<vmem>>) target_semaphore(%arg33 : memref<!tpu.dma_semaphore, #tpu.memory_space<semaphore_mem>>)
        %dma_start3A_369 = arith.constant 0 : i32
        %dma_start3A_370 = tpu.memref_slice %arg3[%add3A, %select_n3A, %dma_start3A_369] : memref<32x90x112xi32, #tpu.memory_space<hbm>> -> memref<1x1x112xi32, #tpu.memory_space<hbm>>
        %dma_start3A_371 = tpu.memref_squeeze %dma_start3A_370 : memref<1x1x112xi32, #tpu.memory_space<hbm>> -> memref<112xi32, #tpu.memory_space<hbm>>
        %dma_start3A_372 = arith.constant 0 : i32
        %dma_start3A_373 = tpu.memref_slice %arg3[%add3A, %select_n3A, %dma_start3A_372] : memref<32x90x112xi32, #tpu.memory_space<hbm>> -> memref<1x1x112xi32, #tpu.memory_space<hbm>>
        %dma_start3A_374 = tpu.memref_squeeze %dma_start3A_373 : memref<1x1x112xi32, #tpu.memory_space<hbm>> -> memref<112xi32, #tpu.memory_space<hbm>>
        tpu.enqueue_dma source(%dma_start3A_374 : memref<112xi32, #tpu.memory_space<hbm>>) target(%arg15 : memref<112xi32, #tpu.memory_space<vmem>>) target_semaphore(%arg33 : memref<!tpu.dma_semaphore, #tpu.memory_space<semaphore_mem>>)
        %dma_start3A_375 = arith.constant 0 : i32
        %dma_start3A_376 = tpu.memref_slice %arg4[%add3A, %select_n3A, %dma_start3A_375] : memref<32x90x112xi32, #tpu.memory_space<hbm>> -> memref<1x1x112xi32, #tpu.memory_space<hbm>>
        %dma_start3A_377 = tpu.memref_squeeze %dma_start3A_376 : memref<1x1x112xi32, #tpu.memory_space<hbm>> -> memref<112xi32, #tpu.memory_space<hbm>>
        %dma_start3A_378 = arith.constant 0 : i32
        %dma_start3A_379 = tpu.memref_slice %arg4[%add3A, %select_n3A, %dma_start3A_378] : memref<32x90x112xi32, #tpu.memory_space<hbm>> -> memref<1x1x112xi32, #tpu.memory_space<hbm>>
        %dma_start3A_380 = tpu.memref_squeeze %dma_start3A_379 : memref<1x1x112xi32, #tpu.memory_space<hbm>> -> memref<112xi32, #tpu.memory_space<hbm>>
        tpu.enqueue_dma source(%dma_start3A_380 : memref<112xi32, #tpu.memory_space<hbm>>) target(%arg19 : memref<112xi32, #tpu.memory_space<vmem>>) target_semaphore(%arg33 : memref<!tpu.dma_semaphore, #tpu.memory_space<semaphore_mem>>)
      } else {
      }
      %mul3A_280 = arith.constant 4 : i32
      %mul3A_281 = arith.muli %mul3A_280, %scan3A_219 : i32
      %add3A_282 = arith.constant 2 : i32
      %add3A_283 = arith.addi %mul3A_281, %add3A_282 : i32
      %add3A_284 = arith.constant 1 : i32
      %add3A_285 = arith.addi %add3A_283, %add3A_284 : i32
      %lt3A_286 = arith.constant 180 : i32
      %lt3A_287 = arith.cmpi slt, %add3A_285, %lt3A_286 : i32
      %convert_element_type3A_288 = arith.extui %lt3A_287 : i1 to i32
      %cond3A_289 = arith.constant 0 : i32
      %cond3A_290 = arith.cmpi ne, %convert_element_type3A_288, %cond3A_289 : i32
      scf.if %cond3A_290 {
        %add3A_345 = arith.constant 1 : i32
        %add3A_346 = arith.addi %add3A_283, %add3A_345 : i32
        %jit3A = arith.constant 2 : i32
        %div3A = arith.divsi %add3A_346, %jit3A : i32
        %sign3A = arith.constant 0 : i32
        %sign3A_347 = arith.cmpi sgt, %add3A_346, %sign3A : i32
        %sign3A_348 = arith.extui %sign3A_347 : i1 to i32
        %sign3A_349 = arith.constant 0 : i32
        %sign3A_350 = arith.cmpi slt, %add3A_346, %sign3A_349 : i32
        %sign3A_351 = arith.extui %sign3A_350 : i1 to i32
        %sign3A_352 = arith.subi %sign3A_348, %sign3A_351 : i32
        %sign3A_353 = arith.constant 0 : i32
        %sign3A_354 = arith.cmpi sgt, %jit3A, %sign3A_353 : i32
        %sign3A_355 = arith.extui %sign3A_354 : i1 to i32
        %sign3A_356 = arith.constant 0 : i32
        %sign3A_357 = arith.cmpi slt, %jit3A, %sign3A_356 : i32
        %sign3A_358 = arith.extui %sign3A_357 : i1 to i32
        %sign3A_359 = arith.subi %sign3A_355, %sign3A_358 : i32
        %ne3A = arith.cmpi ne, %sign3A_352, %sign3A_359 : i32
        %rem3A = arith.remsi %add3A_346, %jit3A : i32
        %ne3A_360 = arith.constant 0 : i32
        %ne3A_361 = arith.cmpi ne, %rem3A, %ne3A_360 : i32
        %and3A = arith.andi %ne3A, %ne3A_361 : i1
        %sub3A = arith.constant 1 : i32
        %sub3A_362 = arith.subi %div3A, %sub3A : i32
        %select_n3A = arith.select %and3A, %sub3A_362, %div3A : i32
        %dma_wait3A_363 = arith.constant 0 : i32
        %dma_wait3A_364 = tpu.memref_slice %arg2[%add3A, %select_n3A, %dma_wait3A_363] : memref<32x90x112xi32, #tpu.memory_space<hbm>> -> memref<1x1x112xi32, #tpu.memory_space<hbm>>
        %dma_wait3A_365 = tpu.memref_squeeze %dma_wait3A_364 : memref<1x1x112xi32, #tpu.memory_space<hbm>> -> memref<112xi32, #tpu.memory_space<hbm>>
        %dma_wait3A_366 = arith.constant 0 : i32
        %dma_wait3A_367 = tpu.memref_slice %arg2[%add3A, %select_n3A, %dma_wait3A_366] : memref<32x90x112xi32, #tpu.memory_space<hbm>> -> memref<1x1x112xi32, #tpu.memory_space<hbm>>
        %dma_wait3A_368 = tpu.memref_squeeze %dma_wait3A_367 : memref<1x1x112xi32, #tpu.memory_space<hbm>> -> memref<112xi32, #tpu.memory_space<hbm>>
        tpu.wait_dma2 semaphore(%arg33 : memref<!tpu.dma_semaphore, #tpu.memory_space<semaphore_mem>>) src(%dma_wait3A_368 : memref<112xi32, #tpu.memory_space<hbm>>) dst(%arg11 : memref<112xi32, #tpu.memory_space<vmem>>)
        %dma_wait3A_369 = arith.constant 0 : i32
        %dma_wait3A_370 = tpu.memref_slice %arg3[%add3A, %select_n3A, %dma_wait3A_369] : memref<32x90x112xi32, #tpu.memory_space<hbm>> -> memref<1x1x112xi32, #tpu.memory_space<hbm>>
        %dma_wait3A_371 = tpu.memref_squeeze %dma_wait3A_370 : memref<1x1x112xi32, #tpu.memory_space<hbm>> -> memref<112xi32, #tpu.memory_space<hbm>>
        %dma_wait3A_372 = arith.constant 0 : i32
        %dma_wait3A_373 = tpu.memref_slice %arg3[%add3A, %select_n3A, %dma_wait3A_372] : memref<32x90x112xi32, #tpu.memory_space<hbm>> -> memref<1x1x112xi32, #tpu.memory_space<hbm>>
        %dma_wait3A_374 = tpu.memref_squeeze %dma_wait3A_373 : memref<1x1x112xi32, #tpu.memory_space<hbm>> -> memref<112xi32, #tpu.memory_space<hbm>>
        tpu.wait_dma2 semaphore(%arg33 : memref<!tpu.dma_semaphore, #tpu.memory_space<semaphore_mem>>) src(%dma_wait3A_374 : memref<112xi32, #tpu.memory_space<hbm>>) dst(%arg15 : memref<112xi32, #tpu.memory_space<vmem>>)
        %dma_wait3A_375 = arith.constant 0 : i32
        %dma_wait3A_376 = tpu.memref_slice %arg4[%add3A, %select_n3A, %dma_wait3A_375] : memref<32x90x112xi32, #tpu.memory_space<hbm>> -> memref<1x1x112xi32, #tpu.memory_space<hbm>>
        %dma_wait3A_377 = tpu.memref_squeeze %dma_wait3A_376 : memref<1x1x112xi32, #tpu.memory_space<hbm>> -> memref<112xi32, #tpu.memory_space<hbm>>
        %dma_wait3A_378 = arith.constant 0 : i32
        %dma_wait3A_379 = tpu.memref_slice %arg4[%add3A, %select_n3A, %dma_wait3A_378] : memref<32x90x112xi32, #tpu.memory_space<hbm>> -> memref<1x1x112xi32, #tpu.memory_space<hbm>>
        %dma_wait3A_380 = tpu.memref_squeeze %dma_wait3A_379 : memref<1x1x112xi32, #tpu.memory_space<hbm>> -> memref<112xi32, #tpu.memory_space<hbm>>
        tpu.wait_dma2 semaphore(%arg33 : memref<!tpu.dma_semaphore, #tpu.memory_space<semaphore_mem>>) src(%dma_wait3A_380 : memref<112xi32, #tpu.memory_space<hbm>>) dst(%arg19 : memref<112xi32, #tpu.memory_space<vmem>>)
        %get3A_381 = arith.constant 0 : index
        %get3A_382 = tpu.vector_load %arg19[%get3A_381] {strides = array<i32>} : memref<112xi32, #tpu.memory_space<vmem>>, vector<16xi32>,
        %gather3A_383 = tpu.vector_load_idx %arg28[%get3A_382] : memref<416xf32, #tpu.memory_space<vmem>>[vector<16xi32>], vector<16xf32>,
        %swap3A_384 = arith.constant 0 : index
        %swap3A_385 = tpu.vector_load %arg23[%swap3A_384] {strides = array<i32>} : memref<112xf32, #tpu.memory_space<vmem>>, vector<16xf32>,
        tpu.vector_store %arg23[%swap3A_384], %gather3A_383 {strides = array<i32>} : memref<112xf32, #tpu.memory_space<vmem>>, vector<16xf32>,
        %get3A_386 = arith.constant 16 : index
        %get3A_387 = tpu.vector_load %arg19[%get3A_386] {strides = array<i32>} : memref<112xi32, #tpu.memory_space<vmem>>, vector<16xi32>,
        %gather3A_388 = tpu.vector_load_idx %arg28[%get3A_387] : memref<416xf32, #tpu.memory_space<vmem>>[vector<16xi32>], vector<16xf32>,
        %swap3A_389 = arith.constant 16 : index
        %swap3A_390 = tpu.vector_load %arg23[%swap3A_389] {strides = array<i32>} : memref<112xf32, #tpu.memory_space<vmem>>, vector<16xf32>,
        tpu.vector_store %arg23[%swap3A_389], %gather3A_388 {strides = array<i32>} : memref<112xf32, #tpu.memory_space<vmem>>, vector<16xf32>,
        %get3A_391 = arith.constant 32 : index
        %get3A_392 = tpu.vector_load %arg19[%get3A_391] {strides = array<i32>} : memref<112xi32, #tpu.memory_space<vmem>>, vector<16xi32>,
        %gather3A_393 = tpu.vector_load_idx %arg28[%get3A_392] : memref<416xf32, #tpu.memory_space<vmem>>[vector<16xi32>], vector<16xf32>,
        %swap3A_394 = arith.constant 32 : index
        %swap3A_395 = tpu.vector_load %arg23[%swap3A_394] {strides = array<i32>} : memref<112xf32, #tpu.memory_space<vmem>>, vector<16xf32>,
        tpu.vector_store %arg23[%swap3A_394], %gather3A_393 {strides = array<i32>} : memref<112xf32, #tpu.memory_space<vmem>>, vector<16xf32>,
        %get3A_396 = arith.constant 48 : index
        %get3A_397 = tpu.vector_load %arg19[%get3A_396] {strides = array<i32>} : memref<112xi32, #tpu.memory_space<vmem>>, vector<16xi32>,
        %gather3A_398 = tpu.vector_load_idx %arg28[%get3A_397] : memref<416xf32, #tpu.memory_space<vmem>>[vector<16xi32>], vector<16xf32>,
        %swap3A_399 = arith.constant 48 : index
        %swap3A_400 = tpu.vector_load %arg23[%swap3A_399] {strides = array<i32>} : memref<112xf32, #tpu.memory_space<vmem>>, vector<16xf32>,
        tpu.vector_store %arg23[%swap3A_399], %gather3A_398 {strides = array<i32>} : memref<112xf32, #tpu.memory_space<vmem>>, vector<16xf32>,
        %get3A_401 = arith.constant 64 : index
        %get3A_402 = tpu.vector_load %arg19[%get3A_401] {strides = array<i32>} : memref<112xi32, #tpu.memory_space<vmem>>, vector<16xi32>,
        %gather3A_403 = tpu.vector_load_idx %arg28[%get3A_402] : memref<416xf32, #tpu.memory_space<vmem>>[vector<16xi32>], vector<16xf32>,
        %swap3A_404 = arith.constant 64 : index
        %swap3A_405 = tpu.vector_load %arg23[%swap3A_404] {strides = array<i32>} : memref<112xf32, #tpu.memory_space<vmem>>, vector<16xf32>,
        tpu.vector_store %arg23[%swap3A_404], %gather3A_403 {strides = array<i32>} : memref<112xf32, #tpu.memory_space<vmem>>, vector<16xf32>,
        %get3A_406 = arith.constant 80 : index
        %get3A_407 = tpu.vector_load %arg19[%get3A_406] {strides = array<i32>} : memref<112xi32, #tpu.memory_space<vmem>>, vector<16xi32>,
        %gather3A_408 = tpu.vector_load_idx %arg28[%get3A_407] : memref<416xf32, #tpu.memory_space<vmem>>[vector<16xi32>], vector<16xf32>,
        %swap3A_409 = arith.constant 80 : index
        %swap3A_410 = tpu.vector_load %arg23[%swap3A_409] {strides = array<i32>} : memref<112xf32, #tpu.memory_space<vmem>>, vector<16xf32>,
        tpu.vector_store %arg23[%swap3A_409], %gather3A_408 {strides = array<i32>} : memref<112xf32, #tpu.memory_space<vmem>>, vector<16xf32>,
        %get3A_411 = arith.constant 96 : index
        %get3A_412 = tpu.vector_load %arg19[%get3A_411] {strides = array<i32>} : memref<112xi32, #tpu.memory_space<vmem>>, vector<16xi32>,
        %gather3A_413 = tpu.vector_load_idx %arg28[%get3A_412] : memref<416xf32, #tpu.memory_space<vmem>>[vector<16xi32>], vector<16xf32>,
        %swap3A_414 = arith.constant 96 : index
        %swap3A_415 = tpu.vector_load %arg23[%swap3A_414] {strides = array<i32>} : memref<112xf32, #tpu.memory_space<vmem>>, vector<16xf32>,
        tpu.vector_store %arg23[%swap3A_414], %gather3A_413 {strides = array<i32>} : memref<112xf32, #tpu.memory_space<vmem>>, vector<16xf32>,
        %dma_start3A_416 = arith.constant 0 : i32
        %dma_start3A_417 = arith.constant 0 : i32
        %dma_start3A_418 = tpu.memref_slice %arg6[%dma_start3A_416, %dma_start3A_417] : memref<10000x128xbf16, #tpu.memory_space<hbm>> -> memref<10000x128xbf16, #tpu.memory_space<hbm>>
        tpu.enqueue_indirect_dma source(%dma_start3A_418 : memref<10000x128xbf16, #tpu.memory_space<hbm>>) target(%arg25 : memref<112x128xbf16, #tpu.memory_space<vmem>>) offsets(%arg11 : memref<112xi32, #tpu.memory_space<vmem>>) semaphore(%arg35 : memref<!tpu.dma_semaphore, #tpu.memory_space<semaphore_mem>>)
      } else {
      }
      %dma_wait3A_291 = arith.constant 0 : i32
      %dma_wait3A_292 = arith.constant 0 : i32
      %dma_wait3A_293 = tpu.memref_slice %arg6[%dma_wait3A_291, %dma_wait3A_292] : memref<10000x128xbf16, #tpu.memory_space<hbm>> -> memref<10000x128xbf16, #tpu.memory_space<hbm>>
      tpu.wait_indirect_dma semaphore(%arg34 : memref<!tpu.dma_semaphore, #tpu.memory_space<semaphore_mem>>) src(%dma_wait3A_293 : memref<10000x128xbf16, #tpu.memory_space<hbm>>) dst(%arg24 : memref<112x128xbf16, #tpu.memory_space<vmem>>)
      %ge3A_294 = arith.constant 2 : i32
      %ge3A_295 = arith.cmpi sge, %add3A_283, %ge3A_294 : i32
      %convert_element_type3A_296 = arith.extui %ge3A_295 : i1 to i32
      %cond3A_297 = arith.constant 0 : i32
      %cond3A_298 = arith.cmpi ne, %convert_element_type3A_296, %cond3A_297 : i32
      scf.if %cond3A_298 {
        %dma_wait3A_345 = arith.constant 0 : i32
        %dma_wait3A_346 = arith.constant 0 : i32
        %dma_wait3A_347 = tpu.memref_slice %arg29[%dma_wait3A_345, %dma_wait3A_346] : memref<10000x128xf32, #tpu.memory_space<vmem_shared>> -> memref<10000x128xf32, #tpu.memory_space<vmem_shared>>
        tpu.wait_indirect_dma semaphore(%arg36 : memref<!tpu.dma_semaphore, #tpu.memory_space<semaphore_mem>>) src(%arg26 : memref<112x128xf32, #tpu.memory_space<vmem>>) dst(%dma_wait3A_347 : memref<10000x128xf32, #tpu.memory_space<vmem_shared>>)
      } else {
      }
      %parallel_loop3A_299 = arith.constant 0 : i32
      %parallel_loop3A_300 = arith.constant 112 : i32
      %parallel_loop3A_301 = arith.constant 1 : i32
      scf.for %parallel_loop3A_345 = %parallel_loop3A_299 to %parallel_loop3A_300 step %parallel_loop3A_301  : i32 {
        %parallel_loop3A_346 = vector.broadcast %parallel_loop3A_345 : i32 to vector<16xi32>
        %parallel_loop3A_347 = tpu.vector_load_idx %arg22[%parallel_loop3A_346] : memref<112xf32, #tpu.memory_space<vmem>>[vector<16xi32>], vector<16xf32>,
        %parallel_loop3A_348 = arith.index_cast %parallel_loop3A_345 : i32 to index
        %parallel_loop3A_349 = arith.constant 0 : index
        %parallel_loop3A_350 = tpu.vector_load %arg24[%parallel_loop3A_348, %parallel_loop3A_349] {strides = array<i32>} : memref<112x128xbf16, #tpu.memory_space<vmem>>, vector<32xbf16>,
        %parallel_loop3A_351 = tpu.unpack_subelements %parallel_loop3A_350, 0 {pack_format = #tpu.pack_format<interleaved>} : vector<32xbf16> -> vector<16xf32>
        %parallel_loop3A_352 = tpu.unpack_subelements %parallel_loop3A_350, 1 {pack_format = #tpu.pack_format<interleaved>} : vector<32xbf16> -> vector<16xf32>
        %parallel_loop3A_353 = arith.mulf %parallel_loop3A_351, %parallel_loop3A_347 : vector<16xf32>
        %parallel_loop3A_354 = arith.index_cast %parallel_loop3A_345 : i32 to index
        %parallel_loop3A_355 = arith.constant 0 : index
        %parallel_loop3A_356 = tpu.vector_load %arg26[%parallel_loop3A_354, %parallel_loop3A_355] {strides = array<i32>} : memref<112x128xf32, #tpu.memory_space<vmem>>, vector<16xf32>,
        tpu.vector_store %arg26[%parallel_loop3A_354, %parallel_loop3A_355], %parallel_loop3A_353 {strides = array<i32>} : memref<112x128xf32, #tpu.memory_space<vmem>>, vector<16xf32>,
        %parallel_loop3A_357 = arith.mulf %parallel_loop3A_352, %parallel_loop3A_347 : vector<16xf32>
        %parallel_loop3A_358 = arith.index_cast %parallel_loop3A_345 : i32 to index
        %parallel_loop3A_359 = arith.constant 16 : index
        %parallel_loop3A_360 = tpu.vector_load %arg26[%parallel_loop3A_358, %parallel_loop3A_359] {strides = array<i32>} : memref<112x128xf32, #tpu.memory_space<vmem>>, vector<16xf32>,
        tpu.vector_store %arg26[%parallel_loop3A_358, %parallel_loop3A_359], %parallel_loop3A_357 {strides = array<i32>} : memref<112x128xf32, #tpu.memory_space<vmem>>, vector<16xf32>,
        %parallel_loop3A_361 = arith.index_cast %parallel_loop3A_345 : i32 to index
        %parallel_loop3A_362 = arith.constant 32 : index
        %parallel_loop3A_363 = tpu.vector_load %arg24[%parallel_loop3A_361, %parallel_loop3A_362] {strides = array<i32>} : memref<112x128xbf16, #tpu.memory_space<vmem>>, vector<32xbf16>,
        %parallel_loop3A_364 = tpu.unpack_subelements %parallel_loop3A_363, 0 {pack_format = #tpu.pack_format<interleaved>} : vector<32xbf16> -> vector<16xf32>
        %parallel_loop3A_365 = tpu.unpack_subelements %parallel_loop3A_363, 1 {pack_format = #tpu.pack_format<interleaved>} : vector<32xbf16> -> vector<16xf32>
        %parallel_loop3A_366 = arith.mulf %parallel_loop3A_364, %parallel_loop3A_347 : vector<16xf32>
        %parallel_loop3A_367 = arith.index_cast %parallel_loop3A_345 : i32 to index
        %parallel_loop3A_368 = arith.constant 32 : index
        %parallel_loop3A_369 = tpu.vector_load %arg26[%parallel_loop3A_367, %parallel_loop3A_368] {strides = array<i32>} : memref<112x128xf32, #tpu.memory_space<vmem>>, vector<16xf32>,
        tpu.vector_store %arg26[%parallel_loop3A_367, %parallel_loop3A_368], %parallel_loop3A_366 {strides = array<i32>} : memref<112x128xf32, #tpu.memory_space<vmem>>, vector<16xf32>,
        %parallel_loop3A_370 = arith.mulf %parallel_loop3A_365, %parallel_loop3A_347 : vector<16xf32>
        %parallel_loop3A_371 = arith.index_cast %parallel_loop3A_345 : i32 to index
        %parallel_loop3A_372 = arith.constant 48 : index
        %parallel_loop3A_373 = tpu.vector_load %arg26[%parallel_loop3A_371, %parallel_loop3A_372] {strides = array<i32>} : memref<112x128xf32, #tpu.memory_space<vmem>>, vector<16xf32>,
        tpu.vector_store %arg26[%parallel_loop3A_371, %parallel_loop3A_372], %parallel_loop3A_370 {strides = array<i32>} : memref<112x128xf32, #tpu.memory_space<vmem>>, vector<16xf32>,
        %parallel_loop3A_374 = arith.index_cast %parallel_loop3A_345 : i32 to index
        %parallel_loop3A_375 = arith.constant 64 : index
        %parallel_loop3A_376 = tpu.vector_load %arg24[%parallel_loop3A_374, %parallel_loop3A_375] {strides = array<i32>} : memref<112x128xbf16, #tpu.memory_space<vmem>>, vector<32xbf16>,
        %parallel_loop3A_377 = tpu.unpack_subelements %parallel_loop3A_376, 0 {pack_format = #tpu.pack_format<interleaved>} : vector<32xbf16> -> vector<16xf32>
        %parallel_loop3A_378 = tpu.unpack_subelements %parallel_loop3A_376, 1 {pack_format = #tpu.pack_format<interleaved>} : vector<32xbf16> -> vector<16xf32>
        %parallel_loop3A_379 = arith.mulf %parallel_loop3A_377, %parallel_loop3A_347 : vector<16xf32>
        %parallel_loop3A_380 = arith.index_cast %parallel_loop3A_345 : i32 to index
        %parallel_loop3A_381 = arith.constant 64 : index
        %parallel_loop3A_382 = tpu.vector_load %arg26[%parallel_loop3A_380, %parallel_loop3A_381] {strides = array<i32>} : memref<112x128xf32, #tpu.memory_space<vmem>>, vector<16xf32>,
        tpu.vector_store %arg26[%parallel_loop3A_380, %parallel_loop3A_381], %parallel_loop3A_379 {strides = array<i32>} : memref<112x128xf32, #tpu.memory_space<vmem>>, vector<16xf32>,
        %parallel_loop3A_383 = arith.mulf %parallel_loop3A_378, %parallel_loop3A_347 : vector<16xf32>
        %parallel_loop3A_384 = arith.index_cast %parallel_loop3A_345 : i32 to index
        %parallel_loop3A_385 = arith.constant 80 : index
        %parallel_loop3A_386 = tpu.vector_load %arg26[%parallel_loop3A_384, %parallel_loop3A_385] {strides = array<i32>} : memref<112x128xf32, #tpu.memory_space<vmem>>, vector<16xf32>,
        tpu.vector_store %arg26[%parallel_loop3A_384, %parallel_loop3A_385], %parallel_loop3A_383 {strides = array<i32>} : memref<112x128xf32, #tpu.memory_space<vmem>>, vector<16xf32>,
        %parallel_loop3A_387 = arith.index_cast %parallel_loop3A_345 : i32 to index
        %parallel_loop3A_388 = arith.constant 96 : index
        %parallel_loop3A_389 = tpu.vector_load %arg24[%parallel_loop3A_387, %parallel_loop3A_388] {strides = array<i32>} : memref<112x128xbf16, #tpu.memory_space<vmem>>, vector<32xbf16>,
        %parallel_loop3A_390 = tpu.unpack_subelements %parallel_loop3A_389, 0 {pack_format = #tpu.pack_format<interleaved>} : vector<32xbf16> -> vector<16xf32>
        %parallel_loop3A_391 = tpu.unpack_subelements %parallel_loop3A_389, 1 {pack_format = #tpu.pack_format<interleaved>} : vector<32xbf16> -> vector<16xf32>
        %parallel_loop3A_392 = arith.mulf %parallel_loop3A_390, %parallel_loop3A_347 : vector<16xf32>
        %parallel_loop3A_393 = arith.index_cast %parallel_loop3A_345 : i32 to index
        %parallel_loop3A_394 = arith.constant 96 : index
        %parallel_loop3A_395 = tpu.vector_load %arg26[%parallel_loop3A_393, %parallel_loop3A_394] {strides = array<i32>} : memref<112x128xf32, #tpu.memory_space<vmem>>, vector<16xf32>,
        tpu.vector_store %arg26[%parallel_loop3A_393, %parallel_loop3A_394], %parallel_loop3A_392 {strides = array<i32>} : memref<112x128xf32, #tpu.memory_space<vmem>>, vector<16xf32>,
        %parallel_loop3A_396 = arith.mulf %parallel_loop3A_391, %parallel_loop3A_347 : vector<16xf32>
        %parallel_loop3A_397 = arith.index_cast %parallel_loop3A_345 : i32 to index
        %parallel_loop3A_398 = arith.constant 112 : index
        %parallel_loop3A_399 = tpu.vector_load %arg26[%parallel_loop3A_397, %parallel_loop3A_398] {strides = array<i32>} : memref<112x128xf32, #tpu.memory_space<vmem>>, vector<16xf32>,
        tpu.vector_store %arg26[%parallel_loop3A_397, %parallel_loop3A_398], %parallel_loop3A_396 {strides = array<i32>} : memref<112x128xf32, #tpu.memory_space<vmem>>, vector<16xf32>,
      } {sc.loop_unroll_factor = 4 : i64, sc.parallel_access}
      %dma_start3A_302 = arith.constant 0 : i32
      %dma_start3A_303 = arith.constant 0 : i32
      %dma_start3A_304 = tpu.memref_slice %arg29[%dma_start3A_302, %dma_start3A_303] : memref<10000x128xf32, #tpu.memory_space<vmem_shared>> -> memref<10000x128xf32, #tpu.memory_space<vmem_shared>>
      tpu.enqueue_indirect_dma source(%arg26 : memref<112x128xf32, #tpu.memory_space<vmem>>) target(%dma_start3A_304 : memref<10000x128xf32, #tpu.memory_space<vmem_shared>>) offsets(%arg14 : memref<112xi32, #tpu.memory_space<vmem>>) semaphore(%arg36 : memref<!tpu.dma_semaphore, #tpu.memory_space<semaphore_mem>>) {add = true}
      %add3A_305 = arith.constant 2 : i32
      %add3A_306 = arith.addi %add3A_283, %add3A_305 : i32
      %lt3A_307 = arith.constant 180 : i32
      %lt3A_308 = arith.cmpi slt, %add3A_306, %lt3A_307 : i32
      %convert_element_type3A_309 = arith.extui %lt3A_308 : i1 to i32
      %cond3A_310 = arith.constant 0 : i32
      %cond3A_311 = arith.cmpi ne, %convert_element_type3A_309, %cond3A_310 : i32
      scf.if %cond3A_311 {
        %add3A_345 = arith.constant 2 : i32
        %add3A_346 = arith.addi %add3A_283, %add3A_345 : i32
        %jit3A = arith.constant 2 : i32
        %div3A = arith.divsi %add3A_346, %jit3A : i32
        %sign3A = arith.constant 0 : i32
        %sign3A_347 = arith.cmpi sgt, %add3A_346, %sign3A : i32
        %sign3A_348 = arith.extui %sign3A_347 : i1 to i32
        %sign3A_349 = arith.constant 0 : i32
        %sign3A_350 = arith.cmpi slt, %add3A_346, %sign3A_349 : i32
        %sign3A_351 = arith.extui %sign3A_350 : i1 to i32
        %sign3A_352 = arith.subi %sign3A_348, %sign3A_351 : i32
        %sign3A_353 = arith.constant 0 : i32
        %sign3A_354 = arith.cmpi sgt, %jit3A, %sign3A_353 : i32
        %sign3A_355 = arith.extui %sign3A_354 : i1 to i32
        %sign3A_356 = arith.constant 0 : i32
        %sign3A_357 = arith.cmpi slt, %jit3A, %sign3A_356 : i32
        %sign3A_358 = arith.extui %sign3A_357 : i1 to i32
        %sign3A_359 = arith.subi %sign3A_355, %sign3A_358 : i32
        %ne3A = arith.cmpi ne, %sign3A_352, %sign3A_359 : i32
        %rem3A = arith.remsi %add3A_346, %jit3A : i32
        %ne3A_360 = arith.constant 0 : i32
        %ne3A_361 = arith.cmpi ne, %rem3A, %ne3A_360 : i32
        %and3A = arith.andi %ne3A, %ne3A_361 : i1
        %sub3A = arith.constant 1 : i32
        %sub3A_362 = arith.subi %div3A, %sub3A : i32
        %select_n3A = arith.select %and3A, %sub3A_362, %div3A : i32
        %dma_start3A_363 = arith.constant 0 : i32
        %dma_start3A_364 = tpu.memref_slice %arg3[%add3A, %select_n3A, %dma_start3A_363] : memref<32x90x112xi32, #tpu.memory_space<hbm>> -> memref<1x1x112xi32, #tpu.memory_space<hbm>>
        %dma_start3A_365 = tpu.memref_squeeze %dma_start3A_364 : memref<1x1x112xi32, #tpu.memory_space<hbm>> -> memref<112xi32, #tpu.memory_space<hbm>>
        %dma_start3A_366 = arith.constant 0 : i32
        %dma_start3A_367 = tpu.memref_slice %arg3[%add3A, %select_n3A, %dma_start3A_366] : memref<32x90x112xi32, #tpu.memory_space<hbm>> -> memref<1x1x112xi32, #tpu.memory_space<hbm>>
        %dma_start3A_368 = tpu.memref_squeeze %dma_start3A_367 : memref<1x1x112xi32, #tpu.memory_space<hbm>> -> memref<112xi32, #tpu.memory_space<hbm>>
        tpu.enqueue_dma source(%dma_start3A_368 : memref<112xi32, #tpu.memory_space<hbm>>) target(%arg8 : memref<112xi32, #tpu.memory_space<vmem>>) target_semaphore(%arg30 : memref<!tpu.dma_semaphore, #tpu.memory_space<semaphore_mem>>)
        %dma_start3A_369 = arith.constant 0 : i32
        %dma_start3A_370 = tpu.memref_slice %arg2[%add3A, %select_n3A, %dma_start3A_369] : memref<32x90x112xi32, #tpu.memory_space<hbm>> -> memref<1x1x112xi32, #tpu.memory_space<hbm>>
        %dma_start3A_371 = tpu.memref_squeeze %dma_start3A_370 : memref<1x1x112xi32, #tpu.memory_space<hbm>> -> memref<112xi32, #tpu.memory_space<hbm>>
        %dma_start3A_372 = arith.constant 0 : i32
        %dma_start3A_373 = tpu.memref_slice %arg2[%add3A, %select_n3A, %dma_start3A_372] : memref<32x90x112xi32, #tpu.memory_space<hbm>> -> memref<1x1x112xi32, #tpu.memory_space<hbm>>
        %dma_start3A_374 = tpu.memref_squeeze %dma_start3A_373 : memref<1x1x112xi32, #tpu.memory_space<hbm>> -> memref<112xi32, #tpu.memory_space<hbm>>
        tpu.enqueue_dma source(%dma_start3A_374 : memref<112xi32, #tpu.memory_space<hbm>>) target(%arg12 : memref<112xi32, #tpu.memory_space<vmem>>) target_semaphore(%arg30 : memref<!tpu.dma_semaphore, #tpu.memory_space<semaphore_mem>>)
        %dma_start3A_375 = arith.constant 0 : i32
        %dma_start3A_376 = tpu.memref_slice %arg4[%add3A, %select_n3A, %dma_start3A_375] : memref<32x90x112xi32, #tpu.memory_space<hbm>> -> memref<1x1x112xi32, #tpu.memory_space<hbm>>
        %dma_start3A_377 = tpu.memref_squeeze %dma_start3A_376 : memref<1x1x112xi32, #tpu.memory_space<hbm>> -> memref<112xi32, #tpu.memory_space<hbm>>
        %dma_start3A_378 = arith.constant 0 : i32
        %dma_start3A_379 = tpu.memref_slice %arg4[%add3A, %select_n3A, %dma_start3A_378] : memref<32x90x112xi32, #tpu.memory_space<hbm>> -> memref<1x1x112xi32, #tpu.memory_space<hbm>>
        %dma_start3A_380 = tpu.memref_squeeze %dma_start3A_379 : memref<1x1x112xi32, #tpu.memory_space<hbm>> -> memref<112xi32, #tpu.memory_space<hbm>>
        tpu.enqueue_dma source(%dma_start3A_380 : memref<112xi32, #tpu.memory_space<hbm>>) target(%arg16 : memref<112xi32, #tpu.memory_space<vmem>>) target_semaphore(%arg30 : memref<!tpu.dma_semaphore, #tpu.memory_space<semaphore_mem>>)
      } else {
      }
      %mul3A_312 = arith.constant 4 : i32
      %mul3A_313 = arith.muli %mul3A_312, %scan3A_219 : i32
      %add3A_314 = arith.constant 3 : i32
      %add3A_315 = arith.addi %mul3A_313, %add3A_314 : i32
      %add3A_316 = arith.constant 1 : i32
      %add3A_317 = arith.addi %add3A_315, %add3A_316 : i32
      %lt3A_318 = arith.constant 180 : i32
      %lt3A_319 = arith.cmpi slt, %add3A_317, %lt3A_318 : i32
      %convert_element_type3A_320 = arith.extui %lt3A_319 : i1 to i32
      %cond3A_321 = arith.constant 0 : i32
      %cond3A_322 = arith.cmpi ne, %convert_element_type3A_320, %cond3A_321 : i32
      scf.if %cond3A_322 {
        %add3A_345 = arith.constant 1 : i32
        %add3A_346 = arith.addi %add3A_315, %add3A_345 : i32
        %jit3A = arith.constant 2 : i32
        %div3A = arith.divsi %add3A_346, %jit3A : i32
        %sign3A = arith.constant 0 : i32
        %sign3A_347 = arith.cmpi sgt, %add3A_346, %sign3A : i32
        %sign3A_348 = arith.extui %sign3A_347 : i1 to i32
        %sign3A_349 = arith.constant 0 : i32
        %sign3A_350 = arith.cmpi slt, %add3A_346, %sign3A_349 : i32
        %sign3A_351 = arith.extui %sign3A_350 : i1 to i32
        %sign3A_352 = arith.subi %sign3A_348, %sign3A_351 : i32
        %sign3A_353 = arith.constant 0 : i32
        %sign3A_354 = arith.cmpi sgt, %jit3A, %sign3A_353 : i32
        %sign3A_355 = arith.extui %sign3A_354 : i1 to i32
        %sign3A_356 = arith.constant 0 : i32
        %sign3A_357 = arith.cmpi slt, %jit3A, %sign3A_356 : i32
        %sign3A_358 = arith.extui %sign3A_357 : i1 to i32
        %sign3A_359 = arith.subi %sign3A_355, %sign3A_358 : i32
        %ne3A = arith.cmpi ne, %sign3A_352, %sign3A_359 : i32
        %rem3A = arith.remsi %add3A_346, %jit3A : i32
        %ne3A_360 = arith.constant 0 : i32
        %ne3A_361 = arith.cmpi ne, %rem3A, %ne3A_360 : i32
        %and3A = arith.andi %ne3A, %ne3A_361 : i1
        %sub3A = arith.constant 1 : i32
        %sub3A_362 = arith.subi %div3A, %sub3A : i32
        %select_n3A = arith.select %and3A, %sub3A_362, %div3A : i32
        %dma_wait3A_363 = arith.constant 0 : i32
        %dma_wait3A_364 = tpu.memref_slice %arg3[%add3A, %select_n3A, %dma_wait3A_363] : memref<32x90x112xi32, #tpu.memory_space<hbm>> -> memref<1x1x112xi32, #tpu.memory_space<hbm>>
        %dma_wait3A_365 = tpu.memref_squeeze %dma_wait3A_364 : memref<1x1x112xi32, #tpu.memory_space<hbm>> -> memref<112xi32, #tpu.memory_space<hbm>>
        %dma_wait3A_366 = arith.constant 0 : i32
        %dma_wait3A_367 = tpu.memref_slice %arg3[%add3A, %select_n3A, %dma_wait3A_366] : memref<32x90x112xi32, #tpu.memory_space<hbm>> -> memref<1x1x112xi32, #tpu.memory_space<hbm>>
        %dma_wait3A_368 = tpu.memref_squeeze %dma_wait3A_367 : memref<1x1x112xi32, #tpu.memory_space<hbm>> -> memref<112xi32, #tpu.memory_space<hbm>>
        tpu.wait_dma2 semaphore(%arg30 : memref<!tpu.dma_semaphore, #tpu.memory_space<semaphore_mem>>) src(%dma_wait3A_368 : memref<112xi32, #tpu.memory_space<hbm>>) dst(%arg8 : memref<112xi32, #tpu.memory_space<vmem>>)
        %dma_wait3A_369 = arith.constant 0 : i32
        %dma_wait3A_370 = tpu.memref_slice %arg2[%add3A, %select_n3A, %dma_wait3A_369] : memref<32x90x112xi32, #tpu.memory_space<hbm>> -> memref<1x1x112xi32, #tpu.memory_space<hbm>>
        %dma_wait3A_371 = tpu.memref_squeeze %dma_wait3A_370 : memref<1x1x112xi32, #tpu.memory_space<hbm>> -> memref<112xi32, #tpu.memory_space<hbm>>
        %dma_wait3A_372 = arith.constant 0 : i32
        %dma_wait3A_373 = tpu.memref_slice %arg2[%add3A, %select_n3A, %dma_wait3A_372] : memref<32x90x112xi32, #tpu.memory_space<hbm>> -> memref<1x1x112xi32, #tpu.memory_space<hbm>>
        %dma_wait3A_374 = tpu.memref_squeeze %dma_wait3A_373 : memref<1x1x112xi32, #tpu.memory_space<hbm>> -> memref<112xi32, #tpu.memory_space<hbm>>
        tpu.wait_dma2 semaphore(%arg30 : memref<!tpu.dma_semaphore, #tpu.memory_space<semaphore_mem>>) src(%dma_wait3A_374 : memref<112xi32, #tpu.memory_space<hbm>>) dst(%arg12 : memref<112xi32, #tpu.memory_space<vmem>>)
        %dma_wait3A_375 = arith.constant 0 : i32
        %dma_wait3A_376 = tpu.memref_slice %arg4[%add3A, %select_n3A, %dma_wait3A_375] : memref<32x90x112xi32, #tpu.memory_space<hbm>> -> memref<1x1x112xi32, #tpu.memory_space<hbm>>
        %dma_wait3A_377 = tpu.memref_squeeze %dma_wait3A_376 : memref<1x1x112xi32, #tpu.memory_space<hbm>> -> memref<112xi32, #tpu.memory_space<hbm>>
        %dma_wait3A_378 = arith.constant 0 : i32
        %dma_wait3A_379 = tpu.memref_slice %arg4[%add3A, %select_n3A, %dma_wait3A_378] : memref<32x90x112xi32, #tpu.memory_space<hbm>> -> memref<1x1x112xi32, #tpu.memory_space<hbm>>
        %dma_wait3A_380 = tpu.memref_squeeze %dma_wait3A_379 : memref<1x1x112xi32, #tpu.memory_space<hbm>> -> memref<112xi32, #tpu.memory_space<hbm>>
        tpu.wait_dma2 semaphore(%arg30 : memref<!tpu.dma_semaphore, #tpu.memory_space<semaphore_mem>>) src(%dma_wait3A_380 : memref<112xi32, #tpu.memory_space<hbm>>) dst(%arg16 : memref<112xi32, #tpu.memory_space<vmem>>)
        %get3A_381 = arith.constant 0 : index
        %get3A_382 = tpu.vector_load %arg16[%get3A_381] {strides = array<i32>} : memref<112xi32, #tpu.memory_space<vmem>>, vector<16xi32>,
        %gather3A_383 = tpu.vector_load_idx %arg28[%get3A_382] : memref<416xf32, #tpu.memory_space<vmem>>[vector<16xi32>], vector<16xf32>,
        %swap3A_384 = arith.constant 0 : index
        %swap3A_385 = tpu.vector_load %arg20[%swap3A_384] {strides = array<i32>} : memref<112xf32, #tpu.memory_space<vmem>>, vector<16xf32>,
        tpu.vector_store %arg20[%swap3A_384], %gather3A_383 {strides = array<i32>} : memref<112xf32, #tpu.memory_space<vmem>>, vector<16xf32>,
        %get3A_386 = arith.constant 16 : index
        %get3A_387 = tpu.vector_load %arg16[%get3A_386] {strides = array<i32>} : memref<112xi32, #tpu.memory_space<vmem>>, vector<16xi32>,
        %gather3A_388 = tpu.vector_load_idx %arg28[%get3A_387] : memref<416xf32, #tpu.memory_space<vmem>>[vector<16xi32>], vector<16xf32>,
        %swap3A_389 = arith.constant 16 : index
        %swap3A_390 = tpu.vector_load %arg20[%swap3A_389] {strides = array<i32>} : memref<112xf32, #tpu.memory_space<vmem>>, vector<16xf32>,
        tpu.vector_store %arg20[%swap3A_389], %gather3A_388 {strides = array<i32>} : memref<112xf32, #tpu.memory_space<vmem>>, vector<16xf32>,
        %get3A_391 = arith.constant 32 : index
        %get3A_392 = tpu.vector_load %arg16[%get3A_391] {strides = array<i32>} : memref<112xi32, #tpu.memory_space<vmem>>, vector<16xi32>,
        %gather3A_393 = tpu.vector_load_idx %arg28[%get3A_392] : memref<416xf32, #tpu.memory_space<vmem>>[vector<16xi32>], vector<16xf32>,
        %swap3A_394 = arith.constant 32 : index
        %swap3A_395 = tpu.vector_load %arg20[%swap3A_394] {strides = array<i32>} : memref<112xf32, #tpu.memory_space<vmem>>, vector<16xf32>,
        tpu.vector_store %arg20[%swap3A_394], %gather3A_393 {strides = array<i32>} : memref<112xf32, #tpu.memory_space<vmem>>, vector<16xf32>,
        %get3A_396 = arith.constant 48 : index
        %get3A_397 = tpu.vector_load %arg16[%get3A_396] {strides = array<i32>} : memref<112xi32, #tpu.memory_space<vmem>>, vector<16xi32>,
        %gather3A_398 = tpu.vector_load_idx %arg28[%get3A_397] : memref<416xf32, #tpu.memory_space<vmem>>[vector<16xi32>], vector<16xf32>,
        %swap3A_399 = arith.constant 48 : index
        %swap3A_400 = tpu.vector_load %arg20[%swap3A_399] {strides = array<i32>} : memref<112xf32, #tpu.memory_space<vmem>>, vector<16xf32>,
        tpu.vector_store %arg20[%swap3A_399], %gather3A_398 {strides = array<i32>} : memref<112xf32, #tpu.memory_space<vmem>>, vector<16xf32>,
        %get3A_401 = arith.constant 64 : index
        %get3A_402 = tpu.vector_load %arg16[%get3A_401] {strides = array<i32>} : memref<112xi32, #tpu.memory_space<vmem>>, vector<16xi32>,
        %gather3A_403 = tpu.vector_load_idx %arg28[%get3A_402] : memref<416xf32, #tpu.memory_space<vmem>>[vector<16xi32>], vector<16xf32>,
        %swap3A_404 = arith.constant 64 : index
        %swap3A_405 = tpu.vector_load %arg20[%swap3A_404] {strides = array<i32>} : memref<112xf32, #tpu.memory_space<vmem>>, vector<16xf32>,
        tpu.vector_store %arg20[%swap3A_404], %gather3A_403 {strides = array<i32>} : memref<112xf32, #tpu.memory_space<vmem>>, vector<16xf32>,
        %get3A_406 = arith.constant 80 : index
        %get3A_407 = tpu.vector_load %arg16[%get3A_406] {strides = array<i32>} : memref<112xi32, #tpu.memory_space<vmem>>, vector<16xi32>,
        %gather3A_408 = tpu.vector_load_idx %arg28[%get3A_407] : memref<416xf32, #tpu.memory_space<vmem>>[vector<16xi32>], vector<16xf32>,
        %swap3A_409 = arith.constant 80 : index
        %swap3A_410 = tpu.vector_load %arg20[%swap3A_409] {strides = array<i32>} : memref<112xf32, #tpu.memory_space<vmem>>, vector<16xf32>,
        tpu.vector_store %arg20[%swap3A_409], %gather3A_408 {strides = array<i32>} : memref<112xf32, #tpu.memory_space<vmem>>, vector<16xf32>,
        %get3A_411 = arith.constant 96 : index
        %get3A_412 = tpu.vector_load %arg16[%get3A_411] {strides = array<i32>} : memref<112xi32, #tpu.memory_space<vmem>>, vector<16xi32>,
        %gather3A_413 = tpu.vector_load_idx %arg28[%get3A_412] : memref<416xf32, #tpu.memory_space<vmem>>[vector<16xi32>], vector<16xf32>,
        %swap3A_414 = arith.constant 96 : index
        %swap3A_415 = tpu.vector_load %arg20[%swap3A_414] {strides = array<i32>} : memref<112xf32, #tpu.memory_space<vmem>>, vector<16xf32>,
        tpu.vector_store %arg20[%swap3A_414], %gather3A_413 {strides = array<i32>} : memref<112xf32, #tpu.memory_space<vmem>>, vector<16xf32>,
        %dma_start3A_416 = arith.constant 0 : i32
        %dma_start3A_417 = arith.constant 0 : i32
        %dma_start3A_418 = tpu.memref_slice %arg6[%dma_start3A_416, %dma_start3A_417] : memref<10000x128xbf16, #tpu.memory_space<hbm>> -> memref<10000x128xbf16, #tpu.memory_space<hbm>>
        tpu.enqueue_indirect_dma source(%dma_start3A_418 : memref<10000x128xbf16, #tpu.memory_space<hbm>>) target(%arg24 : memref<112x128xbf16, #tpu.memory_space<vmem>>) offsets(%arg8 : memref<112xi32, #tpu.memory_space<vmem>>) semaphore(%arg34 : memref<!tpu.dma_semaphore, #tpu.memory_space<semaphore_mem>>)
      } else {
      }
      %dma_wait3A_323 = arith.constant 0 : i32
      %dma_wait3A_324 = arith.constant 0 : i32
      %dma_wait3A_325 = tpu.memref_slice %arg6[%dma_wait3A_323, %dma_wait3A_324] : memref<10000x128xbf16, #tpu.memory_space<hbm>> -> memref<10000x128xbf16, #tpu.memory_space<hbm>>
      tpu.wait_indirect_dma semaphore(%arg35 : memref<!tpu.dma_semaphore, #tpu.memory_space<semaphore_mem>>) src(%dma_wait3A_325 : memref<10000x128xbf16, #tpu.memory_space<hbm>>) dst(%arg25 : memref<112x128xbf16, #tpu.memory_space<vmem>>)
      %ge3A_326 = arith.constant 2 : i32
      %ge3A_327 = arith.cmpi sge, %add3A_315, %ge3A_326 : i32
      %convert_element_type3A_328 = arith.extui %ge3A_327 : i1 to i32
      %cond3A_329 = arith.constant 0 : i32
      %cond3A_330 = arith.cmpi ne, %convert_element_type3A_328, %cond3A_329 : i32
      scf.if %cond3A_330 {
        %dma_wait3A_345 = arith.constant 0 : i32
        %dma_wait3A_346 = arith.constant 0 : i32
        %dma_wait3A_347 = tpu.memref_slice %arg29[%dma_wait3A_345, %dma_wait3A_346] : memref<10000x128xf32, #tpu.memory_space<vmem_shared>> -> memref<10000x128xf32, #tpu.memory_space<vmem_shared>>
        tpu.wait_indirect_dma semaphore(%arg37 : memref<!tpu.dma_semaphore, #tpu.memory_space<semaphore_mem>>) src(%arg27 : memref<112x128xf32, #tpu.memory_space<vmem>>) dst(%dma_wait3A_347 : memref<10000x128xf32, #tpu.memory_space<vmem_shared>>)
      } else {
      }
      %parallel_loop3A_331 = arith.constant 0 : i32
      %parallel_loop3A_332 = arith.constant 112 : i32
      %parallel_loop3A_333 = arith.constant 1 : i32
      scf.for %parallel_loop3A_345 = %parallel_loop3A_331 to %parallel_loop3A_332 step %parallel_loop3A_333  : i32 {
        %parallel_loop3A_346 = vector.broadcast %parallel_loop3A_345 : i32 to vector<16xi32>
        %parallel_loop3A_347 = tpu.vector_load_idx %arg23[%parallel_loop3A_346] : memref<112xf32, #tpu.memory_space<vmem>>[vector<16xi32>], vector<16xf32>,
        %parallel_loop3A_348 = arith.index_cast %parallel_loop3A_345 : i32 to index
        %parallel_loop3A_349 = arith.constant 0 : index
        %parallel_loop3A_350 = tpu.vector_load %arg25[%parallel_loop3A_348, %parallel_loop3A_349] {strides = array<i32>} : memref<112x128xbf16, #tpu.memory_space<vmem>>, vector<32xbf16>,
        %parallel_loop3A_351 = tpu.unpack_subelements %parallel_loop3A_350, 0 {pack_format = #tpu.pack_format<interleaved>} : vector<32xbf16> -> vector<16xf32>
        %parallel_loop3A_352 = tpu.unpack_subelements %parallel_loop3A_350, 1 {pack_format = #tpu.pack_format<interleaved>} : vector<32xbf16> -> vector<16xf32>
        %parallel_loop3A_353 = arith.mulf %parallel_loop3A_351, %parallel_loop3A_347 : vector<16xf32>
        %parallel_loop3A_354 = arith.index_cast %parallel_loop3A_345 : i32 to index
        %parallel_loop3A_355 = arith.constant 0 : index
        %parallel_loop3A_356 = tpu.vector_load %arg27[%parallel_loop3A_354, %parallel_loop3A_355] {strides = array<i32>} : memref<112x128xf32, #tpu.memory_space<vmem>>, vector<16xf32>,
        tpu.vector_store %arg27[%parallel_loop3A_354, %parallel_loop3A_355], %parallel_loop3A_353 {strides = array<i32>} : memref<112x128xf32, #tpu.memory_space<vmem>>, vector<16xf32>,
        %parallel_loop3A_357 = arith.mulf %parallel_loop3A_352, %parallel_loop3A_347 : vector<16xf32>
        %parallel_loop3A_358 = arith.index_cast %parallel_loop3A_345 : i32 to index
        %parallel_loop3A_359 = arith.constant 16 : index
        %parallel_loop3A_360 = tpu.vector_load %arg27[%parallel_loop3A_358, %parallel_loop3A_359] {strides = array<i32>} : memref<112x128xf32, #tpu.memory_space<vmem>>, vector<16xf32>,
        tpu.vector_store %arg27[%parallel_loop3A_358, %parallel_loop3A_359], %parallel_loop3A_357 {strides = array<i32>} : memref<112x128xf32, #tpu.memory_space<vmem>>, vector<16xf32>,
        %parallel_loop3A_361 = arith.index_cast %parallel_loop3A_345 : i32 to index
        %parallel_loop3A_362 = arith.constant 32 : index
        %parallel_loop3A_363 = tpu.vector_load %arg25[%parallel_loop3A_361, %parallel_loop3A_362] {strides = array<i32>} : memref<112x128xbf16, #tpu.memory_space<vmem>>, vector<32xbf16>,
        %parallel_loop3A_364 = tpu.unpack_subelements %parallel_loop3A_363, 0 {pack_format = #tpu.pack_format<interleaved>} : vector<32xbf16> -> vector<16xf32>
        %parallel_loop3A_365 = tpu.unpack_subelements %parallel_loop3A_363, 1 {pack_format = #tpu.pack_format<interleaved>} : vector<32xbf16> -> vector<16xf32>
        %parallel_loop3A_366 = arith.mulf %parallel_loop3A_364, %parallel_loop3A_347 : vector<16xf32>
        %parallel_loop3A_367 = arith.index_cast %parallel_loop3A_345 : i32 to index
        %parallel_loop3A_368 = arith.constant 32 : index
        %parallel_loop3A_369 = tpu.vector_load %arg27[%parallel_loop3A_367, %parallel_loop3A_368] {strides = array<i32>} : memref<112x128xf32, #tpu.memory_space<vmem>>, vector<16xf32>,
        tpu.vector_store %arg27[%parallel_loop3A_367, %parallel_loop3A_368], %parallel_loop3A_366 {strides = array<i32>} : memref<112x128xf32, #tpu.memory_space<vmem>>, vector<16xf32>,
        %parallel_loop3A_370 = arith.mulf %parallel_loop3A_365, %parallel_loop3A_347 : vector<16xf32>
        %parallel_loop3A_371 = arith.index_cast %parallel_loop3A_345 : i32 to index
        %parallel_loop3A_372 = arith.constant 48 : index
        %parallel_loop3A_373 = tpu.vector_load %arg27[%parallel_loop3A_371, %parallel_loop3A_372] {strides = array<i32>} : memref<112x128xf32, #tpu.memory_space<vmem>>, vector<16xf32>,
        tpu.vector_store %arg27[%parallel_loop3A_371, %parallel_loop3A_372], %parallel_loop3A_370 {strides = array<i32>} : memref<112x128xf32, #tpu.memory_space<vmem>>, vector<16xf32>,
        %parallel_loop3A_374 = arith.index_cast %parallel_loop3A_345 : i32 to index
        %parallel_loop3A_375 = arith.constant 64 : index
        %parallel_loop3A_376 = tpu.vector_load %arg25[%parallel_loop3A_374, %parallel_loop3A_375] {strides = array<i32>} : memref<112x128xbf16, #tpu.memory_space<vmem>>, vector<32xbf16>,
        %parallel_loop3A_377 = tpu.unpack_subelements %parallel_loop3A_376, 0 {pack_format = #tpu.pack_format<interleaved>} : vector<32xbf16> -> vector<16xf32>
        %parallel_loop3A_378 = tpu.unpack_subelements %parallel_loop3A_376, 1 {pack_format = #tpu.pack_format<interleaved>} : vector<32xbf16> -> vector<16xf32>
        %parallel_loop3A_379 = arith.mulf %parallel_loop3A_377, %parallel_loop3A_347 : vector<16xf32>
        %parallel_loop3A_380 = arith.index_cast %parallel_loop3A_345 : i32 to index
        %parallel_loop3A_381 = arith.constant 64 : index
        %parallel_loop3A_382 = tpu.vector_load %arg27[%parallel_loop3A_380, %parallel_loop3A_381] {strides = array<i32>} : memref<112x128xf32, #tpu.memory_space<vmem>>, vector<16xf32>,
        tpu.vector_store %arg27[%parallel_loop3A_380, %parallel_loop3A_381], %parallel_loop3A_379 {strides = array<i32>} : memref<112x128xf32, #tpu.memory_space<vmem>>, vector<16xf32>,
        %parallel_loop3A_383 = arith.mulf %parallel_loop3A_378, %parallel_loop3A_347 : vector<16xf32>
        %parallel_loop3A_384 = arith.index_cast %parallel_loop3A_345 : i32 to index
        %parallel_loop3A_385 = arith.constant 80 : index
        %parallel_loop3A_386 = tpu.vector_load %arg27[%parallel_loop3A_384, %parallel_loop3A_385] {strides = array<i32>} : memref<112x128xf32, #tpu.memory_space<vmem>>, vector<16xf32>,
        tpu.vector_store %arg27[%parallel_loop3A_384, %parallel_loop3A_385], %parallel_loop3A_383 {strides = array<i32>} : memref<112x128xf32, #tpu.memory_space<vmem>>, vector<16xf32>,
        %parallel_loop3A_387 = arith.index_cast %parallel_loop3A_345 : i32 to index
        %parallel_loop3A_388 = arith.constant 96 : index
        %parallel_loop3A_389 = tpu.vector_load %arg25[%parallel_loop3A_387, %parallel_loop3A_388] {strides = array<i32>} : memref<112x128xbf16, #tpu.memory_space<vmem>>, vector<32xbf16>,
        %parallel_loop3A_390 = tpu.unpack_subelements %parallel_loop3A_389, 0 {pack_format = #tpu.pack_format<interleaved>} : vector<32xbf16> -> vector<16xf32>
        %parallel_loop3A_391 = tpu.unpack_subelements %parallel_loop3A_389, 1 {pack_format = #tpu.pack_format<interleaved>} : vector<32xbf16> -> vector<16xf32>
        %parallel_loop3A_392 = arith.mulf %parallel_loop3A_390, %parallel_loop3A_347 : vector<16xf32>
        %parallel_loop3A_393 = arith.index_cast %parallel_loop3A_345 : i32 to index
        %parallel_loop3A_394 = arith.constant 96 : index
        %parallel_loop3A_395 = tpu.vector_load %arg27[%parallel_loop3A_393, %parallel_loop3A_394] {strides = array<i32>} : memref<112x128xf32, #tpu.memory_space<vmem>>, vector<16xf32>,
        tpu.vector_store %arg27[%parallel_loop3A_393, %parallel_loop3A_394], %parallel_loop3A_392 {strides = array<i32>} : memref<112x128xf32, #tpu.memory_space<vmem>>, vector<16xf32>,
        %parallel_loop3A_396 = arith.mulf %parallel_loop3A_391, %parallel_loop3A_347 : vector<16xf32>
        %parallel_loop3A_397 = arith.index_cast %parallel_loop3A_345 : i32 to index
        %parallel_loop3A_398 = arith.constant 112 : index
        %parallel_loop3A_399 = tpu.vector_load %arg27[%parallel_loop3A_397, %parallel_loop3A_398] {strides = array<i32>} : memref<112x128xf32, #tpu.memory_space<vmem>>, vector<16xf32>,
        tpu.vector_store %arg27[%parallel_loop3A_397, %parallel_loop3A_398], %parallel_loop3A_396 {strides = array<i32>} : memref<112x128xf32, #tpu.memory_space<vmem>>, vector<16xf32>,
      } {sc.loop_unroll_factor = 4 : i64, sc.parallel_access}
      %dma_start3A_334 = arith.constant 0 : i32
      %dma_start3A_335 = arith.constant 0 : i32
      %dma_start3A_336 = tpu.memref_slice %arg29[%dma_start3A_334, %dma_start3A_335] : memref<10000x128xf32, #tpu.memory_space<vmem_shared>> -> memref<10000x128xf32, #tpu.memory_space<vmem_shared>>
      tpu.enqueue_indirect_dma source(%arg27 : memref<112x128xf32, #tpu.memory_space<vmem>>) target(%dma_start3A_336 : memref<10000x128xf32, #tpu.memory_space<vmem_shared>>) offsets(%arg15 : memref<112xi32, #tpu.memory_space<vmem>>) semaphore(%arg37 : memref<!tpu.dma_semaphore, #tpu.memory_space<semaphore_mem>>) {add = true}
      %add3A_337 = arith.constant 2 : i32
      %add3A_338 = arith.addi %add3A_315, %add3A_337 : i32
      %lt3A_339 = arith.constant 180 : i32
      %lt3A_340 = arith.cmpi slt, %add3A_338, %lt3A_339 : i32
      %convert_element_type3A_341 = arith.extui %lt3A_340 : i1 to i32
      %cond3A_342 = arith.constant 0 : i32
      %cond3A_343 = arith.cmpi ne, %convert_element_type3A_341, %cond3A_342 : i32
      scf.if %cond3A_343 {
        %add3A_345 = arith.constant 2 : i32
        %add3A_346 = arith.addi %add3A_315, %add3A_345 : i32
        %jit3A = arith.constant 2 : i32
        %div3A = arith.divsi %add3A_346, %jit3A : i32
        %sign3A = arith.constant 0 : i32
        %sign3A_347 = arith.cmpi sgt, %add3A_346, %sign3A : i32
        %sign3A_348 = arith.extui %sign3A_347 : i1 to i32
        %sign3A_349 = arith.constant 0 : i32
        %sign3A_350 = arith.cmpi slt, %add3A_346, %sign3A_349 : i32
        %sign3A_351 = arith.extui %sign3A_350 : i1 to i32
        %sign3A_352 = arith.subi %sign3A_348, %sign3A_351 : i32
        %sign3A_353 = arith.constant 0 : i32
        %sign3A_354 = arith.cmpi sgt, %jit3A, %sign3A_353 : i32
        %sign3A_355 = arith.extui %sign3A_354 : i1 to i32
        %sign3A_356 = arith.constant 0 : i32
        %sign3A_357 = arith.cmpi slt, %jit3A, %sign3A_356 : i32
        %sign3A_358 = arith.extui %sign3A_357 : i1 to i32
        %sign3A_359 = arith.subi %sign3A_355, %sign3A_358 : i32
        %ne3A = arith.cmpi ne, %sign3A_352, %sign3A_359 : i32
        %rem3A = arith.remsi %add3A_346, %jit3A : i32
        %ne3A_360 = arith.constant 0 : i32
        %ne3A_361 = arith.cmpi ne, %rem3A, %ne3A_360 : i32
        %and3A = arith.andi %ne3A, %ne3A_361 : i1
        %sub3A = arith.constant 1 : i32
        %sub3A_362 = arith.subi %div3A, %sub3A : i32
        %select_n3A = arith.select %and3A, %sub3A_362, %div3A : i32
        %dma_start3A_363 = arith.constant 0 : i32
        %dma_start3A_364 = tpu.memref_slice %arg2[%add3A, %select_n3A, %dma_start3A_363] : memref<32x90x112xi32, #tpu.memory_space<hbm>> -> memref<1x1x112xi32, #tpu.memory_space<hbm>>
        %dma_start3A_365 = tpu.memref_squeeze %dma_start3A_364 : memref<1x1x112xi32, #tpu.memory_space<hbm>> -> memref<112xi32, #tpu.memory_space<hbm>>
        %dma_start3A_366 = arith.constant 0 : i32
        %dma_start3A_367 = tpu.memref_slice %arg2[%add3A, %select_n3A, %dma_start3A_366] : memref<32x90x112xi32, #tpu.memory_space<hbm>> -> memref<1x1x112xi32, #tpu.memory_space<hbm>>
        %dma_start3A_368 = tpu.memref_squeeze %dma_start3A_367 : memref<1x1x112xi32, #tpu.memory_space<hbm>> -> memref<112xi32, #tpu.memory_space<hbm>>
        tpu.enqueue_dma source(%dma_start3A_368 : memref<112xi32, #tpu.memory_space<hbm>>) target(%arg9 : memref<112xi32, #tpu.memory_space<vmem>>) target_semaphore(%arg31 : memref<!tpu.dma_semaphore, #tpu.memory_space<semaphore_mem>>)
        %dma_start3A_369 = arith.constant 0 : i32
        %dma_start3A_370 = tpu.memref_slice %arg3[%add3A, %select_n3A, %dma_start3A_369] : memref<32x90x112xi32, #tpu.memory_space<hbm>> -> memref<1x1x112xi32, #tpu.memory_space<hbm>>
        %dma_start3A_371 = tpu.memref_squeeze %dma_start3A_370 : memref<1x1x112xi32, #tpu.memory_space<hbm>> -> memref<112xi32, #tpu.memory_space<hbm>>
        %dma_start3A_372 = arith.constant 0 : i32
        %dma_start3A_373 = tpu.memref_slice %arg3[%add3A, %select_n3A, %dma_start3A_372] : memref<32x90x112xi32, #tpu.memory_space<hbm>> -> memref<1x1x112xi32, #tpu.memory_space<hbm>>
        %dma_start3A_374 = tpu.memref_squeeze %dma_start3A_373 : memref<1x1x112xi32, #tpu.memory_space<hbm>> -> memref<112xi32, #tpu.memory_space<hbm>>
        tpu.enqueue_dma source(%dma_start3A_374 : memref<112xi32, #tpu.memory_space<hbm>>) target(%arg13 : memref<112xi32, #tpu.memory_space<vmem>>) target_semaphore(%arg31 : memref<!tpu.dma_semaphore, #tpu.memory_space<semaphore_mem>>)
        %dma_start3A_375 = arith.constant 0 : i32
        %dma_start3A_376 = tpu.memref_slice %arg4[%add3A, %select_n3A, %dma_start3A_375] : memref<32x90x112xi32, #tpu.memory_space<hbm>> -> memref<1x1x112xi32, #tpu.memory_space<hbm>>
        %dma_start3A_377 = tpu.memref_squeeze %dma_start3A_376 : memref<1x1x112xi32, #tpu.memory_space<hbm>> -> memref<112xi32, #tpu.memory_space<hbm>>
        %dma_start3A_378 = arith.constant 0 : i32
        %dma_start3A_379 = tpu.memref_slice %arg4[%add3A, %select_n3A, %dma_start3A_378] : memref<32x90x112xi32, #tpu.memory_space<hbm>> -> memref<1x1x112xi32, #tpu.memory_space<hbm>>
        %dma_start3A_380 = tpu.memref_squeeze %dma_start3A_379 : memref<1x1x112xi32, #tpu.memory_space<hbm>> -> memref<112xi32, #tpu.memory_space<hbm>>
        tpu.enqueue_dma source(%dma_start3A_380 : memref<112xi32, #tpu.memory_space<hbm>>) target(%arg17 : memref<112xi32, #tpu.memory_space<vmem>>) target_semaphore(%arg31 : memref<!tpu.dma_semaphore, #tpu.memory_space<semaphore_mem>>)
      } else {
      }
      %scan3A_344 = arith.constant 0 : i32
      scf.yield %scan3A_344 : i32
    }
    %scan3A_209 = arith.constant 45 : i32
    %dma_wait3A_210 = arith.constant 0 : i32
    %dma_wait3A_211 = arith.constant 0 : i32
    %dma_wait3A_212 = tpu.memref_slice %arg29[%dma_wait3A_210, %dma_wait3A_211] : memref<10000x128xf32, #tpu.memory_space<vmem_shared>> -> memref<10000x128xf32, #tpu.memory_space<vmem_shared>>
    tpu.wait_indirect_dma semaphore(%arg36 : memref<!tpu.dma_semaphore, #tpu.memory_space<semaphore_mem>>) src(%arg26 : memref<112x128xf32, #tpu.memory_space<vmem>>) dst(%dma_wait3A_212 : memref<10000x128xf32, #tpu.memory_space<vmem_shared>>)
    %dma_wait3A_213 = arith.constant 0 : i32
    %dma_wait3A_214 = arith.constant 0 : i32
    %dma_wait3A_215 = tpu.memref_slice %arg29[%dma_wait3A_213, %dma_wait3A_214] : memref<10000x128xf32, #tpu.memory_space<vmem_shared>> -> memref<10000x128xf32, #tpu.memory_space<vmem_shared>>
    tpu.wait_indirect_dma semaphore(%arg37 : memref<!tpu.dma_semaphore, #tpu.memory_space<semaphore_mem>>) src(%arg27 : memref<112x128xf32, #tpu.memory_space<vmem>>) dst(%dma_wait3A_215 : memref<10000x128xf32, #tpu.memory_space<vmem_shared>>)
    %barrier3A_216 = arith.constant 0 : index
    tpu.barrier barrier_id(%barrier3A_216)
    %mul3A_217 = arith.constant 625 : i32
    %mul3A_218 = arith.muli %arg1, %mul3A_217 : i32
    "tpu.region"() ({
      %run_scoped3A = tpu.sem_alloc : memref<!tpu.dma_semaphore, #tpu.memory_space<semaphore_mem>>
      %dma_start3A_219 = arith.constant 0 : i32
      %dma_start3A_220 = arith.constant 0 : i32
      %dma_start3A_221 = tpu.memref_slice %arg7[%arg0, %arg1, %dma_start3A_219, %dma_start3A_220] : memref<2x16x625x128xf32, #tpu.memory_space<hbm>> -> memref<1x1x625x128xf32, #tpu.memory_space<hbm>>
      %dma_start3A_222 = tpu.memref_squeeze %dma_start3A_221 : memref<1x1x625x128xf32, #tpu.memory_space<hbm>> -> memref<625x128xf32, #tpu.memory_space<hbm>>
      %dma_start3A_223 = arith.constant 0 : i32
      %dma_start3A_224 = tpu.memref_slice %arg29[%mul3A_218, %dma_start3A_223] : memref<10000x128xf32, #tpu.memory_space<vmem_shared>> -> memref<625x128xf32, #tpu.memory_space<vmem_shared>>
      tpu.enqueue_dma source(%dma_start3A_224 : memref<625x128xf32, #tpu.memory_space<vmem_shared>>) target(%dma_start3A_222 : memref<625x128xf32, #tpu.memory_space<hbm>>) target_semaphore(%run_scoped3A : memref<!tpu.dma_semaphore, #tpu.memory_space<semaphore_mem>>)
      %dma_wait3A_225 = arith.constant 0 : i32
      %dma_wait3A_226 = arith.constant 0 : i32
      %dma_wait3A_227 = tpu.memref_slice %arg7[%arg0, %arg1, %dma_wait3A_225, %dma_wait3A_226] : memref<2x16x625x128xf32, #tpu.memory_space<hbm>> -> memref<1x1x625x128xf32, #tpu.memory_space<hbm>>
      %dma_wait3A_228 = tpu.memref_squeeze %dma_wait3A_227 : memref<1x1x625x128xf32, #tpu.memory_space<hbm>> -> memref<625x128xf32, #tpu.memory_space<hbm>>
      %dma_wait3A_229 = arith.constant 0 : i32
      %dma_wait3A_230 = tpu.memref_slice %arg29[%mul3A_218, %dma_wait3A_229] : memref<10000x128xf32, #tpu.memory_space<vmem_shared>> -> memref<625x128xf32, #tpu.memory_space<vmem_shared>>
      tpu.wait_dma2 semaphore(%run_scoped3A : memref<!tpu.dma_semaphore, #tpu.memory_space<semaphore_mem>>) src(%dma_wait3A_230 : memref<625x128xf32, #tpu.memory_space<vmem_shared>>) dst(%dma_wait3A_228 : memref<625x128xf32, #tpu.memory_space<hbm>>)
      tpu.yield
    }) : () -> ()
    return
  }
}

module attributes {stable_mosaic.version = 14 : i64} {
  func.func @_mm_body(%arg0: i32, %arg1: memref<1000x128xf32, #tpu.memory_space<vmem>>, %arg2: memref<128x128xf32, #tpu.memory_space<vmem>>, %arg3: memref<1000x128xf32, #tpu.memory_space<vmem>>) attributes {dimension_semantics = [#tpu.dimension_semantics<arbitrary>], iteration_bounds = array<i64: 10>, scalar_prefetch = 0 : i64, scratch_operands = 0 : i64, tpu.core_type = #tpu.core_type<tc>, window_params = [{transform_indices = @transform_0, window_bounds = array<i64: 1000, 128>}, {pipeline_mode = #tpu.pipeline_mode<synchronous>, transform_indices = @transform_1, window_bounds = array<i64: 128, 128>}, {transform_indices = @transform_2, window_bounds = array<i64: 1000, 128>}]} {
    %get3A = arith.constant 0 : index
    %get3A_0 = arith.constant 0 : index
    %get3A_1 = vector.load %arg1[%get3A, %get3A_0] : memref<1000x128xf32, #tpu.memory_space<vmem>>, vector<1000x128xf32>
    %get3A_2 = arith.constant 0 : index
    %get3A_3 = arith.constant 0 : index
    %get3A_4 = vector.load %arg2[%get3A_2, %get3A_3] : memref<128x128xf32, #tpu.memory_space<vmem>>, vector<128x128xf32>
    %dot_general3A = arith.constant dense<0.000000e+00> : vector<1000x128xf32>
    %dot_general3A_5 = tpu.matmul %get3A_1, %get3A_4, %dot_general3A {dimension_numbers = #tpu.dot_dimension_numbers<[1], [0], [0], [1], [0, 0, 1, 1], [], []>, transpose_lhs_hint = false} : vector<1000x128xf32>, vector<128x128xf32>, vector<1000x128xf32> -> vector<1000x128xf32>
    %swap3A = arith.constant 0 : index
    %swap3A_6 = arith.constant 0 : index
    %swap3A_7 = vector.load %arg3[%swap3A, %swap3A_6] : memref<1000x128xf32, #tpu.memory_space<vmem>>, vector<1000x128xf32>
    tpu.vector_store %arg3[%swap3A, %swap3A_6], %dot_general3A_5 {strides = array<i32>} : memref<1000x128xf32, #tpu.memory_space<vmem>>, vector<1000x128xf32>,
    return
  }
  func.func @transform_0(%arg0: i32) -> (i32, i32) {
    %c0_i32 = arith.constant 0 : i32
    %c0_i32_0 = arith.constant 0 : i32
    return %arg0, %c0_i32 : i32, i32
  }
  func.func @transform_1(%arg0: i32) -> (i32, i32) {
    %c0_i32 = arith.constant 0 : i32
    %c0_i32_0 = arith.constant 0 : i32
    %c0_i32_1 = arith.constant 0 : i32
    return %c0_i32, %c0_i32_0 : i32, i32
  }
  func.func @transform_2(%arg0: i32) -> (i32, i32) {
    %c0_i32 = arith.constant 0 : i32
    %c0_i32_0 = arith.constant 0 : i32
    return %arg0, %c0_i32 : i32, i32
  }
}

module attributes {stable_mosaic.version = 14 : i64} {
  func.func @_fin_body(%arg0: i32, %arg1: i32, %arg2: memref<1x1xf32, #tpu.memory_space<vmem>>, %arg3: memref<2x1000x128xf32, #tpu.memory_space<vmem>>, %arg4: memref<1000x128xf32, #tpu.memory_space<vmem>>, %arg5: memref<1x128xf32, #tpu.memory_space<vmem>>, %arg6: memref<1x128xf32, #tpu.memory_space<vmem>>, %arg7: memref<1x128xf32, #tpu.memory_space<vmem>>, %arg8: memref<1000x128xf32, #tpu.memory_space<vmem>>, %arg9: memref<1x128xf32, #tpu.memory_space<vmem>>, %arg10: memref<1x128xf32, #tpu.memory_space<vmem>>) attributes {dimension_semantics = [#tpu.dimension_semantics<arbitrary>, #tpu.dimension_semantics<arbitrary>], iteration_bounds = array<i64: 2, 10>, scalar_prefetch = 0 : i64, scratch_operands = 2 : i64, tpu.core_type = #tpu.core_type<tc>, window_params = [{pipeline_mode = #tpu.pipeline_mode<synchronous>, transform_indices = @transform_0, window_bounds = array<i64: 1, 1>}, {transform_indices = @transform_1, window_bounds = array<i64: 2, 1000, 128>}, {transform_indices = @transform_2, window_bounds = array<i64: 1000, 128>}, {pipeline_mode = #tpu.pipeline_mode<synchronous>, transform_indices = @transform_3, window_bounds = array<i64: 1, 128>}, {pipeline_mode = #tpu.pipeline_mode<synchronous>, transform_indices = @transform_4, window_bounds = array<i64: 1, 128>}, {pipeline_mode = #tpu.pipeline_mode<synchronous>, transform_indices = @transform_5, window_bounds = array<i64: 1, 128>}, {transform_indices = @transform_6, window_bounds = array<i64: 1000, 128>}]} {
    %get3A = arith.constant 0 : index
    %get3A_0 = arith.constant 0 : index
    %get3A_1 = arith.constant 0 : index
    %get3A_2 = vector.load %arg3[%get3A, %get3A_0, %get3A_1] : memref<2x1000x128xf32, #tpu.memory_space<vmem>>, vector<1x1000x128xf32>
    %get3A_3 = vector.shape_cast %get3A_2 : vector<1x1000x128xf32> to vector<1000x128xf32>
    %get3A_4 = arith.constant 1 : index
    %get3A_5 = arith.constant 0 : index
    %get3A_6 = arith.constant 0 : index
    %get3A_7 = vector.load %arg3[%get3A_4, %get3A_5, %get3A_6] : memref<2x1000x128xf32, #tpu.memory_space<vmem>>, vector<1x1000x128xf32>
    %get3A_8 = vector.shape_cast %get3A_7 : vector<1x1000x128xf32> to vector<1000x128xf32>
    %add3A = arith.addf %get3A_3, %get3A_8 : vector<1000x128xf32>
    %get3A_9 = arith.constant 0 : index
    %get3A_10 = arith.constant 0 : index
    %get3A_11 = vector.load %arg2[%get3A_9, %get3A_10] : memref<1x1xf32, #tpu.memory_space<vmem>>, vector<1x1xf32>
    %get3A_12 = vector.extract %get3A_11[0, 0] : f32 from vector<1x1xf32>
    %get3A_13 = arith.constant 0 : index
    %get3A_14 = arith.constant 0 : index
    %get3A_15 = vector.load %arg4[%get3A_13, %get3A_14] : memref<1000x128xf32, #tpu.memory_space<vmem>>, vector<1000x128xf32>
    %mul3A = vector.broadcast %get3A_12 : f32 to vector<1000x128xf32>
    %mul3A_16 = arith.mulf %mul3A, %get3A_15 : vector<1000x128xf32>
    %add3A_17 = arith.addf %add3A, %mul3A_16 : vector<1000x128xf32>
    %get3A_18 = arith.constant 0 : index
    %get3A_19 = arith.constant 0 : index
    %get3A_20 = vector.load %arg5[%get3A_18, %get3A_19] : memref<1x128xf32, #tpu.memory_space<vmem>>, vector<1x128xf32>
    %add3A_21 = vector.broadcast %get3A_20 : vector<1x128xf32> to vector<1000x128xf32>
    %add3A_22 = arith.addf %add3A_17, %add3A_21 : vector<1000x128xf32>
    %eq3A = arith.constant 0 : i32
    %eq3A_23 = arith.cmpi eq, %arg0, %eq3A : i32
    %convert_element_type3A = arith.extui %eq3A_23 : i1 to i32
    %cond3A = arith.constant 0 : i32
    %cond3A_24 = arith.cmpi ne, %convert_element_type3A, %cond3A : i32
    scf.if %cond3A_24 {
      %eq3A_30 = arith.constant 0 : i32
      %eq3A_31 = arith.cmpi eq, %arg1, %eq3A_30 : i32
      %convert_element_type3A_32 = arith.extui %eq3A_31 : i1 to i32
      %cond3A_33 = arith.constant 0 : i32
      %cond3A_34 = arith.cmpi ne, %convert_element_type3A_32, %cond3A_33 : i32
      scf.if %cond3A_34 {
        %broadcast_in_dim3A_53 = arith.constant 0.000000e+00 : f32
        %broadcast_in_dim3A_54 = vector.broadcast %broadcast_in_dim3A_53 : f32 to vector<1x128xf32>
        %swap3A_55 = arith.constant 0 : index
        %swap3A_56 = arith.constant 0 : index
        %swap3A_57 = vector.load %arg9[%swap3A_55, %swap3A_56] : memref<1x128xf32, #tpu.memory_space<vmem>>, vector<1x128xf32>
        tpu.vector_store %arg9[%swap3A_55, %swap3A_56], %broadcast_in_dim3A_54 {strides = array<i32>} : memref<1x128xf32, #tpu.memory_space<vmem>>, vector<1x128xf32>,
        %broadcast_in_dim3A_58 = arith.constant 0.000000e+00 : f32
        %broadcast_in_dim3A_59 = vector.broadcast %broadcast_in_dim3A_58 : f32 to vector<1x128xf32>
        %swap3A_60 = arith.constant 0 : index
        %swap3A_61 = arith.constant 0 : index
        %swap3A_62 = vector.load %arg10[%swap3A_60, %swap3A_61] : memref<1x128xf32, #tpu.memory_space<vmem>>, vector<1x128xf32>
        tpu.vector_store %arg10[%swap3A_60, %swap3A_61], %broadcast_in_dim3A_59 {strides = array<i32>} : memref<1x128xf32, #tpu.memory_space<vmem>>, vector<1x128xf32>,
      } else {
      }
      %get3A_35 = arith.constant 0 : index
      %get3A_36 = arith.constant 0 : index
      %get3A_37 = vector.load %arg9[%get3A_35, %get3A_36] : memref<1x128xf32, #tpu.memory_space<vmem>>, vector<1x128xf32>
      %reduce_sum3A = arith.constant dense<0.000000e+00> : vector<128xf32>
      %reduce_sum3A_38 = vector.multi_reduction <add>, %add3A_22, %reduce_sum3A [0] : vector<1000x128xf32> to vector<128xf32>
      %broadcast_in_dim3A = vector.shape_cast %reduce_sum3A_38 : vector<128xf32> to vector<1x128xf32>
      %add3A_39 = arith.addf %get3A_37, %broadcast_in_dim3A : vector<1x128xf32>
      %swap3A = arith.constant 0 : index
      %swap3A_40 = arith.constant 0 : index
      %swap3A_41 = vector.load %arg9[%swap3A, %swap3A_40] : memref<1x128xf32, #tpu.memory_space<vmem>>, vector<1x128xf32>
      tpu.vector_store %arg9[%swap3A, %swap3A_40], %add3A_39 {strides = array<i32>} : memref<1x128xf32, #tpu.memory_space<vmem>>, vector<1x128xf32>,
      %get3A_42 = arith.constant 0 : index
      %get3A_43 = arith.constant 0 : index
      %get3A_44 = vector.load %arg10[%get3A_42, %get3A_43] : memref<1x128xf32, #tpu.memory_space<vmem>>, vector<1x128xf32>
      %mul3A_45 = arith.mulf %add3A_22, %add3A_22 : vector<1000x128xf32>
      %reduce_sum3A_46 = arith.constant dense<0.000000e+00> : vector<128xf32>
      %reduce_sum3A_47 = vector.multi_reduction <add>, %mul3A_45, %reduce_sum3A_46 [0] : vector<1000x128xf32> to vector<128xf32>
      %broadcast_in_dim3A_48 = vector.shape_cast %reduce_sum3A_47 : vector<128xf32> to vector<1x128xf32>
      %add3A_49 = arith.addf %get3A_44, %broadcast_in_dim3A_48 : vector<1x128xf32>
      %swap3A_50 = arith.constant 0 : index
      %swap3A_51 = arith.constant 0 : index
      %swap3A_52 = vector.load %arg10[%swap3A_50, %swap3A_51] : memref<1x128xf32, #tpu.memory_space<vmem>>, vector<1x128xf32>
      tpu.vector_store %arg10[%swap3A_50, %swap3A_51], %add3A_49 {strides = array<i32>} : memref<1x128xf32, #tpu.memory_space<vmem>>, vector<1x128xf32>,
    } else {
    }
    %eq3A_25 = arith.constant 1 : i32
    %eq3A_26 = arith.cmpi eq, %arg0, %eq3A_25 : i32
    %convert_element_type3A_27 = arith.extui %eq3A_26 : i1 to i32
    %cond3A_28 = arith.constant 0 : i32
    %cond3A_29 = arith.cmpi ne, %convert_element_type3A_27, %cond3A_28 : i32
    scf.if %cond3A_29 {
      %get3A_30 = arith.constant 0 : index
      %get3A_31 = arith.constant 0 : index
      %get3A_32 = vector.load %arg9[%get3A_30, %get3A_31] : memref<1x128xf32, #tpu.memory_space<vmem>>, vector<1x128xf32>
      %div3A = arith.constant 1.000000e+04 : f32
      %div3A_33 = vector.broadcast %div3A : f32 to vector<1x128xf32>
      %div3A_34 = arith.divf %get3A_32, %div3A_33 : vector<1x128xf32>
      %get3A_35 = arith.constant 0 : index
      %get3A_36 = arith.constant 0 : index
      %get3A_37 = vector.load %arg10[%get3A_35, %get3A_36] : memref<1x128xf32, #tpu.memory_space<vmem>>, vector<1x128xf32>
      %div3A_38 = arith.constant 1.000000e+04 : f32
      %div3A_39 = vector.broadcast %div3A_38 : f32 to vector<1x128xf32>
      %div3A_40 = arith.divf %get3A_37, %div3A_39 : vector<1x128xf32>
      %mul3A_41 = arith.mulf %div3A_34, %div3A_34 : vector<1x128xf32>
      %sub3A = arith.subf %div3A_40, %mul3A_41 : vector<1x128xf32>
      %sub3A_42 = vector.broadcast %div3A_34 : vector<1x128xf32> to vector<1000x128xf32>
      %sub3A_43 = arith.subf %add3A_22, %sub3A_42 : vector<1000x128xf32>
      %add3A_44 = arith.constant 9.99999974E-6 : f32
      %add3A_45 = vector.broadcast %add3A_44 : f32 to vector<1x128xf32>
      %add3A_46 = arith.addf %sub3A, %add3A_45 : vector<1x128xf32>
      %rsqrt3A = math.rsqrt %add3A_46 : vector<1x128xf32>
      %mul3A_47 = vector.broadcast %rsqrt3A : vector<1x128xf32> to vector<1000x128xf32>
      %mul3A_48 = arith.mulf %sub3A_43, %mul3A_47 : vector<1000x128xf32>
      %get3A_49 = arith.constant 0 : index
      %get3A_50 = arith.constant 0 : index
      %get3A_51 = vector.load %arg6[%get3A_49, %get3A_50] : memref<1x128xf32, #tpu.memory_space<vmem>>, vector<1x128xf32>
      %mul3A_52 = vector.broadcast %get3A_51 : vector<1x128xf32> to vector<1000x128xf32>
      %mul3A_53 = arith.mulf %mul3A_48, %mul3A_52 : vector<1000x128xf32>
      %get3A_54 = arith.constant 0 : index
      %get3A_55 = arith.constant 0 : index
      %get3A_56 = vector.load %arg7[%get3A_54, %get3A_55] : memref<1x128xf32, #tpu.memory_space<vmem>>, vector<1x128xf32>
      %add3A_57 = vector.broadcast %get3A_56 : vector<1x128xf32> to vector<1000x128xf32>
      %add3A_58 = arith.addf %mul3A_53, %add3A_57 : vector<1000x128xf32>
      %swap3A = arith.constant 0 : index
      %swap3A_59 = arith.constant 0 : index
      %swap3A_60 = vector.load %arg8[%swap3A, %swap3A_59] : memref<1000x128xf32, #tpu.memory_space<vmem>>, vector<1000x128xf32>
      tpu.vector_store %arg8[%swap3A, %swap3A_59], %add3A_58 {strides = array<i32>} : memref<1000x128xf32, #tpu.memory_space<vmem>>, vector<1000x128xf32>,
    } else {
    }
    return
  }
  func.func @transform_0(%arg0: i32, %arg1: i32) -> (i32, i32) {
    %c0_i32 = arith.constant 0 : i32
    %c0_i32_0 = arith.constant 0 : i32
    %c0_i32_1 = arith.constant 0 : i32
    return %c0_i32, %c0_i32_0 : i32, i32
  }
  func.func @transform_1(%arg0: i32, %arg1: i32) -> (i32, i32, i32) {
    %c0_i32 = arith.constant 0 : i32
    %c0_i32_0 = arith.constant 0 : i32
    %c0_i32_1 = arith.constant 0 : i32
    return %c0_i32, %arg1, %c0_i32_0 : i32, i32, i32
  }
  func.func @transform_2(%arg0: i32, %arg1: i32) -> (i32, i32) {
    %c0_i32 = arith.constant 0 : i32
    %c0_i32_0 = arith.constant 0 : i32
    return %arg1, %c0_i32 : i32, i32
  }
  func.func @transform_3(%arg0: i32, %arg1: i32) -> (i32, i32) {
    %c0_i32 = arith.constant 0 : i32
    %c0_i32_0 = arith.constant 0 : i32
    %c0_i32_1 = arith.constant 0 : i32
    return %c0_i32, %c0_i32_0 : i32, i32
  }
  func.func @transform_4(%arg0: i32, %arg1: i32) -> (i32, i32) {
    %c0_i32 = arith.constant 0 : i32
    %c0_i32_0 = arith.constant 0 : i32
    %c0_i32_1 = arith.constant 0 : i32
    return %c0_i32, %c0_i32_0 : i32, i32
  }
  func.func @transform_5(%arg0: i32, %arg1: i32) -> (i32, i32) {
    %c0_i32 = arith.constant 0 : i32
    %c0_i32_0 = arith.constant 0 : i32
    %c0_i32_1 = arith.constant 0 : i32
    return %c0_i32, %c0_i32_0 : i32, i32
  }
  func.func @transform_6(%arg0: i32, %arg1: i32) -> (i32, i32) {
    %c0_i32 = arith.constant 0 : i32
    %c0_i32_0 = arith.constant 0 : i32
    return %arg1, %c0_i32 : i32, i32
  }
}

</mosaic_0001>

<sc_bundles>
// kernel: kernel.5.cloned.1.call-start
scs
__scs_entry_jumppad:
0x0: {  	(pc) =	sbr.rel $0x88, $3  }
0x1: {  	(tag) =	ssettag $0x0;
	lr =	simm.s32 $0x1  }
0x2: {  	[smem:$0x3F98] =	sst lr;
	_ =	strace $0xD0000000  }
0x3: {  	_ = 	snop  }
0x4: {  	_ = 	snop  }
0x5: {  	_ = 	snop  }
0x6: {  	_ = 	snop  }
0x7: {  	_ = 	snop  }
__scs_overlays_trampoline_lowered:
0x8: {  	[smem:$0x3FA7] =	sst s0  }
0x9: {  	[smem:$0x3FA8] =	sst s1  }
0xa: {  	[smem:$0x3FA9] =	sst s2  }
0xb: {  	[smem:$0x3FAA] =	sst s3  }
0xc: {  	[smem:$0x3FAB] =	sst s4  }
0xd: {  	[smem:$0x3FAC] =	sst s5  }
0xe: {  	[smem:$0x3FAD] =	sst s6  }
0xf: {  	[smem:$0x3FAE] =	sst s7  }
0x10: {  	[smem:$0x3FAF] =	sst s8  }
0x11: {  	[smem:$0x3FB0] =	sst s9;
	s0 =	simm.s32 @!p0 $0x0  }
0x12: {  	s1 =	sld [smem:$0x3F96];
	s0 =	simm.s32 @p0 $0x1  }
0x13: {  	[smem:$0x3FB1] =	sst s0;
	s0 =	simm.s32 @!p1 $0x0  }
0x14: {  	s2 =	sld [smem:$0x3F95];
	s0 =	simm.s32 @p1 $0x1  }
0x15: {  	[smem:$0x3FB2] =	sst s0;
	s0 =	simm.s32 @!p2 $0x0  }
0x16: {  	s3 =	sld [smem:$0x3FDB];
	s0 =	simm.s32 @p2 $0x1  }
0x17: {  	s4 =	simm.s32 $0x1BF5;
	[smem:$0x3FB4] =	sst s0  }
0x18: {  	s0 =	sld [smem:$0x3F97];
	_ =	swait.ge [sflag:s4], $0x0  }
0x19: {  	s7 =	sld [smem:$0x3F98]  }
0x1a: {  	s8 =	sadd.s32 $0xFFFFE003, lr  }
0x1b: {  	s9 =	sadd.s32 $0xFFFFFEF7, lr;
	s5 =	simm.s32 $0xFFFFFFFF;
	p2 =	slt.u32 s8, $0xFFFFF086  }
0x1c: {  	p1 =	slt.u32 s9, $0xF7A;
	s5 =	simm.s32 @!p2 $0x0  }
0x1d: {  	s5 =	simm.s32 @p1 $0x1;
	p0 =	seq.s32 s7, s2  }
0x1e: {  	s7 =	smul.u32 @!p0 $0xF7A, s2;
	p2 =	seq.s32 @!p0 s5, $0x0  }
0x1f: {  	s9 =	smul.u32 $0xF7A, s1;
	s8 =	simm.s32 @!p0 $0x1BF5;
	p2 =	por !p2, p0  }
0x20: {  	[sflag:s8] =	ssyncset.s32 @!p0 $0xFFFFF086;
	s6 =	sadd.s32 @!p0 s3, s7;
	s7 =	simm.s32 @!p0 $0x108  }
0x21: {  	s3 =	sadd.s32 s3, s9;
	s6 =	sadd.s32 @!p0 $0x88, s6;
	s7 =	simm.s32 @p2 $0x1082  }
0x22: {  	[simem:s7], [sflag:s8] =	dma.local @!p0 [hbm:s6], $0xF7A  }
0x23: {  	s9 =	sor.u32 $0xD0000000, s2;
	s6 =	simm.s32 $0x108;
	_ =	swait.ge @!p0 [sflag:s8], $0x0  }
0x24: {  	s3 =	sadd.s32 $0x88, s3;
	s6 =	simm.s32 @!p1 $0x1082;
	[sflag:s4] =	ssyncset.s32 $0xFFFFF086  }
0x25: {  	[simem:s6], [sflag:s4] =	dma.local [hbm:s3], $0xF7A  }
0x26: {  	[smem:$0x3F98] =	sst s1;
	(tag) =	ssettag s2;
	_ =	strace s9  }
0x27: {  	s1 =	sld [smem:$0x3FA8]  }
0x28: {  	s2 =	sld [smem:$0x3FA9]  }
0x29: {  	s4 =	sld [smem:$0x3FAB]  }
0x2a: {  	p0 =	seq.s32 s5, $0x0;
	s5 =	sld [smem:$0x3FAC]  }
0x2b: {  	s6 =	sld [smem:$0x3FAD]  }
0x2c: {  	s7 =	sld [smem:$0x3FAE]  }
0x2d: {  	s3 =	simm.s32 $0x108;
	s8 =	sld [smem:$0x3FAF]  }
0x2e: {  	s3 =	simm.s32 @!p0 $0x1082;
	s9 =	sld [smem:$0x3FB0]  }
0x2f: {  	lr =	sadd.s32 s0, s3;
	s0 =	sld [smem:$0x3FA7]  }
0x30: {  	s3 =	sld [smem:$0x3FAA]  }
0x31: {  	[smem:$0x3FB3] =	sst s10  }
0x32: {  	s10 =	sld [smem:$0x3FB1];
	_ =	sdelay $0x3  }
0x33: {  	p0 =	seq.s32 s10, $0x1;
	s10 =	sld [smem:$0x3FB3];
	_ =	sdelay $0x3  }
0x34: {  	[smem:$0x3FB3] =	sst s10  }
0x35: {  	s10 =	sld [smem:$0x3FB2];
	_ =	sdelay $0x3  }
0x36: {  	p1 =	seq.s32 s10, $0x1;
	s10 =	sld [smem:$0x3FB3];
	_ =	sdelay $0x3  }
0x37: {  	[smem:$0x3FB3] =	sst s10  }
0x38: {  	s10 =	sld [smem:$0x3FB4]  }
0x39: {  	_ = 	snop;
	(pc) =	sbr.ind lr, $3  }
0x3a: {  	_ = 	snop  }
0x3b: {  	_ = 	snop  }
0x3c: {  	p2 =	seq.s32 s10, $0x1;
	s10 =	sld [smem:$0x3FB3]  }
0x3d: {  	_ =	shalt  }
0x3e: {  	_ =	shalt  }
0x3f: {  	_ =	shalt  }
0x40: {  	_ =	shalt  }
0x41: {  	_ =	shalt  }
0x42: {  	_ =	shalt  }
0x43: {  	_ =	shalt  }
0x44: {  	_ =	shalt  }
0x45: {  	_ =	shalt  }
0x46: {  	_ =	shalt  }
0x47: {  	_ =	shalt  }
0x48: {  	_ =	shalt  }
0x49: {  	_ =	shalt  }
0x4a: {  	_ =	shalt  }
0x4b: {  	_ =	shalt  }
0x4c: {  	_ =	shalt  }
0x4d: {  	_ =	shalt  }
0x4e: {  	_ =	shalt  }
0x4f: {  	_ =	shalt  }
0x50: {  	_ =	shalt  }
0x51: {  	_ =	shalt  }
0x52: {  	_ =	shalt  }
0x53: {  	_ =	shalt  }
0x54: {  	_ =	shalt  }
0x55: {  	_ =	shalt  }
0x56: {  	_ =	shalt  }
0x57: {  	_ =	shalt  }
0x58: {  	_ =	shalt  }
0x59: {  	_ =	shalt  }
0x5a: {  	_ =	shalt  }
0x5b: {  	_ =	shalt  }
0x5c: {  	_ =	shalt  }
0x5d: {  	_ =	shalt  }
0x5e: {  	_ =	shalt  }
0x5f: {  	_ =	shalt  }
0x60: {  	_ =	shalt  }
0x61: {  	_ =	shalt  }
0x62: {  	_ =	shalt  }
0x63: {  	_ =	shalt  }
0x64: {  	_ =	shalt  }
0x65: {  	_ =	shalt  }
0x66: {  	_ =	shalt  }
0x67: {  	_ =	shalt  }
0x68: {  	_ =	shalt  }
0x69: {  	_ =	shalt  }
0x6a: {  	_ =	shalt  }
0x6b: {  	_ =	shalt  }
0x6c: {  	_ =	shalt  }
0x6d: {  	_ =	shalt  }
0x6e: {  	_ =	shalt  }
0x6f: {  	_ =	shalt  }
0x70: {  	_ =	shalt  }
0x71: {  	_ =	shalt  }
0x72: {  	_ =	shalt  }
0x73: {  	_ =	shalt  }
0x74: {  	_ =	shalt  }
0x75: {  	_ =	shalt  }
0x76: {  	_ =	shalt  }
0x77: {  	_ =	shalt  }
0x78: {  	_ =	shalt  }
0x79: {  	_ =	shalt  }
0x7a: {  	_ =	shalt  }
0x7b: {  	_ =	shalt  }
0x7c: {  	_ =	shalt  }
0x7d: {  	_ =	shalt  }
0x7e: {  	_ =	shalt  }
0x7f: {  	_ =	shalt  }
0x80: {  	_ =	shalt  }
0x81: {  	_ =	shalt  }
0x82: {  	_ =	shalt  }
0x83: {  	_ =	shalt  }
0x84: {  	_ =	shalt  }
0x85: {  	_ =	shalt  }
0x86: {  	_ =	shalt  }
0x87: {  	_ =	shalt  }
.Lfunc_end0:
.L_simem_size_0:
called_computation_lowered:
.L_overlay_start_0:
0x88: {  	s2 =	sld [smem:$0x3FD9]  }
0x89: {  	s3 =	sld [smem:$0x3FFE];
	_ =	sdelay $0x1  }
0x8a: {  	s1 =	srdreg.scid  }
0x8b: {  	s0 =	sand.u32 $0x1, s1  }
0x8c: {  	s14 =	sshll.u32 s0, $0xA;
	s2 =	sadd.s32 s3, s2  }
0x8d: {  	s2 =	sadd.s32 s2, s14  }
0x8e: {  	[smem:$0x3FBF] =	sst s2  }
0x8f: {  	_ = 	snop  }
0x90: {  	s2 =	sld [smem:$0x3FD0];
	_ =	sdelay $0x2  }
0x91: {  	s15 =	simm.s32 $0xA;
	s4 =	simm.s32 $0x10  }
0x92: {  	[smem:s4], [sflag:s15] =	dma.local [hbm:s2], $0x1  }
0x93: {  	_ =	swait.eq [sflag:s15], $0x1  }
0x94: {  	[sflag:s15] =	ssyncset.done $0x0  }
0x95: {  	s16 =	sld [smem:$0x10];
	[sflag:s15] =	ssyncadd.s32 $0xFFFFFFFF  }
0x96: {  	s17 =	sld [smem:$0x11];
	(tm) =	ssettm $0x1  }
0x97: {  	s18 =	sld [smem:$0x3FFB];
	_ =	sdelay $0x3  }
0x98: {  	_ =	strace s18  }
0x99: {  	s4 =	sld [smem:$0x3FFC];
	_ =	sdelay $0x3  }
0x9a: {  	_ =	strace s4  }
0x9b: {  	s4 =	sld [smem:$0x3FFD];
	_ =	sdelay $0x3  }
0x9c: {  	_ =	strace s4  }
0x9d: {  	_ =	strace $0x8FFFFFFF  }
0x9e: {  	s19 =	sld [smem:$0x3FDB];
	_ =	sdelay $0x1  }
0x9f: {  	s5 =	simm.s32 $_scs_section_size  }
0xa0: {  	s6 =	simm.s32 $_size__tile_overlayer_lowered;
	s7 =	simm.s32 $_tile_overlayer_lowered  }
0xa1: {  	s22 =	simm.s32 $0x1BFF;
	s21 =	sshll.u32 s7, $0x1;
	s4 =	sadd.s32 s5, s19  }
0xa2: {  	s8 =	simm.s32 $0x0;
	s20 =	sshll.u32 s6, $0x1;
	s6 =	sadd.s32 s21, s4  }
0xa3: {  	[timem:s8], [sflag:s22] =	dma.local [hbm:s6], s20  }
0xa4: {  	_ =	swait.ge [sflag:s22], s20  }
0xa5: {  	s5 =	ssub.s32 $0x0, s20;
	[sflag:s22] =	ssyncset.done $0x0  }
0xa6: {  	[sflag:s22] =	ssyncadd.s32 s5;
	_ =	sdelay $0x1  }
0xa7: {  	s23 =	simm.s32 $0x1B8B  }
0xa8: {  	_ =	swait.ge [sflag:s23], $0x1  }
0xa9: {  	[sflag:s23] =	ssyncset.done $0x0  }
0xaa: {  	s25 =	simm.s32 $0x1B8E;
	s24 =	sld [smem:$0x3FFE];
	[sflag:s23] =	ssyncadd.s32 $0xFFFFFFFF  }
0xab: {  	s26 =	simm.s32 $execute0_lowered;
	[smem:$0x3FD2] =	sst s25  }
0xac: {  	s6 =	sshll.u32 s26, $0x1;
	_ =	strace $0x80000046;
	[dreg:$0x1] =	wrdreg $0xFFFFFFFF  }
0xad: {  	s28 =	simm.s32 $_size_execute0_lowered;
	s4 =	sadd.s32 s4, s6;
	[dreg:$0x0] =	wrdreg $0x0  }
0xae: {  	s6 =	sshll.u32 s28, $0x1;
	[dreg:$0x2] =	wrdreg s4  }
0xaf: {  	[dreg:$0x3] =	wrdreg s6  }
0xb0: {  	[dreg:$0x4] =	wrdreg $0xC0  }
0xb1: {  	_ =	task [dreg:s8], $0x5FFFF  }
0xb2: {  	[dreg:$0x1] =	wrdreg $0xFFFFFFFF  }
0xb3: {  	[dreg:$0x0] =	wrdreg $0x60  }
0xb4: {  	[dreg:$0x2] =	wrdreg s24  }
0xb5: {  	[dreg:$0x3] =	wrdreg s17  }
0xb6: {  	[dreg:$0x4] =	wrdreg s16  }
0xb7: {  	[dreg:$0x5] =	wrdreg $0xB0A00  }
0xb8: {  	[dreg:$0x6] =	wrdreg $0x9  }
0xb9: {  	_ =	task.clear_ibuf [dreg:s8], $0x7FFFF;
	_ =	strace $0x90000046  }
0xba: {  	s29 =	simm.s32 $0x9;
	_ =	strace $0x80000048  }
0xbb: {  	_ =	swait.ge [sflag:s29], $0x1  }
0xbc: {  	[sflag:s29] =	ssyncadd.s32 $0xFFFFFFFF  }
0xbd: {  	_ =	strace $0x90000048  }
0xbe: {  	_ =	sfence  }
0xbf: {  	s30 =	sld [smem:$0x0];
	_ =	sdelay $0x2  }
0xc0: {  	s31 =	sshll.u32 s1, $0xD;
	s1 =	sshrl.u32 s1, $0x2  }
0xc1: {  	s3 =	sand.u32 $0x4000, s31;
	s1 =	sadd.s32 s1, s30  }
0xc2: {  	s0 =	sor.u32 s3, s0;
	s1 =	sshll.u32 s1, $0x11  }
0xc3: {  	s0 =	sor.u32 s1, s0  }
0xc4: {  	s0 =	sadd.s32 $0x8F2B, s0  }
0xc5: {  	[sflag:s0] =	ssyncadd.remote.s32 $0x1  }
0xc6: {  	_ =	sfence.sel $0xFFFF  }
0xc7: {  	[dreg:$0x0] =	wrdreg $0xFFFFFFFF;
	(pc) =	sbr.abs _section_cstart, $3  }
0xc8: {  	[dreg:$0x1] =	wrdreg $0xFFFFFFFF  }
0xc9: {  	_ =	task.clear_ibuf [dreg:s8], $0x2FFFF;
	_ =	strace $0x9FFFFFFF  }
0xca: {  	(tm) =	ssettm $0x7FFFFFFF  }
0xcb: {  	_ =	shalt  }
tec
execute0_lowered:
.L_overlay_start_1:
0x0: {  	(tag) =	ssettag $0x1  }
0x1: {  	s0 =	rddreg [dreg:$0x0];
	s11 =	stileid.u32  }
0x2: {  	s2 =	rddreg [dreg:$0x2];
	s9 =	smul.u32 $0x4E200, s11  }
0x3: {  	s3 =	rddreg [dreg:$0x3];
	s1 =	srdreg.scid;
	s5 =	simm.s32 $0x0  }
0x4: {  	s28 =	simm.s32 $0x230;
	[smem:$0x7FF] =	sst s5;
	s9 =	sshrl.u32 s9, $0x2  }
0x5: {  	s8 =	smul.u32 $0x13880, s11;
	s15 =	sshll.u32 s11, $0x1;
	s11 =	sadd.s32 s9, s3  }
0x6: {  	_ =	strace $0x80000047;
	s9 =	sadd.s32 $0xC80, s11;
	[dreg:$0x5] =	wrdreg s11  }
0x7: {  	s31 =	simm.s32 $0x2;
	s16 =	sadd.s32 $0x1900, s11;
	[dreg:$0x6] =	wrdreg s9  }
0x8: {  	s29 =	simm.s32 $0x4;
	s17 =	sadd.s32 $0x2580, s11;
	[dreg:$0x7] =	wrdreg s16  }
0x9: {  	s1 =	sand.u32 $0x1, s1;
	s18 =	sadd.s32 $0x3200, s11;
	[dreg:$0x8] =	wrdreg s17  }
0xa: {  	s6 =	sadd.s32 $0x14E00, s0;
	s19 =	sadd.s32 $0x3E80, s11;
	[dreg:$0x9] =	wrdreg s18  }
0xb: {  	s7 =	sadd.s32 $0xB000, s0;
	s20 =	sadd.s32 $0x4B00, s11;
	[dreg:$0xa] =	wrdreg s19  }
0xc: {  	s4 =	smul.u32 $0x138800, s1;
	s21 =	sadd.s32 $0x5780, s11;
	[dreg:$0xb] =	wrdreg s20  }
0xd: {  	s10 =	ssub.s32 $0x2, s1;
	s22 =	sadd.s32 $0x6400, s11;
	[dreg:$0xc] =	wrdreg s21  }
0xe: {  	s1 =	sor.u32 s1, s15;
	s23 =	sadd.s32 $0x7080, s11;
	[dreg:$0xd] =	wrdreg s22  }
0xf: {  	s14 =	sshrl.u32 s10, $0x1;
	s25 =	sadd.s32 $0x7D00, s11;
	[dreg:$0xe] =	wrdreg s23  }
0x10: {  	s4 =	sadd.s32 s8, s4;
	s12 =	sadd.s32 $0x8980, s11;
	[dreg:$0xf] =	wrdreg s25  }
0x11: {  	s8 =	sadd.s32 $0x1200, s0;
	s13 =	sadd.s32 $0x9600, s11;
	[dreg:$0x15] =	wrdreg s12  }
0x12: {  	s4 =	sshrl.u32 s4, $0x3;
	s15 =	sadd.s32 $0xA280, s11;
	[dreg:$0x16] =	wrdreg s13  }
0x13: {  	s0 =	sadd.s32 s4, s0;
	[dreg:$0x17] =	wrdreg s15;
	s16 =	sadd.s32 $0xAF00, s11  }
0x14: {  	s4 =	ssub.s32 s10, s14;
	s17 =	sadd.s32 $0xBB80, s11;
	[dreg:$0x18] =	wrdreg s16  }
0x15: {  	s14 =	smul.u32 $0x2760, s1;
	s18 =	sadd.s32 $0xC800, s11;
	[dreg:$0x19] =	wrdreg s17  }
0x16: {  	s19 =	sadd.s32 $0xD480, s11;
	s20 =	sadd.s32 $0xE100, s11;
	[dreg:$0x1a] =	wrdreg s18  }
0x17: {  	s21 =	sadd.s32 $0xED80, s11;
	s22 =	sadd.s32 $0xFA00, s11;
	[dreg:$0x1b] =	wrdreg s19  }
0x18: {  	s23 =	sadd.s32 $0x10680, s11;
	s25 =	sadd.s32 $0x11F80, s11;
	[dreg:$0x1c] =	wrdreg s20  }
0x19: {  	s13 =	simm.s32 $0x3;
	s15 =	simm.s32 $0x6;
	[dreg:$0x1d] =	wrdreg s21  }
0x1a: {  	s12 =	simm.s32 $0x620;
	s9 =	simm.s32 $0x8;
	[dreg:$0x1e] =	wrdreg s22  }
0x1b: {  	s0 =	sadd.s32 $0x1EC00, s0;
	s10 =	smax.u32 s4, $0x1;
	[dreg:$0x1f] =	wrdreg s23  }
0x1c: {  	[smem:$0x7FB] =	sst s25;
	s18 =	simm.s32 $0xAF00;
	s17 =	simm.s32 $0x9  }
0x1d: {  	s23 =	simm.s32 $0x3F00;
	s24 =	sshrl.u32 s14, $0x3;
	[dreg:$0x13] =	wrdreg s0  }
0x1e: {  	s25 =	simm.s32 $0x70;
	[dreg:$0x14] =	wrdreg s10;
	s26 =	sadd.s32 s7, s24  }
0x1f: {  	s4 =	simm.s32 $0x540;
	s30 =	sadd.s32 s6, s24;
	[dreg:$0x10] =	wrdreg s26  }
.Ltmp0:
0x20: {  	s1 =	sadd.s32 s8, s24;
	[dreg:$0x11] =	wrdreg s30;
	(pc) =	sbr.rel .LBB2_1-.Ltmp0, $4  }
0x21: {  	s16 =	simm.s32 $0x5B0;
	s24 =	sadd.s32 $0x11300, s11;
	[dreg:$0x12] =	wrdreg s1  }
0x22: {  	s10 =	simm.s32 $0x0;
	[smem:$0x7FA] =	sst s24;
	s26 =	sadd.s32 $0x12C00, s11  }
0x23: {  	s30 =	sadd.s32 $0x70, s14;
	s1 =	simm.s32 $0x5;
	[smem:$0x7FC] =	sst s26  }
0x24: {  	v0 =	vimm.f32 $0.0e+00;
	s24 =	simm.s32 $0x690;
	[smem:$0x7FD] =	sst s30;
	s26 =	simm.s32 $0x2300  }
.LBB2_14:
0x25: {  	s0 =	simm.s32 $0x7  }
0x26: {  	_ =	swait.ge [sflag:s0], $0x3800  }
0x27: {  	[sflag:s0] =	ssyncset.done $0x0  }
0x28: {  	[sflag:s0] =	ssyncadd.s32 $0xFFFFC800  }
0x29: {  	_ =	swait.ge [sflag:s9], $0x3800  }
0x2a: {  	[sflag:s9] =	ssyncset.done $0x0  }
0x2b: {  	[sflag:s9] =	ssyncadd.s32 $0xFFFFC800  }
0x2c: {  	s21 =	stileid.u32;
	[bflag:$0x0] =	sbarrier.arrive $0xFFFF  }
0x2d: {  	s0 =	sshll.u32 s21, $0x6;
	s11 =	rddreg [dreg:$0x5]  }
0x2e: {  	s0 =	sor.u32 $0x1C09, s0;
	s17 =	rddreg [dreg:$0x13];
	s10 =	sshrl.u32 s11, $0x3  }
0x2f: {  	[hbm:s17], [sflag:s0] =	dma.local [spmem:s10], $0x2710  }
0x30: {  	s17 =	simm.s32 $0x9  }
0x31: {  	_ =	swait.ge [sflag:s17], $0x2710  }
0x32: {  	s22 =	sld [smem:$0x7F9];
	_ =	sdelay $0x2  }
0x33: {  	s30 =	rddreg [dreg:$0x14];
	s10 =	sadd.s32 $0x1, s22  }
0x34: {  	p0 =	sne.s32 s10, s30  }
.Ltmp1:
0x35: {  	_ = 	snop;
	(pc) =	sbr.rel @!p0 .LBB2_15-.Ltmp1, $3  }
0x36: {  	_ =	sdelay $0x1  }
0x37: {  	[sflag:s17] =	ssyncset.done $0x0  }
0x38: {  	[sflag:s17] =	ssyncadd.s32 $0xFFFFD8F0  }
.LBB2_1:
0x39: {  	[smem:$0x7F9] =	sst s10  }
0x3a: {  	s0 =	rddreg [dreg:$0x1]  }
0x3b: {  	[tilespmem:s18], [sflag:$0x9] =	stream.linear.gather [hbm4b:s0+s5], $0x1A0, $0x38;
	[tilespmem:$0x1E920] =	vst v63  }
0x3c: {  	_ =	swait.ge [sflag:s17], $0x1A0  }
0x3d: {  	[sflag:s17] =	ssyncset.done $0x0  }
0x3e: {  	s10 =	simm.s32 $0x200;
	s0 =	simm.s32 $0x0;
	[sflag:s17] =	ssyncadd.s32 $0xFFFFFE60  }
.LBB2_2:
0x3f: {  	p0 =	sne.s32 s10, $0x3000;
	[tilespmem:s0+$0x3F70] =	vst v0  }
0x40: {  	[tilespmem:s0+$0x3F00] =	vst v0  }
0x41: {  	[tilespmem:s0+$0x3F10] =	vst v0  }
.Ltmp2:
0x42: {  	[tilespmem:s0+$0x3F20] =	vst v0;
	(pc) =	sbr.rel @p0 .LBB2_2-.Ltmp2, $4  }
0x43: {  	[tilespmem:s0+$0x3F30] =	vst v0  }
0x44: {  	[tilespmem:s0+$0x3F40] =	vst v0  }
0x45: {  	[tilespmem:s0+$0x3F50] =	vst v0  }
0x46: {  	[tilespmem:s0+$0x3F60] =	vst v0;
	s0 =	sshra.s32 s10, $0x2;
	s10 =	sadd.s32 $0x200, s10  }
0x47: {  	[tilespmem:s0+$0x3F70] =	vst v0  }
0x48: {  	[tilespmem:s0+$0x3F00] =	vst v0  }
0x49: {  	[tilespmem:s0+$0x3F10] =	vst v0  }
0x4a: {  	[tilespmem:s0+$0x3F20] =	vst v0  }
0x4b: {  	[tilespmem:s0+$0x3F30] =	vst v0  }
0x4c: {  	[tilespmem:s0+$0x3F40] =	vst v0  }
0x4d: {  	[tilespmem:s0+$0x3F50] =	vst v0  }
0x4e: {  	[tilespmem:s0+$0x3F60] =	vst v0  }
0x4f: {  	[spmem:s11] =	stream.linear.scatter [tilespmem:s23], [sflag:$0x9], $0xC80, $0x38;
	[tilespmem:$0x1E920] =	vst v63  }
0x50: {  	_ =	swait.ge [sflag:s17], $0xC80  }
0x51: {  	[sflag:s17] =	ssyncset.done $0x0  }
0x52: {  	s21 =	rddreg [dreg:$0x6];
	[sflag:s17] =	ssyncadd.s32 $0xFFFFF380  }
0x53: {  	[spmem:s21] =	stream.linear.scatter [tilespmem:s23], [sflag:$0x9], $0xC80, $0x38;
	[tilespmem:$0x1E920] =	vst v63  }
0x54: {  	_ =	swait.ge [sflag:s17], $0xC80  }
0x55: {  	[sflag:s17] =	ssyncset.done $0x0  }
0x56: {  	s22 =	rddreg [dreg:$0x7];
	[sflag:s17] =	ssyncadd.s32 $0xFFFFF380  }
0x57: {  	[spmem:s22] =	stream.linear.scatter [tilespmem:s23], [sflag:$0x9], $0xC80, $0x38;
	[tilespmem:$0x1E920] =	vst v63  }
0x58: {  	_ =	swait.ge [sflag:s17], $0xC80  }
0x59: {  	[sflag:s17] =	ssyncset.done $0x0  }
0x5a: {  	s10 =	rddreg [dreg:$0x8];
	[sflag:s17] =	ssyncadd.s32 $0xFFFFF380  }
0x5b: {  	[spmem:s10] =	stream.linear.scatter [tilespmem:s23], [sflag:$0x9], $0xC80, $0x38;
	[tilespmem:$0x1E920] =	vst v63  }
0x5c: {  	_ =	swait.ge [sflag:s17], $0xC80  }
0x5d: {  	[sflag:s17] =	ssyncset.done $0x0  }
0x5e: {  	s11 =	rddreg [dreg:$0x9];
	[sflag:s17] =	ssyncadd.s32 $0xFFFFF380  }
0x5f: {  	[spmem:s11] =	stream.linear.scatter [tilespmem:s23], [sflag:$0x9], $0xC80, $0x38;
	[tilespmem:$0x1E920] =	vst v63  }
0x60: {  	_ =	swait.ge [sflag:s17], $0xC80  }
0x61: {  	[sflag:s17] =	ssyncset.done $0x0  }
0x62: {  	s19 =	rddreg [dreg:$0xa];
	[sflag:s17] =	ssyncadd.s32 $0xFFFFF380  }
0x63: {  	[spmem:s19] =	stream.linear.scatter [tilespmem:s23], [sflag:$0x9], $0xC80, $0x38;
	[tilespmem:$0x1E920] =	vst v63  }
0x64: {  	_ =	swait.ge [sflag:s17], $0xC80  }
0x65: {  	[sflag:s17] =	ssyncset.done $0x0  }
0x66: {  	s20 =	rddreg [dreg:$0xb];
	[sflag:s17] =	ssyncadd.s32 $0xFFFFF380  }
0x67: {  	[spmem:s20] =	stream.linear.scatter [tilespmem:s23], [sflag:$0x9], $0xC80, $0x38;
	[tilespmem:$0x1E920] =	vst v63  }
0x68: {  	_ =	swait.ge [sflag:s17], $0xC80  }
0x69: {  	[sflag:s17] =	ssyncset.done $0x0  }
0x6a: {  	s21 =	rddreg [dreg:$0xc];
	[sflag:s17] =	ssyncadd.s32 $0xFFFFF380  }
0x6b: {  	[spmem:s21] =	stream.linear.scatter [tilespmem:s23], [sflag:$0x9], $0xC80, $0x38;
	[tilespmem:$0x1E920] =	vst v63  }
0x6c: {  	_ =	swait.ge [sflag:s17], $0xC80  }
0x6d: {  	[sflag:s17] =	ssyncset.done $0x0  }
0x6e: {  	s22 =	rddreg [dreg:$0xd];
	[sflag:s17] =	ssyncadd.s32 $0xFFFFF380  }
0x6f: {  	[spmem:s22] =	stream.linear.scatter [tilespmem:s23], [sflag:$0x9], $0xC80, $0x38;
	[tilespmem:$0x1E920] =	vst v63  }
0x70: {  	_ =	swait.ge [sflag:s17], $0xC80  }
0x71: {  	[sflag:s17] =	ssyncset.done $0x0  }
0x72: {  	s10 =	rddreg [dreg:$0xe];
	[sflag:s17] =	ssyncadd.s32 $0xFFFFF380  }
0x73: {  	[spmem:s10] =	stream.linear.scatter [tilespmem:s23], [sflag:$0x9], $0xC80, $0x38;
	[tilespmem:$0x1E920] =	vst v63  }
0x74: {  	_ =	swait.ge [sflag:s17], $0xC80  }
0x75: {  	[sflag:s17] =	ssyncset.done $0x0  }
0x76: {  	s11 =	rddreg [dreg:$0xf];
	[sflag:s17] =	ssyncadd.s32 $0xFFFFF380  }
0x77: {  	[spmem:s11] =	stream.linear.scatter [tilespmem:s23], [sflag:$0x9], $0xC80, $0x38;
	[tilespmem:$0x1E920] =	vst v63  }
0x78: {  	_ =	swait.ge [sflag:s17], $0xC80  }
0x79: {  	[sflag:s17] =	ssyncset.done $0x0  }
0x7a: {  	s19 =	rddreg [dreg:$0x15];
	[sflag:s17] =	ssyncadd.s32 $0xFFFFF380  }
0x7b: {  	[spmem:s19] =	stream.linear.scatter [tilespmem:s23], [sflag:$0x9], $0xC80, $0x38;
	[tilespmem:$0x1E920] =	vst v63  }
0x7c: {  	_ =	swait.ge [sflag:s17], $0xC80  }
0x7d: {  	[sflag:s17] =	ssyncset.done $0x0  }
0x7e: {  	s20 =	rddreg [dreg:$0x16];
	[sflag:s17] =	ssyncadd.s32 $0xFFFFF380  }
0x7f: {  	[spmem:s20] =	stream.linear.scatter [tilespmem:s23], [sflag:$0x9], $0xC80, $0x38;
	[tilespmem:$0x1E920] =	vst v63  }
0x80: {  	_ =	swait.ge [sflag:s17], $0xC80  }
0x81: {  	[sflag:s17] =	ssyncset.done $0x0  }
0x82: {  	s21 =	rddreg [dreg:$0x17];
	[sflag:s17] =	ssyncadd.s32 $0xFFFFF380  }
0x83: {  	[spmem:s21] =	stream.linear.scatter [tilespmem:s23], [sflag:$0x9], $0xC80, $0x38;
	[tilespmem:$0x1E920] =	vst v63  }
0x84: {  	_ =	swait.ge [sflag:s17], $0xC80  }
0x85: {  	[sflag:s17] =	ssyncset.done $0x0  }
0x86: {  	s22 =	rddreg [dreg:$0x18];
	[sflag:s17] =	ssyncadd.s32 $0xFFFFF380  }
0x87: {  	[spmem:s22] =	stream.linear.scatter [tilespmem:s23], [sflag:$0x9], $0xC80, $0x38;
	[tilespmem:$0x1E920] =	vst v63  }
0x88: {  	_ =	swait.ge [sflag:s17], $0xC80  }
0x89: {  	[sflag:s17] =	ssyncset.done $0x0  }
0x8a: {  	s10 =	rddreg [dreg:$0x19];
	[sflag:s17] =	ssyncadd.s32 $0xFFFFF380  }
0x8b: {  	[spmem:s10] =	stream.linear.scatter [tilespmem:s23], [sflag:$0x9], $0xC80, $0x38;
	[tilespmem:$0x1E920] =	vst v63  }
0x8c: {  	_ =	swait.ge [sflag:s17], $0xC80  }
0x8d: {  	[sflag:s17] =	ssyncset.done $0x0  }
0x8e: {  	s11 =	rddreg [dreg:$0x1a];
	[sflag:s17] =	ssyncadd.s32 $0xFFFFF380  }
0x8f: {  	[spmem:s11] =	stream.linear.scatter [tilespmem:s23], [sflag:$0x9], $0xC80, $0x38;
	[tilespmem:$0x1E920] =	vst v63  }
0x90: {  	_ =	swait.ge [sflag:s17], $0xC80  }
0x91: {  	[sflag:s17] =	ssyncset.done $0x0  }
0x92: {  	s19 =	rddreg [dreg:$0x1b];
	[sflag:s17] =	ssyncadd.s32 $0xFFFFF380  }
0x93: {  	[spmem:s19] =	stream.linear.scatter [tilespmem:s23], [sflag:$0x9], $0xC80, $0x38;
	[tilespmem:$0x1E920] =	vst v63  }
0x94: {  	_ =	swait.ge [sflag:s17], $0xC80  }
0x95: {  	[sflag:s17] =	ssyncset.done $0x0  }
0x96: {  	s20 =	rddreg [dreg:$0x1c];
	[sflag:s17] =	ssyncadd.s32 $0xFFFFF380  }
0x97: {  	[spmem:s20] =	stream.linear.scatter [tilespmem:s23], [sflag:$0x9], $0xC80, $0x38;
	[tilespmem:$0x1E920] =	vst v63  }
0x98: {  	_ =	swait.ge [sflag:s17], $0xC80  }
0x99: {  	[sflag:s17] =	ssyncset.done $0x0  }
0x9a: {  	s21 =	rddreg [dreg:$0x1d];
	[sflag:s17] =	ssyncadd.s32 $0xFFFFF380  }
0x9b: {  	[spmem:s21] =	stream.linear.scatter [tilespmem:s23], [sflag:$0x9], $0xC80, $0x38;
	[tilespmem:$0x1E920] =	vst v63  }
0x9c: {  	_ =	swait.ge [sflag:s17], $0xC80  }
0x9d: {  	[sflag:s17] =	ssyncset.done $0x0  }
0x9e: {  	s22 =	rddreg [dreg:$0x1e];
	[sflag:s17] =	ssyncadd.s32 $0xFFFFF380  }
0x9f: {  	[spmem:s22] =	stream.linear.scatter [tilespmem:s23], [sflag:$0x9], $0xC80, $0x38;
	[tilespmem:$0x1E920] =	vst v63  }
0xa0: {  	_ =	swait.ge [sflag:s17], $0xC80  }
0xa1: {  	[sflag:s17] =	ssyncset.done $0x0  }
0xa2: {  	s10 =	rddreg [dreg:$0x1f];
	[sflag:s17] =	ssyncadd.s32 $0xFFFFF380  }
0xa3: {  	[spmem:s10] =	stream.linear.scatter [tilespmem:s23], [sflag:$0x9], $0xC80, $0x38;
	[tilespmem:$0x1E920] =	vst v63  }
0xa4: {  	_ =	swait.ge [sflag:s17], $0xC80  }
0xa5: {  	s11 =	sld [smem:$0x7FA]  }
0xa6: {  	[sflag:s17] =	ssyncset.done $0x0  }
0xa7: {  	[sflag:s17] =	ssyncadd.s32 $0xFFFFF380  }
0xa8: {  	[spmem:s11] =	stream.linear.scatter [tilespmem:s23], [sflag:$0x9], $0xC80, $0x38;
	[tilespmem:$0x1E920] =	vst v63  }
0xa9: {  	_ =	swait.ge [sflag:s17], $0xC80  }
0xaa: {  	s19 =	sld [smem:$0x7FB]  }
0xab: {  	[sflag:s17] =	ssyncset.done $0x0  }
0xac: {  	[sflag:s17] =	ssyncadd.s32 $0xFFFFF380  }
0xad: {  	[spmem:s19] =	stream.linear.scatter [tilespmem:s23], [sflag:$0x9], $0xC80, $0x38;
	[tilespmem:$0x1E920] =	vst v63  }
0xae: {  	_ =	swait.ge [sflag:s17], $0xC80  }
0xaf: {  	s20 =	sld [smem:$0x7FC]  }
0xb0: {  	[sflag:s17] =	ssyncset.done $0x0  }
0xb1: {  	[sflag:s17] =	ssyncadd.s32 $0xFFFFF380  }
0xb2: {  	[spmem:s20] =	stream.linear.scatter [tilespmem:s23], [sflag:$0x9], $0xC80, $0x38;
	[tilespmem:$0x1E920] =	vst v63  }
0xb3: {  	_ =	swait.ge [sflag:s17], $0xC80  }
0xb4: {  	[sflag:s17] =	ssyncset.done $0x0  }
0xb5: {  	[sflag:s17] =	ssyncadd.s32 $0xFFFFF380  }
0xb6: {  	[bflag:$0x0] =	sbarrier.arrive $0xFFFF  }
0xb7: {  	s19 =	simm.s32 $0x0;
	s0 =	rddreg [dreg:$0x10]  }
0xb8: {  	[tilespmem:s19], [sflag:$0x1] =	stream.linear.gather [hbm4b:s0+s19], $0x70, $0x38;
	[tilespmem:$0x1E920] =	vst v63  }
0xb9: {  	s21 =	simm.s32 $0x1C0;
	s10 =	rddreg [dreg:$0x11]  }
0xba: {  	[tilespmem:s21], [sflag:$0x1] =	stream.linear.gather [hbm4b:s10+s19], $0x70, $0x38;
	[tilespmem:$0x1E920] =	vst v63  }
0xbb: {  	s20 =	simm.s32 $0x380;
	s22 =	rddreg [dreg:$0x12]  }
0xbc: {  	[tilespmem:s20], [sflag:$0x1] =	stream.linear.gather [hbm4b:s22+s19], $0x70, $0x38;
	[tilespmem:$0x1E920] =	vst v63  }
0xbd: {  	_ = 	snop  }
0xbe: {  	[tilespmem:s25], [sflag:$0x2] =	stream.linear.gather [hbm4b:s10+s19], $0x70, $0x38;
	[tilespmem:$0x1E920] =	vst v63  }
0xbf: {  	_ = 	snop  }
0xc0: {  	[tilespmem:s28], [sflag:$0x2] =	stream.linear.gather [hbm4b:s0+s19], $0x70, $0x38;
	[tilespmem:$0x1E920] =	vst v63  }
0xc1: {  	s21 =	simm.s32 $0x3F0  }
0xc2: {  	[tilespmem:s21], [sflag:$0x2] =	stream.linear.gather [hbm4b:s22+s19], $0x70, $0x38;
	[tilespmem:$0x1E920] =	vst v63  }
0xc3: {  	s22 =	simm.s32 $0x1  }
0xc4: {  	_ =	swait.ge [sflag:s22], $0x70  }
0xc5: {  	[sflag:s22] =	ssyncset.done $0x0  }
0xc6: {  	[sflag:s22] =	ssyncadd.s32 $0xFFFFFF90  }
0xc7: {  	_ =	swait.ge [sflag:s22], $0x70  }
0xc8: {  	[sflag:s22] =	ssyncset.done $0x0  }
0xc9: {  	[sflag:s22] =	ssyncadd.s32 $0xFFFFFF90  }
0xca: {  	_ =	swait.ge [sflag:s22], $0x70  }
0xcb: {  	[sflag:s22] =	ssyncset.done $0x0  }
0xcc: {  	[sflag:s22] =	ssyncadd.s32 $0xFFFFFF90  }
0xcd: {  	v1 =	vld [tilespmem:$0x380];
	_ =	sdelay $0x5  }
0xce: {  	v2 =	vld [tilespmem:$0x390];
	_ =	sdelay $0x1  }
0xcf: {  	v1 =	vld.idx.msk [tilespmem:v1+s18+$0x0], $0xffff;
	_ =	sdelay $0x3  }
0xd0: {  	v3 =	vld [tilespmem:$0x3A0]  }
0xd1: {  	[tilespmem:$0x540] =	vst v1  }
0xd2: {  	v1 =	vld.idx.msk [tilespmem:v2+s18+$0x0], $0xffff;
	_ =	sdelay $0x3  }
0xd3: {  	v2 =	vld [tilespmem:$0x3B0]  }
0xd4: {  	[tilespmem:$0x550] =	vst v1  }
0xd5: {  	v1 =	vld.idx.msk [tilespmem:v3+s18+$0x0], $0xffff;
	_ =	sdelay $0x3  }
0xd6: {  	v3 =	vld [tilespmem:$0x3C0]  }
0xd7: {  	[tilespmem:$0x560] =	vst v1  }
0xd8: {  	v1 =	vld.idx.msk [tilespmem:v2+s18+$0x0], $0xffff;
	_ =	sdelay $0x3  }
0xd9: {  	v2 =	vld [tilespmem:$0x3D0]  }
0xda: {  	[tilespmem:$0x570] =	vst v1  }
0xdb: {  	v1 =	vld.idx.msk [tilespmem:v3+s18+$0x0], $0xffff;
	_ =	sdelay $0x3  }
0xdc: {  	v3 =	vld [tilespmem:$0x3E0]  }
0xdd: {  	[tilespmem:$0x580] =	vst v1  }
0xde: {  	v1 =	vld.idx.msk [tilespmem:v2+s18+$0x0], $0xffff;
	_ =	sdelay $0x4  }
0xdf: {  	[tilespmem:$0x590] =	vst v1  }
0xe0: {  	v1 =	vld.idx.msk [tilespmem:v3+s18+$0x0], $0xffff;
	_ =	sdelay $0x4  }
0xe1: {  	s30 =	simm.s32 $0x0;
	s28 =	simm.s32 $0x700;
	[tilespmem:$0x5A0] =	vst v1  }
0xe2: {  	[tilespmem:s28], [sflag:$0x5] =	stream.indirect.gather [hbm4b:s2+s25], $0x40, s19, s25, $0xb8;
	[tilespmem:$0x1E920] =	vst v63  }
.LBB2_4:
0xe3: {  	_ =	swait.ge [sflag:s31], $0x70  }
0xe4: {  	[sflag:s31] =	ssyncset.done $0x0  }
0xe5: {  	[sflag:s31] =	ssyncadd.s32 $0xFFFFFF90  }
0xe6: {  	_ =	swait.ge [sflag:s31], $0x70  }
0xe7: {  	[sflag:s31] =	ssyncset.done $0x0  }
0xe8: {  	[sflag:s31] =	ssyncadd.s32 $0xFFFFFF90  }
0xe9: {  	_ =	swait.ge [sflag:s31], $0x70  }
0xea: {  	[sflag:s31] =	ssyncset.done $0x0  }
0xeb: {  	[sflag:s31] =	ssyncadd.s32 $0xFFFFFF90  }
0xec: {  	v1 =	vld [tilespmem:$0x3F0];
	_ =	sdelay $0x5  }
0xed: {  	v2 =	vld [tilespmem:$0x400];
	_ =	sdelay $0x1  }
0xee: {  	v1 =	vld.idx.msk [tilespmem:v1+s18+$0x0], $0xffff;
	_ =	sdelay $0x3  }
0xef: {  	v3 =	vld [tilespmem:$0x410]  }
0xf0: {  	[tilespmem:$0x5B0] =	vst v1  }
0xf1: {  	v1 =	vld.idx.msk [tilespmem:v2+s18+$0x0], $0xffff;
	_ =	sdelay $0x3  }
0xf2: {  	v2 =	vld [tilespmem:$0x420]  }
0xf3: {  	[tilespmem:$0x5C0] =	vst v1  }
0xf4: {  	v1 =	vld.idx.msk [tilespmem:v3+s18+$0x0], $0xffff;
	_ =	sdelay $0x3  }
0xf5: {  	v3 =	vld [tilespmem:$0x430]  }
0xf6: {  	[tilespmem:$0x5D0] =	vst v1  }
0xf7: {  	v1 =	vld.idx.msk [tilespmem:v2+s18+$0x0], $0xffff;
	_ =	sdelay $0x3  }
0xf8: {  	v2 =	vld [tilespmem:$0x440]  }
0xf9: {  	[tilespmem:$0x5E0] =	vst v1  }
0xfa: {  	v1 =	vld.idx.msk [tilespmem:v3+s18+$0x0], $0xffff;
	_ =	sdelay $0x3  }
0xfb: {  	v3 =	vld [tilespmem:$0x450]  }
0xfc: {  	[tilespmem:$0x5F0] =	vst v1  }
0xfd: {  	v1 =	vld.idx.msk [tilespmem:v2+s18+$0x0], $0xffff;
	_ =	sdelay $0x4  }
0xfe: {  	[tilespmem:$0x600] =	vst v1  }
0xff: {  	v1 =	vld.idx.msk [tilespmem:v3+s18+$0x0], $0xffff;
	_ =	sdelay $0x4  }
0x100: {  	s0 =	simm.s32 $0x2;
	[tilespmem:$0x610] =	vst v1  }
0x101: {  	v1 =	vmov s0;
	[tilespmem:s26], [sflag:$0x6] =	stream.indirect.gather [hbm4b:s2+s25], $0x40, s25, s25, $0xb8;
	[tilespmem:$0x1E920] =	vst v63  }
0x102: {  	v1 =	vand.u32 $0xFFFFFFFE, v1;
	_ =	swait.ge [sflag:s1], $0x1C00  }
0x103: {  	p0 =	seq.s32 s30, $0x0;
	s10 =	simm.s32 $0x1;
	v1 =	vbroadcast v1, $0x0;
	[sflag:s1] =	ssyncset.done $0x0  }
0x104: {  	v2 =	vmov s10;
	s0 =	simm.s32 @!p0 $0x7;
	[sflag:s1] =	ssyncadd.s32 $0xFFFFE400  }
0x105: {  	s28 =	simm.s32 $0x0;
	v2 =	vand.u32 $0xFFFFFFFD, v2;
	_ =	swait.ge @!p0 [sflag:s0], $0x3800  }
0x106: {  	v2 =	vbroadcast v2, $0x0;
	v3 =	vmov s28;
	[sflag:s0] =	ssyncset.done @!p0 $0x0  }
0x107: {  	v3 =	vand.u32 $0xFFFFFFFC, v3;
	s26 =	simm.s32 $0x780;
	[sflag:s0] =	ssyncadd.s32 @!p0 $0xFFFFC800  }
0x108: {  	v3 =	vbroadcast v3, $0x0;
	v4 =	vld [tilespmem:s26+$0x0]  }
0x109: {  	s11 =	simm.s32 $0x3;
	v8 =	vld.idx.msk [tilespmem:v1+s4+$0x0], $0xffff  }
0x10a: {  	v1 =	vmov s11  }
0x10b: {  	v9 =	vld [tilespmem:s26+$0xFFFFFFC0]  }
0x10c: {  	v7 =	vld.idx.msk [tilespmem:v2+s4+$0x0], $0xffff  }
0x10d: {  	v10 =	vld [tilespmem:s26+$0xFFFFFF80];
	v2 =	vunpack.i.l.bf16.f32 v4  }
0x10e: {  	v6 =	vld.idx.msk [tilespmem:v3+s4+$0x0], $0xffff;
	v4 =	vunpack.i.u.bf16.f32 v4;
	v2 =	vmul.f32 v2, v8  }
0x10f: {  	s0 =	simm.s32 $0x4000;
	v5 =	vld.idx.msk [tilespmem:v1+s4+$0x0], $0xffff;
	v3 =	vmul.f32 v4, v8  }
0x110: {  	v1 =	vunpack.i.l.bf16.f32 v9;
	v4 =	vld [tilespmem:s26+$0x40];
	[tilespmem:s0+$0x0] =	vst v2  }
0x111: {  	v1 =	vmul.f32 v1, v7;
	[tilespmem:s0+$0x10] =	vst v3;
	v2 =	vunpack.i.u.bf16.f32 v9  }
0x112: {  	v9 =	vunpack.i.l.bf16.f32 v10;
	v3 =	vld [tilespmem:s26+$0x10];
	v2 =	vmul.f32 v2, v7  }
0x113: {  	v10 =	vunpack.i.u.bf16.f32 v10;
	[tilespmem:s0+$0xFFFFFF80] =	vst v1;
	v9 =	vmul.f32 v9, v6  }
0x114: {  	v10 =	vmul.f32 v10, v6;
	[tilespmem:s0+$0xFFFFFF90] =	vst v2  }
0x115: {  	v1 =	vunpack.i.l.bf16.f32 v4;
	v2 =	vunpack.i.u.bf16.f32 v4;
	[tilespmem:s0+$0xFFFFFF00] =	vst v9;
	v4 =	vld [tilespmem:s26+$0xFFFFFFD0]  }
0x116: {  	[tilespmem:s0+$0xFFFFFF10] =	vst v10;
	v1 =	vmul.f32 v1, v5  }
0x117: {  	v2 =	vmul.f32 v2, v5;
	v10 =	vld [tilespmem:s26+$0xFFFFFF90];
	v9 =	vunpack.i.l.bf16.f32 v3  }
0x118: {  	[tilespmem:s0+$0x80] =	vst v1;
	v1 =	vunpack.i.u.bf16.f32 v3;
	v3 =	vmul.f32 v9, v8  }
0x119: {  	[tilespmem:s0+$0x90] =	vst v2;
	v1 =	vmul.f32 v1, v8  }
0x11a: {  	v2 =	vld [tilespmem:s26+$0x50];
	[tilespmem:s0+$0x20] =	vst v3;
	v3 =	vunpack.i.l.bf16.f32 v4  }
0x11b: {  	[tilespmem:s0+$0x30] =	vst v1;
	v1 =	vunpack.i.u.bf16.f32 v4;
	v3 =	vmul.f32 v3, v7  }
0x11c: {  	s11 =	simm.s32 $0x4;
	v11 =	vunpack.i.l.bf16.f32 v10;
	v4 =	vld [tilespmem:s26+$0x20];
	v1 =	vmul.f32 v1, v7  }
0x11d: {  	s17 =	simm.s32 $0x7;
	v9 =	vmov s11;
	v10 =	vunpack.i.u.bf16.f32 v10;
	v11 =	vmul.f32 v11, v6;
	[tilespmem:s0+$0xFFFFFFA0] =	vst v3  }
0x11e: {  	v12 =	vmov s17;
	s17 =	simm.s32 $0x6;
	v3 =	vand.u32 $0xFFFFFFFC, v9;
	v9 =	vmul.f32 v10, v6;
	[tilespmem:s0+$0xFFFFFFB0] =	vst v1  }
0x11f: {  	v1 =	vunpack.i.l.bf16.f32 v2;
	[tilespmem:s0+$0xFFFFFF20] =	vst v11;
	v11 =	vmov s17;
	v10 =	vld [tilespmem:s26+$0xFFFFFFE0]  }
0x120: {  	v2 =	vunpack.i.u.bf16.f32 v2;
	v1 =	vmul.f32 v1, v5;
	[tilespmem:s0+$0xFFFFFF30] =	vst v9;
	v9 =	vand.u32 $0xFFFFFFFE, v11  }
0x121: {  	v2 =	vmul.f32 v2, v5;
	v11 =	vunpack.i.l.bf16.f32 v4;
	v9 =	vbroadcast v9, $0x0  }
0x122: {  	s19 =	simm.s32 $0x5;
	s11 =	simm.s32 $0x880;
	v3 =	vbroadcast v3, $0x0;
	v13 =	vld [tilespmem:s26+$0xFFFFFFA0];
	[tilespmem:s0+$0xA0] =	vst v1;
	v1 =	vunpack.i.u.bf16.f32 v4;
	v4 =	vmul.f32 v11, v8  }
0x123: {  	v15 =	vld [tilespmem:s11+$0x0];
	[tilespmem:s0+$0xB0] =	vst v2;
	v11 =	vmov s19;
	v2 =	vmul.f32 v1, v8  }
0x124: {  	v1 =	vand.u32 $0xFFFFFFFD, v11;
	v11 =	vld [tilespmem:s26+$0x60];
	[tilespmem:s0+$0x40] =	vst v4;
	v4 =	vunpack.i.l.bf16.f32 v10  }
0x125: {  	v14 =	vbroadcast v1, $0x0;
	v1 =	vld.idx.msk [tilespmem:v12+s4+$0x0], $0xffff;
	[tilespmem:s0+$0x50] =	vst v2;
	v4 =	vmul.f32 v4, v7  }
0x126: {  	v2 =	vunpack.i.u.bf16.f32 v10;
	v10 =	vld [tilespmem:s26+$0x30]  }
0x127: {  	v12 =	vmul.f32 v2, v7;
	v2 =	vunpack.i.l.bf16.f32 v13;
	[tilespmem:s0+$0xFFFFFFC0] =	vst v4;
	v4 =	vld.idx.msk [tilespmem:v9+s4+$0x0], $0xffff  }
0x128: {  	v13 =	vunpack.i.u.bf16.f32 v13;
	v16 =	vmul.f32 v2, v6;
	v2 =	vld.idx.msk [tilespmem:v3+s4+$0x0], $0xffff  }
0x129: {  	v9 =	vmul.f32 v13, v6;
	[tilespmem:s0+$0xFFFFFFD0] =	vst v12;
	v13 =	vld [tilespmem:s11+$0xFFFFFFC0];
	v3 =	vunpack.i.l.bf16.f32 v11  }
0x12a: {  	v11 =	vunpack.i.u.bf16.f32 v11;
	[tilespmem:s0+$0xFFFFFF40] =	vst v16;
	v12 =	vmul.f32 v3, v5;
	v16 =	vld [tilespmem:s11+$0x40]  }
0x12b: {  	v11 =	vmul.f32 v11, v5;
	[tilespmem:s0+$0xFFFFFF50] =	vst v9;
	v3 =	vld.idx.msk [tilespmem:v14+s4+$0x0], $0xffff;
	v9 =	vunpack.i.u.bf16.f32 v10  }
0x12c: {  	v14 =	vld [tilespmem:s11+$0xFFFFFF80];
	[tilespmem:s0+$0xC0] =	vst v12;
	v9 =	vmul.f32 v9, v8;
	v12 =	vunpack.i.l.bf16.f32 v15  }
0x12d: {  	[tilespmem:s0+$0xD0] =	vst v11;
	v11 =	vunpack.i.u.bf16.f32 v15;
	v12 =	vmul.f32 v12, v4  }
0x12e: {  	s21 =	simm.s32 $0x4200;
	v10 =	vunpack.i.l.bf16.f32 v10;
	v15 =	vld [tilespmem:s26+$0xFFFFFFF0];
	[tilespmem:s0+$0x70] =	vst v9;
	v9 =	vmul.f32 v11, v4  }
0x12f: {  	v8 =	vmul.f32 v10, v8;
	v10 =	vld [tilespmem:s26+$0xFFFFFFB0];
	v11 =	vunpack.i.l.bf16.f32 v13;
	[tilespmem:s21+$0x0] =	vst v12  }
0x130: {  	v13 =	vunpack.i.u.bf16.f32 v13;
	v12 =	vld [tilespmem:s26+$0x70];
	v17 =	vunpack.i.u.bf16.f32 v16;
	v11 =	vmul.f32 v11, v3;
	[tilespmem:s21+$0x10] =	vst v9  }
0x131: {  	[tilespmem:s0+$0x60] =	vst v8;
	v9 =	vunpack.i.l.bf16.f32 v14;
	v8 =	vmul.f32 v13, v3;
	v14 =	vunpack.i.u.bf16.f32 v14;
	v13 =	vld [tilespmem:s11+$0x10]  }
0x132: {  	v9 =	vmul.f32 v9, v2;
	v14 =	vmul.f32 v14, v2;
	[tilespmem:s21+$0xFFFFFF80] =	vst v11;
	v11 =	vunpack.i.l.bf16.f32 v16  }
0x133: {  	v16 =	vunpack.i.u.bf16.f32 v15;
	[tilespmem:s21+$0xFFFFFF90] =	vst v8;
	v8 =	vunpack.i.l.bf16.f32 v15;
	v15 =	vmul.f32 v17, v1  }
0x134: {  	v18 =	vunpack.i.u.bf16.f32 v10;
	v11 =	vmul.f32 v11, v1;
	v17 =	vld [tilespmem:s11+$0xFFFFFFD0];
	[tilespmem:s21+$0xFFFFFF10] =	vst v14;
	v14 =	vmul.f32 v8, v7  }
0x135: {  	[tilespmem:s21+$0xFFFFFF00] =	vst v9;
	v9 =	vunpack.i.l.bf16.f32 v10;
	v16 =	vmul.f32 v16, v7;
	v8 =	vmul.f32 v18, v6  }
0x136: {  	s22 =	simm.s32 $0xB;
	v10 =	vunpack.i.u.bf16.f32 v12;
	v19 =	vld [tilespmem:s11+$0xFFFFFF90];
	v9 =	vmul.f32 v9, v6;
	[tilespmem:s21+$0x90] =	vst v15;
	v7 =	vunpack.i.l.bf16.f32 v13  }
0x137: {  	v15 =	vmov s22;
	[tilespmem:s21+$0x80] =	vst v11;
	v11 =	vunpack.i.u.bf16.f32 v13;
	v13 =	vmul.f32 v7, v4  }
0x138: {  	s20 =	simm.s32 $0x8;
	[tilespmem:s0+$0xFFFFFFE0] =	vst v14;
	v6 =	vmul.f32 v10, v5;
	v7 =	vunpack.i.l.bf16.f32 v12;
	v11 =	vmul.f32 v11, v4;
	v12 =	vld [tilespmem:s11+$0x50]  }
0x139: {  	v10 =	vmov s20;
	v7 =	vmul.f32 v7, v5;
	v5 =	vunpack.i.l.bf16.f32 v17;
	[tilespmem:s21+$0x20] =	vst v13  }
0x13a: {  	v10 =	vand.u32 $0xFFFFFFFC, v10;
	v13 =	vunpack.i.u.bf16.f32 v17;
	v5 =	vmul.f32 v5, v3;
	[tilespmem:s21+$0x30] =	vst v11  }
0x13b: {  	s26 =	simm.s32 $0x9;
	[tilespmem:s0+$0xFFFFFFF0] =	vst v16;
	v10 =	vbroadcast v10, $0x0;
	v14 =	vunpack.i.u.bf16.f32 v19;
	v11 =	vmul.f32 v13, v3;
	v17 =	vld [tilespmem:s11+$0x20]  }
0x13c: {  	v13 =	vunpack.i.l.bf16.f32 v19;
	v16 =	vmul.f32 v14, v2;
	[tilespmem:s21+$0xFFFFFFA0] =	vst v5;
	v5 =	vmov s26  }
0x13d: {  	v13 =	vmul.f32 v13, v2;
	[tilespmem:s21+$0xFFFFFFB0] =	vst v11;
	v11 =	vunpack.i.l.bf16.f32 v12;
	v5 =	vand.u32 $0xFFFFFFFD, v5  }
0x13e: {  	s28 =	simm.s32 $0xA;
	v12 =	vunpack.i.u.bf16.f32 v12;
	[tilespmem:s21+$0xFFFFFF30] =	vst v16;
	v18 =	vmul.f32 v11, v1;
	v14 =	vld [tilespmem:s11+$0xFFFFFFE0];
	v11 =	vbroadcast v5, $0x0  }
0x13f: {  	[tilespmem:s21+$0xFFFFFF20] =	vst v13;
	v19 =	vmul.f32 v12, v1;
	v12 =	vmov s28  }
0x140: {  	s10 =	simm.s32 $0x4200;
	v5 =	vand.u32 $0xFFFFFFFE, v12;
	v13 =	vld [tilespmem:s11+$0xFFFFFFA0];
	v20 =	vunpack.i.l.bf16.f32 v17;
	[tilespmem:s21+$0xA0] =	vst v18  }
0x141: {  	s17 =	sshll.u32 s30, $0x2;
	s19 =	simm.s32 $0xC;
	s22 =	simm.s32 $0x880;
	v12 =	vbroadcast v5, $0x0;
	v5 =	vld.idx.msk [tilespmem:v15+s4+$0x0], $0xffff;
	v16 =	vunpack.i.u.bf16.f32 v17;
	[tilespmem:s21+$0xB0] =	vst v19;
	v15 =	vmul.f32 v20, v4  }
.LBB2_5:
0x142: {  	p1 =	slt.u32 s19, $0x6C;
	v16 =	vmul.f32 v16, v4;
	v17 =	vld [tilespmem:s11+$0x60];
	[tilespmem:s0+$0xFFFFFF60] =	vst v9  }
0x143: {  	v10 =	vld.idx.msk [tilespmem:v10+s4+$0x0], $0xffff;
	v9 =	vunpack.i.u.bf16.f32 v14;
	v14 =	vunpack.i.l.bf16.f32 v14;
	[tilespmem:s21+$0x40] =	vst v15  }
0x144: {  	v11 =	vld.idx.msk [tilespmem:v11+s4+$0x0], $0xffff;
	v14 =	vmul.f32 v14, v3;
	v9 =	vmul.f32 v9, v3;
	[tilespmem:s21+$0x50] =	vst v16  }
0x145: {  	s11 =	sadd.s32 $0x100, s11;
	v15 =	vunpack.i.u.bf16.f32 v13;
	v13 =	vunpack.i.l.bf16.f32 v13;
	v16 =	vld [tilespmem:s22+$0x30];
	[tilespmem:s0+$0xFFFFFF70] =	vst v8  }
0x146: {  	v8 =	vld [tilespmem:s11+$0x0];
	v13 =	vmul.f32 v13, v2;
	v15 =	vmul.f32 v15, v2;
	[tilespmem:s21+$0xFFFFFFC0] =	vst v14  }
0x147: {  	v12 =	vld.idx.msk [tilespmem:v12+s4+$0x0], $0xffff;
	[tilespmem:s21+$0xFFFFFFD0] =	vst v9;
	v9 =	vunpack.i.u.bf16.f32 v17;
	v14 =	vunpack.i.l.bf16.f32 v17  }
0x148: {  	v17 =	vld [tilespmem:s11+$0xFFFFFF80];
	[tilespmem:s21+$0xFFFFFF40] =	vst v13;
	v13 =	vmul.f32 v14, v1;
	v9 =	vmul.f32 v9, v1  }
0x149: {  	v14 =	vld [tilespmem:s11+$0xFFFFFFC0];
	[tilespmem:s21+$0xFFFFFF50] =	vst v15  }
0x14a: {  	v15 =	vld [tilespmem:s11+$0x40];
	v18 =	vunpack.i.u.bf16.f32 v16;
	v16 =	vunpack.i.l.bf16.f32 v16;
	[tilespmem:s21+$0xC0] =	vst v13  }
0x14b: {  	v13 =	vld [tilespmem:s22+$0xFFFFFFF0];
	v16 =	vmul.f32 v16, v4;
	v20 =	vmul.f32 v18, v4;
	[tilespmem:s21+$0xD0] =	vst v9  }
0x14c: {  	v9 =	vunpack.i.l.bf16.f32 v8;
	v18 =	vld [tilespmem:s22+$0xFFFFFFB0];
	[tilespmem:s0+$0xE0] =	vst v7  }
0x14d: {  	v8 =	vunpack.i.u.bf16.f32 v8;
	v9 =	vmul.f32 v9, v12;
	v4 =	vmovc v12;
	v7 =	vunpack.i.u.bf16.f32 v17;
	[tilespmem:s21+$0x70] =	vst v20;
	v19 =	vld [tilespmem:s22+$0x70];
	s22 =	smov.u32 s11  }
0x14e: {  	v12 =	vunpack.i.l.bf16.f32 v17;
	v8 =	vmul.f32 v8, v4;
	s21 =	sadd.s32 $0x200, s21;
	v17 =	vunpack.i.u.bf16.f32 v14;
	[tilespmem:s10+$0x60] =	vst v16  }
0x14f: {  	v14 =	vunpack.i.l.bf16.f32 v14;
	[tilespmem:s21+$0x0] =	vst v9;
	v9 =	vunpack.i.u.bf16.f32 v15;
	v15 =	vunpack.i.l.bf16.f32 v15  }
0x150: {  	v14 =	vmul.f32 v14, v11;
	v16 =	vmul.f32 v17, v11;
	[tilespmem:s21+$0x10] =	vst v8;
	v8 =	vunpack.i.u.bf16.f32 v13  }
0x151: {  	v12 =	vmul.f32 v12, v10;
	v7 =	vmul.f32 v7, v10;
	v13 =	vunpack.i.l.bf16.f32 v13;
	v17 =	vld [tilespmem:s11+$0x10];
	[tilespmem:s0+$0xF0] =	vst v6;
	s0 =	smov.u32 s10;
	s10 =	smov.u32 s21  }
0x152: {  	v6 =	vmul.f32 v15, v5;
	v15 =	vunpack.i.u.bf16.f32 v18;
	[tilespmem:s21+$0xFFFFFF80] =	vst v14;
	v14 =	vmul.f32 v9, v5  }
0x153: {  	v9 =	vunpack.i.l.bf16.f32 v18;
	v18 =	vunpack.i.l.bf16.f32 v19;
	[tilespmem:s21+$0xFFFFFF90] =	vst v16;
	v16 =	vunpack.i.u.bf16.f32 v19  }
0x154: {  	v13 =	vmul.f32 v13, v3;
	v19 =	vmul.f32 v8, v3;
	v3 =	vmov v11;
	[tilespmem:s21+$0xFFFFFF00] =	vst v12;
	v12 =	vld [tilespmem:s11+$0xFFFFFFD0]  }
0x155: {  	v9 =	vmul.f32 v9, v2;
	v8 =	vmul.f32 v15, v2;
	v2 =	vmov v10;
	[tilespmem:s21+$0xFFFFFF10] =	vst v7  }
0x156: {  	v7 =	vmul.f32 v18, v1;
	v11 =	vld [tilespmem:s11+$0xFFFFFF90];
	v10 =	vunpack.i.l.bf16.f32 v17;
	[tilespmem:s21+$0x80] =	vst v6;
	v6 =	vmul.f32 v16, v1;
	v1 =	vmovc v5  }
0x157: {  	s20 =	sadd.s32 $0x3, s19;
	v5 =	vunpack.i.u.bf16.f32 v17;
	v10 =	vmul.f32 v10, v4;
	[tilespmem:s21+$0x90] =	vst v14  }
0x158: {  	v15 =	vmov s20;
	v14 =	vmov s19;
	v5 =	vmul.f32 v5, v4;
	v16 =	vld [tilespmem:s11+$0x50];
	[tilespmem:s0+$0xFFFFFFE0] =	vst v13  }
0x159: {  	s20 =	sadd.s32 $0x1, s19;
	v13 =	vand.u32 $0xFFFFFFFC, v14;
	v14 =	vunpack.i.u.bf16.f32 v12;
	v12 =	vunpack.i.l.bf16.f32 v12;
	[tilespmem:s21+$0x20] =	vst v10  }
0x15a: {  	v17 =	vmov s20;
	v12 =	vmul.f32 v12, v3;
	v14 =	vmul.f32 v14, v3;
	[tilespmem:s21+$0x30] =	vst v5  }
0x15b: {  	v10 =	vbroadcast v13, $0x0;
	v5 =	vunpack.i.u.bf16.f32 v11;
	v11 =	vunpack.i.l.bf16.f32 v11;
	v18 =	vld [tilespmem:s11+$0x20];
	[tilespmem:s0+$0xFFFFFFF0] =	vst v19  }
0x15c: {  	v13 =	vand.u32 $0xFFFFFFFD, v17;
	v17 =	vmul.f32 v11, v2;
	v5 =	vmul.f32 v5, v2;
	[tilespmem:s21+$0xFFFFFFA0] =	vst v12  }
.Ltmp3:
0x15d: {  	v11 =	vbroadcast v13, $0x0;
	[tilespmem:s21+$0xFFFFFFB0] =	vst v14;
	v12 =	vunpack.i.u.bf16.f32 v16;
	v13 =	vunpack.i.l.bf16.f32 v16;
	(pc) =	sbr.rel @p1 .LBB2_5-.Ltmp3, $4  }
0x15e: {  	s20 =	sadd.s32 $0x2, s19;
	[tilespmem:s21+$0xFFFFFF20] =	vst v17;
	v14 =	vld [tilespmem:s11+$0xFFFFFFE0];
	v16 =	vmul.f32 v13, v1;
	v17 =	vmul.f32 v12, v1  }
0x15f: {  	v12 =	vmov s20;
	[tilespmem:s21+$0xFFFFFF30] =	vst v5  }
0x160: {  	v5 =	vand.u32 $0xFFFFFFFE, v12;
	v13 =	vld [tilespmem:s11+$0xFFFFFFA0];
	v19 =	vunpack.i.l.bf16.f32 v18;
	[tilespmem:s21+$0xA0] =	vst v16  }
0x161: {  	s19 =	sadd.s32 $0x4, s19;
	v12 =	vbroadcast v5, $0x0;
	v16 =	vunpack.i.u.bf16.f32 v18;
	v5 =	vld.idx.msk [tilespmem:v15+s4+$0x0], $0xffff;
	v15 =	vmul.f32 v19, v4;
	[tilespmem:s21+$0xB0] =	vst v17  }
0x162: {  	v16 =	vmul.f32 v16, v4;
	[tilespmem:s0+$0xFFFFFF60] =	vst v9  }
0x163: {  	v17 =	vld [tilespmem:s11+$0x60];
	[tilespmem:s21+$0x40] =	vst v15  }
0x164: {  	v9 =	vunpack.i.l.bf16.f32 v14;
	[tilespmem:s21+$0x50] =	vst v16  }
0x165: {  	[tilespmem:s0+$0xFFFFFF70] =	vst v8;
	v14 =	vunpack.i.u.bf16.f32 v14;
	v9 =	vmul.f32 v9, v3;
	v16 =	vld [tilespmem:s22+$0x30]  }
0x166: {  	s20 =	sadd.s32 $0x100, s11;
	[tilespmem:s0+$0xE0] =	vst v7;
	v14 =	vmul.f32 v14, v3;
	v15 =	vunpack.i.l.bf16.f32 v13  }
0x167: {  	v8 =	vunpack.i.u.bf16.f32 v13;
	v13 =	vmul.f32 v15, v2;
	[tilespmem:s21+$0xFFFFFFC0] =	vst v9;
	v9 =	vld [tilespmem:s20+$0x0]  }
0x168: {  	v12 =	vld.idx.msk [tilespmem:v12+s4+$0x0], $0xffff;
	v8 =	vmul.f32 v8, v2;
	[tilespmem:s21+$0xFFFFFFD0] =	vst v14;
	v14 =	vunpack.i.l.bf16.f32 v17  }
0x169: {  	v15 =	vunpack.i.u.bf16.f32 v17;
	[tilespmem:s21+$0xFFFFFF40] =	vst v13;
	v13 =	vmul.f32 v14, v1  }
0x16a: {  	v14 =	vmul.f32 v15, v1;
	[tilespmem:s21+$0xFFFFFF50] =	vst v8;
	v8 =	vld [tilespmem:s20+$0xFFFFFFC0];
	v15 =	vunpack.i.u.bf16.f32 v16  }
0x16b: {  	v11 =	vld.idx.msk [tilespmem:v11+s4+$0x0], $0xffff;
	[tilespmem:s21+$0xC0] =	vst v13;
	v13 =	vunpack.i.l.bf16.f32 v16;
	v15 =	vmul.f32 v15, v4  }
0x16c: {  	[tilespmem:s21+$0xD0] =	vst v14;
	v14 =	vld [tilespmem:s20+$0xFFFFFF80];
	v4 =	vmul.f32 v13, v4;
	v13 =	vunpack.i.l.bf16.f32 v9  }
0x16d: {  	v7 =	vld.idx.msk [tilespmem:v10+s4+$0x0], $0xffff;
	v9 =	vunpack.i.u.bf16.f32 v9;
	v10 =	vmul.f32 v13, v12;
	[tilespmem:s21+$0x70] =	vst v15  }
0x16e: {  	s19 =	sadd.s32 $0x200, s21;
	v13 =	vld [tilespmem:s20+$0x40];
	v9 =	vmul.f32 v9, v12;
	[tilespmem:s10+$0x60] =	vst v4  }
0x16f: {  	v4 =	vunpack.i.l.bf16.f32 v8;
	[tilespmem:s19+$0x0] =	vst v10  }
0x170: {  	v10 =	vld [tilespmem:s22+$0xFFFFFFF0];
	v8 =	vunpack.i.u.bf16.f32 v8;
	[tilespmem:s19+$0x10] =	vst v9;
	v4 =	vmul.f32 v4, v11  }
0x171: {  	[tilespmem:s0+$0xF0] =	vst v6;
	v9 =	vunpack.i.l.bf16.f32 v14;
	v8 =	vmul.f32 v8, v11;
	v15 =	vld [tilespmem:s20+$0x10]  }
0x172: {  	v6 =	vunpack.i.u.bf16.f32 v14;
	v9 =	vmul.f32 v9, v7;
	[tilespmem:s19+$0xFFFFFF80] =	vst v4  }
0x173: {  	v6 =	vmul.f32 v6, v7;
	v4 =	vunpack.i.l.bf16.f32 v13;
	[tilespmem:s19+$0xFFFFFF90] =	vst v8  }
0x174: {  	v8 =	vunpack.i.u.bf16.f32 v13;
	v4 =	vmul.f32 v4, v5;
	[tilespmem:s19+$0xFFFFFF00] =	vst v9;
	v9 =	vld [tilespmem:s20+$0xFFFFFFD0]  }
0x175: {  	v8 =	vmul.f32 v8, v5;
	[tilespmem:s19+$0xFFFFFF10] =	vst v6;
	v13 =	vunpack.i.l.bf16.f32 v10  }
0x176: {  	v6 =	vmul.f32 v13, v3;
	v13 =	vld [tilespmem:s20+$0xFFFFFF90];
	v14 =	vunpack.i.l.bf16.f32 v15;
	[tilespmem:s19+$0x80] =	vst v4  }
0x177: {  	v4 =	vunpack.i.u.bf16.f32 v15;
	[tilespmem:s19+$0x90] =	vst v8;
	v14 =	vmul.f32 v14, v12  }
0x178: {  	v8 =	vunpack.i.u.bf16.f32 v10;
	v4 =	vmul.f32 v4, v12;
	v10 =	vld [tilespmem:s20+$0x50];
	[tilespmem:s10+$0xFFFFFFE0] =	vst v6  }
0x179: {  	v3 =	vmul.f32 v8, v3;
	v6 =	vunpack.i.l.bf16.f32 v9;
	[tilespmem:s19+$0x20] =	vst v14  }
0x17a: {  	v8 =	vld [tilespmem:s22+$0xFFFFFFB0];
	v9 =	vunpack.i.u.bf16.f32 v9;
	[tilespmem:s19+$0x30] =	vst v4;
	v6 =	vmul.f32 v6, v11  }
0x17b: {  	[tilespmem:s10+$0xFFFFFFF0] =	vst v3;
	v4 =	vmul.f32 v9, v11;
	v14 =	vld [tilespmem:s20+$0x20];
	v9 =	vunpack.i.l.bf16.f32 v13  }
0x17c: {  	v3 =	vunpack.i.u.bf16.f32 v13;
	v9 =	vmul.f32 v9, v7;
	[tilespmem:s19+$0xFFFFFFA0] =	vst v6  }
0x17d: {  	v3 =	vmul.f32 v3, v7;
	[tilespmem:s19+$0xFFFFFFB0] =	vst v4;
	v4 =	vunpack.i.l.bf16.f32 v10  }
0x17e: {  	v6 =	vunpack.i.u.bf16.f32 v10;
	v4 =	vmul.f32 v4, v5;
	[tilespmem:s19+$0xFFFFFF20] =	vst v9;
	v9 =	vld [tilespmem:s20+$0xFFFFFFE0]  }
0x17f: {  	v10 =	vunpack.i.l.bf16.f32 v8;
	v6 =	vmul.f32 v6, v5;
	[tilespmem:s19+$0xFFFFFF30] =	vst v3  }
0x180: {  	v3 =	vmul.f32 v10, v2;
	v10 =	vld [tilespmem:s20+$0xFFFFFFA0];
	v13 =	vunpack.i.l.bf16.f32 v14;
	[tilespmem:s19+$0xA0] =	vst v4  }
0x181: {  	v4 =	vunpack.i.u.bf16.f32 v14;
	[tilespmem:s19+$0xB0] =	vst v6;
	v13 =	vmul.f32 v13, v12  }
0x182: {  	v6 =	vunpack.i.u.bf16.f32 v8;
	v4 =	vmul.f32 v4, v12;
	v8 =	vld [tilespmem:s20+$0x60];
	[tilespmem:s10+$0xFFFFFF60] =	vst v3  }
0x183: {  	v2 =	vmul.f32 v6, v2;
	[tilespmem:s19+$0x40] =	vst v13;
	v3 =	vunpack.i.l.bf16.f32 v9  }
0x184: {  	v6 =	vld [tilespmem:s22+$0x70];
	[tilespmem:s19+$0x50] =	vst v4;
	v9 =	vunpack.i.u.bf16.f32 v9;
	v3 =	vmul.f32 v3, v11  }
0x185: {  	[tilespmem:s10+$0xFFFFFF70] =	vst v2;
	v13 =	vld [tilespmem:s20+$0x30];
	v4 =	vmul.f32 v9, v11;
	v9 =	vunpack.i.l.bf16.f32 v10  }
0x186: {  	v2 =	vunpack.i.u.bf16.f32 v10;
	v9 =	vmul.f32 v9, v7;
	[tilespmem:s19+$0xFFFFFFC0] =	vst v3  }
0x187: {  	v2 =	vmul.f32 v2, v7;
	[tilespmem:s19+$0xFFFFFFD0] =	vst v4;
	v3 =	vunpack.i.l.bf16.f32 v8  }
0x188: {  	v4 =	vunpack.i.u.bf16.f32 v8;
	[tilespmem:s19+$0xFFFFFF40] =	vst v9;
	v3 =	vmul.f32 v3, v5;
	v8 =	vld [tilespmem:s20+$0xFFFFFFF0]  }
0x189: {  	v9 =	vunpack.i.l.bf16.f32 v6;
	v4 =	vmul.f32 v4, v5;
	[tilespmem:s19+$0xFFFFFF50] =	vst v2  }
0x18a: {  	v2 =	vmul.f32 v9, v1;
	v9 =	vunpack.i.u.bf16.f32 v13;
	[tilespmem:s19+$0xC0] =	vst v3;
	v3 =	vld [tilespmem:s20+$0xFFFFFFB0]  }
0x18b: {  	v10 =	vunpack.i.l.bf16.f32 v13;
	v9 =	vmul.f32 v9, v12;
	[tilespmem:s19+$0xD0] =	vst v4  }
0x18c: {  	v4 =	vunpack.i.u.bf16.f32 v6;
	v6 =	vmul.f32 v10, v12;
	[tilespmem:s10+$0xE0] =	vst v2;
	v2 =	vld [tilespmem:s20+$0x70]  }
0x18d: {  	v1 =	vmul.f32 v4, v1;
	[tilespmem:s19+$0x70] =	vst v9;
	v4 =	vunpack.i.l.bf16.f32 v8  }
0x18e: {  	[tilespmem:s19+$0x60] =	vst v6;
	v6 =	vunpack.i.u.bf16.f32 v8;
	v4 =	vmul.f32 v4, v11  }
0x18f: {  	[tilespmem:s10+$0xF0] =	vst v1;
	v6 =	vmul.f32 v6, v11;
	v1 =	vunpack.i.l.bf16.f32 v3  }
0x190: {  	v3 =	vunpack.i.u.bf16.f32 v3;
	v1 =	vmul.f32 v1, v7;
	[tilespmem:s19+$0xFFFFFFE0] =	vst v4  }
0x191: {  	v4 =	vunpack.i.l.bf16.f32 v2;
	v3 =	vmul.f32 v3, v7;
	[tilespmem:s19+$0xFFFFFFF0] =	vst v6  }
0x192: {  	v2 =	vunpack.i.u.bf16.f32 v2;
	v4 =	vmul.f32 v4, v5;
	[tilespmem:s19+$0xFFFFFF60] =	vst v1  }
0x193: {  	v1 =	vmul.f32 v2, v5;
	[tilespmem:s19+$0xFFFFFF70] =	vst v3  }
0x194: {  	[tilespmem:s19+$0xE0] =	vst v4  }
0x195: {  	[tilespmem:s19+$0xF0] =	vst v1  }
0x196: {  	s26 =	sld [smem:$0x7FD]  }
0x197: {  	s21 =	smul.u32 $0xE0, s30;
	s22 =	simm.s32 $0x1C0  }
0x198: {  	[spmem:s3] =	stream.indirect.scatter.add.f32 [tilespmem:s23], [sflag:$0x7], $0x80, s22, s25, $0xb8;
	[tilespmem:$0x1E920] =	vst v63  }
0x199: {  	s0 =	sadd.s32 s21, s26  }
0x19a: {  	s10 =	sshrl.u32 s0, $0x3  }
0x19b: {  	s20 =	simm.s32 $0xE0;
	s26 =	sadd.s32 s7, s10  }
0x19c: {  	[tilespmem:s20], [sflag:$0x3] =	stream.linear.gather [hbm4b:s26+s5], $0x70, $0x38;
	[tilespmem:$0x1E920] =	vst v63  }
0x19d: {  	s28 =	simm.s32 $0x2A0;
	s0 =	sadd.s32 s6, s10  }
0x19e: {  	[tilespmem:s28], [sflag:$0x3] =	stream.linear.gather [hbm4b:s0+s5], $0x70, $0x38;
	[tilespmem:$0x1E920] =	vst v63  }
0x19f: {  	s19 =	simm.s32 $0x460;
	s10 =	sadd.s32 s8, s10  }
0x1a0: {  	[tilespmem:s19], [sflag:$0x3] =	stream.linear.gather [hbm4b:s10+s5], $0x70, $0x38;
	[tilespmem:$0x1E920] =	vst v63  }
0x1a1: {  	_ =	swait.ge [sflag:s13], $0x70  }
0x1a2: {  	[sflag:s13] =	ssyncset.done $0x0  }
0x1a3: {  	[sflag:s13] =	ssyncadd.s32 $0xFFFFFF90  }
0x1a4: {  	_ =	swait.ge [sflag:s13], $0x70  }
0x1a5: {  	[sflag:s13] =	ssyncset.done $0x0  }
0x1a6: {  	[sflag:s13] =	ssyncadd.s32 $0xFFFFFF90  }
0x1a7: {  	_ =	swait.ge [sflag:s13], $0x70  }
0x1a8: {  	[sflag:s13] =	ssyncset.done $0x0  }
0x1a9: {  	[sflag:s13] =	ssyncadd.s32 $0xFFFFFF90  }
0x1aa: {  	v1 =	vld [tilespmem:$0x460];
	_ =	sdelay $0x5  }
0x1ab: {  	v2 =	vld [tilespmem:$0x470];
	_ =	sdelay $0x1  }
0x1ac: {  	v1 =	vld.idx.msk [tilespmem:v1+s18+$0x0], $0xffff;
	_ =	sdelay $0x3  }
0x1ad: {  	v3 =	vld [tilespmem:$0x480]  }
0x1ae: {  	[tilespmem:$0x620] =	vst v1  }
0x1af: {  	v1 =	vld.idx.msk [tilespmem:v2+s18+$0x0], $0xffff;
	_ =	sdelay $0x3  }
0x1b0: {  	v2 =	vld [tilespmem:$0x490]  }
0x1b1: {  	[tilespmem:$0x630] =	vst v1  }
0x1b2: {  	v1 =	vld.idx.msk [tilespmem:v3+s18+$0x0], $0xffff;
	_ =	sdelay $0x3  }
0x1b3: {  	v3 =	vld [tilespmem:$0x4A0]  }
0x1b4: {  	[tilespmem:$0x640] =	vst v1  }
0x1b5: {  	v1 =	vld.idx.msk [tilespmem:v2+s18+$0x0], $0xffff;
	_ =	sdelay $0x3  }
0x1b6: {  	v2 =	vld [tilespmem:$0x4B0]  }
0x1b7: {  	[tilespmem:$0x650] =	vst v1  }
0x1b8: {  	v1 =	vld.idx.msk [tilespmem:v3+s18+$0x0], $0xffff;
	_ =	sdelay $0x3  }
0x1b9: {  	v3 =	vld [tilespmem:$0x4C0]  }
0x1ba: {  	[tilespmem:$0x660] =	vst v1  }
0x1bb: {  	v1 =	vld.idx.msk [tilespmem:v2+s18+$0x0], $0xffff;
	_ =	sdelay $0x4  }
0x1bc: {  	[tilespmem:$0x670] =	vst v1  }
0x1bd: {  	v1 =	vld.idx.msk [tilespmem:v3+s18+$0x0], $0xffff;
	_ =	sdelay $0x4  }
0x1be: {  	s22 =	simm.s32 $0x700;
	s21 =	simm.s32 $0x2;
	[tilespmem:$0x680] =	vst v1  }
0x1bf: {  	v1 =	vmov s21;
	[tilespmem:s22], [sflag:$0x5] =	stream.indirect.gather [hbm4b:s2+s25], $0x40, s20, s25, $0xb8;
	[tilespmem:$0x1E920] =	vst v63  }
0x1c0: {  	v1 =	vand.u32 $0xFFFFFFFE, v1;
	_ =	swait.ge [sflag:s15], $0x1C00  }
0x1c1: {  	s23 =	simm.s32 $0x1;
	v1 =	vbroadcast v1, $0x0;
	[sflag:s15] =	ssyncset.done $0x0  }
0x1c2: {  	s11 =	simm.s32 @!p0 $0x8;
	v2 =	vmov s23;
	[sflag:s15] =	ssyncadd.s32 $0xFFFFE400  }
0x1c3: {  	s28 =	simm.s32 $0x0;
	v2 =	vand.u32 $0xFFFFFFFD, v2;
	_ =	swait.ge @!p0 [sflag:s11], $0x3800  }
0x1c4: {  	v2 =	vbroadcast v2, $0x0;
	v3 =	vmov s28;
	[sflag:s11] =	ssyncset.done @!p0 $0x0  }
0x1c5: {  	s19 =	simm.s32 $0x2380;
	v3 =	vand.u32 $0xFFFFFFFC, v3;
	[sflag:s11] =	ssyncadd.s32 @!p0 $0xFFFFC800  }
0x1c6: {  	v3 =	vbroadcast v3, $0x0;
	v4 =	vld [tilespmem:s19+$0x0]  }
0x1c7: {  	s20 =	simm.s32 $0x3;
	v8 =	vld.idx.msk [tilespmem:v1+s16+$0x0], $0xffff  }
0x1c8: {  	v1 =	vmov s20  }
0x1c9: {  	v9 =	vld [tilespmem:s19+$0xFFFFFFC0]  }
0x1ca: {  	v7 =	vld.idx.msk [tilespmem:v2+s16+$0x0], $0xffff  }
0x1cb: {  	v10 =	vld [tilespmem:s19+$0xFFFFFF80];
	v2 =	vunpack.i.l.bf16.f32 v4  }
0x1cc: {  	v6 =	vld.idx.msk [tilespmem:v3+s16+$0x0], $0xffff;
	v4 =	vunpack.i.u.bf16.f32 v4;
	v2 =	vmul.f32 v2, v8  }
0x1cd: {  	s11 =	simm.s32 $0x7800;
	v5 =	vld.idx.msk [tilespmem:v1+s16+$0x0], $0xffff;
	v3 =	vmul.f32 v4, v8  }
0x1ce: {  	v1 =	vunpack.i.l.bf16.f32 v9;
	v4 =	vld [tilespmem:s19+$0x40];
	[tilespmem:s11+$0x0] =	vst v2  }
0x1cf: {  	v1 =	vmul.f32 v1, v7;
	[tilespmem:s11+$0x10] =	vst v3;
	v2 =	vunpack.i.u.bf16.f32 v9  }
0x1d0: {  	v9 =	vunpack.i.l.bf16.f32 v10;
	v3 =	vld [tilespmem:s19+$0x10];
	v2 =	vmul.f32 v2, v7  }
0x1d1: {  	v10 =	vunpack.i.u.bf16.f32 v10;
	[tilespmem:s11+$0xFFFFFF80] =	vst v1;
	v9 =	vmul.f32 v9, v6  }
0x1d2: {  	v10 =	vmul.f32 v10, v6;
	[tilespmem:s11+$0xFFFFFF90] =	vst v2  }
0x1d3: {  	v1 =	vunpack.i.l.bf16.f32 v4;
	v2 =	vunpack.i.u.bf16.f32 v4;
	[tilespmem:s11+$0xFFFFFF00] =	vst v9;
	v4 =	vld [tilespmem:s19+$0xFFFFFFD0]  }
0x1d4: {  	[tilespmem:s11+$0xFFFFFF10] =	vst v10;
	v1 =	vmul.f32 v1, v5  }
0x1d5: {  	v2 =	vmul.f32 v2, v5;
	v10 =	vld [tilespmem:s19+$0xFFFFFF90];
	v9 =	vunpack.i.l.bf16.f32 v3  }
0x1d6: {  	[tilespmem:s11+$0x80] =	vst v1;
	v1 =	vunpack.i.u.bf16.f32 v3;
	v3 =	vmul.f32 v9, v8  }
0x1d7: {  	[tilespmem:s11+$0x90] =	vst v2;
	v1 =	vmul.f32 v1, v8  }
0x1d8: {  	v2 =	vld [tilespmem:s19+$0x50];
	[tilespmem:s11+$0x20] =	vst v3;
	v3 =	vunpack.i.l.bf16.f32 v4  }
0x1d9: {  	[tilespmem:s11+$0x30] =	vst v1;
	v1 =	vunpack.i.u.bf16.f32 v4;
	v3 =	vmul.f32 v3, v7  }
0x1da: {  	s21 =	simm.s32 $0x4;
	v11 =	vunpack.i.l.bf16.f32 v10;
	v4 =	vld [tilespmem:s19+$0x20];
	v1 =	vmul.f32 v1, v7  }
0x1db: {  	v9 =	vmov s21;
	v10 =	vunpack.i.u.bf16.f32 v10;
	v11 =	vmul.f32 v11, v6;
	[tilespmem:s11+$0xFFFFFFA0] =	vst v3  }
0x1dc: {  	s23 =	simm.s32 $0x6;
	s22 =	simm.s32 $0x7;
	v3 =	vand.u32 $0xFFFFFFFC, v9;
	v9 =	vmul.f32 v10, v6;
	[tilespmem:s11+$0xFFFFFFB0] =	vst v1  }
0x1dd: {  	v12 =	vmov s22;
	v1 =	vunpack.i.l.bf16.f32 v2;
	[tilespmem:s11+$0xFFFFFF20] =	vst v11;
	v11 =	vmov s23;
	v10 =	vld [tilespmem:s19+$0xFFFFFFE0]  }
0x1de: {  	v2 =	vunpack.i.u.bf16.f32 v2;
	v1 =	vmul.f32 v1, v5;
	[tilespmem:s11+$0xFFFFFF30] =	vst v9;
	v9 =	vand.u32 $0xFFFFFFFE, v11  }
0x1df: {  	v2 =	vmul.f32 v2, v5;
	v11 =	vunpack.i.l.bf16.f32 v4;
	v9 =	vbroadcast v9, $0x0  }
0x1e0: {  	s28 =	simm.s32 $0x5;
	s22 =	simm.s32 $0x2480;
	v3 =	vbroadcast v3, $0x0;
	v13 =	vld [tilespmem:s19+$0xFFFFFFA0];
	[tilespmem:s11+$0xA0] =	vst v1;
	v1 =	vunpack.i.u.bf16.f32 v4;
	v4 =	vmul.f32 v11, v8  }
0x1e1: {  	v15 =	vld [tilespmem:s22+$0x0];
	[tilespmem:s11+$0xB0] =	vst v2;
	v11 =	vmov s28;
	v2 =	vmul.f32 v1, v8  }
0x1e2: {  	v1 =	vand.u32 $0xFFFFFFFD, v11;
	v11 =	vld [tilespmem:s19+$0x60];
	[tilespmem:s11+$0x40] =	vst v4;
	v4 =	vunpack.i.l.bf16.f32 v10  }
0x1e3: {  	v14 =	vbroadcast v1, $0x0;
	v1 =	vld.idx.msk [tilespmem:v12+s16+$0x0], $0xffff;
	[tilespmem:s11+$0x50] =	vst v2;
	v4 =	vmul.f32 v4, v7  }
0x1e4: {  	v2 =	vunpack.i.u.bf16.f32 v10;
	v10 =	vld [tilespmem:s19+$0x30]  }
0x1e5: {  	v12 =	vmul.f32 v2, v7;
	v2 =	vunpack.i.l.bf16.f32 v13;
	[tilespmem:s11+$0xFFFFFFC0] =	vst v4;
	v4 =	vld.idx.msk [tilespmem:v9+s16+$0x0], $0xffff  }
0x1e6: {  	v13 =	vunpack.i.u.bf16.f32 v13;
	v16 =	vmul.f32 v2, v6;
	v2 =	vld.idx.msk [tilespmem:v3+s16+$0x0], $0xffff  }
0x1e7: {  	v9 =	vmul.f32 v13, v6;
	[tilespmem:s11+$0xFFFFFFD0] =	vst v12;
	v13 =	vld [tilespmem:s22+$0xFFFFFFC0];
	v3 =	vunpack.i.l.bf16.f32 v11  }
0x1e8: {  	v11 =	vunpack.i.u.bf16.f32 v11;
	[tilespmem:s11+$0xFFFFFF40] =	vst v16;
	v12 =	vmul.f32 v3, v5;
	v16 =	vld [tilespmem:s22+$0x40]  }
0x1e9: {  	v11 =	vmul.f32 v11, v5;
	[tilespmem:s11+$0xFFFFFF50] =	vst v9;
	v3 =	vld.idx.msk [tilespmem:v14+s16+$0x0], $0xffff;
	v9 =	vunpack.i.u.bf16.f32 v10  }
0x1ea: {  	v14 =	vld [tilespmem:s22+$0xFFFFFF80];
	[tilespmem:s11+$0xC0] =	vst v12;
	v9 =	vmul.f32 v9, v8;
	v12 =	vunpack.i.l.bf16.f32 v15  }
0x1eb: {  	[tilespmem:s11+$0xD0] =	vst v11;
	v11 =	vunpack.i.u.bf16.f32 v15;
	v12 =	vmul.f32 v12, v4  }
0x1ec: {  	s23 =	simm.s32 $0x7A00;
	v10 =	vunpack.i.l.bf16.f32 v10;
	v15 =	vld [tilespmem:s19+$0xFFFFFFF0];
	[tilespmem:s11+$0x70] =	vst v9;
	v9 =	vmul.f32 v11, v4  }
0x1ed: {  	v8 =	vmul.f32 v10, v8;
	v10 =	vld [tilespmem:s19+$0xFFFFFFB0];
	v11 =	vunpack.i.l.bf16.f32 v13;
	[tilespmem:s23+$0x0] =	vst v12  }
0x1ee: {  	v13 =	vunpack.i.u.bf16.f32 v13;
	v12 =	vld [tilespmem:s19+$0x70];
	v17 =	vunpack.i.u.bf16.f32 v16;
	v11 =	vmul.f32 v11, v3;
	[tilespmem:s23+$0x10] =	vst v9  }
0x1ef: {  	[tilespmem:s11+$0x60] =	vst v8;
	v9 =	vunpack.i.l.bf16.f32 v14;
	v8 =	vmul.f32 v13, v3;
	v14 =	vunpack.i.u.bf16.f32 v14;
	v13 =	vld [tilespmem:s22+$0x10]  }
0x1f0: {  	v9 =	vmul.f32 v9, v2;
	v14 =	vmul.f32 v14, v2;
	[tilespmem:s23+$0xFFFFFF80] =	vst v11;
	v11 =	vunpack.i.l.bf16.f32 v16  }
0x1f1: {  	v16 =	vunpack.i.u.bf16.f32 v15;
	[tilespmem:s23+$0xFFFFFF90] =	vst v8;
	v8 =	vunpack.i.l.bf16.f32 v15;
	v15 =	vmul.f32 v17, v1  }
0x1f2: {  	v18 =	vunpack.i.u.bf16.f32 v10;
	v11 =	vmul.f32 v11, v1;
	v17 =	vld [tilespmem:s22+$0xFFFFFFD0];
	[tilespmem:s23+$0xFFFFFF10] =	vst v14;
	v14 =	vmul.f32 v8, v7  }
0x1f3: {  	[tilespmem:s23+$0xFFFFFF00] =	vst v9;
	v9 =	vunpack.i.l.bf16.f32 v10;
	v16 =	vmul.f32 v16, v7;
	v8 =	vmul.f32 v18, v6  }
0x1f4: {  	s28 =	simm.s32 $0xB;
	v10 =	vunpack.i.u.bf16.f32 v12;
	v19 =	vld [tilespmem:s22+$0xFFFFFF90];
	v9 =	vmul.f32 v9, v6;
	[tilespmem:s23+$0x90] =	vst v15;
	v7 =	vunpack.i.l.bf16.f32 v13  }
0x1f5: {  	v15 =	vmov s28;
	[tilespmem:s23+$0x80] =	vst v11;
	v11 =	vunpack.i.u.bf16.f32 v13;
	v13 =	vmul.f32 v7, v4  }
0x1f6: {  	s21 =	simm.s32 $0x8;
	[tilespmem:s11+$0xFFFFFFE0] =	vst v14;
	v6 =	vmul.f32 v10, v5;
	v7 =	vunpack.i.l.bf16.f32 v12;
	v11 =	vmul.f32 v11, v4;
	v12 =	vld [tilespmem:s22+$0x50]  }
0x1f7: {  	v10 =	vmov s21;
	v7 =	vmul.f32 v7, v5;
	v5 =	vunpack.i.l.bf16.f32 v17;
	[tilespmem:s23+$0x20] =	vst v13  }
0x1f8: {  	v10 =	vand.u32 $0xFFFFFFFC, v10;
	v13 =	vunpack.i.u.bf16.f32 v17;
	v5 =	vmul.f32 v5, v3;
	[tilespmem:s23+$0x30] =	vst v11  }
0x1f9: {  	[tilespmem:s11+$0xFFFFFFF0] =	vst v16;
	s21 =	simm.s32 $0x9;
	v10 =	vbroadcast v10, $0x0;
	v14 =	vunpack.i.u.bf16.f32 v19;
	v11 =	vmul.f32 v13, v3;
	v17 =	vld [tilespmem:s22+$0x20]  }
0x1fa: {  	v13 =	vunpack.i.l.bf16.f32 v19;
	v16 =	vmul.f32 v14, v2;
	[tilespmem:s23+$0xFFFFFFA0] =	vst v5;
	v5 =	vmov s21  }
0x1fb: {  	v13 =	vmul.f32 v13, v2;
	[tilespmem:s23+$0xFFFFFFB0] =	vst v11;
	v11 =	vunpack.i.l.bf16.f32 v12;
	v5 =	vand.u32 $0xFFFFFFFD, v5  }
0x1fc: {  	s28 =	simm.s32 $0xA;
	v12 =	vunpack.i.u.bf16.f32 v12;
	[tilespmem:s23+$0xFFFFFF30] =	vst v16;
	v18 =	vmul.f32 v11, v1;
	v14 =	vld [tilespmem:s22+$0xFFFFFFE0];
	v11 =	vbroadcast v5, $0x0  }
0x1fd: {  	[tilespmem:s23+$0xFFFFFF20] =	vst v13;
	v19 =	vmul.f32 v12, v1;
	v12 =	vmov s28  }
0x1fe: {  	v5 =	vand.u32 $0xFFFFFFFE, v12;
	v13 =	vld [tilespmem:s22+$0xFFFFFFA0];
	v20 =	vunpack.i.l.bf16.f32 v17;
	[tilespmem:s23+$0xA0] =	vst v18  }
0x1ff: {  	s20 =	simm.s32 $0xC;
	s19 =	simm.s32 $0x2480;
	s21 =	simm.s32 $0x7A00;
	v12 =	vbroadcast v5, $0x0;
	v5 =	vld.idx.msk [tilespmem:v15+s16+$0x0], $0xffff;
	v16 =	vunpack.i.u.bf16.f32 v17;
	[tilespmem:s23+$0xB0] =	vst v19;
	v15 =	vmul.f32 v20, v4  }
.LBB2_7:
0x200: {  	p0 =	slt.u32 s20, $0x6C;
	v16 =	vmul.f32 v16, v4;
	v17 =	vld [tilespmem:s22+$0x60];
	[tilespmem:s11+$0xFFFFFF60] =	vst v9  }
0x201: {  	v10 =	vld.idx.msk [tilespmem:v10+s16+$0x0], $0xffff;
	v9 =	vunpack.i.u.bf16.f32 v14;
	v14 =	vunpack.i.l.bf16.f32 v14;
	[tilespmem:s23+$0x40] =	vst v15  }
0x202: {  	v11 =	vld.idx.msk [tilespmem:v11+s16+$0x0], $0xffff;
	v14 =	vmul.f32 v14, v3;
	v9 =	vmul.f32 v9, v3;
	[tilespmem:s23+$0x50] =	vst v16  }
0x203: {  	s22 =	sadd.s32 $0x100, s22;
	v15 =	vunpack.i.u.bf16.f32 v13;
	v13 =	vunpack.i.l.bf16.f32 v13;
	v16 =	vld [tilespmem:s19+$0x30];
	[tilespmem:s11+$0xFFFFFF70] =	vst v8  }
0x204: {  	v8 =	vld [tilespmem:s22+$0x0];
	v13 =	vmul.f32 v13, v2;
	v15 =	vmul.f32 v15, v2;
	[tilespmem:s23+$0xFFFFFFC0] =	vst v14  }
0x205: {  	v12 =	vld.idx.msk [tilespmem:v12+s16+$0x0], $0xffff;
	[tilespmem:s23+$0xFFFFFFD0] =	vst v9;
	v9 =	vunpack.i.u.bf16.f32 v17;
	v14 =	vunpack.i.l.bf16.f32 v17  }
0x206: {  	v17 =	vld [tilespmem:s22+$0xFFFFFF80];
	[tilespmem:s23+$0xFFFFFF40] =	vst v13;
	v13 =	vmul.f32 v14, v1;
	v9 =	vmul.f32 v9, v1  }
0x207: {  	v14 =	vld [tilespmem:s22+$0xFFFFFFC0];
	[tilespmem:s23+$0xFFFFFF50] =	vst v15  }
0x208: {  	v15 =	vld [tilespmem:s22+$0x40];
	v18 =	vunpack.i.u.bf16.f32 v16;
	v16 =	vunpack.i.l.bf16.f32 v16;
	[tilespmem:s23+$0xC0] =	vst v13  }
0x209: {  	v13 =	vld [tilespmem:s19+$0xFFFFFFF0];
	v16 =	vmul.f32 v16, v4;
	v20 =	vmul.f32 v18, v4;
	[tilespmem:s23+$0xD0] =	vst v9  }
0x20a: {  	v9 =	vunpack.i.l.bf16.f32 v8;
	v18 =	vld [tilespmem:s19+$0xFFFFFFB0];
	[tilespmem:s11+$0xE0] =	vst v7  }
0x20b: {  	v8 =	vunpack.i.u.bf16.f32 v8;
	v9 =	vmul.f32 v9, v12;
	v4 =	vmovc v12;
	v7 =	vunpack.i.u.bf16.f32 v17;
	[tilespmem:s23+$0x70] =	vst v20;
	v19 =	vld [tilespmem:s19+$0x70];
	s19 =	smov.u32 s22  }
0x20c: {  	v12 =	vunpack.i.l.bf16.f32 v17;
	v8 =	vmul.f32 v8, v4;
	s23 =	sadd.s32 $0x200, s23;
	v17 =	vunpack.i.u.bf16.f32 v14;
	[tilespmem:s21+$0x60] =	vst v16  }
0x20d: {  	v14 =	vunpack.i.l.bf16.f32 v14;
	[tilespmem:s23+$0x0] =	vst v9;
	v9 =	vunpack.i.u.bf16.f32 v15;
	v15 =	vunpack.i.l.bf16.f32 v15  }
0x20e: {  	v14 =	vmul.f32 v14, v11;
	v16 =	vmul.f32 v17, v11;
	[tilespmem:s23+$0x10] =	vst v8;
	v8 =	vunpack.i.u.bf16.f32 v13  }
0x20f: {  	v12 =	vmul.f32 v12, v10;
	v7 =	vmul.f32 v7, v10;
	v13 =	vunpack.i.l.bf16.f32 v13;
	v17 =	vld [tilespmem:s22+$0x10];
	[tilespmem:s11+$0xF0] =	vst v6;
	s11 =	smov.u32 s21;
	s21 =	smov.u32 s23  }
0x210: {  	v6 =	vmul.f32 v15, v5;
	v15 =	vunpack.i.u.bf16.f32 v18;
	[tilespmem:s23+$0xFFFFFF80] =	vst v14;
	v14 =	vmul.f32 v9, v5  }
0x211: {  	v9 =	vunpack.i.l.bf16.f32 v18;
	v18 =	vunpack.i.l.bf16.f32 v19;
	[tilespmem:s23+$0xFFFFFF90] =	vst v16;
	v16 =	vunpack.i.u.bf16.f32 v19  }
0x212: {  	v13 =	vmul.f32 v13, v3;
	v19 =	vmul.f32 v8, v3;
	v3 =	vmov v11;
	[tilespmem:s23+$0xFFFFFF00] =	vst v12;
	v12 =	vld [tilespmem:s22+$0xFFFFFFD0]  }
0x213: {  	v9 =	vmul.f32 v9, v2;
	v8 =	vmul.f32 v15, v2;
	v2 =	vmov v10;
	[tilespmem:s23+$0xFFFFFF10] =	vst v7  }
0x214: {  	v7 =	vmul.f32 v18, v1;
	v11 =	vld [tilespmem:s22+$0xFFFFFF90];
	v10 =	vunpack.i.l.bf16.f32 v17;
	[tilespmem:s23+$0x80] =	vst v6;
	v6 =	vmul.f32 v16, v1;
	v1 =	vmovc v5  }
0x215: {  	s28 =	sadd.s32 $0x3, s20;
	v5 =	vunpack.i.u.bf16.f32 v17;
	v10 =	vmul.f32 v10, v4;
	[tilespmem:s23+$0x90] =	vst v14  }
0x216: {  	v15 =	vmov s28;
	v14 =	vmov s20;
	v5 =	vmul.f32 v5, v4;
	v16 =	vld [tilespmem:s22+$0x50];
	[tilespmem:s11+$0xFFFFFFE0] =	vst v13  }
0x217: {  	s28 =	sadd.s32 $0x1, s20;
	v13 =	vand.u32 $0xFFFFFFFC, v14;
	v14 =	vunpack.i.u.bf16.f32 v12;
	v12 =	vunpack.i.l.bf16.f32 v12;
	[tilespmem:s23+$0x20] =	vst v10  }
0x218: {  	v17 =	vmov s28;
	v12 =	vmul.f32 v12, v3;
	v14 =	vmul.f32 v14, v3;
	[tilespmem:s23+$0x30] =	vst v5  }
0x219: {  	v10 =	vbroadcast v13, $0x0;
	v5 =	vunpack.i.u.bf16.f32 v11;
	v11 =	vunpack.i.l.bf16.f32 v11;
	v18 =	vld [tilespmem:s22+$0x20];
	[tilespmem:s11+$0xFFFFFFF0] =	vst v19  }
0x21a: {  	v13 =	vand.u32 $0xFFFFFFFD, v17;
	v17 =	vmul.f32 v11, v2;
	v5 =	vmul.f32 v5, v2;
	[tilespmem:s23+$0xFFFFFFA0] =	vst v12  }
.Ltmp4:
0x21b: {  	v11 =	vbroadcast v13, $0x0;
	[tilespmem:s23+$0xFFFFFFB0] =	vst v14;
	v12 =	vunpack.i.u.bf16.f32 v16;
	v13 =	vunpack.i.l.bf16.f32 v16;
	(pc) =	sbr.rel @p0 .LBB2_7-.Ltmp4, $4  }
0x21c: {  	s28 =	sadd.s32 $0x2, s20;
	[tilespmem:s23+$0xFFFFFF20] =	vst v17;
	v14 =	vld [tilespmem:s22+$0xFFFFFFE0];
	v16 =	vmul.f32 v13, v1;
	v17 =	vmul.f32 v12, v1  }
0x21d: {  	v12 =	vmov s28;
	[tilespmem:s23+$0xFFFFFF30] =	vst v5  }
0x21e: {  	v5 =	vand.u32 $0xFFFFFFFE, v12;
	v13 =	vld [tilespmem:s22+$0xFFFFFFA0];
	v19 =	vunpack.i.l.bf16.f32 v18;
	[tilespmem:s23+$0xA0] =	vst v16  }
0x21f: {  	s20 =	sadd.s32 $0x4, s20;
	v12 =	vbroadcast v5, $0x0;
	v16 =	vunpack.i.u.bf16.f32 v18;
	v5 =	vld.idx.msk [tilespmem:v15+s16+$0x0], $0xffff;
	v15 =	vmul.f32 v19, v4;
	[tilespmem:s23+$0xB0] =	vst v17  }
0x220: {  	v16 =	vmul.f32 v16, v4;
	[tilespmem:s11+$0xFFFFFF60] =	vst v9  }
0x221: {  	v17 =	vld [tilespmem:s22+$0x60];
	[tilespmem:s23+$0x40] =	vst v15  }
0x222: {  	v9 =	vunpack.i.l.bf16.f32 v14;
	[tilespmem:s23+$0x50] =	vst v16  }
0x223: {  	[tilespmem:s11+$0xFFFFFF70] =	vst v8;
	v14 =	vunpack.i.u.bf16.f32 v14;
	v9 =	vmul.f32 v9, v3;
	v16 =	vld [tilespmem:s19+$0x30]  }
0x224: {  	s20 =	sadd.s32 $0x100, s22;
	[tilespmem:s11+$0xE0] =	vst v7;
	v14 =	vmul.f32 v14, v3;
	v15 =	vunpack.i.l.bf16.f32 v13  }
0x225: {  	v8 =	vunpack.i.u.bf16.f32 v13;
	v13 =	vmul.f32 v15, v2;
	[tilespmem:s23+$0xFFFFFFC0] =	vst v9;
	v9 =	vld [tilespmem:s20+$0x0]  }
0x226: {  	v12 =	vld.idx.msk [tilespmem:v12+s16+$0x0], $0xffff;
	v8 =	vmul.f32 v8, v2;
	[tilespmem:s23+$0xFFFFFFD0] =	vst v14;
	v14 =	vunpack.i.l.bf16.f32 v17  }
0x227: {  	v15 =	vunpack.i.u.bf16.f32 v17;
	[tilespmem:s23+$0xFFFFFF40] =	vst v13;
	v13 =	vmul.f32 v14, v1  }
0x228: {  	v14 =	vmul.f32 v15, v1;
	[tilespmem:s23+$0xFFFFFF50] =	vst v8;
	v8 =	vld [tilespmem:s20+$0xFFFFFFC0];
	v15 =	vunpack.i.u.bf16.f32 v16  }
0x229: {  	v11 =	vld.idx.msk [tilespmem:v11+s16+$0x0], $0xffff;
	[tilespmem:s23+$0xC0] =	vst v13;
	v13 =	vunpack.i.l.bf16.f32 v16;
	v15 =	vmul.f32 v15, v4  }
0x22a: {  	[tilespmem:s23+$0xD0] =	vst v14;
	v14 =	vld [tilespmem:s20+$0xFFFFFF80];
	v4 =	vmul.f32 v13, v4;
	v13 =	vunpack.i.l.bf16.f32 v9  }
0x22b: {  	v7 =	vld.idx.msk [tilespmem:v10+s16+$0x0], $0xffff;
	v9 =	vunpack.i.u.bf16.f32 v9;
	v10 =	vmul.f32 v13, v12;
	[tilespmem:s23+$0x70] =	vst v15  }
0x22c: {  	v13 =	vld [tilespmem:s20+$0x40];
	v9 =	vmul.f32 v9, v12;
	s23 =	sadd.s32 $0x200, s23;
	[tilespmem:s21+$0x60] =	vst v4  }
0x22d: {  	v4 =	vunpack.i.l.bf16.f32 v8;
	[tilespmem:s23+$0x0] =	vst v10  }
0x22e: {  	v10 =	vld [tilespmem:s19+$0xFFFFFFF0];
	v8 =	vunpack.i.u.bf16.f32 v8;
	[tilespmem:s23+$0x10] =	vst v9;
	v4 =	vmul.f32 v4, v11  }
0x22f: {  	[tilespmem:s11+$0xF0] =	vst v6;
	v9 =	vunpack.i.l.bf16.f32 v14;
	v8 =	vmul.f32 v8, v11;
	v15 =	vld [tilespmem:s20+$0x10]  }
0x230: {  	v6 =	vunpack.i.u.bf16.f32 v14;
	v9 =	vmul.f32 v9, v7;
	[tilespmem:s23+$0xFFFFFF80] =	vst v4  }
0x231: {  	v6 =	vmul.f32 v6, v7;
	v4 =	vunpack.i.l.bf16.f32 v13;
	[tilespmem:s23+$0xFFFFFF90] =	vst v8  }
0x232: {  	v8 =	vunpack.i.u.bf16.f32 v13;
	v4 =	vmul.f32 v4, v5;
	[tilespmem:s23+$0xFFFFFF00] =	vst v9;
	v9 =	vld [tilespmem:s20+$0xFFFFFFD0]  }
0x233: {  	v8 =	vmul.f32 v8, v5;
	[tilespmem:s23+$0xFFFFFF10] =	vst v6;
	v13 =	vunpack.i.l.bf16.f32 v10  }
0x234: {  	v6 =	vmul.f32 v13, v3;
	v13 =	vld [tilespmem:s20+$0xFFFFFF90];
	v14 =	vunpack.i.l.bf16.f32 v15;
	[tilespmem:s23+$0x80] =	vst v4  }
0x235: {  	v4 =	vunpack.i.u.bf16.f32 v15;
	[tilespmem:s23+$0x90] =	vst v8;
	v14 =	vmul.f32 v14, v12  }
0x236: {  	v8 =	vunpack.i.u.bf16.f32 v10;
	v4 =	vmul.f32 v4, v12;
	v10 =	vld [tilespmem:s20+$0x50];
	[tilespmem:s21+$0xFFFFFFE0] =	vst v6  }
0x237: {  	v3 =	vmul.f32 v8, v3;
	v6 =	vunpack.i.l.bf16.f32 v9;
	[tilespmem:s23+$0x20] =	vst v14  }
0x238: {  	v8 =	vld [tilespmem:s19+$0xFFFFFFB0];
	v9 =	vunpack.i.u.bf16.f32 v9;
	[tilespmem:s23+$0x30] =	vst v4;
	v6 =	vmul.f32 v6, v11  }
0x239: {  	[tilespmem:s21+$0xFFFFFFF0] =	vst v3;
	v4 =	vmul.f32 v9, v11;
	v14 =	vld [tilespmem:s20+$0x20];
	v9 =	vunpack.i.l.bf16.f32 v13  }
0x23a: {  	v3 =	vunpack.i.u.bf16.f32 v13;
	v9 =	vmul.f32 v9, v7;
	[tilespmem:s23+$0xFFFFFFA0] =	vst v6  }
0x23b: {  	v3 =	vmul.f32 v3, v7;
	[tilespmem:s23+$0xFFFFFFB0] =	vst v4;
	v4 =	vunpack.i.l.bf16.f32 v10  }
0x23c: {  	v6 =	vunpack.i.u.bf16.f32 v10;
	v4 =	vmul.f32 v4, v5;
	[tilespmem:s23+$0xFFFFFF20] =	vst v9;
	v9 =	vld [tilespmem:s20+$0xFFFFFFE0]  }
0x23d: {  	v10 =	vunpack.i.l.bf16.f32 v8;
	v6 =	vmul.f32 v6, v5;
	[tilespmem:s23+$0xFFFFFF30] =	vst v3  }
0x23e: {  	v3 =	vmul.f32 v10, v2;
	v10 =	vld [tilespmem:s20+$0xFFFFFFA0];
	v13 =	vunpack.i.l.bf16.f32 v14;
	[tilespmem:s23+$0xA0] =	vst v4  }
0x23f: {  	v4 =	vunpack.i.u.bf16.f32 v14;
	[tilespmem:s23+$0xB0] =	vst v6;
	v13 =	vmul.f32 v13, v12  }
0x240: {  	v6 =	vunpack.i.u.bf16.f32 v8;
	v4 =	vmul.f32 v4, v12;
	v8 =	vld [tilespmem:s20+$0x60];
	[tilespmem:s21+$0xFFFFFF60] =	vst v3  }
0x241: {  	v2 =	vmul.f32 v6, v2;
	[tilespmem:s23+$0x40] =	vst v13;
	v3 =	vunpack.i.l.bf16.f32 v9  }
0x242: {  	v6 =	vld [tilespmem:s19+$0x70];
	[tilespmem:s23+$0x50] =	vst v4;
	v9 =	vunpack.i.u.bf16.f32 v9;
	v3 =	vmul.f32 v3, v11  }
0x243: {  	[tilespmem:s21+$0xFFFFFF70] =	vst v2;
	v13 =	vld [tilespmem:s20+$0x30];
	v4 =	vmul.f32 v9, v11;
	v9 =	vunpack.i.l.bf16.f32 v10  }
0x244: {  	v2 =	vunpack.i.u.bf16.f32 v10;
	v9 =	vmul.f32 v9, v7;
	[tilespmem:s23+$0xFFFFFFC0] =	vst v3  }
0x245: {  	v2 =	vmul.f32 v2, v7;
	[tilespmem:s23+$0xFFFFFFD0] =	vst v4;
	v3 =	vunpack.i.l.bf16.f32 v8  }
0x246: {  	v4 =	vunpack.i.u.bf16.f32 v8;
	[tilespmem:s23+$0xFFFFFF40] =	vst v9;
	v3 =	vmul.f32 v3, v5;
	v8 =	vld [tilespmem:s20+$0xFFFFFFF0]  }
0x247: {  	v9 =	vunpack.i.l.bf16.f32 v6;
	v4 =	vmul.f32 v4, v5;
	[tilespmem:s23+$0xFFFFFF50] =	vst v2  }
0x248: {  	v2 =	vmul.f32 v9, v1;
	v9 =	vunpack.i.u.bf16.f32 v13;
	[tilespmem:s23+$0xC0] =	vst v3;
	v3 =	vld [tilespmem:s20+$0xFFFFFFB0]  }
0x249: {  	v10 =	vunpack.i.l.bf16.f32 v13;
	v9 =	vmul.f32 v9, v12;
	[tilespmem:s23+$0xD0] =	vst v4  }
0x24a: {  	v4 =	vunpack.i.u.bf16.f32 v6;
	v6 =	vmul.f32 v10, v12;
	[tilespmem:s21+$0xE0] =	vst v2;
	v2 =	vld [tilespmem:s20+$0x70]  }
0x24b: {  	v1 =	vmul.f32 v4, v1;
	[tilespmem:s23+$0x70] =	vst v9;
	v4 =	vunpack.i.l.bf16.f32 v8  }
0x24c: {  	[tilespmem:s23+$0x60] =	vst v6;
	v6 =	vunpack.i.u.bf16.f32 v8;
	v4 =	vmul.f32 v4, v11  }
0x24d: {  	[tilespmem:s21+$0xF0] =	vst v1;
	v6 =	vmul.f32 v6, v11;
	v1 =	vunpack.i.l.bf16.f32 v3  }
0x24e: {  	v3 =	vunpack.i.u.bf16.f32 v3;
	v1 =	vmul.f32 v1, v7;
	[tilespmem:s23+$0xFFFFFFE0] =	vst v4  }
0x24f: {  	v4 =	vunpack.i.l.bf16.f32 v2;
	v3 =	vmul.f32 v3, v7;
	[tilespmem:s23+$0xFFFFFFF0] =	vst v6  }
0x250: {  	v2 =	vunpack.i.u.bf16.f32 v2;
	v4 =	vmul.f32 v4, v5;
	[tilespmem:s23+$0xFFFFFF60] =	vst v1  }
0x251: {  	v1 =	vmul.f32 v2, v5;
	[tilespmem:s23+$0xFFFFFF70] =	vst v3  }
0x252: {  	[tilespmem:s23+$0xE0] =	vst v4  }
0x253: {  	s28 =	simm.s32 $0x230;
	s21 =	simm.s32 $0x7700;
	[tilespmem:s23+$0xF0] =	vst v1  }
0x254: {  	[spmem:s3] =	stream.indirect.scatter.add.f32 [tilespmem:s21], [sflag:$0x8], $0x80, s28, s25, $0xb8;
	[tilespmem:$0x1E920] =	vst v63  }
0x255: {  	s11 =	simm.s32 $0x0;
	s22 =	simm.s32 $0x150  }
0x256: {  	[tilespmem:s22], [sflag:$0x4] =	stream.linear.gather [hbm4b:s0+s11], $0x70, $0x38;
	[tilespmem:$0x1E920] =	vst v63  }
0x257: {  	s23 =	simm.s32 $0x310  }
0x258: {  	[tilespmem:s23], [sflag:$0x4] =	stream.linear.gather [hbm4b:s26+s11], $0x70, $0x38;
	[tilespmem:$0x1E920] =	vst v63  }
0x259: {  	s20 =	simm.s32 $0x4D0  }
0x25a: {  	[tilespmem:s20], [sflag:$0x4] =	stream.linear.gather [hbm4b:s10+s11], $0x70, $0x38;
	[tilespmem:$0x1E920] =	vst v63  }
0x25b: {  	_ =	swait.ge [sflag:s29], $0x70  }
0x25c: {  	[sflag:s29] =	ssyncset.done $0x0  }
0x25d: {  	[sflag:s29] =	ssyncadd.s32 $0xFFFFFF90  }
0x25e: {  	_ =	swait.ge [sflag:s29], $0x70  }
0x25f: {  	[sflag:s29] =	ssyncset.done $0x0  }
0x260: {  	[sflag:s29] =	ssyncadd.s32 $0xFFFFFF90  }
0x261: {  	_ =	swait.ge [sflag:s29], $0x70  }
0x262: {  	[sflag:s29] =	ssyncset.done $0x0  }
0x263: {  	[sflag:s29] =	ssyncadd.s32 $0xFFFFFF90  }
0x264: {  	v1 =	vld [tilespmem:$0x4D0];
	_ =	sdelay $0x5  }
0x265: {  	v2 =	vld [tilespmem:$0x4E0];
	_ =	sdelay $0x1  }
0x266: {  	v1 =	vld.idx.msk [tilespmem:v1+s18+$0x0], $0xffff;
	_ =	sdelay $0x3  }
0x267: {  	v3 =	vld [tilespmem:$0x4F0]  }
0x268: {  	[tilespmem:$0x690] =	vst v1  }
0x269: {  	v1 =	vld.idx.msk [tilespmem:v2+s18+$0x0], $0xffff;
	_ =	sdelay $0x3  }
0x26a: {  	v2 =	vld [tilespmem:$0x500]  }
0x26b: {  	[tilespmem:$0x6A0] =	vst v1  }
0x26c: {  	v1 =	vld.idx.msk [tilespmem:v3+s18+$0x0], $0xffff;
	_ =	sdelay $0x3  }
0x26d: {  	v3 =	vld [tilespmem:$0x510]  }
0x26e: {  	[tilespmem:$0x6B0] =	vst v1  }
0x26f: {  	v1 =	vld.idx.msk [tilespmem:v2+s18+$0x0], $0xffff;
	_ =	sdelay $0x3  }
0x270: {  	v2 =	vld [tilespmem:$0x520]  }
0x271: {  	[tilespmem:$0x6C0] =	vst v1  }
0x272: {  	v1 =	vld.idx.msk [tilespmem:v3+s18+$0x0], $0xffff;
	_ =	sdelay $0x3  }
0x273: {  	v3 =	vld [tilespmem:$0x530]  }
0x274: {  	[tilespmem:$0x6D0] =	vst v1  }
0x275: {  	v1 =	vld.idx.msk [tilespmem:v2+s18+$0x0], $0xffff;
	_ =	sdelay $0x4  }
0x276: {  	[tilespmem:$0x6E0] =	vst v1  }
0x277: {  	v1 =	vld.idx.msk [tilespmem:v3+s18+$0x0], $0xffff;
	_ =	sdelay $0x4  }
0x278: {  	s21 =	simm.s32 $0x2;
	s26 =	simm.s32 $0x2300;
	[tilespmem:$0x6F0] =	vst v1  }
0x279: {  	v1 =	vmov s21;
	[tilespmem:s26], [sflag:$0x6] =	stream.indirect.gather [hbm4b:s2+s25], $0x40, s22, s25, $0xb8;
	[tilespmem:$0x1E920] =	vst v63  }
0x27a: {  	v1 =	vand.u32 $0xFFFFFFFE, v1;
	_ =	swait.ge [sflag:s1], $0x1C00  }
0x27b: {  	s22 =	simm.s32 $0x1;
	v1 =	vbroadcast v1, $0x0;
	[sflag:s1] =	ssyncset.done $0x0  }
0x27c: {  	s23 =	simm.s32 $0x7;
	v2 =	vmov s22;
	[sflag:s1] =	ssyncadd.s32 $0xFFFFE400  }
0x27d: {  	v2 =	vand.u32 $0xFFFFFFFD, v2;
	_ =	swait.ge [sflag:s23], $0x3800  }
0x27e: {  	v3 =	vmov s11;
	v2 =	vbroadcast v2, $0x0;
	[sflag:s23] =	ssyncset.done $0x0  }
0x27f: {  	s10 =	simm.s32 $0x780;
	v3 =	vand.u32 $0xFFFFFFFC, v3;
	[sflag:s23] =	ssyncadd.s32 $0xFFFFC800  }
0x280: {  	v3 =	vbroadcast v3, $0x0;
	v4 =	vld [tilespmem:s10+$0x0]  }
0x281: {  	s19 =	simm.s32 $0x3;
	v8 =	vld.idx.msk [tilespmem:v1+s12+$0x0], $0xffff  }
0x282: {  	v1 =	vmov s19  }
0x283: {  	v9 =	vld [tilespmem:s10+$0xFFFFFFC0]  }
0x284: {  	v7 =	vld.idx.msk [tilespmem:v2+s12+$0x0], $0xffff  }
0x285: {  	v10 =	vld [tilespmem:s10+$0xFFFFFF80];
	v2 =	vunpack.i.l.bf16.f32 v4  }
0x286: {  	v6 =	vld.idx.msk [tilespmem:v3+s12+$0x0], $0xffff;
	v4 =	vunpack.i.u.bf16.f32 v4;
	v2 =	vmul.f32 v2, v8  }
0x287: {  	s0 =	simm.s32 $0x4000;
	v5 =	vld.idx.msk [tilespmem:v1+s12+$0x0], $0xffff;
	v3 =	vmul.f32 v4, v8  }
0x288: {  	v1 =	vunpack.i.l.bf16.f32 v9;
	v4 =	vld [tilespmem:s10+$0x40];
	[tilespmem:s0+$0x0] =	vst v2  }
0x289: {  	v1 =	vmul.f32 v1, v7;
	[tilespmem:s0+$0x10] =	vst v3;
	v2 =	vunpack.i.u.bf16.f32 v9  }
0x28a: {  	v9 =	vunpack.i.l.bf16.f32 v10;
	v3 =	vld [tilespmem:s10+$0x10];
	v2 =	vmul.f32 v2, v7  }
0x28b: {  	v10 =	vunpack.i.u.bf16.f32 v10;
	v9 =	vmul.f32 v9, v6;
	[tilespmem:s0+$0xFFFFFF80] =	vst v1  }
0x28c: {  	v10 =	vmul.f32 v10, v6;
	[tilespmem:s0+$0xFFFFFF90] =	vst v2  }
0x28d: {  	v1 =	vunpack.i.l.bf16.f32 v4;
	v2 =	vunpack.i.u.bf16.f32 v4;
	[tilespmem:s0+$0xFFFFFF00] =	vst v9;
	v4 =	vld [tilespmem:s10+$0xFFFFFFD0]  }
0x28e: {  	[tilespmem:s0+$0xFFFFFF10] =	vst v10;
	v1 =	vmul.f32 v1, v5  }
0x28f: {  	v2 =	vmul.f32 v2, v5;
	v10 =	vld [tilespmem:s10+$0xFFFFFF90];
	v9 =	vunpack.i.l.bf16.f32 v3  }
0x290: {  	[tilespmem:s0+$0x80] =	vst v1;
	v1 =	vunpack.i.u.bf16.f32 v3;
	v3 =	vmul.f32 v9, v8  }
0x291: {  	[tilespmem:s0+$0x90] =	vst v2;
	v1 =	vmul.f32 v1, v8  }
0x292: {  	v2 =	vld [tilespmem:s10+$0x50];
	[tilespmem:s0+$0x20] =	vst v3;
	v3 =	vunpack.i.l.bf16.f32 v4  }
0x293: {  	[tilespmem:s0+$0x30] =	vst v1;
	v1 =	vunpack.i.u.bf16.f32 v4;
	v3 =	vmul.f32 v3, v7  }
0x294: {  	s20 =	simm.s32 $0x4;
	v11 =	vunpack.i.l.bf16.f32 v10;
	v4 =	vld [tilespmem:s10+$0x20];
	v1 =	vmul.f32 v1, v7  }
0x295: {  	v9 =	vmov s20;
	v10 =	vunpack.i.u.bf16.f32 v10;
	v11 =	vmul.f32 v11, v6;
	[tilespmem:s0+$0xFFFFFFA0] =	vst v3  }
0x296: {  	s21 =	simm.s32 $0x7;
	s22 =	simm.s32 $0x6;
	v3 =	vand.u32 $0xFFFFFFFC, v9;
	v9 =	vmul.f32 v10, v6;
	[tilespmem:s0+$0xFFFFFFB0] =	vst v1  }
0x297: {  	v12 =	vmov s21;
	v1 =	vunpack.i.l.bf16.f32 v2;
	[tilespmem:s0+$0xFFFFFF20] =	vst v11;
	v11 =	vmov s22;
	v10 =	vld [tilespmem:s10+$0xFFFFFFE0]  }
0x298: {  	v2 =	vunpack.i.u.bf16.f32 v2;
	v1 =	vmul.f32 v1, v5;
	[tilespmem:s0+$0xFFFFFF30] =	vst v9;
	v9 =	vand.u32 $0xFFFFFFFE, v11  }
0x299: {  	v2 =	vmul.f32 v2, v5;
	v11 =	vunpack.i.l.bf16.f32 v4;
	v9 =	vbroadcast v9, $0x0  }
0x29a: {  	s11 =	simm.s32 $0x880;
	s23 =	simm.s32 $0x5;
	v3 =	vbroadcast v3, $0x0;
	v13 =	vld [tilespmem:s10+$0xFFFFFFA0];
	[tilespmem:s0+$0xA0] =	vst v1;
	v1 =	vunpack.i.u.bf16.f32 v4;
	v4 =	vmul.f32 v11, v8  }
0x29b: {  	v15 =	vld [tilespmem:s11+$0x0];
	[tilespmem:s0+$0xB0] =	vst v2;
	v11 =	vmov s23;
	v2 =	vmul.f32 v1, v8  }
0x29c: {  	v1 =	vand.u32 $0xFFFFFFFD, v11;
	v11 =	vld [tilespmem:s10+$0x60];
	[tilespmem:s0+$0x40] =	vst v4;
	v4 =	vunpack.i.l.bf16.f32 v10  }
0x29d: {  	v14 =	vbroadcast v1, $0x0;
	v1 =	vld.idx.msk [tilespmem:v12+s12+$0x0], $0xffff;
	[tilespmem:s0+$0x50] =	vst v2;
	v4 =	vmul.f32 v4, v7  }
0x29e: {  	v2 =	vunpack.i.u.bf16.f32 v10;
	v10 =	vld [tilespmem:s10+$0x30]  }
0x29f: {  	v12 =	vmul.f32 v2, v7;
	v2 =	vunpack.i.l.bf16.f32 v13;
	[tilespmem:s0+$0xFFFFFFC0] =	vst v4;
	v4 =	vld.idx.msk [tilespmem:v9+s12+$0x0], $0xffff  }
0x2a0: {  	v13 =	vunpack.i.u.bf16.f32 v13;
	v16 =	vmul.f32 v2, v6;
	v2 =	vld.idx.msk [tilespmem:v3+s12+$0x0], $0xffff  }
0x2a1: {  	v9 =	vmul.f32 v13, v6;
	[tilespmem:s0+$0xFFFFFFD0] =	vst v12;
	v13 =	vld [tilespmem:s11+$0xFFFFFFC0];
	v3 =	vunpack.i.l.bf16.f32 v11  }
0x2a2: {  	v11 =	vunpack.i.u.bf16.f32 v11;
	[tilespmem:s0+$0xFFFFFF40] =	vst v16;
	v12 =	vmul.f32 v3, v5;
	v16 =	vld [tilespmem:s11+$0x40]  }
0x2a3: {  	v11 =	vmul.f32 v11, v5;
	[tilespmem:s0+$0xFFFFFF50] =	vst v9;
	v3 =	vld.idx.msk [tilespmem:v14+s12+$0x0], $0xffff;
	v9 =	vunpack.i.u.bf16.f32 v10  }
0x2a4: {  	v14 =	vld [tilespmem:s11+$0xFFFFFF80];
	[tilespmem:s0+$0xC0] =	vst v12;
	v9 =	vmul.f32 v9, v8;
	v12 =	vunpack.i.l.bf16.f32 v15  }
0x2a5: {  	[tilespmem:s0+$0xD0] =	vst v11;
	v11 =	vunpack.i.u.bf16.f32 v15;
	v12 =	vmul.f32 v12, v4  }
0x2a6: {  	s21 =	simm.s32 $0x4200;
	v10 =	vunpack.i.l.bf16.f32 v10;
	v15 =	vld [tilespmem:s10+$0xFFFFFFF0];
	[tilespmem:s0+$0x70] =	vst v9;
	v9 =	vmul.f32 v11, v4  }
0x2a7: {  	v8 =	vmul.f32 v10, v8;
	v10 =	vld [tilespmem:s10+$0xFFFFFFB0];
	v11 =	vunpack.i.l.bf16.f32 v13;
	[tilespmem:s21+$0x0] =	vst v12  }
0x2a8: {  	v13 =	vunpack.i.u.bf16.f32 v13;
	v12 =	vld [tilespmem:s10+$0x70];
	v17 =	vunpack.i.u.bf16.f32 v16;
	v11 =	vmul.f32 v11, v3;
	[tilespmem:s21+$0x10] =	vst v9  }
0x2a9: {  	[tilespmem:s0+$0x60] =	vst v8;
	v9 =	vunpack.i.l.bf16.f32 v14;
	v8 =	vmul.f32 v13, v3;
	v14 =	vunpack.i.u.bf16.f32 v14;
	v13 =	vld [tilespmem:s11+$0x10]  }
0x2aa: {  	v9 =	vmul.f32 v9, v2;
	v14 =	vmul.f32 v14, v2;
	[tilespmem:s21+$0xFFFFFF80] =	vst v11;
	v11 =	vunpack.i.l.bf16.f32 v16  }
0x2ab: {  	v16 =	vunpack.i.u.bf16.f32 v15;
	[tilespmem:s21+$0xFFFFFF90] =	vst v8;
	v8 =	vunpack.i.l.bf16.f32 v15;
	v15 =	vmul.f32 v17, v1  }
0x2ac: {  	v18 =	vunpack.i.u.bf16.f32 v10;
	v11 =	vmul.f32 v11, v1;
	v17 =	vld [tilespmem:s11+$0xFFFFFFD0];
	[tilespmem:s21+$0xFFFFFF10] =	vst v14;
	v14 =	vmul.f32 v8, v7  }
0x2ad: {  	[tilespmem:s21+$0xFFFFFF00] =	vst v9;
	v9 =	vunpack.i.l.bf16.f32 v10;
	v16 =	vmul.f32 v16, v7;
	v8 =	vmul.f32 v18, v6  }
0x2ae: {  	s20 =	simm.s32 $0xB;
	v10 =	vunpack.i.u.bf16.f32 v12;
	v19 =	vld [tilespmem:s11+$0xFFFFFF90];
	v9 =	vmul.f32 v9, v6;
	[tilespmem:s21+$0x90] =	vst v15;
	v7 =	vunpack.i.l.bf16.f32 v13  }
0x2af: {  	v15 =	vmov s20;
	[tilespmem:s21+$0x80] =	vst v11;
	v11 =	vunpack.i.u.bf16.f32 v13;
	v13 =	vmul.f32 v7, v4  }
0x2b0: {  	s19 =	simm.s32 $0x8;
	[tilespmem:s0+$0xFFFFFFE0] =	vst v14;
	v6 =	vmul.f32 v10, v5;
	v7 =	vunpack.i.l.bf16.f32 v12;
	v11 =	vmul.f32 v11, v4;
	v12 =	vld [tilespmem:s11+$0x50]  }
0x2b1: {  	v10 =	vmov s19;
	v7 =	vmul.f32 v7, v5;
	v5 =	vunpack.i.l.bf16.f32 v17;
	[tilespmem:s21+$0x20] =	vst v13  }
0x2b2: {  	v10 =	vand.u32 $0xFFFFFFFC, v10;
	v13 =	vunpack.i.u.bf16.f32 v17;
	v5 =	vmul.f32 v5, v3;
	[tilespmem:s21+$0x30] =	vst v11  }
0x2b3: {  	s22 =	simm.s32 $0x9;
	[tilespmem:s0+$0xFFFFFFF0] =	vst v16;
	v10 =	vbroadcast v10, $0x0;
	v14 =	vunpack.i.u.bf16.f32 v19;
	v11 =	vmul.f32 v13, v3;
	v17 =	vld [tilespmem:s11+$0x20]  }
0x2b4: {  	v13 =	vunpack.i.l.bf16.f32 v19;
	v16 =	vmul.f32 v14, v2;
	[tilespmem:s21+$0xFFFFFFA0] =	vst v5;
	v5 =	vmov s22  }
0x2b5: {  	v13 =	vmul.f32 v13, v2;
	[tilespmem:s21+$0xFFFFFFB0] =	vst v11;
	v11 =	vunpack.i.l.bf16.f32 v12;
	v5 =	vand.u32 $0xFFFFFFFD, v5  }
0x2b6: {  	s23 =	simm.s32 $0xA;
	v12 =	vunpack.i.u.bf16.f32 v12;
	[tilespmem:s21+$0xFFFFFF30] =	vst v16;
	v18 =	vmul.f32 v11, v1;
	v14 =	vld [tilespmem:s11+$0xFFFFFFE0];
	v11 =	vbroadcast v5, $0x0  }
0x2b7: {  	[tilespmem:s21+$0xFFFFFF20] =	vst v13;
	v19 =	vmul.f32 v12, v1;
	v12 =	vmov s23  }
0x2b8: {  	v5 =	vand.u32 $0xFFFFFFFE, v12;
	v13 =	vld [tilespmem:s11+$0xFFFFFFA0];
	v20 =	vunpack.i.l.bf16.f32 v17;
	[tilespmem:s21+$0xA0] =	vst v18  }
0x2b9: {  	s10 =	simm.s32 $0x4200;
	s20 =	simm.s32 $0xC;
	s19 =	simm.s32 $0x880;
	v12 =	vbroadcast v5, $0x0;
	v5 =	vld.idx.msk [tilespmem:v15+s12+$0x0], $0xffff;
	v16 =	vunpack.i.u.bf16.f32 v17;
	[tilespmem:s21+$0xB0] =	vst v19;
	v15 =	vmul.f32 v20, v4  }
.LBB2_9:
0x2ba: {  	p0 =	slt.u32 s20, $0x6C;
	v16 =	vmul.f32 v16, v4;
	v17 =	vld [tilespmem:s11+$0x60];
	[tilespmem:s0+$0xFFFFFF60] =	vst v9  }
0x2bb: {  	v10 =	vld.idx.msk [tilespmem:v10+s12+$0x0], $0xffff;
	v9 =	vunpack.i.u.bf16.f32 v14;
	v14 =	vunpack.i.l.bf16.f32 v14;
	[tilespmem:s21+$0x40] =	vst v15  }
0x2bc: {  	v11 =	vld.idx.msk [tilespmem:v11+s12+$0x0], $0xffff;
	v14 =	vmul.f32 v14, v3;
	v9 =	vmul.f32 v9, v3;
	[tilespmem:s21+$0x50] =	vst v16  }
0x2bd: {  	s11 =	sadd.s32 $0x100, s11;
	v15 =	vunpack.i.u.bf16.f32 v13;
	v13 =	vunpack.i.l.bf16.f32 v13;
	v16 =	vld [tilespmem:s19+$0x30];
	[tilespmem:s0+$0xFFFFFF70] =	vst v8  }
0x2be: {  	v8 =	vld [tilespmem:s11+$0x0];
	v13 =	vmul.f32 v13, v2;
	v15 =	vmul.f32 v15, v2;
	[tilespmem:s21+$0xFFFFFFC0] =	vst v14  }
0x2bf: {  	v12 =	vld.idx.msk [tilespmem:v12+s12+$0x0], $0xffff;
	[tilespmem:s21+$0xFFFFFFD0] =	vst v9;
	v9 =	vunpack.i.u.bf16.f32 v17;
	v14 =	vunpack.i.l.bf16.f32 v17  }
0x2c0: {  	v17 =	vld [tilespmem:s11+$0xFFFFFF80];
	[tilespmem:s21+$0xFFFFFF40] =	vst v13;
	v13 =	vmul.f32 v14, v1;
	v9 =	vmul.f32 v9, v1  }
0x2c1: {  	v14 =	vld [tilespmem:s11+$0xFFFFFFC0];
	[tilespmem:s21+$0xFFFFFF50] =	vst v15  }
0x2c2: {  	v15 =	vld [tilespmem:s11+$0x40];
	v18 =	vunpack.i.u.bf16.f32 v16;
	v16 =	vunpack.i.l.bf16.f32 v16;
	[tilespmem:s21+$0xC0] =	vst v13  }
0x2c3: {  	v13 =	vld [tilespmem:s19+$0xFFFFFFF0];
	v16 =	vmul.f32 v16, v4;
	v20 =	vmul.f32 v18, v4;
	[tilespmem:s21+$0xD0] =	vst v9  }
0x2c4: {  	v9 =	vunpack.i.l.bf16.f32 v8;
	v18 =	vld [tilespmem:s19+$0xFFFFFFB0];
	[tilespmem:s0+$0xE0] =	vst v7  }
0x2c5: {  	v8 =	vunpack.i.u.bf16.f32 v8;
	v9 =	vmul.f32 v9, v12;
	v4 =	vmovc v12;
	v7 =	vunpack.i.u.bf16.f32 v17;
	[tilespmem:s21+$0x70] =	vst v20;
	v19 =	vld [tilespmem:s19+$0x70];
	s19 =	smov.u32 s11  }
0x2c6: {  	v12 =	vunpack.i.l.bf16.f32 v17;
	v8 =	vmul.f32 v8, v4;
	s21 =	sadd.s32 $0x200, s21;
	v17 =	vunpack.i.u.bf16.f32 v14;
	[tilespmem:s10+$0x60] =	vst v16  }
0x2c7: {  	v14 =	vunpack.i.l.bf16.f32 v14;
	[tilespmem:s21+$0x0] =	vst v9;
	v9 =	vunpack.i.u.bf16.f32 v15;
	v15 =	vunpack.i.l.bf16.f32 v15  }
0x2c8: {  	v14 =	vmul.f32 v14, v11;
	v16 =	vmul.f32 v17, v11;
	[tilespmem:s21+$0x10] =	vst v8;
	v8 =	vunpack.i.u.bf16.f32 v13  }
0x2c9: {  	v12 =	vmul.f32 v12, v10;
	v7 =	vmul.f32 v7, v10;
	v13 =	vunpack.i.l.bf16.f32 v13;
	v17 =	vld [tilespmem:s11+$0x10];
	[tilespmem:s0+$0xF0] =	vst v6;
	s0 =	smov.u32 s10;
	s10 =	smov.u32 s21  }
0x2ca: {  	v6 =	vmul.f32 v15, v5;
	v15 =	vunpack.i.u.bf16.f32 v18;
	[tilespmem:s21+$0xFFFFFF80] =	vst v14;
	v14 =	vmul.f32 v9, v5  }
0x2cb: {  	v9 =	vunpack.i.l.bf16.f32 v18;
	v18 =	vunpack.i.l.bf16.f32 v19;
	[tilespmem:s21+$0xFFFFFF90] =	vst v16;
	v16 =	vunpack.i.u.bf16.f32 v19  }
0x2cc: {  	v13 =	vmul.f32 v13, v3;
	v19 =	vmul.f32 v8, v3;
	v3 =	vmov v11;
	[tilespmem:s21+$0xFFFFFF00] =	vst v12;
	v12 =	vld [tilespmem:s11+$0xFFFFFFD0]  }
0x2cd: {  	v9 =	vmul.f32 v9, v2;
	v8 =	vmul.f32 v15, v2;
	v2 =	vmov v10;
	[tilespmem:s21+$0xFFFFFF10] =	vst v7  }
0x2ce: {  	v7 =	vmul.f32 v18, v1;
	v11 =	vld [tilespmem:s11+$0xFFFFFF90];
	v10 =	vunpack.i.l.bf16.f32 v17;
	[tilespmem:s21+$0x80] =	vst v6;
	v6 =	vmul.f32 v16, v1;
	v1 =	vmovc v5  }
0x2cf: {  	s22 =	sadd.s32 $0x3, s20;
	v5 =	vunpack.i.u.bf16.f32 v17;
	v10 =	vmul.f32 v10, v4;
	[tilespmem:s21+$0x90] =	vst v14  }
0x2d0: {  	v15 =	vmov s22;
	v14 =	vmov s20;
	v5 =	vmul.f32 v5, v4;
	v16 =	vld [tilespmem:s11+$0x50];
	[tilespmem:s0+$0xFFFFFFE0] =	vst v13  }
0x2d1: {  	s22 =	sadd.s32 $0x1, s20;
	v13 =	vand.u32 $0xFFFFFFFC, v14;
	v14 =	vunpack.i.u.bf16.f32 v12;
	v12 =	vunpack.i.l.bf16.f32 v12;
	[tilespmem:s21+$0x20] =	vst v10  }
0x2d2: {  	v17 =	vmov s22;
	v12 =	vmul.f32 v12, v3;
	v14 =	vmul.f32 v14, v3;
	[tilespmem:s21+$0x30] =	vst v5  }
0x2d3: {  	v10 =	vbroadcast v13, $0x0;
	v5 =	vunpack.i.u.bf16.f32 v11;
	v11 =	vunpack.i.l.bf16.f32 v11;
	v18 =	vld [tilespmem:s11+$0x20];
	[tilespmem:s0+$0xFFFFFFF0] =	vst v19  }
0x2d4: {  	v13 =	vand.u32 $0xFFFFFFFD, v17;
	v17 =	vmul.f32 v11, v2;
	v5 =	vmul.f32 v5, v2;
	[tilespmem:s21+$0xFFFFFFA0] =	vst v12  }
.Ltmp5:
0x2d5: {  	v11 =	vbroadcast v13, $0x0;
	[tilespmem:s21+$0xFFFFFFB0] =	vst v14;
	v12 =	vunpack.i.u.bf16.f32 v16;
	v13 =	vunpack.i.l.bf16.f32 v16;
	(pc) =	sbr.rel @p0 .LBB2_9-.Ltmp5, $4  }
0x2d6: {  	s22 =	sadd.s32 $0x2, s20;
	[tilespmem:s21+$0xFFFFFF20] =	vst v17;
	v14 =	vld [tilespmem:s11+$0xFFFFFFE0];
	v16 =	vmul.f32 v13, v1;
	v17 =	vmul.f32 v12, v1  }
0x2d7: {  	v12 =	vmov s22;
	[tilespmem:s21+$0xFFFFFF30] =	vst v5  }
0x2d8: {  	v5 =	vand.u32 $0xFFFFFFFE, v12;
	v13 =	vld [tilespmem:s11+$0xFFFFFFA0];
	v19 =	vunpack.i.l.bf16.f32 v18;
	[tilespmem:s21+$0xA0] =	vst v16  }
0x2d9: {  	s20 =	sadd.s32 $0x4, s20;
	v12 =	vbroadcast v5, $0x0;
	v16 =	vunpack.i.u.bf16.f32 v18;
	v5 =	vld.idx.msk [tilespmem:v15+s12+$0x0], $0xffff;
	v15 =	vmul.f32 v19, v4;
	[tilespmem:s21+$0xB0] =	vst v17  }
0x2da: {  	v16 =	vmul.f32 v16, v4;
	[tilespmem:s0+$0xFFFFFF60] =	vst v9  }
0x2db: {  	v17 =	vld [tilespmem:s11+$0x60];
	[tilespmem:s21+$0x40] =	vst v15  }
0x2dc: {  	v9 =	vunpack.i.l.bf16.f32 v14;
	[tilespmem:s21+$0x50] =	vst v16  }
0x2dd: {  	[tilespmem:s0+$0xFFFFFF70] =	vst v8;
	v14 =	vunpack.i.u.bf16.f32 v14;
	v9 =	vmul.f32 v9, v3;
	v16 =	vld [tilespmem:s19+$0x30]  }
0x2de: {  	s23 =	sadd.s32 $0x100, s11;
	[tilespmem:s0+$0xE0] =	vst v7;
	v14 =	vmul.f32 v14, v3;
	v15 =	vunpack.i.l.bf16.f32 v13  }
0x2df: {  	v8 =	vunpack.i.u.bf16.f32 v13;
	v13 =	vmul.f32 v15, v2;
	[tilespmem:s21+$0xFFFFFFC0] =	vst v9;
	v9 =	vld [tilespmem:s23+$0x0]  }
0x2e0: {  	v12 =	vld.idx.msk [tilespmem:v12+s12+$0x0], $0xffff;
	v8 =	vmul.f32 v8, v2;
	[tilespmem:s21+$0xFFFFFFD0] =	vst v14;
	v14 =	vunpack.i.l.bf16.f32 v17  }
0x2e1: {  	v15 =	vunpack.i.u.bf16.f32 v17;
	[tilespmem:s21+$0xFFFFFF40] =	vst v13;
	v13 =	vmul.f32 v14, v1  }
0x2e2: {  	v14 =	vmul.f32 v15, v1;
	[tilespmem:s21+$0xFFFFFF50] =	vst v8;
	v8 =	vld [tilespmem:s23+$0xFFFFFFC0];
	v15 =	vunpack.i.u.bf16.f32 v16  }
0x2e3: {  	v11 =	vld.idx.msk [tilespmem:v11+s12+$0x0], $0xffff;
	[tilespmem:s21+$0xC0] =	vst v13;
	v13 =	vunpack.i.l.bf16.f32 v16;
	v15 =	vmul.f32 v15, v4  }
0x2e4: {  	[tilespmem:s21+$0xD0] =	vst v14;
	v14 =	vld [tilespmem:s23+$0xFFFFFF80];
	v4 =	vmul.f32 v13, v4;
	v13 =	vunpack.i.l.bf16.f32 v9  }
0x2e5: {  	v7 =	vld.idx.msk [tilespmem:v10+s12+$0x0], $0xffff;
	v9 =	vunpack.i.u.bf16.f32 v9;
	v10 =	vmul.f32 v13, v12;
	[tilespmem:s21+$0x70] =	vst v15  }
0x2e6: {  	s20 =	sadd.s32 $0x200, s21;
	v13 =	vld [tilespmem:s23+$0x40];
	v9 =	vmul.f32 v9, v12;
	[tilespmem:s10+$0x60] =	vst v4  }
0x2e7: {  	v4 =	vunpack.i.l.bf16.f32 v8;
	[tilespmem:s20+$0x0] =	vst v10  }
0x2e8: {  	v10 =	vld [tilespmem:s19+$0xFFFFFFF0];
	v8 =	vunpack.i.u.bf16.f32 v8;
	[tilespmem:s20+$0x10] =	vst v9;
	v4 =	vmul.f32 v4, v11  }
0x2e9: {  	[tilespmem:s0+$0xF0] =	vst v6;
	v9 =	vunpack.i.l.bf16.f32 v14;
	v8 =	vmul.f32 v8, v11;
	v15 =	vld [tilespmem:s23+$0x10]  }
0x2ea: {  	v6 =	vunpack.i.u.bf16.f32 v14;
	v9 =	vmul.f32 v9, v7;
	[tilespmem:s20+$0xFFFFFF80] =	vst v4  }
0x2eb: {  	v6 =	vmul.f32 v6, v7;
	v4 =	vunpack.i.l.bf16.f32 v13;
	[tilespmem:s20+$0xFFFFFF90] =	vst v8  }
0x2ec: {  	v8 =	vunpack.i.u.bf16.f32 v13;
	v4 =	vmul.f32 v4, v5;
	[tilespmem:s20+$0xFFFFFF00] =	vst v9;
	v9 =	vld [tilespmem:s23+$0xFFFFFFD0]  }
0x2ed: {  	v8 =	vmul.f32 v8, v5;
	[tilespmem:s20+$0xFFFFFF10] =	vst v6;
	v13 =	vunpack.i.l.bf16.f32 v10  }
0x2ee: {  	v6 =	vmul.f32 v13, v3;
	v13 =	vld [tilespmem:s23+$0xFFFFFF90];
	v14 =	vunpack.i.l.bf16.f32 v15;
	[tilespmem:s20+$0x80] =	vst v4  }
0x2ef: {  	v4 =	vunpack.i.u.bf16.f32 v15;
	[tilespmem:s20+$0x90] =	vst v8;
	v14 =	vmul.f32 v14, v12  }
0x2f0: {  	v8 =	vunpack.i.u.bf16.f32 v10;
	v4 =	vmul.f32 v4, v12;
	v10 =	vld [tilespmem:s23+$0x50];
	[tilespmem:s10+$0xFFFFFFE0] =	vst v6  }
0x2f1: {  	v3 =	vmul.f32 v8, v3;
	v6 =	vunpack.i.l.bf16.f32 v9;
	[tilespmem:s20+$0x20] =	vst v14  }
0x2f2: {  	v8 =	vld [tilespmem:s19+$0xFFFFFFB0];
	v9 =	vunpack.i.u.bf16.f32 v9;
	[tilespmem:s20+$0x30] =	vst v4;
	v6 =	vmul.f32 v6, v11  }
0x2f3: {  	[tilespmem:s10+$0xFFFFFFF0] =	vst v3;
	v4 =	vmul.f32 v9, v11;
	v14 =	vld [tilespmem:s23+$0x20];
	v9 =	vunpack.i.l.bf16.f32 v13  }
0x2f4: {  	v3 =	vunpack.i.u.bf16.f32 v13;
	v9 =	vmul.f32 v9, v7;
	[tilespmem:s20+$0xFFFFFFA0] =	vst v6  }
0x2f5: {  	v3 =	vmul.f32 v3, v7;
	[tilespmem:s20+$0xFFFFFFB0] =	vst v4;
	v4 =	vunpack.i.l.bf16.f32 v10  }
0x2f6: {  	v6 =	vunpack.i.u.bf16.f32 v10;
	v4 =	vmul.f32 v4, v5;
	[tilespmem:s20+$0xFFFFFF20] =	vst v9;
	v9 =	vld [tilespmem:s23+$0xFFFFFFE0]  }
0x2f7: {  	v10 =	vunpack.i.l.bf16.f32 v8;
	v6 =	vmul.f32 v6, v5;
	[tilespmem:s20+$0xFFFFFF30] =	vst v3  }
0x2f8: {  	v3 =	vmul.f32 v10, v2;
	v10 =	vld [tilespmem:s23+$0xFFFFFFA0];
	v13 =	vunpack.i.l.bf16.f32 v14;
	[tilespmem:s20+$0xA0] =	vst v4  }
0x2f9: {  	v4 =	vunpack.i.u.bf16.f32 v14;
	[tilespmem:s20+$0xB0] =	vst v6;
	v13 =	vmul.f32 v13, v12  }
0x2fa: {  	v6 =	vunpack.i.u.bf16.f32 v8;
	v4 =	vmul.f32 v4, v12;
	v8 =	vld [tilespmem:s23+$0x60];
	[tilespmem:s10+$0xFFFFFF60] =	vst v3  }
0x2fb: {  	v2 =	vmul.f32 v6, v2;
	[tilespmem:s20+$0x40] =	vst v13;
	v3 =	vunpack.i.l.bf16.f32 v9  }
0x2fc: {  	v6 =	vld [tilespmem:s19+$0x70];
	[tilespmem:s20+$0x50] =	vst v4;
	v9 =	vunpack.i.u.bf16.f32 v9;
	v3 =	vmul.f32 v3, v11  }
0x2fd: {  	[tilespmem:s10+$0xFFFFFF70] =	vst v2;
	v13 =	vld [tilespmem:s23+$0x30];
	v4 =	vmul.f32 v9, v11;
	v9 =	vunpack.i.l.bf16.f32 v10  }
0x2fe: {  	v2 =	vunpack.i.u.bf16.f32 v10;
	v9 =	vmul.f32 v9, v7;
	[tilespmem:s20+$0xFFFFFFC0] =	vst v3  }
0x2ff: {  	v2 =	vmul.f32 v2, v7;
	[tilespmem:s20+$0xFFFFFFD0] =	vst v4;
	v3 =	vunpack.i.l.bf16.f32 v8  }
0x300: {  	v4 =	vunpack.i.u.bf16.f32 v8;
	[tilespmem:s20+$0xFFFFFF40] =	vst v9;
	v3 =	vmul.f32 v3, v5;
	v8 =	vld [tilespmem:s23+$0xFFFFFFF0]  }
0x301: {  	v9 =	vunpack.i.l.bf16.f32 v6;
	v4 =	vmul.f32 v4, v5;
	[tilespmem:s20+$0xFFFFFF50] =	vst v2  }
0x302: {  	v2 =	vmul.f32 v9, v1;
	v9 =	vunpack.i.u.bf16.f32 v13;
	[tilespmem:s20+$0xC0] =	vst v3;
	v3 =	vld [tilespmem:s23+$0xFFFFFFB0]  }
0x303: {  	v10 =	vunpack.i.l.bf16.f32 v13;
	v9 =	vmul.f32 v9, v12;
	[tilespmem:s20+$0xD0] =	vst v4  }
0x304: {  	v4 =	vunpack.i.u.bf16.f32 v6;
	v6 =	vmul.f32 v10, v12;
	[tilespmem:s10+$0xE0] =	vst v2;
	v2 =	vld [tilespmem:s23+$0x70]  }
0x305: {  	v1 =	vmul.f32 v4, v1;
	[tilespmem:s20+$0x70] =	vst v9;
	v4 =	vunpack.i.l.bf16.f32 v8  }
0x306: {  	[tilespmem:s20+$0x60] =	vst v6;
	v6 =	vunpack.i.u.bf16.f32 v8;
	v4 =	vmul.f32 v4, v11  }
0x307: {  	p0 =	seq.s32 s30, $0x2C;
	[tilespmem:s10+$0xF0] =	vst v1;
	v6 =	vmul.f32 v6, v11;
	v1 =	vunpack.i.l.bf16.f32 v3  }
0x308: {  	s0 =	sshrl.u32 @!p0 s17, $0x1;
	v3 =	vunpack.i.u.bf16.f32 v3;
	v1 =	vmul.f32 v1, v7;
	[tilespmem:s20+$0xFFFFFFE0] =	vst v4  }
0x309: {  	s0 =	smul.u32 @!p0 $0x70, s0;
	v4 =	vunpack.i.l.bf16.f32 v2;
	v3 =	vmul.f32 v3, v7;
	[tilespmem:s20+$0xFFFFFFF0] =	vst v6  }
0x30a: {  	v2 =	vunpack.i.u.bf16.f32 v2;
	v4 =	vmul.f32 v4, v5;
	[tilespmem:s20+$0xFFFFFF60] =	vst v1  }
0x30b: {  	s0 =	sadd.s32 @!p0 s14, s0;
	v1 =	vmul.f32 v2, v5;
	[tilespmem:s20+$0xFFFFFF70] =	vst v3  }
0x30c: {  	s0 =	sadd.s32 @!p0 $0xE0, s0;
	[tilespmem:s20+$0xE0] =	vst v4  }
0x30d: {  	s0 =	sshrl.u32 @!p0 s0, $0x3;
	s21 =	simm.s32 $0x2A0;
	s23 =	simm.s32 $0x3F00;
	[tilespmem:s20+$0xF0] =	vst v1  }
0x30e: {  	[spmem:s3] =	stream.indirect.scatter.add.f32 [tilespmem:s23], [sflag:$0x7], $0x80, s21, s25, $0xb8;
	[tilespmem:$0x1E920] =	vst v63  }
0x30f: {  	s11 =	simm.s32 @!p0 $0x0;
	s10 =	sadd.s32 @!p0 s7, s0  }
0x310: {  	[tilespmem:s11], [sflag:$0x1] =	stream.linear.gather @!p0 [hbm4b:s10+s11], $0x70, $0x38;
	[tilespmem:$0x1E920] =	vst v63  }
0x311: {  	s19 =	simm.s32 @!p0 $0x1C0;
	s10 =	sadd.s32 @!p0 s6, s0  }
0x312: {  	[tilespmem:s19], [sflag:$0x1] =	stream.linear.gather @!p0 [hbm4b:s10+s11], $0x70, $0x38;
	[tilespmem:$0x1E920] =	vst v63  }
0x313: {  	s0 =	sadd.s32 @!p0 s8, s0;
	s10 =	simm.s32 @!p0 $0x380  }
0x314: {  	[tilespmem:s10], [sflag:$0x1] =	stream.linear.gather @!p0 [hbm4b:s0+s11], $0x70, $0x38;
	[tilespmem:$0x1E920] =	vst v63  }
0x315: {  	s0 =	simm.s32 @!p0 $0x1  }
0x316: {  	_ =	swait.ge @!p0 [sflag:s0], $0x70  }
0x317: {  	[sflag:s0] =	ssyncset.done @!p0 $0x0  }
0x318: {  	[sflag:s0] =	ssyncadd.s32 @!p0 $0xFFFFFF90  }
0x319: {  	_ =	swait.ge @!p0 [sflag:s0], $0x70  }
0x31a: {  	[sflag:s0] =	ssyncset.done @!p0 $0x0  }
0x31b: {  	[sflag:s0] =	ssyncadd.s32 @!p0 $0xFFFFFF90  }
0x31c: {  	_ =	swait.ge @!p0 [sflag:s0], $0x70  }
0x31d: {  	[sflag:s0] =	ssyncset.done @!p0 $0x0  }
0x31e: {  	[sflag:s0] =	ssyncadd.s32 @!p0 $0xFFFFFF90  }
0x31f: {  	v1 =	vld @!p0 [tilespmem:$0x380];
	_ =	sdelay $0x5  }
0x320: {  	v2 =	vld @!p0 [tilespmem:$0x390]  }
0x321: {  	s0 =	simm.s32 @!p0 $0xAF00  }
0x322: {  	v1 =	vld.idx.msk @!p0 [tilespmem:v1+s0+$0x0], $0xffff;
	_ =	sdelay $0x3  }
0x323: {  	v3 =	vld @!p0 [tilespmem:$0x3A0]  }
0x324: {  	[tilespmem:$0x540] =	vst @!p0 v1  }
0x325: {  	v1 =	vld.idx.msk @!p0 [tilespmem:v2+s0+$0x0], $0xffff;
	_ =	sdelay $0x3  }
0x326: {  	v2 =	vld @!p0 [tilespmem:$0x3B0]  }
0x327: {  	[tilespmem:$0x550] =	vst @!p0 v1  }
0x328: {  	v1 =	vld.idx.msk @!p0 [tilespmem:v3+s0+$0x0], $0xffff;
	_ =	sdelay $0x3  }
0x329: {  	v3 =	vld @!p0 [tilespmem:$0x3C0]  }
0x32a: {  	[tilespmem:$0x560] =	vst @!p0 v1  }
0x32b: {  	v1 =	vld.idx.msk @!p0 [tilespmem:v2+s0+$0x0], $0xffff;
	_ =	sdelay $0x3  }
0x32c: {  	v2 =	vld @!p0 [tilespmem:$0x3D0]  }
0x32d: {  	[tilespmem:$0x570] =	vst @!p0 v1  }
0x32e: {  	v1 =	vld.idx.msk @!p0 [tilespmem:v3+s0+$0x0], $0xffff;
	_ =	sdelay $0x3  }
0x32f: {  	v3 =	vld @!p0 [tilespmem:$0x3E0]  }
0x330: {  	[tilespmem:$0x580] =	vst @!p0 v1  }
0x331: {  	v1 =	vld.idx.msk @!p0 [tilespmem:v2+s0+$0x0], $0xffff;
	_ =	sdelay $0x4  }
0x332: {  	[tilespmem:$0x590] =	vst @!p0 v1  }
0x333: {  	v1 =	vld.idx.msk @!p0 [tilespmem:v3+s0+$0x0], $0xffff;
	_ =	sdelay $0x4  }
0x334: {  	s22 =	simm.s32 $0x2;
	s10 =	simm.s32 @!p0 $0x700;
	s0 =	simm.s32 @!p0 $0x70;
	[tilespmem:$0x5A0] =	vst @!p0 v1  }
0x335: {  	v1 =	vmov s22;
	[tilespmem:s10], [sflag:$0x5] =	stream.indirect.gather @!p0 [hbm4b:s2+s0], $0x40, s11, s0, $0xb8;
	[tilespmem:$0x1E920] =	vst v63  }
0x336: {  	v1 =	vand.u32 $0xFFFFFFFE, v1;
	_ =	swait.ge [sflag:s15], $0x1C00  }
0x337: {  	s10 =	simm.s32 $0x1;
	v1 =	vbroadcast v1, $0x0;
	[sflag:s15] =	ssyncset.done $0x0  }
0x338: {  	v2 =	vmov s10;
	[sflag:s15] =	ssyncadd.s32 $0xFFFFE400  }
0x339: {  	s11 =	simm.s32 $0x0;
	v2 =	vand.u32 $0xFFFFFFFD, v2;
	_ =	swait.ge [sflag:s9], $0x3800  }
0x33a: {  	v3 =	vmov s11;
	v2 =	vbroadcast v2, $0x0;
	[sflag:s9] =	ssyncset.done $0x0  }
0x33b: {  	s10 =	simm.s32 $0x2380;
	v3 =	vand.u32 $0xFFFFFFFC, v3;
	[sflag:s9] =	ssyncadd.s32 $0xFFFFC800  }
0x33c: {  	v3 =	vbroadcast v3, $0x0;
	v4 =	vld [tilespmem:s10+$0x0]  }
0x33d: {  	s19 =	simm.s32 $0x3;
	v8 =	vld.idx.msk [tilespmem:v1+s24+$0x0], $0xffff  }
0x33e: {  	v1 =	vmov s19  }
0x33f: {  	v9 =	vld [tilespmem:s10+$0xFFFFFFC0]  }
0x340: {  	v7 =	vld.idx.msk [tilespmem:v2+s24+$0x0], $0xffff  }
0x341: {  	v10 =	vld [tilespmem:s10+$0xFFFFFF80];
	v2 =	vunpack.i.l.bf16.f32 v4  }
0x342: {  	v6 =	vld.idx.msk [tilespmem:v3+s24+$0x0], $0xffff;
	v4 =	vunpack.i.u.bf16.f32 v4;
	v2 =	vmul.f32 v2, v8  }
0x343: {  	s0 =	simm.s32 $0x7800;
	v5 =	vld.idx.msk [tilespmem:v1+s24+$0x0], $0xffff;
	v3 =	vmul.f32 v4, v8  }
0x344: {  	v1 =	vunpack.i.l.bf16.f32 v9;
	v4 =	vld [tilespmem:s10+$0x40];
	[tilespmem:s0+$0x0] =	vst v2  }
0x345: {  	v1 =	vmul.f32 v1, v7;
	[tilespmem:s0+$0x10] =	vst v3;
	v2 =	vunpack.i.u.bf16.f32 v9  }
0x346: {  	v9 =	vunpack.i.l.bf16.f32 v10;
	v3 =	vld [tilespmem:s10+$0x10];
	v2 =	vmul.f32 v2, v7  }
0x347: {  	v10 =	vunpack.i.u.bf16.f32 v10;
	v9 =	vmul.f32 v9, v6;
	[tilespmem:s0+$0xFFFFFF80] =	vst v1  }
0x348: {  	v10 =	vmul.f32 v10, v6;
	[tilespmem:s0+$0xFFFFFF90] =	vst v2  }
0x349: {  	v1 =	vunpack.i.l.bf16.f32 v4;
	v2 =	vunpack.i.u.bf16.f32 v4;
	[tilespmem:s0+$0xFFFFFF00] =	vst v9;
	v4 =	vld [tilespmem:s10+$0xFFFFFFD0]  }
0x34a: {  	[tilespmem:s0+$0xFFFFFF10] =	vst v10;
	v1 =	vmul.f32 v1, v5  }
0x34b: {  	v2 =	vmul.f32 v2, v5;
	v10 =	vld [tilespmem:s10+$0xFFFFFF90];
	v9 =	vunpack.i.l.bf16.f32 v3  }
0x34c: {  	[tilespmem:s0+$0x80] =	vst v1;
	v1 =	vunpack.i.u.bf16.f32 v3;
	v3 =	vmul.f32 v9, v8  }
0x34d: {  	[tilespmem:s0+$0x90] =	vst v2;
	v1 =	vmul.f32 v1, v8  }
0x34e: {  	v2 =	vld [tilespmem:s10+$0x50];
	[tilespmem:s0+$0x20] =	vst v3;
	v3 =	vunpack.i.l.bf16.f32 v4  }
0x34f: {  	[tilespmem:s0+$0x30] =	vst v1;
	v1 =	vunpack.i.u.bf16.f32 v4;
	v3 =	vmul.f32 v3, v7  }
0x350: {  	s20 =	simm.s32 $0x4;
	v11 =	vunpack.i.l.bf16.f32 v10;
	v4 =	vld [tilespmem:s10+$0x20];
	v1 =	vmul.f32 v1, v7  }
0x351: {  	v9 =	vmov s20;
	v10 =	vunpack.i.u.bf16.f32 v10;
	v11 =	vmul.f32 v11, v6;
	[tilespmem:s0+$0xFFFFFFA0] =	vst v3  }
0x352: {  	s21 =	simm.s32 $0x7;
	s22 =	simm.s32 $0x6;
	v3 =	vand.u32 $0xFFFFFFFC, v9;
	v9 =	vmul.f32 v10, v6;
	[tilespmem:s0+$0xFFFFFFB0] =	vst v1  }
0x353: {  	v12 =	vmov s21;
	v1 =	vunpack.i.l.bf16.f32 v2;
	[tilespmem:s0+$0xFFFFFF20] =	vst v11;
	v11 =	vmov s22;
	v10 =	vld [tilespmem:s10+$0xFFFFFFE0]  }
0x354: {  	v2 =	vunpack.i.u.bf16.f32 v2;
	v1 =	vmul.f32 v1, v5;
	[tilespmem:s0+$0xFFFFFF30] =	vst v9;
	v9 =	vand.u32 $0xFFFFFFFE, v11  }
0x355: {  	v2 =	vmul.f32 v2, v5;
	v11 =	vunpack.i.l.bf16.f32 v4;
	v9 =	vbroadcast v9, $0x0  }
0x356: {  	s11 =	simm.s32 $0x2480;
	s19 =	simm.s32 $0x5;
	v3 =	vbroadcast v3, $0x0;
	v13 =	vld [tilespmem:s10+$0xFFFFFFA0];
	[tilespmem:s0+$0xA0] =	vst v1;
	v1 =	vunpack.i.u.bf16.f32 v4;
	v4 =	vmul.f32 v11, v8  }
0x357: {  	v15 =	vld [tilespmem:s11+$0x0];
	[tilespmem:s0+$0xB0] =	vst v2;
	v11 =	vmov s19;
	v2 =	vmul.f32 v1, v8  }
0x358: {  	v1 =	vand.u32 $0xFFFFFFFD, v11;
	v11 =	vld [tilespmem:s10+$0x60];
	[tilespmem:s0+$0x40] =	vst v4;
	v4 =	vunpack.i.l.bf16.f32 v10  }
0x359: {  	v14 =	vbroadcast v1, $0x0;
	v1 =	vld.idx.msk [tilespmem:v12+s24+$0x0], $0xffff;
	[tilespmem:s0+$0x50] =	vst v2;
	v4 =	vmul.f32 v4, v7  }
0x35a: {  	v2 =	vunpack.i.u.bf16.f32 v10;
	v10 =	vld [tilespmem:s10+$0x30]  }
0x35b: {  	v12 =	vmul.f32 v2, v7;
	v2 =	vunpack.i.l.bf16.f32 v13;
	[tilespmem:s0+$0xFFFFFFC0] =	vst v4;
	v4 =	vld.idx.msk [tilespmem:v9+s24+$0x0], $0xffff  }
0x35c: {  	v13 =	vunpack.i.u.bf16.f32 v13;
	v16 =	vmul.f32 v2, v6;
	v2 =	vld.idx.msk [tilespmem:v3+s24+$0x0], $0xffff  }
0x35d: {  	v9 =	vmul.f32 v13, v6;
	[tilespmem:s0+$0xFFFFFFD0] =	vst v12;
	v13 =	vld [tilespmem:s11+$0xFFFFFFC0];
	v3 =	vunpack.i.l.bf16.f32 v11  }
0x35e: {  	v11 =	vunpack.i.u.bf16.f32 v11;
	[tilespmem:s0+$0xFFFFFF40] =	vst v16;
	v12 =	vmul.f32 v3, v5;
	v16 =	vld [tilespmem:s11+$0x40]  }
0x35f: {  	v11 =	vmul.f32 v11, v5;
	[tilespmem:s0+$0xFFFFFF50] =	vst v9;
	v3 =	vld.idx.msk [tilespmem:v14+s24+$0x0], $0xffff;
	v9 =	vunpack.i.u.bf16.f32 v10  }
0x360: {  	v14 =	vld [tilespmem:s11+$0xFFFFFF80];
	[tilespmem:s0+$0xC0] =	vst v12;
	v9 =	vmul.f32 v9, v8;
	v12 =	vunpack.i.l.bf16.f32 v15  }
0x361: {  	[tilespmem:s0+$0xD0] =	vst v11;
	v11 =	vunpack.i.u.bf16.f32 v15;
	v12 =	vmul.f32 v12, v4  }
0x362: {  	s21 =	simm.s32 $0x7A00;
	v10 =	vunpack.i.l.bf16.f32 v10;
	v15 =	vld [tilespmem:s10+$0xFFFFFFF0];
	[tilespmem:s0+$0x70] =	vst v9;
	v9 =	vmul.f32 v11, v4  }
0x363: {  	v8 =	vmul.f32 v10, v8;
	v10 =	vld [tilespmem:s10+$0xFFFFFFB0];
	v11 =	vunpack.i.l.bf16.f32 v13;
	[tilespmem:s21+$0x0] =	vst v12  }
0x364: {  	v13 =	vunpack.i.u.bf16.f32 v13;
	v12 =	vld [tilespmem:s10+$0x70];
	v17 =	vunpack.i.u.bf16.f32 v16;
	v11 =	vmul.f32 v11, v3;
	[tilespmem:s21+$0x10] =	vst v9  }
0x365: {  	[tilespmem:s0+$0x60] =	vst v8;
	v9 =	vunpack.i.l.bf16.f32 v14;
	v8 =	vmul.f32 v13, v3;
	v14 =	vunpack.i.u.bf16.f32 v14;
	v13 =	vld [tilespmem:s11+$0x10]  }
0x366: {  	v9 =	vmul.f32 v9, v2;
	v14 =	vmul.f32 v14, v2;
	[tilespmem:s21+$0xFFFFFF80] =	vst v11;
	v11 =	vunpack.i.l.bf16.f32 v16  }
0x367: {  	v16 =	vunpack.i.u.bf16.f32 v15;
	[tilespmem:s21+$0xFFFFFF90] =	vst v8;
	v8 =	vunpack.i.l.bf16.f32 v15;
	v15 =	vmul.f32 v17, v1  }
0x368: {  	v18 =	vunpack.i.u.bf16.f32 v10;
	v11 =	vmul.f32 v11, v1;
	v17 =	vld [tilespmem:s11+$0xFFFFFFD0];
	[tilespmem:s21+$0xFFFFFF10] =	vst v14;
	v14 =	vmul.f32 v8, v7  }
0x369: {  	[tilespmem:s21+$0xFFFFFF00] =	vst v9;
	v9 =	vunpack.i.l.bf16.f32 v10;
	v16 =	vmul.f32 v16, v7;
	v8 =	vmul.f32 v18, v6  }
0x36a: {  	s22 =	simm.s32 $0xB;
	v10 =	vunpack.i.u.bf16.f32 v12;
	v19 =	vld [tilespmem:s11+$0xFFFFFF90];
	v9 =	vmul.f32 v9, v6;
	[tilespmem:s21+$0x90] =	vst v15;
	v7 =	vunpack.i.l.bf16.f32 v13  }
0x36b: {  	v15 =	vmov s22;
	[tilespmem:s21+$0x80] =	vst v11;
	v11 =	vunpack.i.u.bf16.f32 v13;
	v13 =	vmul.f32 v7, v4  }
0x36c: {  	s20 =	simm.s32 $0x8;
	[tilespmem:s0+$0xFFFFFFE0] =	vst v14;
	v6 =	vmul.f32 v10, v5;
	v7 =	vunpack.i.l.bf16.f32 v12;
	v11 =	vmul.f32 v11, v4;
	v12 =	vld [tilespmem:s11+$0x50]  }
0x36d: {  	v10 =	vmov s20;
	v7 =	vmul.f32 v7, v5;
	v5 =	vunpack.i.l.bf16.f32 v17;
	[tilespmem:s21+$0x20] =	vst v13  }
0x36e: {  	v10 =	vand.u32 $0xFFFFFFFC, v10;
	v13 =	vunpack.i.u.bf16.f32 v17;
	v5 =	vmul.f32 v5, v3;
	[tilespmem:s21+$0x30] =	vst v11  }
0x36f: {  	[tilespmem:s0+$0xFFFFFFF0] =	vst v16;
	s20 =	simm.s32 $0x9;
	v10 =	vbroadcast v10, $0x0;
	v14 =	vunpack.i.u.bf16.f32 v19;
	v11 =	vmul.f32 v13, v3;
	v17 =	vld [tilespmem:s11+$0x20]  }
0x370: {  	v13 =	vunpack.i.l.bf16.f32 v19;
	v16 =	vmul.f32 v14, v2;
	[tilespmem:s21+$0xFFFFFFA0] =	vst v5;
	v5 =	vmov s20  }
0x371: {  	v13 =	vmul.f32 v13, v2;
	[tilespmem:s21+$0xFFFFFFB0] =	vst v11;
	v11 =	vunpack.i.l.bf16.f32 v12;
	v5 =	vand.u32 $0xFFFFFFFD, v5  }
0x372: {  	s22 =	simm.s32 $0xA;
	v12 =	vunpack.i.u.bf16.f32 v12;
	[tilespmem:s21+$0xFFFFFF30] =	vst v16;
	v18 =	vmul.f32 v11, v1;
	v14 =	vld [tilespmem:s11+$0xFFFFFFE0];
	v11 =	vbroadcast v5, $0x0  }
0x373: {  	[tilespmem:s21+$0xFFFFFF20] =	vst v13;
	v19 =	vmul.f32 v12, v1;
	v12 =	vmov s22  }
0x374: {  	v5 =	vand.u32 $0xFFFFFFFE, v12;
	v13 =	vld [tilespmem:s11+$0xFFFFFFA0];
	v20 =	vunpack.i.l.bf16.f32 v17;
	[tilespmem:s21+$0xA0] =	vst v18  }
0x375: {  	s19 =	simm.s32 $0x2480;
	s10 =	simm.s32 $0x7A00;
	s20 =	simm.s32 $0xC;
	v12 =	vbroadcast v5, $0x0;
	v5 =	vld.idx.msk [tilespmem:v15+s24+$0x0], $0xffff;
	v16 =	vunpack.i.u.bf16.f32 v17;
	[tilespmem:s21+$0xB0] =	vst v19;
	v15 =	vmul.f32 v20, v4  }
.LBB2_11:
0x376: {  	p1 =	slt.u32 s20, $0x6C;
	v16 =	vmul.f32 v16, v4;
	v17 =	vld [tilespmem:s11+$0x60];
	[tilespmem:s0+$0xFFFFFF60] =	vst v9  }
0x377: {  	v10 =	vld.idx.msk [tilespmem:v10+s24+$0x0], $0xffff;
	v9 =	vunpack.i.u.bf16.f32 v14;
	v14 =	vunpack.i.l.bf16.f32 v14;
	[tilespmem:s21+$0x40] =	vst v15  }
0x378: {  	v11 =	vld.idx.msk [tilespmem:v11+s24+$0x0], $0xffff;
	v14 =	vmul.f32 v14, v3;
	v9 =	vmul.f32 v9, v3;
	[tilespmem:s21+$0x50] =	vst v16  }
0x379: {  	s11 =	sadd.s32 $0x100, s11;
	v15 =	vunpack.i.u.bf16.f32 v13;
	v13 =	vunpack.i.l.bf16.f32 v13;
	v16 =	vld [tilespmem:s19+$0x30];
	[tilespmem:s0+$0xFFFFFF70] =	vst v8  }
0x37a: {  	v8 =	vld [tilespmem:s11+$0x0];
	v13 =	vmul.f32 v13, v2;
	v15 =	vmul.f32 v15, v2;
	[tilespmem:s21+$0xFFFFFFC0] =	vst v14  }
0x37b: {  	v12 =	vld.idx.msk [tilespmem:v12+s24+$0x0], $0xffff;
	[tilespmem:s21+$0xFFFFFFD0] =	vst v9;
	v9 =	vunpack.i.u.bf16.f32 v17;
	v14 =	vunpack.i.l.bf16.f32 v17  }
0x37c: {  	v17 =	vld [tilespmem:s11+$0xFFFFFF80];
	[tilespmem:s21+$0xFFFFFF40] =	vst v13;
	v13 =	vmul.f32 v14, v1;
	v9 =	vmul.f32 v9, v1  }
0x37d: {  	v14 =	vld [tilespmem:s11+$0xFFFFFFC0];
	[tilespmem:s21+$0xFFFFFF50] =	vst v15  }
0x37e: {  	v15 =	vld [tilespmem:s11+$0x40];
	v18 =	vunpack.i.u.bf16.f32 v16;
	v16 =	vunpack.i.l.bf16.f32 v16;
	[tilespmem:s21+$0xC0] =	vst v13  }
0x37f: {  	v13 =	vld [tilespmem:s19+$0xFFFFFFF0];
	v16 =	vmul.f32 v16, v4;
	v20 =	vmul.f32 v18, v4;
	[tilespmem:s21+$0xD0] =	vst v9  }
0x380: {  	v9 =	vunpack.i.l.bf16.f32 v8;
	v18 =	vld [tilespmem:s19+$0xFFFFFFB0];
	[tilespmem:s0+$0xE0] =	vst v7  }
0x381: {  	v8 =	vunpack.i.u.bf16.f32 v8;
	v9 =	vmul.f32 v9, v12;
	v4 =	vmovc v12;
	v7 =	vunpack.i.u.bf16.f32 v17;
	[tilespmem:s21+$0x70] =	vst v20;
	v19 =	vld [tilespmem:s19+$0x70];
	s19 =	smov.u32 s11  }
0x382: {  	v12 =	vunpack.i.l.bf16.f32 v17;
	v8 =	vmul.f32 v8, v4;
	s21 =	sadd.s32 $0x200, s21;
	v17 =	vunpack.i.u.bf16.f32 v14;
	[tilespmem:s10+$0x60] =	vst v16  }
0x383: {  	v14 =	vunpack.i.l.bf16.f32 v14;
	[tilespmem:s21+$0x0] =	vst v9;
	v9 =	vunpack.i.u.bf16.f32 v15;
	v15 =	vunpack.i.l.bf16.f32 v15  }
0x384: {  	v14 =	vmul.f32 v14, v11;
	v16 =	vmul.f32 v17, v11;
	[tilespmem:s21+$0x10] =	vst v8;
	v8 =	vunpack.i.u.bf16.f32 v13  }
0x385: {  	v12 =	vmul.f32 v12, v10;
	v7 =	vmul.f32 v7, v10;
	v13 =	vunpack.i.l.bf16.f32 v13;
	v17 =	vld [tilespmem:s11+$0x10];
	[tilespmem:s0+$0xF0] =	vst v6;
	s0 =	smov.u32 s10;
	s10 =	smov.u32 s21  }
0x386: {  	v6 =	vmul.f32 v15, v5;
	v15 =	vunpack.i.u.bf16.f32 v18;
	[tilespmem:s21+$0xFFFFFF80] =	vst v14;
	v14 =	vmul.f32 v9, v5  }
0x387: {  	v9 =	vunpack.i.l.bf16.f32 v18;
	v18 =	vunpack.i.l.bf16.f32 v19;
	[tilespmem:s21+$0xFFFFFF90] =	vst v16;
	v16 =	vunpack.i.u.bf16.f32 v19  }
0x388: {  	v13 =	vmul.f32 v13, v3;
	v19 =	vmul.f32 v8, v3;
	v3 =	vmov v11;
	[tilespmem:s21+$0xFFFFFF00] =	vst v12;
	v12 =	vld [tilespmem:s11+$0xFFFFFFD0]  }
0x389: {  	v9 =	vmul.f32 v9, v2;
	v8 =	vmul.f32 v15, v2;
	v2 =	vmov v10;
	[tilespmem:s21+$0xFFFFFF10] =	vst v7  }
0x38a: {  	v7 =	vmul.f32 v18, v1;
	v11 =	vld [tilespmem:s11+$0xFFFFFF90];
	v10 =	vunpack.i.l.bf16.f32 v17;
	[tilespmem:s21+$0x80] =	vst v6;
	v6 =	vmul.f32 v16, v1;
	v1 =	vmovc v5  }
0x38b: {  	s22 =	sadd.s32 $0x3, s20;
	v5 =	vunpack.i.u.bf16.f32 v17;
	v10 =	vmul.f32 v10, v4;
	[tilespmem:s21+$0x90] =	vst v14  }
0x38c: {  	v15 =	vmov s22;
	v14 =	vmov s20;
	v5 =	vmul.f32 v5, v4;
	v16 =	vld [tilespmem:s11+$0x50];
	[tilespmem:s0+$0xFFFFFFE0] =	vst v13  }
0x38d: {  	s22 =	sadd.s32 $0x1, s20;
	v13 =	vand.u32 $0xFFFFFFFC, v14;
	v14 =	vunpack.i.u.bf16.f32 v12;
	v12 =	vunpack.i.l.bf16.f32 v12;
	[tilespmem:s21+$0x20] =	vst v10  }
0x38e: {  	v17 =	vmov s22;
	v12 =	vmul.f32 v12, v3;
	v14 =	vmul.f32 v14, v3;
	[tilespmem:s21+$0x30] =	vst v5  }
0x38f: {  	v10 =	vbroadcast v13, $0x0;
	v5 =	vunpack.i.u.bf16.f32 v11;
	v11 =	vunpack.i.l.bf16.f32 v11;
	v18 =	vld [tilespmem:s11+$0x20];
	[tilespmem:s0+$0xFFFFFFF0] =	vst v19  }
0x390: {  	v13 =	vand.u32 $0xFFFFFFFD, v17;
	v17 =	vmul.f32 v11, v2;
	v5 =	vmul.f32 v5, v2;
	[tilespmem:s21+$0xFFFFFFA0] =	vst v12  }
.Ltmp6:
0x391: {  	v11 =	vbroadcast v13, $0x0;
	[tilespmem:s21+$0xFFFFFFB0] =	vst v14;
	v12 =	vunpack.i.u.bf16.f32 v16;
	v13 =	vunpack.i.l.bf16.f32 v16;
	(pc) =	sbr.rel @p1 .LBB2_11-.Ltmp6, $4  }
0x392: {  	s22 =	sadd.s32 $0x2, s20;
	[tilespmem:s21+$0xFFFFFF20] =	vst v17;
	v14 =	vld [tilespmem:s11+$0xFFFFFFE0];
	v16 =	vmul.f32 v13, v1;
	v17 =	vmul.f32 v12, v1  }
0x393: {  	v12 =	vmov s22;
	[tilespmem:s21+$0xFFFFFF30] =	vst v5  }
0x394: {  	v5 =	vand.u32 $0xFFFFFFFE, v12;
	v13 =	vld [tilespmem:s11+$0xFFFFFFA0];
	v19 =	vunpack.i.l.bf16.f32 v18;
	[tilespmem:s21+$0xA0] =	vst v16  }
0x395: {  	s20 =	sadd.s32 $0x4, s20;
	v12 =	vbroadcast v5, $0x0;
	v16 =	vunpack.i.u.bf16.f32 v18;
	v5 =	vld.idx.msk [tilespmem:v15+s24+$0x0], $0xffff;
	v15 =	vmul.f32 v19, v4;
	[tilespmem:s21+$0xB0] =	vst v17  }
0x396: {  	_ =	sdelay $0x1  }
0x397: {  	[tilespmem:s0+$0xFFFFFF60] =	vst v9  }
0x398: {  	v17 =	vld [tilespmem:s11+$0x60];
	[tilespmem:s0+$0xFFFFFF70] =	vst v8  }
0x399: {  	v11 =	vld.idx.msk [tilespmem:v11+s24+$0x0], $0xffff;
	[tilespmem:s0+$0xE0] =	vst v7  }
0x39a: {  	v16 =	vmul.f32 v16, v4;
	s22 =	sadd.s32 $0x100, s11;
	v20 =	vld.idx.msk [tilespmem:v10+s24+$0x0], $0xffff;
	[tilespmem:s0+$0xF0] =	vst v6;
	v50 =	vunpack.i.l.bf16.f32 v14  }
0x39b: {  	[tilespmem:s21+$0x40] =	vst v15;
	v51 =	vunpack.i.u.bf16.f32 v14;
	v55 =	vld [tilespmem:s22+$0x0];
	v9 =	vmul.f32 v50, v3  }
0x39c: {  	v12 =	vld.idx.msk [tilespmem:v12+s24+$0x0], $0xffff;
	[tilespmem:s21+$0x50] =	vst v16;
	v14 =	vmul.f32 v51, v3;
	v52 =	vunpack.i.l.bf16.f32 v13  }
0x39d: {  	v60 =	vld [tilespmem:s22+$0xFFFFFFC0];
	v53 =	vunpack.i.u.bf16.f32 v13;
	v54 =	vmul.f32 v52, v2;
	[tilespmem:s21+$0xFFFFFFC0] =	vst v9  }
0x39e: {  	v63 =	vld [tilespmem:s22+$0xFFFFFF80];
	v8 =	vmul.f32 v53, v2;
	[tilespmem:s21+$0xFFFFFFD0] =	vst v14;
	v56 =	vunpack.i.l.bf16.f32 v17  }
0x39f: {  	v16 =	vld [tilespmem:s19+$0x30];
	v57 =	vunpack.i.u.bf16.f32 v17;
	[tilespmem:s21+$0xFFFFFF40] =	vst v54;
	v58 =	vmul.f32 v56, v1  }
0x3a0: {  	v59 =	vmul.f32 v57, v1;
	[tilespmem:s21+$0xFFFFFF50] =	vst v8;
	v19 =	vunpack.i.l.bf16.f32 v55  }
0x3a1: {  	v9 =	vunpack.i.u.bf16.f32 v55;
	v21 =	vmul.f32 v19, v12;
	[tilespmem:s21+$0xC0] =	vst v58  }
0x3a2: {  	s20 =	sadd.s32 $0x200, s21;
	v22 =	vld [tilespmem:s22+$0x40];
	v8 =	vunpack.i.u.bf16.f32 v60;
	v9 =	vmul.f32 v9, v12;
	[tilespmem:s21+$0xD0] =	vst v59  }
0x3a3: {  	v27 =	vunpack.i.u.bf16.f32 v63;
	v8 =	vmul.f32 v8, v11;
	[tilespmem:s20+$0x0] =	vst v21  }
0x3a4: {  	v6 =	vmul.f32 v27, v20;
	v61 =	vunpack.i.u.bf16.f32 v16;
	[tilespmem:s20+$0x10] =	vst v9  }
0x3a5: {  	v24 =	vld [tilespmem:s19+$0xFFFFFFF0];
	v23 =	vunpack.i.l.bf16.f32 v60;
	v62 =	vunpack.i.l.bf16.f32 v16;
	v15 =	vmul.f32 v61, v4;
	[tilespmem:s20+$0xFFFFFF90] =	vst v8  }
0x3a6: {  	v25 =	vunpack.i.l.bf16.f32 v63;
	v18 =	vmul.f32 v62, v4;
	v4 =	vmul.f32 v23, v11;
	[tilespmem:s20+$0xFFFFFF10] =	vst v6  }
0x3a7: {  	v29 =	vunpack.i.u.bf16.f32 v22;
	v9 =	vmul.f32 v25, v20;
	v26 =	vld [tilespmem:s22+$0x10];
	[tilespmem:s21+$0x70] =	vst v15  }
0x3a8: {  	v8 =	vmul.f32 v29, v5;
	[tilespmem:s20+$0xFFFFFF80] =	vst v4  }
0x3a9: {  	v28 =	vunpack.i.l.bf16.f32 v22;
	[tilespmem:s20+$0xFFFFFF00] =	vst v9;
	v30 =	vld [tilespmem:s22+$0xFFFFFFD0]  }
0x3aa: {  	v31 =	vunpack.i.l.bf16.f32 v24;
	v4 =	vmul.f32 v28, v5;
	[tilespmem:s20+$0x90] =	vst v8  }
0x3ab: {  	v36 =	vunpack.i.u.bf16.f32 v24;
	v32 =	vmul.f32 v31, v3;
	[tilespmem:s10+$0x60] =	vst v18;
	v33 =	vld [tilespmem:s22+$0xFFFFFF90]  }
0x3ac: {  	v3 =	vmul.f32 v36, v3;
	[tilespmem:s20+$0x80] =	vst v4;
	v34 =	vunpack.i.l.bf16.f32 v26  }
0x3ad: {  	[tilespmem:s10+$0xFFFFFFE0] =	vst v32;
	v37 =	vld [tilespmem:s22+$0x50];
	v35 =	vunpack.i.u.bf16.f32 v26;
	v14 =	vmul.f32 v34, v12  }
0x3ae: {  	[tilespmem:s10+$0xFFFFFFF0] =	vst v3;
	v4 =	vmul.f32 v35, v12;
	v38 =	vunpack.i.l.bf16.f32 v30  }
0x3af: {  	v39 =	vld [tilespmem:s19+$0xFFFFFFB0];
	v9 =	vunpack.i.u.bf16.f32 v30;
	[tilespmem:s20+$0x20] =	vst v14;
	v6 =	vmul.f32 v38, v11  }
0x3b0: {  	v41 =	vunpack.i.l.bf16.f32 v33;
	[tilespmem:s20+$0x30] =	vst v4;
	v40 =	vmul.f32 v9, v11  }
0x3b1: {  	v3 =	vunpack.i.u.bf16.f32 v33;
	v9 =	vmul.f32 v41, v20;
	v14 =	vld [tilespmem:s22+$0x20];
	[tilespmem:s20+$0xFFFFFFA0] =	vst v6  }
0x3b2: {  	v3 =	vmul.f32 v3, v20;
	v42 =	vunpack.i.l.bf16.f32 v37;
	[tilespmem:s20+$0xFFFFFFB0] =	vst v40  }
0x3b3: {  	v43 =	vunpack.i.u.bf16.f32 v37;
	[tilespmem:s20+$0xFFFFFF20] =	vst v9;
	v4 =	vmul.f32 v42, v5;
	v44 =	vld [tilespmem:s22+$0xFFFFFFE0]  }
0x3b4: {  	v45 =	vunpack.i.l.bf16.f32 v39;
	v6 =	vmul.f32 v43, v5;
	[tilespmem:s20+$0xFFFFFF30] =	vst v3  }
0x3b5: {  	v49 =	vunpack.i.u.bf16.f32 v39;
	v3 =	vmul.f32 v45, v2;
	v46 =	vld [tilespmem:s22+$0xFFFFFFA0];
	[tilespmem:s20+$0xA0] =	vst v4  }
0x3b6: {  	v2 =	vmul.f32 v49, v2;
	[tilespmem:s20+$0xB0] =	vst v6;
	v47 =	vunpack.i.l.bf16.f32 v14  }
0x3b7: {  	[tilespmem:s10+$0xFFFFFF60] =	vst v3;
	v50 =	vld [tilespmem:s22+$0x60];
	v48 =	vunpack.i.u.bf16.f32 v14;
	v13 =	vmul.f32 v47, v12  }
0x3b8: {  	[tilespmem:s10+$0xFFFFFF70] =	vst v2;
	v4 =	vmul.f32 v48, v12;
	v3 =	vunpack.i.l.bf16.f32 v44  }
0x3b9: {  	v51 =	vld [tilespmem:s19+$0x70];
	v9 =	vunpack.i.u.bf16.f32 v44;
	[tilespmem:s20+$0x40] =	vst v13;
	v3 =	vmul.f32 v3, v11  }
0x3ba: {  	v53 =	vunpack.i.l.bf16.f32 v46;
	[tilespmem:s20+$0x50] =	vst v4;
	v52 =	vmul.f32 v9, v11  }
0x3bb: {  	v2 =	vunpack.i.u.bf16.f32 v46;
	v9 =	vmul.f32 v53, v20;
	v13 =	vld [tilespmem:s22+$0x30];
	[tilespmem:s20+$0xFFFFFFC0] =	vst v3  }
0x3bc: {  	v2 =	vmul.f32 v2, v20;
	[tilespmem:s20+$0xFFFFFFD0] =	vst v52;
	v3 =	vunpack.i.l.bf16.f32 v50  }
0x3bd: {  	v54 =	vunpack.i.u.bf16.f32 v50;
	[tilespmem:s20+$0xFFFFFF40] =	vst v9;
	v3 =	vmul.f32 v3, v5;
	v55 =	vld [tilespmem:s22+$0xFFFFFFF0]  }
0x3be: {  	v56 =	vunpack.i.l.bf16.f32 v51;
	v4 =	vmul.f32 v54, v5;
	[tilespmem:s20+$0xFFFFFF50] =	vst v2  }
0x3bf: {  	v59 =	vunpack.i.u.bf16.f32 v51;
	v2 =	vmul.f32 v56, v1;
	[tilespmem:s20+$0xC0] =	vst v3;
	v3 =	vld [tilespmem:s22+$0xFFFFFFB0]  }
0x3c0: {  	v1 =	vmul.f32 v59, v1;
	[tilespmem:s20+$0xD0] =	vst v4;
	v57 =	vunpack.i.u.bf16.f32 v13  }
0x3c1: {  	[tilespmem:s10+$0xE0] =	vst v2;
	v58 =	vunpack.i.l.bf16.f32 v13;
	v2 =	vld [tilespmem:s22+$0x70];
	v9 =	vmul.f32 v57, v12  }
0x3c2: {  	[tilespmem:s10+$0xF0] =	vst v1;
	v60 =	vmul.f32 v58, v12;
	v61 =	vunpack.i.l.bf16.f32 v55  }
0x3c3: {  	v62 =	vunpack.i.u.bf16.f32 v55;
	[tilespmem:s20+$0x70] =	vst v9;
	v4 =	vmul.f32 v61, v11  }
0x3c4: {  	[tilespmem:s20+$0x60] =	vst v60;
	v6 =	vmul.f32 v62, v11;
	v1 =	vunpack.i.l.bf16.f32 v3  }
0x3c5: {  	v3 =	vunpack.i.u.bf16.f32 v3;
	v1 =	vmul.f32 v1, v20;
	[tilespmem:s20+$0xFFFFFFE0] =	vst v4  }
0x3c6: {  	v63 =	vunpack.i.l.bf16.f32 v2;
	v3 =	vmul.f32 v3, v20;
	[tilespmem:s20+$0xFFFFFFF0] =	vst v6  }
.Ltmp7:
0x3c7: {  	v2 =	vunpack.i.u.bf16.f32 v2;
	v4 =	vmul.f32 v63, v5;
	[tilespmem:s20+$0xFFFFFF60] =	vst v1;
	(pc) =	sbr.rel @p0 .LBB2_14-.Ltmp7, $4  }
0x3c8: {  	v1 =	vmul.f32 v2, v5;
	[tilespmem:s20+$0xFFFFFF70] =	vst v3  }
0x3c9: {  	[tilespmem:s20+$0xE0] =	vst v4  }
0x3ca: {  	s21 =	simm.s32 $0x7700;
	s22 =	simm.s32 $0x310;
	[tilespmem:s20+$0xF0] =	vst v1  }
0x3cb: {  	[spmem:s3] =	stream.indirect.scatter.add.f32 [tilespmem:s21], [sflag:$0x8], $0x80, s22, s25, $0xb8;
	[tilespmem:$0x1E920] =	vst v63  }
0x3cc: {  	s0 =	sshrl.u32 s17, $0x1  }
0x3cd: {  	s0 =	smul.u32 $0x70, s0;
	_ =	sdelay $0x1  }
0x3ce: {  	s0 =	sadd.s32 s14, s0  }
0x3cf: {  	s0 =	sadd.s32 $0xE0, s0  }
0x3d0: {  	s0 =	sshrl.u32 s0, $0x3  }
0x3d1: {  	s10 =	sadd.s32 s6, s0  }
0x3d2: {  	[tilespmem:s25], [sflag:$0x2] =	stream.linear.gather [hbm4b:s10+s5], $0x70, $0x38;
	[tilespmem:$0x1E920] =	vst v63  }
.Ltmp8:
0x3d3: {  	_ = 	snop;
	(pc) =	sbr.rel .LBB2_4-.Ltmp8, $4  }
0x3d4: {  	s22 =	sadd.s32 s7, s0  }
0x3d5: {  	[tilespmem:s28], [sflag:$0x2] =	stream.linear.gather [hbm4b:s22+s5], $0x70, $0x38;
	[tilespmem:$0x1E920] =	vst v63  }
0x3d6: {  	s30 =	sadd.s32 $0x1, s30;
	s0 =	sadd.s32 s8, s0;
	s28 =	simm.s32 $0x3F0  }
0x3d7: {  	[tilespmem:s28], [sflag:$0x2] =	stream.linear.gather [hbm4b:s0+s5], $0x70, $0x38;
	[tilespmem:$0x1E920] =	vst v63  }
.LBB2_15:
0x3d8: {  	_ =	sfence.sel $0x180000  }
0x3d9: {  	[bflag:$0x0] =	sbarrier.arrive $0xFFFF  }
0x3da: {  	_ =	strace $0x90000047  }
0x3db: {  	s0 =	stileid.u32;
	[bflag:$0x2] =	sbarrier.arrive $0xFFFF  }
0x3dc: {  	p0 =	sne.s32 s0, $0x0;
	s0 =	rddreg [dreg:$0x4]  }
0x3dd: {  	s0 =	sadd.s32 @!p0 $0x100000, s0  }
0x3de: {  	[sflag:s0] =	ssyncadd.tile.s32 @!p0 $0x1;
	_ =	shalt  }
.Lfunc_end2:
_tile_overlayer_lowered:
.L_overlay_start_2:
0x3df: {  	(tag) =	ssettag $0x2  }
0x3e0: {  	s0 =	rddreg [dreg:$0x0];
	s2 =	stileid.u32  }
0x3e1: {  	s1 =	rddreg [dreg:$0x1];
	p0 =	sne.s32 s2, $0x0  }
0x3e2: {  	s3 =	rddreg [dreg:$0x2];
	[bflag:$0x3] =	sbarrier.arrive $0xFFFF;
	s2 =	simm.s32 @!p0 $0x1C09  }
0x3e3: {  	[timem:s3], [sflag:s2] =	dma.local @!p0 [hbm:s0], s1  }
0x3e4: {  	s0 =	simm.s32 @!p0 $0x9  }
0x3e5: {  	_ =	swait.ge @!p0 [sflag:s0], s1  }
0x3e6: {  	s1 =	ssub.s32 @!p0 $0x0, s1;
	[sflag:s0] =	ssyncset.done @!p0 $0x0  }
0x3e7: {  	[sflag:s0] =	ssyncadd.s32 @!p0 s1  }
0x3e8: {  	[bflag:$0x3] =	sbarrier.arrive $0xFFFF  }
0x3e9: {  	_ =	shalt  }

</sc_bundles>
